<compile_context>
chip_gen: v7x
topology: tpu7x:2x2x1
jax: 0.10.2.dev20260603
libtpu: 0.0.44.dev20260713+nightly
codegen_flags: <defaults>
</compile_context>

<pallas_src>
import functools

import jax
import jax.numpy as jnp
from jax import lax
from jax.experimental import pallas as pl
from jax.experimental.pallas import tpu as pltpu
from jax.experimental.pallas import tpu_sc as plsc

F32 = jnp.float32
I32 = jnp.int32
ALPHA = 0.2
NSAMPLE = 32
NW = 32


def _fps_body(S, N, x_ref, o_ref):
    B = x_ref.shape[0]
    x = x_ref[...]
    iota = lax.broadcasted_iota(I32, (1, N), 1)

    def step(i, carry):
        dists, far = carry
        oh = iota == far
        c = jnp.sum(jnp.where(oh[:, None, :], x, 0.0), axis=2)
        o_ref[:, pl.ds(i, 1), :] = c[:, None, :]
        d = jnp.sum((x - c[:, :, None]) ** 2, axis=1)
        dists = jnp.minimum(dists, d)
        mx = jnp.max(dists, axis=1, keepdims=True)
        far = jnp.min(jnp.where(dists == mx, iota, N), axis=1, keepdims=True)
        return dists, far.astype(I32)

    lax.fori_loop(0, S, step,
                  (jnp.full((B, N), 1e10, F32), jnp.zeros((B, 1), I32)))


def _fps(xyz_t, S):
    B, _, N = xyz_t.shape
    return pl.pallas_call(
        functools.partial(_fps_body, S, N),
        out_shape=jax.ShapeDtypeStruct((B, S, 3), F32),
    )(xyz_t)


def _sc_bqg_body(B, N, S, C, r2, xyz_hbm, q_hbm, feat_hbm, out_xyz,
                 out_feat, xyz_vm, q_vm, gst, idxbuf, gidx_a, gidx_b,
                 rows_a, rows_b, sem_a, sem_b):
    SQ = B * S
    s_per = SQ // NW
    TPB = NW // B
    NCH16 = N // 16
    wid = lax.axis_index("s") * 2 + lax.axis_index("c")
    b = wid // TPB
    base_q = wid * s_per
    pltpu.sync_copy(xyz_hbm.at[b], xyz_vm)
    pltpu.sync_copy(q_hbm.at[pl.ds(base_q * 3, s_per * 3)], q_vm)
    io16 = lax.iota(I32, 16)
    zero16 = io16 * 0

    def one_query(qi, gidx):
        idxbuf[pl.ds(0, 16)] = zero16
        qx = plsc.load_gather(q_vm, [zero16 + qi * 3])
        qy = plsc.load_gather(q_vm, [zero16 + (qi * 3 + 1)])
        qz = plsc.load_gather(q_vm, [zero16 + (qi * 3 + 2)])

        UNR = 4 if N % 64 == 0 else 2
        PTS = UNR * 16

        def cond(st):
            i, cnt = st
            return jnp.logical_and(i < N // PTS, cnt < NSAMPLE)

        def body(st):
            i, cnt = st
            ms, pcs = [], []
            for u in range(UNR):
                off = i * PTS + u * 16
                xv = xyz_vm[pl.ds(off, 16)]
                yv = xyz_vm[pl.ds(N + off, 16)]
                zv = xyz_vm[pl.ds(2 * N + off, 16)]
                dx = xv - qx
                dy = yv - qy
                dz = zv - qz
                d2 = dx * dx + dy * dy + dz * dz
                m = d2 <= r2
                ms.append(m)
                pcs.append(jnp.sum(m.astype(I32)))
            off_s = cnt
            for u in range(UNR):
                plsc.store_compressed(idxbuf.at[pl.ds(off_s, 16)],
                                      i * PTS + u * 16 + io16, mask=ms[u])
                off_s = off_s + pcs[u]
            return i + 1, off_s

        _, cnt = lax.while_loop(cond, body, (jnp.zeros((), I32),
                                             jnp.zeros((), I32)))
        v0 = idxbuf[pl.ds(0, 16)]
        v1 = idxbuf[pl.ds(16, 16)]
        first = plsc.load_gather(idxbuf, [zero16])
        r0 = jnp.where(io16 < cnt, v0, first)
        r1 = jnp.where(io16 + 16 < cnt, v1, first)
        for half, rv in ((0, r0), (1, r1)):
            row = qi * NSAMPLE + half * 16 + io16
            for d in range(3):
                comp = plsc.load_gather(xyz_vm, [rv + d * N])
                plsc.store_scatter(gst, [row, zero16 + d], comp)
            if C:
                gidx[pl.ds(half * 16, 16)] = rv + b * N

    if C:
        def q2_loop(k, _):
            one_query(2 * k, gidx_a)
            cpa = pltpu.async_copy(feat_hbm.at[gidx_a], rows_a, sem_a)
            one_query(2 * k + 1, gidx_b)
            cpb = pltpu.async_copy(feat_hbm.at[gidx_b], rows_b, sem_b)
            cpa.wait()
            pltpu.sync_copy(
                rows_a, out_feat.at[pl.ds((base_q + 2 * k) * NSAMPLE,
                                          NSAMPLE), :])
            cpb.wait()
            pltpu.sync_copy(
                rows_b, out_feat.at[pl.ds((base_q + 2 * k + 1) * NSAMPLE,
                                          NSAMPLE), :])
            return 0

        lax.fori_loop(0, s_per // 2, q2_loop, 0)
    else:
        def q_loop(qi, _):
            one_query(qi, gidx_a)
            return 0

        lax.fori_loop(0, s_per, q_loop, 0)
    pltpu.sync_copy(gst, out_xyz.at[pl.ds(base_q * NSAMPLE,
                                          s_per * NSAMPLE), :])


def _sc_bq_gather(xyz_t, queries, radius, feat_tab=None):
    B, _, N = xyz_t.shape
    S = queries.shape[1]
    C = feat_tab.shape[1] if feat_tab is not None else 0
    M = B * S * NSAMPLE
    s_per = (B * S) // NW
    mesh = plsc.VectorSubcoreMesh(core_axis_name="c", subcore_axis_name="s")
    out_type = [jax.ShapeDtypeStruct((M, 4), F32)]
    if C:
        out_type.append(jax.ShapeDtypeStruct((M, C), F32))
    scratch = [
        pltpu.VMEM((3 * N,), F32),
        pltpu.VMEM((s_per * 3,), F32),
        pltpu.VMEM((s_per * NSAMPLE, 4), F32),
        pltpu.VMEM((128,), I32),
        pltpu.VMEM((NSAMPLE,), I32),
        pltpu.VMEM((NSAMPLE,), I32),
        pltpu.VMEM((NSAMPLE, max(C, 4)), F32),
        pltpu.VMEM((NSAMPLE, max(C, 4)), F32),
        pltpu.SemaphoreType.DMA,
        pltpu.SemaphoreType.DMA,
    ]
    body = functools.partial(_sc_bqg_body, B, N, S, C, radius * radius)
    cparams = pltpu.CompilerParams(needs_layout_passes=False,
                                   use_tc_tiling_on_sc=False)
    xyz_flat = xyz_t.reshape(B, 3 * N)
    q_flat = queries.reshape(-1)
    if C:
        def entry(xyz_hbm, q_hbm, feat_hbm, out_xyz, out_feat,
                  xyz_vm, q_vm, gst, idxbuf, gidx_a, gidx_b,
                  rows_a, rows_b, sem_a, sem_b):
            body(xyz_hbm, q_hbm, feat_hbm, out_xyz, out_feat,
                 xyz_vm, q_vm, gst, idxbuf, gidx_a, gidx_b,
                 rows_a, rows_b, sem_a, sem_b)
        fn = pl.kernel(entry, out_type=out_type, mesh=mesh,
                       scratch_types=scratch, compiler_params=cparams)
        return fn(xyz_flat, q_flat, feat_tab)

    def entry0(xyz_hbm, q_hbm, out_xyz, xyz_vm, q_vm, gst, idxbuf,
               gidx_a, gidx_b, rows_a, rows_b, sem_a, sem_b):
        body(xyz_hbm, q_hbm, None, out_xyz, None,
             xyz_vm, q_vm, gst, idxbuf, gidx_a, gidx_b,
             rows_a, rows_b, sem_a, sem_b)
    fn = pl.kernel(entry0, out_type=out_type, mesh=mesh,
                   scratch_types=scratch, compiler_params=cparams)
    out = fn(xyz_flat, q_flat)
    return out if isinstance(out, (list, tuple)) else (out,)


def _leaky(x):
    return jnp.where(x >= 0, x, ALPHA * x)


def _sa_mlp_body(SB, has_feat, gx_ref, gf_ref, q_ref, w1x_ref, w1f_ref,
                 b1_ref, w2_ref, b2_ref, w3_ref, b3_ref, o_ref):
    Rr = SB * NSAMPLE
    q = q_ref[0]
    qb = jnp.broadcast_to(q[:, None, :], (SB, NSAMPLE, 3)).reshape(Rr, 3)
    g = gx_ref[0][:, :3] - qb
    h = jnp.dot(g, w1x_ref[...], preferred_element_type=F32)
    if has_feat:
        h = h + jnp.dot(gf_ref[0], w1f_ref[...], preferred_element_type=F32)
    h = _leaky(h + b1_ref[...])
    h = _leaky(jnp.dot(h, w2_ref[...], preferred_element_type=F32)
               + b2_ref[...])
    h = _leaky(jnp.dot(h, w3_ref[...], preferred_element_type=F32)
               + b3_ref[...])
    C3 = h.shape[1]
    o_ref[0] = jnp.max(h.reshape(SB, NSAMPLE, C3), axis=1)


def _sa_mlp(gx, gf, q, layers, SB):
    B, S, _ = q.shape
    (W1, b1), (W2, b2), (W3, b3) = layers
    W1x, W1f = W1[:3], W1[3:]
    has_feat = gf is not None
    if not has_feat:
        gf = jnp.zeros((B * S * NSAMPLE, 1), F32)
        W1f = jnp.zeros((1, W1.shape[1]), F32)
    C = gf.shape[1]
    C3 = W3.shape[1]
    gx3 = gx.reshape(B, S * NSAMPLE, 4)
    gf3 = gf.reshape(B, S * NSAMPLE, C)
    return pl.pallas_call(
        functools.partial(_sa_mlp_body, SB, has_feat),
        grid=(B, S // SB),
        in_specs=[
            pl.BlockSpec((1, SB * NSAMPLE, 4), lambda b, s: (b, s, 0)),
            pl.BlockSpec((1, SB * NSAMPLE, C), lambda b, s: (b, s, 0)),
            pl.BlockSpec((1, SB, 3), lambda b, s: (b, s, 0)),
            pl.BlockSpec(W1x.shape, lambda b, s: (0, 0)),
            pl.BlockSpec(W1f.shape, lambda b, s: (0, 0)),
            pl.BlockSpec((1, W1.shape[1]), lambda b, s: (0, 0)),
            pl.BlockSpec(W2.shape, lambda b, s: (0, 0)),
            pl.BlockSpec((1, W2.shape[1]), lambda b, s: (0, 0)),
            pl.BlockSpec(W3.shape, lambda b, s: (0, 0)),
            pl.BlockSpec((1, W3.shape[1]), lambda b, s: (0, 0)),
        ],
        out_specs=pl.BlockSpec((1, SB, C3), lambda b, s: (b, s, 0)),
        out_shape=jax.ShapeDtypeStruct((B, S, C3), F32),
    )(gx3, gf3, q, W1x, W1f, b1.reshape(1, -1), W2, b2.reshape(1, -1),
      W3, b3.reshape(1, -1))


def _fp_body(N2, with_head, x1_ref, x2t_ref, f1_ref, f2_ref, w1i_ref,
             w1f_ref, b1_ref, w2_ref, b2_ref, wr3_ref, wrf_ref, br_ref,
             o_ref):
    x1 = x1_ref[0]
    x2t = x2t_ref[0]
    SB = x1.shape[0]
    d2 = ((x2t[0:1, :] - x1[:, 0:1]) ** 2
          + (x2t[1:2, :] - x1[:, 1:2]) ** 2
          + (x2t[2:3, :] - x1[:, 2:3]) ** 2)
    io = lax.broadcasted_iota(I32, (1, N2), 1)
    d2m = d2
    ohs, ds_ = [], []
    for _ in range(3):
        mn = jnp.min(d2m, axis=1, keepdims=True)
        idxj = jnp.min(jnp.where(d2m == mn, io, N2), axis=1, keepdims=True)
        oh = io == idxj
        ohs.append(oh)
        ds_.append(mn)
        d2m = jnp.where(oh, jnp.float32(3e38), d2m)
    w0 = 1.0 / jnp.maximum(ds_[0], 1e-10)
    w1 = 1.0 / jnp.maximum(ds_[1], 1e-10)
    w2 = 1.0 / jnp.maximum(ds_[2], 1e-10)
    tot = w0 + w1 + w2
    wmat = (jnp.where(ohs[0], w0 / tot, 0.0)
            + jnp.where(ohs[1], w1 / tot, 0.0)
            + jnp.where(ohs[2], w2 / tot, 0.0))
    interp = jnp.dot(wmat, f2_ref[0], preferred_element_type=F32)
    h = jnp.maximum(jnp.dot(interp, w1i_ref[...], preferred_element_type=F32)
                    + jnp.dot(f1_ref[0], w1f_ref[...],
                              preferred_element_type=F32)
                    + b1_ref[...], 0.0)
    h = jnp.maximum(jnp.dot(h, w2_ref[...], preferred_element_type=F32)
                    + b2_ref[...], 0.0)
    if with_head:
        pred = (jnp.dot(x1, wr3_ref[...], preferred_element_type=F32)
                + jnp.dot(h, wrf_ref[...], preferred_element_type=F32)
                + br_ref[...])
        o_ref[0] = x1 + pred
    else:
        o_ref[0] = h


def _fp(x1, x2t, f1, f2, layers, head=None, SB=None):
    B, N1, _ = x1.shape
    N2 = x2t.shape[2]
    C1 = f1.shape[2]
    (W1, b1), (W2, b2) = layers
    C2 = W1.shape[0] - C1
    W1i, W1f = W1[:C2], W1[C2:]
    if SB is None:
        SB = N1
    if head is not None:
        Wr, br = head
        Wr3, Wrf = Wr[:3], Wr[3:]
        Cout = 3
    else:
        Wr3 = jnp.zeros((3, 1), F32)
        Wrf = jnp.zeros((W2.shape[1], 1), F32)
        br = jnp.zeros((1,), F32)
        Cout = W2.shape[1]
    return pl.pallas_call(
        functools.partial(_fp_body, N2, head is not None),
        grid=(B, N1 // SB),
        in_specs=[
            pl.BlockSpec((1, SB, 3), lambda b, s: (b, s, 0)),
            pl.BlockSpec((1, 3, N2), lambda b, s: (b, 0, 0)),
            pl.BlockSpec((1, SB, C1), lambda b, s: (b, s, 0)),
            pl.BlockSpec((1, N2, C2), lambda b, s: (b, 0, 0)),
            pl.BlockSpec(W1i.shape, lambda b, s: (0, 0)),
            pl.BlockSpec(W1f.shape, lambda b, s: (0, 0)),
            pl.BlockSpec((1, W1.shape[1]), lambda b, s: (0, 0)),
            pl.BlockSpec(W2.shape, lambda b, s: (0, 0)),
            pl.BlockSpec((1, W2.shape[1]), lambda b, s: (0, 0)),
            pl.BlockSpec(Wr3.shape, lambda b, s: (0, 0)),
            pl.BlockSpec(Wrf.shape, lambda b, s: (0, 0)),
            pl.BlockSpec((1, br.shape[0]), lambda b, s: (0, 0)),
        ],
        out_specs=pl.BlockSpec((1, SB, Cout), lambda b, s: (b, s, 0)),
        out_shape=jax.ShapeDtypeStruct((B, N1, Cout), F32),
    )(x1, x2t, f1, f2, W1i, W1f, b1.reshape(1, -1), W2, b2.reshape(1, -1),
      Wr3, Wrf, br.reshape(1, -1))


def kernel(pointcloud, hint_xyz, params):
    p = params
    xyz = pointcloud[..., :3]
    B, N0, _ = xyz.shape
    hint = hint_xyz
    S0 = hint.shape[1]

    xyz_t = jnp.transpose(xyz, (0, 2, 1))
    hint_t = jnp.transpose(hint, (0, 2, 1))

    (gx0,) = _sc_bq_gather(xyz_t, hint, 0.2)
    nx1 = _fps(hint_t, 512)
    f0 = _sa_mlp(gx0, None, hint, p['sa0'], SB=256)

    nx1_t = jnp.transpose(nx1, (0, 2, 1))
    gx1, gf1 = _sc_bq_gather(hint_t, nx1, 0.4, f0.reshape(B * S0, -1))
    f1 = _sa_mlp(gx1, gf1, nx1, p['sa1'], SB=128)

    nx2 = _fps(nx1_t, 128)
    nx2_t = jnp.transpose(nx2, (0, 2, 1))
    gx2, gf2 = _sc_bq_gather(nx1_t, nx2, 0.8, f1.reshape(B * 512, -1))
    f2 = _sa_mlp(gx2, gf2, nx2, p['sa2'], SB=64)

    o1 = _fp(nx1, nx2_t, f1, f2, p['fp1'])

    out = _fp(hint, nx1_t, f0, o1, p['fp0'], head=p['reg'], SB=512)
    return out

# --- scband reference (transcript-rebuilt; emitter-appended) ---
"""Pipeline reference for scband-sampler-base-24455543783469 (READ-ONLY COPY).

The authoritative reference and input builder live on the scoring server;
editing this copy changes nothing except your own understanding.
"""

import jax, jax.numpy as jnp
import numpy as np

ALPHA = 0.2

def _sqdist(a, b):
    # a: (B,S,3), b: (B,N,3) -> (B,S,N)
    return (jnp.sum(a * a, -1)[:, :, None] + jnp.sum(b * b, -1)[:, None, :]
            - 2.0 * jnp.einsum('bsd,bnd->bsn', a, b))

def _gather(points, idx):
    # points: (B,N,C), idx: (B,...) int -> (B,...,C)
    return jax.vmap(lambda p, i: p[i])(points, idx)

def fps(xyz, npoint):
    # farthest point sampling, start index 0 (matches pointnet2 CUDA kernel)
    B, N, _ = xyz.shape
    d0 = jnp.full((B, N), 1e10, dtype=xyz.dtype)
    far0 = jnp.zeros((B,), dtype=jnp.int32)
    def step(carry, _):
        dists, far = carry
        centroid = jax.vmap(lambda p, f: p[f])(xyz, far)  # (B,3)
        d = jnp.sum((xyz - centroid[:, None, :]) ** 2, -1)
        dists = jnp.minimum(dists, d)
        nfar = jnp.argmax(dists, -1).astype(jnp.int32)
        return (dists, nfar), far
    (_, _), idxs = jax.lax.scan(step, (d0, far0), None, length=npoint)
    return jnp.transpose(idxs)  # (B, npoint)

def ball_query(radius, nsample, xyz, new_xyz):
    B, N, _ = xyz.shape
    d2 = _sqdist(new_xyz, xyz)  # (B,S,N)
    mask = d2 <= radius * radius
    ar = jnp.arange(N, dtype=jnp.int32)
    idx = jnp.where(mask, ar[None, None, :], N)
    idx = jnp.sort(idx, axis=-1)[:, :, :nsample]
    first = idx[:, :, :1]
    first = jnp.where(first >= N, 0, first)
    idx = jnp.where(idx >= N, first, idx)
    return idx.astype(jnp.int32)

def sa_module(xyz, feats, new_xyz, npoint, radius, nsample, layers):
    if new_xyz is None:
        fidx = fps(xyz, npoint)
        new_xyz = _gather(xyz, fidx)
    idx = ball_query(radius, nsample, xyz, new_xyz)
    g_xyz = _gather(xyz, idx) - new_xyz[:, :, None, :]  # (B,S,K,3)
    if feats is not None:
        g = jnp.concatenate([g_xyz, _gather(feats, idx)], axis=-1)
    else:
        g = g_xyz
    h = g
    for (W, b) in layers:
        h = jax.nn.leaky_relu(h @ W + b, ALPHA)
    return new_xyz, jnp.max(h, axis=2)  # (B,S,Cout)

def fp_module(xyz1, xyz2, feat1, feat2, layers):
    # 3-NN inverse-distance interpolation from xyz2/feat2 onto xyz1
    d2 = _sqdist(xyz1, xyz2)  # (B,N1,N2)
    neg, idx = jax.lax.top_k(-d2, 3)
    dist = jnp.maximum(-neg, 1e-10)
    w = 1.0 / dist
    w = w / jnp.sum(w, -1, keepdims=True)
    gathered = _gather(feat2, idx)  # (B,N1,3,C2)
    interp = jnp.sum(gathered * w[..., None], axis=2)
    h = jnp.concatenate([interp, feat1], -1) if feat1 is not None else interp
    for (W, b) in layers:
        h = jax.nn.relu(h @ W + b)
    return h

def make_params(key):
    def mlp(key, dims):
        ls = []
        for i in range(len(dims) - 1):
            key, k1 = jax.random.split(key)
            W = jax.random.normal(k1, (dims[i], dims[i + 1]), jnp.float32) * (1.0 / np.sqrt(dims[i]))
            ls.append((W, jnp.zeros((dims[i + 1],), jnp.float32)))
        return key, ls
    params = {}
    key, params['sa0'] = mlp(key, [3, 64, 64, 128])
    key, params['sa1'] = mlp(key, [131, 128, 128, 256])
    key, params['sa2'] = mlp(key, [259, 256, 256, 512])
    key, params['fp1'] = mlp(key, [768, 512, 512])
    key, params['fp0'] = mlp(key, [640, 256, 256])
    key, k1 = jax.random.split(key)
    params['reg'] = (jax.random.normal(k1, (259, 3), jnp.float32) * 0.05,
                     jnp.zeros((3,), jnp.float32))
    return params

def setup_inputs(seed: int = 0):
    key = jax.random.key(seed)
    k1, k2, k3 = jax.random.split(key, 3)
    pointcloud = jax.random.uniform(k1, (4, 8192, 3), dtype=jnp.float32)
    hint_xyz = jax.random.uniform(k2, (4, 2048, 3), dtype=jnp.float32)
    params = make_params(k3)
    return {"pointcloud": pointcloud, "hint_xyz": hint_xyz, "params": params}

def _forward(pointcloud, hint_xyz, params):
    xyz = pointcloud[..., :3]
    l_xyz = [xyz]
    l_feat = [None]
    cfg = [(2048, 0.2, 32, 'sa0'), (512, 0.4, 32, 'sa1'), (128, 0.8, 32, 'sa2')]
    for i, (npoint, r, ns, name) in enumerate(cfg):
        new_xyz = hint_xyz if i == 0 else None
        nx, nf = sa_module(l_xyz[i], l_feat[i], new_xyz, npoint, r, ns, params[name])
        l_xyz.append(nx)
        l_feat.append(nf)
    f2 = fp_module(l_xyz[2], l_xyz[3], l_feat[2], l_feat[3], params['fp1'])
    f1 = fp_module(l_xyz[1], l_xyz[2], l_feat[1], f2, params['fp0'])
    ret = jnp.concatenate([hint_xyz, f1], axis=-1)  # (B, N', 259)
    Wr, br = params['reg']
    pred = ret @ Wr + br
    # learn_loc=False -> residual offset from hint points; soft_proj=False
    return hint_xyz + pred  # (B, N', 3)

def reference(pointcloud, hint_xyz, params):
    return _forward(pointcloud, hint_xyz, params)

if __name__ == "__main__":
    import jax
    _d = setup_inputs()
    print(jax.jit(kernel)(*tuple(_d.values())))

</pallas_src>

<mosaic_0001>
#map = affine_map<(d0, d1) -> (0, 0)>
#map1 = affine_map<(d0, d1) -> (0)>
module attributes {stable_mosaic.version = 14 : i64} {
  func.func @entry(%arg0: i32, %arg1: i32, %arg2: memref<4x1536xf32, #tpu.memory_space<hbm>>, %arg3: memref<1536xf32, #tpu.memory_space<hbm>>, %arg4: memref<2048x256xf32, #tpu.memory_space<hbm>>, %arg5: memref<16384x4xf32, #tpu.memory_space<hbm>>, %arg6: memref<16384x256xf32, #tpu.memory_space<hbm>>, %arg7: memref<1536xf32, #tpu.memory_space<vmem>>, %arg8: memref<48xf32, #tpu.memory_space<vmem>>, %arg9: memref<512x4xf32, #tpu.memory_space<vmem>>, %arg10: memref<128xi32, #tpu.memory_space<vmem>>, %arg11: memref<32xi32, #tpu.memory_space<vmem>>, %arg12: memref<32xi32, #tpu.memory_space<vmem>>, %arg13: memref<32x256xf32, #tpu.memory_space<vmem>>, %arg14: memref<32x256xf32, #tpu.memory_space<vmem>>, %arg15: memref<!tpu.dma_semaphore, #tpu.memory_space<semaphore_mem>>, %arg16: memref<!tpu.dma_semaphore, #tpu.memory_space<semaphore_mem>>) attributes {dimension_semantics = [#tpu.dimension_semantics<core_parallel>, #tpu.dimension_semantics<subcore_parallel>], iteration_bounds = array<i64: 2, 16>, scalar_prefetch = 0 : i64, scratch_operands = 10 : i64, tpu.core_type = #tpu.core_type<sc_vector_subcore>, window_params = [{transform_indices = #map}, {transform_indices = #map1}, {transform_indices = #map}, {transform_indices = #map}, {transform_indices = #map}]} {
    %mul3A = arith.constant 2 : i32
    %mul3A_0 = arith.muli %arg1, %mul3A : i32
    %add3A = arith.addi %mul3A_0, %arg0 : i32
    %jit3A = arith.constant 8 : i32
    %div3A = arith.divsi %add3A, %jit3A : i32
    %sign3A = arith.constant 0 : i32
    %sign3A_1 = arith.cmpi sgt, %add3A, %sign3A : i32
    %sign3A_2 = arith.extui %sign3A_1 : i1 to i32
    %sign3A_3 = arith.constant 0 : i32
    %sign3A_4 = arith.cmpi slt, %add3A, %sign3A_3 : i32
    %sign3A_5 = arith.extui %sign3A_4 : i1 to i32
    %sign3A_6 = arith.subi %sign3A_2, %sign3A_5 : i32
    %sign3A_7 = arith.constant 0 : i32
    %sign3A_8 = arith.cmpi sgt, %jit3A, %sign3A_7 : i32
    %sign3A_9 = arith.extui %sign3A_8 : i1 to i32
    %sign3A_10 = arith.constant 0 : i32
    %sign3A_11 = arith.cmpi slt, %jit3A, %sign3A_10 : i32
    %sign3A_12 = arith.extui %sign3A_11 : i1 to i32
    %sign3A_13 = arith.subi %sign3A_9, %sign3A_12 : i32
    %ne3A = arith.cmpi ne, %sign3A_6, %sign3A_13 : i32
    %rem3A = arith.remsi %add3A, %jit3A : i32
    %ne3A_14 = arith.constant 0 : i32
    %ne3A_15 = arith.cmpi ne, %rem3A, %ne3A_14 : i32
    %and3A = arith.andi %ne3A, %ne3A_15 : i1
    %sub3A = arith.constant 1 : i32
    %sub3A_16 = arith.subi %div3A, %sub3A : i32
    %select_n3A = arith.select %and3A, %sub3A_16, %div3A : i32
    %mul3A_17 = arith.constant 16 : i32
    %mul3A_18 = arith.muli %add3A, %mul3A_17 : i32
    "tpu.region"() ({
      %run_scoped3A = tpu.sem_alloc : memref<!tpu.dma_semaphore, #tpu.memory_space<semaphore_mem>>
      %dma_start3A = arith.constant 0 : i32
      %dma_start3A_32 = tpu.memref_slice %arg2[%select_n3A, %dma_start3A] : memref<4x1536xf32, #tpu.memory_space<hbm>> -> memref<1x1536xf32, #tpu.memory_space<hbm>>
      %dma_start3A_33 = tpu.memref_squeeze %dma_start3A_32 : memref<1x1536xf32, #tpu.memory_space<hbm>> -> memref<1536xf32, #tpu.memory_space<hbm>>
      %dma_start3A_34 = arith.constant 0 : i32
      %dma_start3A_35 = tpu.memref_slice %arg2[%select_n3A, %dma_start3A_34] : memref<4x1536xf32, #tpu.memory_space<hbm>> -> memref<1x1536xf32, #tpu.memory_space<hbm>>
      %dma_start3A_36 = tpu.memref_squeeze %dma_start3A_35 : memref<1x1536xf32, #tpu.memory_space<hbm>> -> memref<1536xf32, #tpu.memory_space<hbm>>
      tpu.enqueue_dma source(%dma_start3A_36 : memref<1536xf32, #tpu.memory_space<hbm>>) target(%arg7 : memref<1536xf32, #tpu.memory_space<vmem>>) target_semaphore(%run_scoped3A : memref<!tpu.dma_semaphore, #tpu.memory_space<semaphore_mem>>)
      %dma_wait3A = arith.constant 0 : i32
      %dma_wait3A_37 = tpu.memref_slice %arg2[%select_n3A, %dma_wait3A] : memref<4x1536xf32, #tpu.memory_space<hbm>> -> memref<1x1536xf32, #tpu.memory_space<hbm>>
      %dma_wait3A_38 = tpu.memref_squeeze %dma_wait3A_37 : memref<1x1536xf32, #tpu.memory_space<hbm>> -> memref<1536xf32, #tpu.memory_space<hbm>>
      %dma_wait3A_39 = arith.constant 0 : i32
      %dma_wait3A_40 = tpu.memref_slice %arg2[%select_n3A, %dma_wait3A_39] : memref<4x1536xf32, #tpu.memory_space<hbm>> -> memref<1x1536xf32, #tpu.memory_space<hbm>>
      %dma_wait3A_41 = tpu.memref_squeeze %dma_wait3A_40 : memref<1x1536xf32, #tpu.memory_space<hbm>> -> memref<1536xf32, #tpu.memory_space<hbm>>
      tpu.wait_dma2 semaphore(%run_scoped3A : memref<!tpu.dma_semaphore, #tpu.memory_space<semaphore_mem>>) src(%dma_wait3A_41 : memref<1536xf32, #tpu.memory_space<hbm>>) dst(%arg7 : memref<1536xf32, #tpu.memory_space<vmem>>)
      tpu.yield
    }) : () -> ()
    %mul3A_19 = arith.constant 3 : i32
    %mul3A_20 = arith.muli %mul3A_18, %mul3A_19 : i32
    "tpu.region"() ({
      %run_scoped3A = tpu.sem_alloc : memref<!tpu.dma_semaphore, #tpu.memory_space<semaphore_mem>>
      %dma_start3A = tpu.memref_slice %arg3[%mul3A_20] : memref<1536xf32, #tpu.memory_space<hbm>> -> memref<48xf32, #tpu.memory_space<hbm>>
      %dma_start3A_32 = tpu.memref_slice %arg3[%mul3A_20] : memref<1536xf32, #tpu.memory_space<hbm>> -> memref<48xf32, #tpu.memory_space<hbm>>
      tpu.enqueue_dma source(%dma_start3A_32 : memref<48xf32, #tpu.memory_space<hbm>>) target(%arg8 : memref<48xf32, #tpu.memory_space<vmem>>) target_semaphore(%run_scoped3A : memref<!tpu.dma_semaphore, #tpu.memory_space<semaphore_mem>>)
      %dma_wait3A = tpu.memref_slice %arg3[%mul3A_20] : memref<1536xf32, #tpu.memory_space<hbm>> -> memref<48xf32, #tpu.memory_space<hbm>>
      %dma_wait3A_33 = tpu.memref_slice %arg3[%mul3A_20] : memref<1536xf32, #tpu.memory_space<hbm>> -> memref<48xf32, #tpu.memory_space<hbm>>
      tpu.wait_dma2 semaphore(%run_scoped3A : memref<!tpu.dma_semaphore, #tpu.memory_space<semaphore_mem>>) src(%dma_wait3A_33 : memref<48xf32, #tpu.memory_space<hbm>>) dst(%arg8 : memref<48xf32, #tpu.memory_space<vmem>>)
      tpu.yield
    }) : () -> ()
    %iota3A = tpu.iota {dimensions = array<i32: 0>} : vector<16xi32>
    %mul3A_21 = arith.constant 0 : i32
    %mul3A_22 = vector.broadcast %mul3A_21 : i32 to vector<16xi32>
    %mul3A_23 = arith.muli %iota3A, %mul3A_22 : vector<16xi32>
    %scan3A = arith.constant 0 : i32
    %scan3A_24 = arith.constant 0 : i32
    %scan3A_25 = arith.constant 8 : i32
    %scan3A_26 = arith.addi %scan3A_24, %scan3A_25 : i32
    %scan3A_27 = arith.constant 1 : i32
    %scan3A_28 = scf.for %scan3A_32 = %scan3A_24 to %scan3A_26 step %scan3A_27 iter_args(%scan3A_33 = %scan3A) -> (i32)  : i32 {
      %mul3A_34 = arith.constant 2 : i32
      %mul3A_35 = arith.muli %mul3A_34, %scan3A_32 : i32
      %swap3A = arith.constant 0 : index
      %swap3A_36 = tpu.vector_load %arg10[%swap3A] {strides = array<i32>} : memref<128xi32, #tpu.memory_space<vmem>>, vector<16xi32>,
      tpu.vector_store %arg10[%swap3A], %mul3A_23 {strides = array<i32>} : memref<128xi32, #tpu.memory_space<vmem>>, vector<16xi32>,
      %mul3A_37 = arith.constant 3 : i32
      %mul3A_38 = arith.muli %mul3A_35, %mul3A_37 : i32
      %add3A_39 = vector.broadcast %mul3A_38 : i32 to vector<16xi32>
      %add3A_40 = arith.addi %mul3A_23, %add3A_39 : vector<16xi32>
      %gather3A = tpu.vector_load_idx %arg8[%add3A_40] : memref<48xf32, #tpu.memory_space<vmem>>[vector<16xi32>], vector<16xf32>,
      %mul3A_41 = arith.constant 3 : i32
      %mul3A_42 = arith.muli %mul3A_35, %mul3A_41 : i32
      %add3A_43 = arith.constant 1 : i32
      %add3A_44 = arith.addi %mul3A_42, %add3A_43 : i32
      %add3A_45 = vector.broadcast %add3A_44 : i32 to vector<16xi32>
      %add3A_46 = arith.addi %mul3A_23, %add3A_45 : vector<16xi32>
      %gather3A_47 = tpu.vector_load_idx %arg8[%add3A_46] : memref<48xf32, #tpu.memory_space<vmem>>[vector<16xi32>], vector<16xf32>,
      %mul3A_48 = arith.constant 3 : i32
      %mul3A_49 = arith.muli %mul3A_35, %mul3A_48 : i32
      %add3A_50 = arith.constant 2 : i32
      %add3A_51 = arith.addi %mul3A_49, %add3A_50 : i32
      %add3A_52 = vector.broadcast %add3A_51 : i32 to vector<16xi32>
      %add3A_53 = arith.addi %mul3A_23, %add3A_52 : vector<16xi32>
      %gather3A_54 = tpu.vector_load_idx %arg8[%add3A_53] : memref<48xf32, #tpu.memory_space<vmem>>[vector<16xi32>], vector<16xf32>,
      %while3A = arith.constant 0 : i32
      %while3A_55 = arith.constant 0 : i32
      %while3A_56:2 = scf.while (%while3A_266 = %while3A, %while3A_267 = %while3A_55) : (i32, i32) -> (i32, i32) {
        %lt3A_268 = arith.constant 8 : i32
        %lt3A_269 = arith.cmpi slt, %while3A_266, %lt3A_268 : i32
        %lt3A_270 = arith.constant 32 : i32
        %lt3A_271 = arith.cmpi slt, %while3A_267, %lt3A_270 : i32
        %and3A_272 = arith.andi %lt3A_269, %lt3A_271 : i1
        scf.condition(%and3A_272) %while3A_266, %while3A_267 : i32, i32
      } do {
      ^bb0(%while3A_266: i32, %while3A_267: i32):
        %mul3A_268 = arith.constant 64 : i32
        %mul3A_269 = arith.muli %while3A_266, %mul3A_268 : i32
        %add3A_270 = arith.constant 0 : i32
        %add3A_271 = arith.addi %mul3A_269, %add3A_270 : i32
        %get3A_272 = arith.index_cast %add3A_271 : i32 to index
        %get3A_273 = tpu.vector_load %arg7[%get3A_272] {strides = array<i32>} : memref<1536xf32, #tpu.memory_space<vmem>>, vector<16xf32>,
        %add3A_274 = arith.constant 512 : i32
        %add3A_275 = arith.addi %add3A_274, %add3A_271 : i32
        %get3A_276 = arith.index_cast %add3A_275 : i32 to index
        %get3A_277 = tpu.vector_load %arg7[%get3A_276] {strides = array<i32>} : memref<1536xf32, #tpu.memory_space<vmem>>, vector<16xf32>,
        %add3A_278 = arith.constant 1024 : i32
        %add3A_279 = arith.addi %add3A_278, %add3A_271 : i32
        %get3A_280 = arith.index_cast %add3A_279 : i32 to index
        %get3A_281 = tpu.vector_load %arg7[%get3A_280] {strides = array<i32>} : memref<1536xf32, #tpu.memory_space<vmem>>, vector<16xf32>,
        %sub3A_282 = arith.subf %get3A_273, %gather3A : vector<16xf32>
        %sub3A_283 = arith.subf %get3A_277, %gather3A_47 : vector<16xf32>
        %sub3A_284 = arith.subf %get3A_281, %gather3A_54 : vector<16xf32>
        %mul3A_285 = arith.mulf %sub3A_282, %sub3A_282 : vector<16xf32>
        %mul3A_286 = arith.mulf %sub3A_283, %sub3A_283 : vector<16xf32>
        %add3A_287 = arith.addf %mul3A_285, %mul3A_286 : vector<16xf32>
        %mul3A_288 = arith.mulf %sub3A_284, %sub3A_284 : vector<16xf32>
        %add3A_289 = arith.addf %add3A_287, %mul3A_288 : vector<16xf32>
        %le3A = arith.constant 6.400000e-01 : f32
        %le3A_290 = vector.broadcast %le3A : f32 to vector<16xf32>
        %le3A_291 = arith.cmpf ole, %add3A_289, %le3A_290 : vector<16xf32>
        %convert_element_type3A = arith.extui %le3A_291 : vector<16xi1> to vector<16xi32>
        %reduce_sum3A = arith.constant true
        %reduce_sum3A_292 = vector.broadcast %reduce_sum3A : i1 to vector<16xi1>
        %reduce_sum3A_293 = tpu.scan <sum>, %convert_element_type3A masked %reduce_sum3A_292 : vector<16xi32>, vector<16xi1> -> vector<16xi32>
        %reduce_sum3A_294 = vector.extract %reduce_sum3A_293[15] : i32 from vector<16xi32>
        %mul3A_295 = arith.constant 64 : i32
        %mul3A_296 = arith.muli %while3A_266, %mul3A_295 : i32
        %add3A_297 = arith.constant 16 : i32
        %add3A_298 = arith.addi %mul3A_296, %add3A_297 : i32
        %get3A_299 = arith.index_cast %add3A_298 : i32 to index
        %get3A_300 = tpu.vector_load %arg7[%get3A_299] {strides = array<i32>} : memref<1536xf32, #tpu.memory_space<vmem>>, vector<16xf32>,
        %add3A_301 = arith.constant 512 : i32
        %add3A_302 = arith.addi %add3A_301, %add3A_298 : i32
        %get3A_303 = arith.index_cast %add3A_302 : i32 to index
        %get3A_304 = tpu.vector_load %arg7[%get3A_303] {strides = array<i32>} : memref<1536xf32, #tpu.memory_space<vmem>>, vector<16xf32>,
        %add3A_305 = arith.constant 1024 : i32
        %add3A_306 = arith.addi %add3A_305, %add3A_298 : i32
        %get3A_307 = arith.index_cast %add3A_306 : i32 to index
        %get3A_308 = tpu.vector_load %arg7[%get3A_307] {strides = array<i32>} : memref<1536xf32, #tpu.memory_space<vmem>>, vector<16xf32>,
        %sub3A_309 = arith.subf %get3A_300, %gather3A : vector<16xf32>
        %sub3A_310 = arith.subf %get3A_304, %gather3A_47 : vector<16xf32>
        %sub3A_311 = arith.subf %get3A_308, %gather3A_54 : vector<16xf32>
        %mul3A_312 = arith.mulf %sub3A_309, %sub3A_309 : vector<16xf32>
        %mul3A_313 = arith.mulf %sub3A_310, %sub3A_310 : vector<16xf32>
        %add3A_314 = arith.addf %mul3A_312, %mul3A_313 : vector<16xf32>
        %mul3A_315 = arith.mulf %sub3A_311, %sub3A_311 : vector<16xf32>
        %add3A_316 = arith.addf %add3A_314, %mul3A_315 : vector<16xf32>
        %le3A_317 = arith.constant 6.400000e-01 : f32
        %le3A_318 = vector.broadcast %le3A_317 : f32 to vector<16xf32>
        %le3A_319 = arith.cmpf ole, %add3A_316, %le3A_318 : vector<16xf32>
        %convert_element_type3A_320 = arith.extui %le3A_319 : vector<16xi1> to vector<16xi32>
        %reduce_sum3A_321 = arith.constant true
        %reduce_sum3A_322 = vector.broadcast %reduce_sum3A_321 : i1 to vector<16xi1>
        %reduce_sum3A_323 = tpu.scan <sum>, %convert_element_type3A_320 masked %reduce_sum3A_322 : vector<16xi32>, vector<16xi1> -> vector<16xi32>
        %reduce_sum3A_324 = vector.extract %reduce_sum3A_323[15] : i32 from vector<16xi32>
        %mul3A_325 = arith.constant 64 : i32
        %mul3A_326 = arith.muli %while3A_266, %mul3A_325 : i32
        %add3A_327 = arith.constant 32 : i32
        %add3A_328 = arith.addi %mul3A_326, %add3A_327 : i32
        %get3A_329 = arith.index_cast %add3A_328 : i32 to index
        %get3A_330 = tpu.vector_load %arg7[%get3A_329] {strides = array<i32>} : memref<1536xf32, #tpu.memory_space<vmem>>, vector<16xf32>,
        %add3A_331 = arith.constant 512 : i32
        %add3A_332 = arith.addi %add3A_331, %add3A_328 : i32
        %get3A_333 = arith.index_cast %add3A_332 : i32 to index
        %get3A_334 = tpu.vector_load %arg7[%get3A_333] {strides = array<i32>} : memref<1536xf32, #tpu.memory_space<vmem>>, vector<16xf32>,
        %add3A_335 = arith.constant 1024 : i32
        %add3A_336 = arith.addi %add3A_335, %add3A_328 : i32
        %get3A_337 = arith.index_cast %add3A_336 : i32 to index
        %get3A_338 = tpu.vector_load %arg7[%get3A_337] {strides = array<i32>} : memref<1536xf32, #tpu.memory_space<vmem>>, vector<16xf32>,
        %sub3A_339 = arith.subf %get3A_330, %gather3A : vector<16xf32>
        %sub3A_340 = arith.subf %get3A_334, %gather3A_47 : vector<16xf32>
        %sub3A_341 = arith.subf %get3A_338, %gather3A_54 : vector<16xf32>
        %mul3A_342 = arith.mulf %sub3A_339, %sub3A_339 : vector<16xf32>
        %mul3A_343 = arith.mulf %sub3A_340, %sub3A_340 : vector<16xf32>
        %add3A_344 = arith.addf %mul3A_342, %mul3A_343 : vector<16xf32>
        %mul3A_345 = arith.mulf %sub3A_341, %sub3A_341 : vector<16xf32>
        %add3A_346 = arith.addf %add3A_344, %mul3A_345 : vector<16xf32>
        %le3A_347 = arith.constant 6.400000e-01 : f32
        %le3A_348 = vector.broadcast %le3A_347 : f32 to vector<16xf32>
        %le3A_349 = arith.cmpf ole, %add3A_346, %le3A_348 : vector<16xf32>
        %convert_element_type3A_350 = arith.extui %le3A_349 : vector<16xi1> to vector<16xi32>
        %reduce_sum3A_351 = arith.constant true
        %reduce_sum3A_352 = vector.broadcast %reduce_sum3A_351 : i1 to vector<16xi1>
        %reduce_sum3A_353 = tpu.scan <sum>, %convert_element_type3A_350 masked %reduce_sum3A_352 : vector<16xi32>, vector<16xi1> -> vector<16xi32>
        %reduce_sum3A_354 = vector.extract %reduce_sum3A_353[15] : i32 from vector<16xi32>
        %mul3A_355 = arith.constant 64 : i32
        %mul3A_356 = arith.muli %while3A_266, %mul3A_355 : i32
        %add3A_357 = arith.constant 48 : i32
        %add3A_358 = arith.addi %mul3A_356, %add3A_357 : i32
        %get3A_359 = arith.index_cast %add3A_358 : i32 to index
        %get3A_360 = tpu.vector_load %arg7[%get3A_359] {strides = array<i32>} : memref<1536xf32, #tpu.memory_space<vmem>>, vector<16xf32>,
        %add3A_361 = arith.constant 512 : i32
        %add3A_362 = arith.addi %add3A_361, %add3A_358 : i32
        %get3A_363 = arith.index_cast %add3A_362 : i32 to index
        %get3A_364 = tpu.vector_load %arg7[%get3A_363] {strides = array<i32>} : memref<1536xf32, #tpu.memory_space<vmem>>, vector<16xf32>,
        %add3A_365 = arith.constant 1024 : i32
        %add3A_366 = arith.addi %add3A_365, %add3A_358 : i32
        %get3A_367 = arith.index_cast %add3A_366 : i32 to index
        %get3A_368 = tpu.vector_load %arg7[%get3A_367] {strides = array<i32>} : memref<1536xf32, #tpu.memory_space<vmem>>, vector<16xf32>,
        %sub3A_369 = arith.subf %get3A_360, %gather3A : vector<16xf32>
        %sub3A_370 = arith.subf %get3A_364, %gather3A_47 : vector<16xf32>
        %sub3A_371 = arith.subf %get3A_368, %gather3A_54 : vector<16xf32>
        %mul3A_372 = arith.mulf %sub3A_369, %sub3A_369 : vector<16xf32>
        %mul3A_373 = arith.mulf %sub3A_370, %sub3A_370 : vector<16xf32>
        %add3A_374 = arith.addf %mul3A_372, %mul3A_373 : vector<16xf32>
        %mul3A_375 = arith.mulf %sub3A_371, %sub3A_371 : vector<16xf32>
        %add3A_376 = arith.addf %add3A_374, %mul3A_375 : vector<16xf32>
        %le3A_377 = arith.constant 6.400000e-01 : f32
        %le3A_378 = vector.broadcast %le3A_377 : f32 to vector<16xf32>
        %le3A_379 = arith.cmpf ole, %add3A_376, %le3A_378 : vector<16xf32>
        %convert_element_type3A_380 = arith.extui %le3A_379 : vector<16xi1> to vector<16xi32>
        %reduce_sum3A_381 = arith.constant true
        %reduce_sum3A_382 = vector.broadcast %reduce_sum3A_381 : i1 to vector<16xi1>
        %reduce_sum3A_383 = tpu.scan <sum>, %convert_element_type3A_380 masked %reduce_sum3A_382 : vector<16xi32>, vector<16xi1> -> vector<16xi32>
        %reduce_sum3A_384 = vector.extract %reduce_sum3A_383[15] : i32 from vector<16xi32>
        %mul3A_385 = arith.constant 64 : i32
        %mul3A_386 = arith.muli %while3A_266, %mul3A_385 : i32
        %add3A_387 = arith.constant 0 : i32
        %add3A_388 = arith.addi %mul3A_386, %add3A_387 : i32
        %add3A_389 = vector.broadcast %add3A_388 : i32 to vector<16xi32>
        %add3A_390 = arith.addi %add3A_389, %iota3A : vector<16xi32>
        %swap3A_391 = arith.index_cast %while3A_267 : i32 to index
        %swap3A_392 = tpu.vector_load %arg10[%swap3A_391] masked %le3A_291 {strides = array<i32>} : memref<128xi32, #tpu.memory_space<vmem>>, vector<16xi32>, vector<16xi1>
        tpu.vector_store %arg10[%swap3A_391], %add3A_390 masked %le3A_291 {strides = array<i32>} : memref<128xi32, #tpu.memory_space<vmem>>, vector<16xi32>, vector<16xi1>
        %add3A_393 = arith.addi %while3A_267, %reduce_sum3A_294 : i32
        %mul3A_394 = arith.constant 64 : i32
        %mul3A_395 = arith.muli %while3A_266, %mul3A_394 : i32
        %add3A_396 = arith.constant 16 : i32
        %add3A_397 = arith.addi %mul3A_395, %add3A_396 : i32
        %add3A_398 = vector.broadcast %add3A_397 : i32 to vector<16xi32>
        %add3A_399 = arith.addi %add3A_398, %iota3A : vector<16xi32>
        %swap3A_400 = arith.index_cast %add3A_393 : i32 to index
        %swap3A_401 = tpu.vector_load %arg10[%swap3A_400] masked %le3A_319 {strides = array<i32>} : memref<128xi32, #tpu.memory_space<vmem>>, vector<16xi32>, vector<16xi1>
        tpu.vector_store %arg10[%swap3A_400], %add3A_399 masked %le3A_319 {strides = array<i32>} : memref<128xi32, #tpu.memory_space<vmem>>, vector<16xi32>, vector<16xi1>
        %add3A_402 = arith.addi %add3A_393, %reduce_sum3A_324 : i32
        %mul3A_403 = arith.constant 64 : i32
        %mul3A_404 = arith.muli %while3A_266, %mul3A_403 : i32
        %add3A_405 = arith.constant 32 : i32
        %add3A_406 = arith.addi %mul3A_404, %add3A_405 : i32
        %add3A_407 = vector.broadcast %add3A_406 : i32 to vector<16xi32>
        %add3A_408 = arith.addi %add3A_407, %iota3A : vector<16xi32>
        %swap3A_409 = arith.index_cast %add3A_402 : i32 to index
        %swap3A_410 = tpu.vector_load %arg10[%swap3A_409] masked %le3A_349 {strides = array<i32>} : memref<128xi32, #tpu.memory_space<vmem>>, vector<16xi32>, vector<16xi1>
        tpu.vector_store %arg10[%swap3A_409], %add3A_408 masked %le3A_349 {strides = array<i32>} : memref<128xi32, #tpu.memory_space<vmem>>, vector<16xi32>, vector<16xi1>
        %add3A_411 = arith.addi %add3A_402, %reduce_sum3A_354 : i32
        %mul3A_412 = arith.constant 64 : i32
        %mul3A_413 = arith.muli %while3A_266, %mul3A_412 : i32
        %add3A_414 = arith.constant 48 : i32
        %add3A_415 = arith.addi %mul3A_413, %add3A_414 : i32
        %add3A_416 = vector.broadcast %add3A_415 : i32 to vector<16xi32>
        %add3A_417 = arith.addi %add3A_416, %iota3A : vector<16xi32>
        %swap3A_418 = arith.index_cast %add3A_411 : i32 to index
        %swap3A_419 = tpu.vector_load %arg10[%swap3A_418] masked %le3A_379 {strides = array<i32>} : memref<128xi32, #tpu.memory_space<vmem>>, vector<16xi32>, vector<16xi1>
        tpu.vector_store %arg10[%swap3A_418], %add3A_417 masked %le3A_379 {strides = array<i32>} : memref<128xi32, #tpu.memory_space<vmem>>, vector<16xi32>, vector<16xi1>
        %add3A_420 = arith.addi %add3A_411, %reduce_sum3A_384 : i32
        %add3A_421 = arith.constant 1 : i32
        %add3A_422 = arith.addi %while3A_266, %add3A_421 : i32
        scf.yield %add3A_422, %add3A_420 : i32, i32
      }
      %get3A = arith.constant 0 : index
      %get3A_57 = tpu.vector_load %arg10[%get3A] {strides = array<i32>} : memref<128xi32, #tpu.memory_space<vmem>>, vector<16xi32>,
      %get3A_58 = arith.constant 16 : index
      %get3A_59 = tpu.vector_load %arg10[%get3A_58] {strides = array<i32>} : memref<128xi32, #tpu.memory_space<vmem>>, vector<16xi32>,
      %gather3A_60 = tpu.vector_load_idx %arg10[%mul3A_23] : memref<128xi32, #tpu.memory_space<vmem>>[vector<16xi32>], vector<16xi32>,
      %lt3A = vector.broadcast %while3A_56#1 : i32 to vector<16xi32>
      %lt3A_61 = arith.cmpi slt, %iota3A, %lt3A : vector<16xi32>
      %select_n3A_62 = arith.select %lt3A_61, %get3A_57, %gather3A_60 : vector<16xi1>, vector<16xi32>
      %add3A_63 = arith.constant 16 : i32
      %add3A_64 = vector.broadcast %add3A_63 : i32 to vector<16xi32>
      %add3A_65 = arith.addi %iota3A, %add3A_64 : vector<16xi32>
      %lt3A_66 = vector.broadcast %while3A_56#1 : i32 to vector<16xi32>
      %lt3A_67 = arith.cmpi slt, %add3A_65, %lt3A_66 : vector<16xi32>
      %select_n3A_68 = arith.select %lt3A_67, %get3A_59, %gather3A_60 : vector<16xi1>, vector<16xi32>
      %mul3A_69 = arith.constant 32 : i32
      %mul3A_70 = arith.muli %mul3A_35, %mul3A_69 : i32
      %add3A_71 = arith.constant 0 : i32
      %add3A_72 = arith.addi %mul3A_70, %add3A_71 : i32
      %add3A_73 = vector.broadcast %add3A_72 : i32 to vector<16xi32>
      %add3A_74 = arith.addi %add3A_73, %iota3A : vector<16xi32>
      %add3A_75 = arith.constant 0 : i32
      %add3A_76 = vector.broadcast %add3A_75 : i32 to vector<16xi32>
      %add3A_77 = arith.addi %select_n3A_62, %add3A_76 : vector<16xi32>
      %gather3A_78 = tpu.vector_load_idx %arg7[%add3A_77] : memref<1536xf32, #tpu.memory_space<vmem>>[vector<16xi32>], vector<16xf32>,
      %add3A_79 = arith.constant 0 : i32
      %add3A_80 = vector.broadcast %add3A_79 : i32 to vector<16xi32>
      %add3A_81 = arith.addi %mul3A_23, %add3A_80 : vector<16xi32>
      tpu.vector_store_idx %arg9[%add3A_74, %add3A_81], %gather3A_78 : memref<512x4xf32, #tpu.memory_space<vmem>>[vector<16xi32>, vector<16xi32>], vector<16xf32>,
      %add3A_82 = arith.constant 512 : i32
      %add3A_83 = vector.broadcast %add3A_82 : i32 to vector<16xi32>
      %add3A_84 = arith.addi %select_n3A_62, %add3A_83 : vector<16xi32>
      %gather3A_85 = tpu.vector_load_idx %arg7[%add3A_84] : memref<1536xf32, #tpu.memory_space<vmem>>[vector<16xi32>], vector<16xf32>,
      %add3A_86 = arith.constant 1 : i32
      %add3A_87 = vector.broadcast %add3A_86 : i32 to vector<16xi32>
      %add3A_88 = arith.addi %mul3A_23, %add3A_87 : vector<16xi32>
      tpu.vector_store_idx %arg9[%add3A_74, %add3A_88], %gather3A_85 : memref<512x4xf32, #tpu.memory_space<vmem>>[vector<16xi32>, vector<16xi32>], vector<16xf32>,
      %add3A_89 = arith.constant 1024 : i32
      %add3A_90 = vector.broadcast %add3A_89 : i32 to vector<16xi32>
      %add3A_91 = arith.addi %select_n3A_62, %add3A_90 : vector<16xi32>
      %gather3A_92 = tpu.vector_load_idx %arg7[%add3A_91] : memref<1536xf32, #tpu.memory_space<vmem>>[vector<16xi32>], vector<16xf32>,
      %add3A_93 = arith.constant 2 : i32
      %add3A_94 = vector.broadcast %add3A_93 : i32 to vector<16xi32>
      %add3A_95 = arith.addi %mul3A_23, %add3A_94 : vector<16xi32>
      tpu.vector_store_idx %arg9[%add3A_74, %add3A_95], %gather3A_92 : memref<512x4xf32, #tpu.memory_space<vmem>>[vector<16xi32>, vector<16xi32>], vector<16xf32>,
      %mul3A_96 = arith.constant 512 : i32
      %mul3A_97 = arith.muli %select_n3A, %mul3A_96 : i32
      %add3A_98 = vector.broadcast %mul3A_97 : i32 to vector<16xi32>
      %add3A_99 = arith.addi %select_n3A_62, %add3A_98 : vector<16xi32>
      %swap3A_100 = arith.constant 0 : index
      %swap3A_101 = tpu.vector_load %arg11[%swap3A_100] {strides = array<i32>} : memref<32xi32, #tpu.memory_space<vmem>>, vector<16xi32>,
      tpu.vector_store %arg11[%swap3A_100], %add3A_99 {strides = array<i32>} : memref<32xi32, #tpu.memory_space<vmem>>, vector<16xi32>,
      %mul3A_102 = arith.constant 32 : i32
      %mul3A_103 = arith.muli %mul3A_35, %mul3A_102 : i32
      %add3A_104 = arith.constant 16 : i32
      %add3A_105 = arith.addi %mul3A_103, %add3A_104 : i32
      %add3A_106 = vector.broadcast %add3A_105 : i32 to vector<16xi32>
      %add3A_107 = arith.addi %add3A_106, %iota3A : vector<16xi32>
      %add3A_108 = arith.constant 0 : i32
      %add3A_109 = vector.broadcast %add3A_108 : i32 to vector<16xi32>
      %add3A_110 = arith.addi %select_n3A_68, %add3A_109 : vector<16xi32>
      %gather3A_111 = tpu.vector_load_idx %arg7[%add3A_110] : memref<1536xf32, #tpu.memory_space<vmem>>[vector<16xi32>], vector<16xf32>,
      %add3A_112 = arith.constant 0 : i32
      %add3A_113 = vector.broadcast %add3A_112 : i32 to vector<16xi32>
      %add3A_114 = arith.addi %mul3A_23, %add3A_113 : vector<16xi32>
      tpu.vector_store_idx %arg9[%add3A_107, %add3A_114], %gather3A_111 : memref<512x4xf32, #tpu.memory_space<vmem>>[vector<16xi32>, vector<16xi32>], vector<16xf32>,
      %add3A_115 = arith.constant 512 : i32
      %add3A_116 = vector.broadcast %add3A_115 : i32 to vector<16xi32>
      %add3A_117 = arith.addi %select_n3A_68, %add3A_116 : vector<16xi32>
      %gather3A_118 = tpu.vector_load_idx %arg7[%add3A_117] : memref<1536xf32, #tpu.memory_space<vmem>>[vector<16xi32>], vector<16xf32>,
      %add3A_119 = arith.constant 1 : i32
      %add3A_120 = vector.broadcast %add3A_119 : i32 to vector<16xi32>
      %add3A_121 = arith.addi %mul3A_23, %add3A_120 : vector<16xi32>
      tpu.vector_store_idx %arg9[%add3A_107, %add3A_121], %gather3A_118 : memref<512x4xf32, #tpu.memory_space<vmem>>[vector<16xi32>, vector<16xi32>], vector<16xf32>,
      %add3A_122 = arith.constant 1024 : i32
      %add3A_123 = vector.broadcast %add3A_122 : i32 to vector<16xi32>
      %add3A_124 = arith.addi %select_n3A_68, %add3A_123 : vector<16xi32>
      %gather3A_125 = tpu.vector_load_idx %arg7[%add3A_124] : memref<1536xf32, #tpu.memory_space<vmem>>[vector<16xi32>], vector<16xf32>,
      %add3A_126 = arith.constant 2 : i32
      %add3A_127 = vector.broadcast %add3A_126 : i32 to vector<16xi32>
      %add3A_128 = arith.addi %mul3A_23, %add3A_127 : vector<16xi32>
      tpu.vector_store_idx %arg9[%add3A_107, %add3A_128], %gather3A_125 : memref<512x4xf32, #tpu.memory_space<vmem>>[vector<16xi32>, vector<16xi32>], vector<16xf32>,
      %mul3A_129 = arith.constant 512 : i32
      %mul3A_130 = arith.muli %select_n3A, %mul3A_129 : i32
      %add3A_131 = vector.broadcast %mul3A_130 : i32 to vector<16xi32>
      %add3A_132 = arith.addi %select_n3A_68, %add3A_131 : vector<16xi32>
      %swap3A_133 = arith.constant 16 : index
      %swap3A_134 = tpu.vector_load %arg11[%swap3A_133] {strides = array<i32>} : memref<32xi32, #tpu.memory_space<vmem>>, vector<16xi32>,
      tpu.vector_store %arg11[%swap3A_133], %add3A_132 {strides = array<i32>} : memref<32xi32, #tpu.memory_space<vmem>>, vector<16xi32>,
      %dma_start3A = arith.constant 0 : i32
      %dma_start3A_135 = arith.constant 0 : i32
      %dma_start3A_136 = tpu.memref_slice %arg4[%dma_start3A, %dma_start3A_135] : memref<2048x256xf32, #tpu.memory_space<hbm>> -> memref<2048x256xf32, #tpu.memory_space<hbm>>
      tpu.enqueue_indirect_dma source(%dma_start3A_136 : memref<2048x256xf32, #tpu.memory_space<hbm>>) target(%arg13 : memref<32x256xf32, #tpu.memory_space<vmem>>) offsets(%arg11 : memref<32xi32, #tpu.memory_space<vmem>>) semaphore(%arg15 : memref<!tpu.dma_semaphore, #tpu.memory_space<semaphore_mem>>)
      %mul3A_137 = arith.constant 2 : i32
      %mul3A_138 = arith.muli %mul3A_137, %scan3A_32 : i32
      %add3A_139 = arith.constant 1 : i32
      %add3A_140 = arith.addi %mul3A_138, %add3A_139 : i32
      %swap3A_141 = arith.constant 0 : index
      %swap3A_142 = tpu.vector_load %arg10[%swap3A_141] {strides = array<i32>} : memref<128xi32, #tpu.memory_space<vmem>>, vector<16xi32>,
      tpu.vector_store %arg10[%swap3A_141], %mul3A_23 {strides = array<i32>} : memref<128xi32, #tpu.memory_space<vmem>>, vector<16xi32>,
      %mul3A_143 = arith.constant 3 : i32
      %mul3A_144 = arith.muli %add3A_140, %mul3A_143 : i32
      %add3A_145 = vector.broadcast %mul3A_144 : i32 to vector<16xi32>
      %add3A_146 = arith.addi %mul3A_23, %add3A_145 : vector<16xi32>
      %gather3A_147 = tpu.vector_load_idx %arg8[%add3A_146] : memref<48xf32, #tpu.memory_space<vmem>>[vector<16xi32>], vector<16xf32>,
      %mul3A_148 = arith.constant 3 : i32
      %mul3A_149 = arith.muli %add3A_140, %mul3A_148 : i32
      %add3A_150 = arith.constant 1 : i32
      %add3A_151 = arith.addi %mul3A_149, %add3A_150 : i32
      %add3A_152 = vector.broadcast %add3A_151 : i32 to vector<16xi32>
      %add3A_153 = arith.addi %mul3A_23, %add3A_152 : vector<16xi32>
      %gather3A_154 = tpu.vector_load_idx %arg8[%add3A_153] : memref<48xf32, #tpu.memory_space<vmem>>[vector<16xi32>], vector<16xf32>,
      %mul3A_155 = arith.constant 3 : i32
      %mul3A_156 = arith.muli %add3A_140, %mul3A_155 : i32
      %add3A_157 = arith.constant 2 : i32
      %add3A_158 = arith.addi %mul3A_156, %add3A_157 : i32
      %add3A_159 = vector.broadcast %add3A_158 : i32 to vector<16xi32>
      %add3A_160 = arith.addi %mul3A_23, %add3A_159 : vector<16xi32>
      %gather3A_161 = tpu.vector_load_idx %arg8[%add3A_160] : memref<48xf32, #tpu.memory_space<vmem>>[vector<16xi32>], vector<16xf32>,
      %while3A_162 = arith.constant 0 : i32
      %while3A_163 = arith.constant 0 : i32
      %while3A_164:2 = scf.while (%while3A_266 = %while3A_162, %while3A_267 = %while3A_163) : (i32, i32) -> (i32, i32) {
        %lt3A_268 = arith.constant 8 : i32
        %lt3A_269 = arith.cmpi slt, %while3A_266, %lt3A_268 : i32
        %lt3A_270 = arith.constant 32 : i32
        %lt3A_271 = arith.cmpi slt, %while3A_267, %lt3A_270 : i32
        %and3A_272 = arith.andi %lt3A_269, %lt3A_271 : i1
        scf.condition(%and3A_272) %while3A_266, %while3A_267 : i32, i32
      } do {
      ^bb0(%while3A_266: i32, %while3A_267: i32):
        %mul3A_268 = arith.constant 64 : i32
        %mul3A_269 = arith.muli %while3A_266, %mul3A_268 : i32
        %add3A_270 = arith.constant 0 : i32
        %add3A_271 = arith.addi %mul3A_269, %add3A_270 : i32
        %get3A_272 = arith.index_cast %add3A_271 : i32 to index
        %get3A_273 = tpu.vector_load %arg7[%get3A_272] {strides = array<i32>} : memref<1536xf32, #tpu.memory_space<vmem>>, vector<16xf32>,
        %add3A_274 = arith.constant 512 : i32
        %add3A_275 = arith.addi %add3A_274, %add3A_271 : i32
        %get3A_276 = arith.index_cast %add3A_275 : i32 to index
        %get3A_277 = tpu.vector_load %arg7[%get3A_276] {strides = array<i32>} : memref<1536xf32, #tpu.memory_space<vmem>>, vector<16xf32>,
        %add3A_278 = arith.constant 1024 : i32
        %add3A_279 = arith.addi %add3A_278, %add3A_271 : i32
        %get3A_280 = arith.index_cast %add3A_279 : i32 to index
        %get3A_281 = tpu.vector_load %arg7[%get3A_280] {strides = array<i32>} : memref<1536xf32, #tpu.memory_space<vmem>>, vector<16xf32>,
        %sub3A_282 = arith.subf %get3A_273, %gather3A_147 : vector<16xf32>
        %sub3A_283 = arith.subf %get3A_277, %gather3A_154 : vector<16xf32>
        %sub3A_284 = arith.subf %get3A_281, %gather3A_161 : vector<16xf32>
        %mul3A_285 = arith.mulf %sub3A_282, %sub3A_282 : vector<16xf32>
        %mul3A_286 = arith.mulf %sub3A_283, %sub3A_283 : vector<16xf32>
        %add3A_287 = arith.addf %mul3A_285, %mul3A_286 : vector<16xf32>
        %mul3A_288 = arith.mulf %sub3A_284, %sub3A_284 : vector<16xf32>
        %add3A_289 = arith.addf %add3A_287, %mul3A_288 : vector<16xf32>
        %le3A = arith.constant 6.400000e-01 : f32
        %le3A_290 = vector.broadcast %le3A : f32 to vector<16xf32>
        %le3A_291 = arith.cmpf ole, %add3A_289, %le3A_290 : vector<16xf32>
        %convert_element_type3A = arith.extui %le3A_291 : vector<16xi1> to vector<16xi32>
        %reduce_sum3A = arith.constant true
        %reduce_sum3A_292 = vector.broadcast %reduce_sum3A : i1 to vector<16xi1>
        %reduce_sum3A_293 = tpu.scan <sum>, %convert_element_type3A masked %reduce_sum3A_292 : vector<16xi32>, vector<16xi1> -> vector<16xi32>
        %reduce_sum3A_294 = vector.extract %reduce_sum3A_293[15] : i32 from vector<16xi32>
        %mul3A_295 = arith.constant 64 : i32
        %mul3A_296 = arith.muli %while3A_266, %mul3A_295 : i32
        %add3A_297 = arith.constant 16 : i32
        %add3A_298 = arith.addi %mul3A_296, %add3A_297 : i32
        %get3A_299 = arith.index_cast %add3A_298 : i32 to index
        %get3A_300 = tpu.vector_load %arg7[%get3A_299] {strides = array<i32>} : memref<1536xf32, #tpu.memory_space<vmem>>, vector<16xf32>,
        %add3A_301 = arith.constant 512 : i32
        %add3A_302 = arith.addi %add3A_301, %add3A_298 : i32
        %get3A_303 = arith.index_cast %add3A_302 : i32 to index
        %get3A_304 = tpu.vector_load %arg7[%get3A_303] {strides = array<i32>} : memref<1536xf32, #tpu.memory_space<vmem>>, vector<16xf32>,
        %add3A_305 = arith.constant 1024 : i32
        %add3A_306 = arith.addi %add3A_305, %add3A_298 : i32
        %get3A_307 = arith.index_cast %add3A_306 : i32 to index
        %get3A_308 = tpu.vector_load %arg7[%get3A_307] {strides = array<i32>} : memref<1536xf32, #tpu.memory_space<vmem>>, vector<16xf32>,
        %sub3A_309 = arith.subf %get3A_300, %gather3A_147 : vector<16xf32>
        %sub3A_310 = arith.subf %get3A_304, %gather3A_154 : vector<16xf32>
        %sub3A_311 = arith.subf %get3A_308, %gather3A_161 : vector<16xf32>
        %mul3A_312 = arith.mulf %sub3A_309, %sub3A_309 : vector<16xf32>
        %mul3A_313 = arith.mulf %sub3A_310, %sub3A_310 : vector<16xf32>
        %add3A_314 = arith.addf %mul3A_312, %mul3A_313 : vector<16xf32>
        %mul3A_315 = arith.mulf %sub3A_311, %sub3A_311 : vector<16xf32>
        %add3A_316 = arith.addf %add3A_314, %mul3A_315 : vector<16xf32>
        %le3A_317 = arith.constant 6.400000e-01 : f32
        %le3A_318 = vector.broadcast %le3A_317 : f32 to vector<16xf32>
        %le3A_319 = arith.cmpf ole, %add3A_316, %le3A_318 : vector<16xf32>
        %convert_element_type3A_320 = arith.extui %le3A_319 : vector<16xi1> to vector<16xi32>
        %reduce_sum3A_321 = arith.constant true
        %reduce_sum3A_322 = vector.broadcast %reduce_sum3A_321 : i1 to vector<16xi1>
        %reduce_sum3A_323 = tpu.scan <sum>, %convert_element_type3A_320 masked %reduce_sum3A_322 : vector<16xi32>, vector<16xi1> -> vector<16xi32>
        %reduce_sum3A_324 = vector.extract %reduce_sum3A_323[15] : i32 from vector<16xi32>
        %mul3A_325 = arith.constant 64 : i32
        %mul3A_326 = arith.muli %while3A_266, %mul3A_325 : i32
        %add3A_327 = arith.constant 32 : i32
        %add3A_328 = arith.addi %mul3A_326, %add3A_327 : i32
        %get3A_329 = arith.index_cast %add3A_328 : i32 to index
        %get3A_330 = tpu.vector_load %arg7[%get3A_329] {strides = array<i32>} : memref<1536xf32, #tpu.memory_space<vmem>>, vector<16xf32>,
        %add3A_331 = arith.constant 512 : i32
        %add3A_332 = arith.addi %add3A_331, %add3A_328 : i32
        %get3A_333 = arith.index_cast %add3A_332 : i32 to index
        %get3A_334 = tpu.vector_load %arg7[%get3A_333] {strides = array<i32>} : memref<1536xf32, #tpu.memory_space<vmem>>, vector<16xf32>,
        %add3A_335 = arith.constant 1024 : i32
        %add3A_336 = arith.addi %add3A_335, %add3A_328 : i32
        %get3A_337 = arith.index_cast %add3A_336 : i32 to index
        %get3A_338 = tpu.vector_load %arg7[%get3A_337] {strides = array<i32>} : memref<1536xf32, #tpu.memory_space<vmem>>, vector<16xf32>,
        %sub3A_339 = arith.subf %get3A_330, %gather3A_147 : vector<16xf32>
        %sub3A_340 = arith.subf %get3A_334, %gather3A_154 : vector<16xf32>
        %sub3A_341 = arith.subf %get3A_338, %gather3A_161 : vector<16xf32>
        %mul3A_342 = arith.mulf %sub3A_339, %sub3A_339 : vector<16xf32>
        %mul3A_343 = arith.mulf %sub3A_340, %sub3A_340 : vector<16xf32>
        %add3A_344 = arith.addf %mul3A_342, %mul3A_343 : vector<16xf32>
        %mul3A_345 = arith.mulf %sub3A_341, %sub3A_341 : vector<16xf32>
        %add3A_346 = arith.addf %add3A_344, %mul3A_345 : vector<16xf32>
        %le3A_347 = arith.constant 6.400000e-01 : f32
        %le3A_348 = vector.broadcast %le3A_347 : f32 to vector<16xf32>
        %le3A_349 = arith.cmpf ole, %add3A_346, %le3A_348 : vector<16xf32>
        %convert_element_type3A_350 = arith.extui %le3A_349 : vector<16xi1> to vector<16xi32>
        %reduce_sum3A_351 = arith.constant true
        %reduce_sum3A_352 = vector.broadcast %reduce_sum3A_351 : i1 to vector<16xi1>
        %reduce_sum3A_353 = tpu.scan <sum>, %convert_element_type3A_350 masked %reduce_sum3A_352 : vector<16xi32>, vector<16xi1> -> vector<16xi32>
        %reduce_sum3A_354 = vector.extract %reduce_sum3A_353[15] : i32 from vector<16xi32>
        %mul3A_355 = arith.constant 64 : i32
        %mul3A_356 = arith.muli %while3A_266, %mul3A_355 : i32
        %add3A_357 = arith.constant 48 : i32
        %add3A_358 = arith.addi %mul3A_356, %add3A_357 : i32
        %get3A_359 = arith.index_cast %add3A_358 : i32 to index
        %get3A_360 = tpu.vector_load %arg7[%get3A_359] {strides = array<i32>} : memref<1536xf32, #tpu.memory_space<vmem>>, vector<16xf32>,
        %add3A_361 = arith.constant 512 : i32
        %add3A_362 = arith.addi %add3A_361, %add3A_358 : i32
        %get3A_363 = arith.index_cast %add3A_362 : i32 to index
        %get3A_364 = tpu.vector_load %arg7[%get3A_363] {strides = array<i32>} : memref<1536xf32, #tpu.memory_space<vmem>>, vector<16xf32>,
        %add3A_365 = arith.constant 1024 : i32
        %add3A_366 = arith.addi %add3A_365, %add3A_358 : i32
        %get3A_367 = arith.index_cast %add3A_366 : i32 to index
        %get3A_368 = tpu.vector_load %arg7[%get3A_367] {strides = array<i32>} : memref<1536xf32, #tpu.memory_space<vmem>>, vector<16xf32>,
        %sub3A_369 = arith.subf %get3A_360, %gather3A_147 : vector<16xf32>
        %sub3A_370 = arith.subf %get3A_364, %gather3A_154 : vector<16xf32>
        %sub3A_371 = arith.subf %get3A_368, %gather3A_161 : vector<16xf32>
        %mul3A_372 = arith.mulf %sub3A_369, %sub3A_369 : vector<16xf32>
        %mul3A_373 = arith.mulf %sub3A_370, %sub3A_370 : vector<16xf32>
        %add3A_374 = arith.addf %mul3A_372, %mul3A_373 : vector<16xf32>
        %mul3A_375 = arith.mulf %sub3A_371, %sub3A_371 : vector<16xf32>
        %add3A_376 = arith.addf %add3A_374, %mul3A_375 : vector<16xf32>
        %le3A_377 = arith.constant 6.400000e-01 : f32
        %le3A_378 = vector.broadcast %le3A_377 : f32 to vector<16xf32>
        %le3A_379 = arith.cmpf ole, %add3A_376, %le3A_378 : vector<16xf32>
        %convert_element_type3A_380 = arith.extui %le3A_379 : vector<16xi1> to vector<16xi32>
        %reduce_sum3A_381 = arith.constant true
        %reduce_sum3A_382 = vector.broadcast %reduce_sum3A_381 : i1 to vector<16xi1>
        %reduce_sum3A_383 = tpu.scan <sum>, %convert_element_type3A_380 masked %reduce_sum3A_382 : vector<16xi32>, vector<16xi1> -> vector<16xi32>
        %reduce_sum3A_384 = vector.extract %reduce_sum3A_383[15] : i32 from vector<16xi32>
        %mul3A_385 = arith.constant 64 : i32
        %mul3A_386 = arith.muli %while3A_266, %mul3A_385 : i32
        %add3A_387 = arith.constant 0 : i32
        %add3A_388 = arith.addi %mul3A_386, %add3A_387 : i32
        %add3A_389 = vector.broadcast %add3A_388 : i32 to vector<16xi32>
        %add3A_390 = arith.addi %add3A_389, %iota3A : vector<16xi32>
        %swap3A_391 = arith.index_cast %while3A_267 : i32 to index
        %swap3A_392 = tpu.vector_load %arg10[%swap3A_391] masked %le3A_291 {strides = array<i32>} : memref<128xi32, #tpu.memory_space<vmem>>, vector<16xi32>, vector<16xi1>
        tpu.vector_store %arg10[%swap3A_391], %add3A_390 masked %le3A_291 {strides = array<i32>} : memref<128xi32, #tpu.memory_space<vmem>>, vector<16xi32>, vector<16xi1>
        %add3A_393 = arith.addi %while3A_267, %reduce_sum3A_294 : i32
        %mul3A_394 = arith.constant 64 : i32
        %mul3A_395 = arith.muli %while3A_266, %mul3A_394 : i32
        %add3A_396 = arith.constant 16 : i32
        %add3A_397 = arith.addi %mul3A_395, %add3A_396 : i32
        %add3A_398 = vector.broadcast %add3A_397 : i32 to vector<16xi32>
        %add3A_399 = arith.addi %add3A_398, %iota3A : vector<16xi32>
        %swap3A_400 = arith.index_cast %add3A_393 : i32 to index
        %swap3A_401 = tpu.vector_load %arg10[%swap3A_400] masked %le3A_319 {strides = array<i32>} : memref<128xi32, #tpu.memory_space<vmem>>, vector<16xi32>, vector<16xi1>
        tpu.vector_store %arg10[%swap3A_400], %add3A_399 masked %le3A_319 {strides = array<i32>} : memref<128xi32, #tpu.memory_space<vmem>>, vector<16xi32>, vector<16xi1>
        %add3A_402 = arith.addi %add3A_393, %reduce_sum3A_324 : i32
        %mul3A_403 = arith.constant 64 : i32
        %mul3A_404 = arith.muli %while3A_266, %mul3A_403 : i32
        %add3A_405 = arith.constant 32 : i32
        %add3A_406 = arith.addi %mul3A_404, %add3A_405 : i32
        %add3A_407 = vector.broadcast %add3A_406 : i32 to vector<16xi32>
        %add3A_408 = arith.addi %add3A_407, %iota3A : vector<16xi32>
        %swap3A_409 = arith.index_cast %add3A_402 : i32 to index
        %swap3A_410 = tpu.vector_load %arg10[%swap3A_409] masked %le3A_349 {strides = array<i32>} : memref<128xi32, #tpu.memory_space<vmem>>, vector<16xi32>, vector<16xi1>
        tpu.vector_store %arg10[%swap3A_409], %add3A_408 masked %le3A_349 {strides = array<i32>} : memref<128xi32, #tpu.memory_space<vmem>>, vector<16xi32>, vector<16xi1>
        %add3A_411 = arith.addi %add3A_402, %reduce_sum3A_354 : i32
        %mul3A_412 = arith.constant 64 : i32
        %mul3A_413 = arith.muli %while3A_266, %mul3A_412 : i32
        %add3A_414 = arith.constant 48 : i32
        %add3A_415 = arith.addi %mul3A_413, %add3A_414 : i32
        %add3A_416 = vector.broadcast %add3A_415 : i32 to vector<16xi32>
        %add3A_417 = arith.addi %add3A_416, %iota3A : vector<16xi32>
        %swap3A_418 = arith.index_cast %add3A_411 : i32 to index
        %swap3A_419 = tpu.vector_load %arg10[%swap3A_418] masked %le3A_379 {strides = array<i32>} : memref<128xi32, #tpu.memory_space<vmem>>, vector<16xi32>, vector<16xi1>
        tpu.vector_store %arg10[%swap3A_418], %add3A_417 masked %le3A_379 {strides = array<i32>} : memref<128xi32, #tpu.memory_space<vmem>>, vector<16xi32>, vector<16xi1>
        %add3A_420 = arith.addi %add3A_411, %reduce_sum3A_384 : i32
        %add3A_421 = arith.constant 1 : i32
        %add3A_422 = arith.addi %while3A_266, %add3A_421 : i32
        scf.yield %add3A_422, %add3A_420 : i32, i32
      }
      %get3A_165 = arith.constant 0 : index
      %get3A_166 = tpu.vector_load %arg10[%get3A_165] {strides = array<i32>} : memref<128xi32, #tpu.memory_space<vmem>>, vector<16xi32>,
      %get3A_167 = arith.constant 16 : index
      %get3A_168 = tpu.vector_load %arg10[%get3A_167] {strides = array<i32>} : memref<128xi32, #tpu.memory_space<vmem>>, vector<16xi32>,
      %gather3A_169 = tpu.vector_load_idx %arg10[%mul3A_23] : memref<128xi32, #tpu.memory_space<vmem>>[vector<16xi32>], vector<16xi32>,
      %lt3A_170 = vector.broadcast %while3A_164#1 : i32 to vector<16xi32>
      %lt3A_171 = arith.cmpi slt, %iota3A, %lt3A_170 : vector<16xi32>
      %select_n3A_172 = arith.select %lt3A_171, %get3A_166, %gather3A_169 : vector<16xi1>, vector<16xi32>
      %add3A_173 = arith.constant 16 : i32
      %add3A_174 = vector.broadcast %add3A_173 : i32 to vector<16xi32>
      %add3A_175 = arith.addi %iota3A, %add3A_174 : vector<16xi32>
      %lt3A_176 = vector.broadcast %while3A_164#1 : i32 to vector<16xi32>
      %lt3A_177 = arith.cmpi slt, %add3A_175, %lt3A_176 : vector<16xi32>
      %select_n3A_178 = arith.select %lt3A_177, %get3A_168, %gather3A_169 : vector<16xi1>, vector<16xi32>
      %mul3A_179 = arith.constant 32 : i32
      %mul3A_180 = arith.muli %add3A_140, %mul3A_179 : i32
      %add3A_181 = arith.constant 0 : i32
      %add3A_182 = arith.addi %mul3A_180, %add3A_181 : i32
      %add3A_183 = vector.broadcast %add3A_182 : i32 to vector<16xi32>
      %add3A_184 = arith.addi %add3A_183, %iota3A : vector<16xi32>
      %add3A_185 = arith.constant 0 : i32
      %add3A_186 = vector.broadcast %add3A_185 : i32 to vector<16xi32>
      %add3A_187 = arith.addi %select_n3A_172, %add3A_186 : vector<16xi32>
      %gather3A_188 = tpu.vector_load_idx %arg7[%add3A_187] : memref<1536xf32, #tpu.memory_space<vmem>>[vector<16xi32>], vector<16xf32>,
      %add3A_189 = arith.constant 0 : i32
      %add3A_190 = vector.broadcast %add3A_189 : i32 to vector<16xi32>
      %add3A_191 = arith.addi %mul3A_23, %add3A_190 : vector<16xi32>
      tpu.vector_store_idx %arg9[%add3A_184, %add3A_191], %gather3A_188 : memref<512x4xf32, #tpu.memory_space<vmem>>[vector<16xi32>, vector<16xi32>], vector<16xf32>,
      %add3A_192 = arith.constant 512 : i32
      %add3A_193 = vector.broadcast %add3A_192 : i32 to vector<16xi32>
      %add3A_194 = arith.addi %select_n3A_172, %add3A_193 : vector<16xi32>
      %gather3A_195 = tpu.vector_load_idx %arg7[%add3A_194] : memref<1536xf32, #tpu.memory_space<vmem>>[vector<16xi32>], vector<16xf32>,
      %add3A_196 = arith.constant 1 : i32
      %add3A_197 = vector.broadcast %add3A_196 : i32 to vector<16xi32>
      %add3A_198 = arith.addi %mul3A_23, %add3A_197 : vector<16xi32>
      tpu.vector_store_idx %arg9[%add3A_184, %add3A_198], %gather3A_195 : memref<512x4xf32, #tpu.memory_space<vmem>>[vector<16xi32>, vector<16xi32>], vector<16xf32>,
      %add3A_199 = arith.constant 1024 : i32
      %add3A_200 = vector.broadcast %add3A_199 : i32 to vector<16xi32>
      %add3A_201 = arith.addi %select_n3A_172, %add3A_200 : vector<16xi32>
      %gather3A_202 = tpu.vector_load_idx %arg7[%add3A_201] : memref<1536xf32, #tpu.memory_space<vmem>>[vector<16xi32>], vector<16xf32>,
      %add3A_203 = arith.constant 2 : i32
      %add3A_204 = vector.broadcast %add3A_203 : i32 to vector<16xi32>
      %add3A_205 = arith.addi %mul3A_23, %add3A_204 : vector<16xi32>
      tpu.vector_store_idx %arg9[%add3A_184, %add3A_205], %gather3A_202 : memref<512x4xf32, #tpu.memory_space<vmem>>[vector<16xi32>, vector<16xi32>], vector<16xf32>,
      %mul3A_206 = arith.constant 512 : i32
      %mul3A_207 = arith.muli %select_n3A, %mul3A_206 : i32
      %add3A_208 = vector.broadcast %mul3A_207 : i32 to vector<16xi32>
      %add3A_209 = arith.addi %select_n3A_172, %add3A_208 : vector<16xi32>
      %swap3A_210 = arith.constant 0 : index
      %swap3A_211 = tpu.vector_load %arg12[%swap3A_210] {strides = array<i32>} : memref<32xi32, #tpu.memory_space<vmem>>, vector<16xi32>,
      tpu.vector_store %arg12[%swap3A_210], %add3A_209 {strides = array<i32>} : memref<32xi32, #tpu.memory_space<vmem>>, vector<16xi32>,
      %mul3A_212 = arith.constant 32 : i32
      %mul3A_213 = arith.muli %add3A_140, %mul3A_212 : i32
      %add3A_214 = arith.constant 16 : i32
      %add3A_215 = arith.addi %mul3A_213, %add3A_214 : i32
      %add3A_216 = vector.broadcast %add3A_215 : i32 to vector<16xi32>
      %add3A_217 = arith.addi %add3A_216, %iota3A : vector<16xi32>
      %add3A_218 = arith.constant 0 : i32
      %add3A_219 = vector.broadcast %add3A_218 : i32 to vector<16xi32>
      %add3A_220 = arith.addi %select_n3A_178, %add3A_219 : vector<16xi32>
      %gather3A_221 = tpu.vector_load_idx %arg7[%add3A_220] : memref<1536xf32, #tpu.memory_space<vmem>>[vector<16xi32>], vector<16xf32>,
      %add3A_222 = arith.constant 0 : i32
      %add3A_223 = vector.broadcast %add3A_222 : i32 to vector<16xi32>
      %add3A_224 = arith.addi %mul3A_23, %add3A_223 : vector<16xi32>
      tpu.vector_store_idx %arg9[%add3A_217, %add3A_224], %gather3A_221 : memref<512x4xf32, #tpu.memory_space<vmem>>[vector<16xi32>, vector<16xi32>], vector<16xf32>,
      %add3A_225 = arith.constant 512 : i32
      %add3A_226 = vector.broadcast %add3A_225 : i32 to vector<16xi32>
      %add3A_227 = arith.addi %select_n3A_178, %add3A_226 : vector<16xi32>
      %gather3A_228 = tpu.vector_load_idx %arg7[%add3A_227] : memref<1536xf32, #tpu.memory_space<vmem>>[vector<16xi32>], vector<16xf32>,
      %add3A_229 = arith.constant 1 : i32
      %add3A_230 = vector.broadcast %add3A_229 : i32 to vector<16xi32>
      %add3A_231 = arith.addi %mul3A_23, %add3A_230 : vector<16xi32>
      tpu.vector_store_idx %arg9[%add3A_217, %add3A_231], %gather3A_228 : memref<512x4xf32, #tpu.memory_space<vmem>>[vector<16xi32>, vector<16xi32>], vector<16xf32>,
      %add3A_232 = arith.constant 1024 : i32
      %add3A_233 = vector.broadcast %add3A_232 : i32 to vector<16xi32>
      %add3A_234 = arith.addi %select_n3A_178, %add3A_233 : vector<16xi32>
      %gather3A_235 = tpu.vector_load_idx %arg7[%add3A_234] : memref<1536xf32, #tpu.memory_space<vmem>>[vector<16xi32>], vector<16xf32>,
      %add3A_236 = arith.constant 2 : i32
      %add3A_237 = vector.broadcast %add3A_236 : i32 to vector<16xi32>
      %add3A_238 = arith.addi %mul3A_23, %add3A_237 : vector<16xi32>
      tpu.vector_store_idx %arg9[%add3A_217, %add3A_238], %gather3A_235 : memref<512x4xf32, #tpu.memory_space<vmem>>[vector<16xi32>, vector<16xi32>], vector<16xf32>,
      %mul3A_239 = arith.constant 512 : i32
      %mul3A_240 = arith.muli %select_n3A, %mul3A_239 : i32
      %add3A_241 = vector.broadcast %mul3A_240 : i32 to vector<16xi32>
      %add3A_242 = arith.addi %select_n3A_178, %add3A_241 : vector<16xi32>
      %swap3A_243 = arith.constant 16 : index
      %swap3A_244 = tpu.vector_load %arg12[%swap3A_243] {strides = array<i32>} : memref<32xi32, #tpu.memory_space<vmem>>, vector<16xi32>,
      tpu.vector_store %arg12[%swap3A_243], %add3A_242 {strides = array<i32>} : memref<32xi32, #tpu.memory_space<vmem>>, vector<16xi32>,
      %dma_start3A_245 = arith.constant 0 : i32
      %dma_start3A_246 = arith.constant 0 : i32
      %dma_start3A_247 = tpu.memref_slice %arg4[%dma_start3A_245, %dma_start3A_246] : memref<2048x256xf32, #tpu.memory_space<hbm>> -> memref<2048x256xf32, #tpu.memory_space<hbm>>
      tpu.enqueue_indirect_dma source(%dma_start3A_247 : memref<2048x256xf32, #tpu.memory_space<hbm>>) target(%arg14 : memref<32x256xf32, #tpu.memory_space<vmem>>) offsets(%arg12 : memref<32xi32, #tpu.memory_space<vmem>>) semaphore(%arg16 : memref<!tpu.dma_semaphore, #tpu.memory_space<semaphore_mem>>)
      %dma_wait3A = arith.constant 0 : i32
      %dma_wait3A_248 = arith.constant 0 : i32
      %dma_wait3A_249 = tpu.memref_slice %arg4[%dma_wait3A, %dma_wait3A_248] : memref<2048x256xf32, #tpu.memory_space<hbm>> -> memref<2048x256xf32, #tpu.memory_space<hbm>>
      tpu.wait_indirect_dma semaphore(%arg15 : memref<!tpu.dma_semaphore, #tpu.memory_space<semaphore_mem>>) src(%dma_wait3A_249 : memref<2048x256xf32, #tpu.memory_space<hbm>>) dst(%arg13 : memref<32x256xf32, #tpu.memory_space<vmem>>)
      %mul3A_250 = arith.constant 2 : i32
      %mul3A_251 = arith.muli %mul3A_250, %scan3A_32 : i32
      %add3A_252 = arith.addi %mul3A_18, %mul3A_251 : i32
      %mul3A_253 = arith.constant 32 : i32
      %mul3A_254 = arith.muli %add3A_252, %mul3A_253 : i32
      "tpu.region"() ({
        %run_scoped3A = tpu.sem_alloc : memref<!tpu.dma_semaphore, #tpu.memory_space<semaphore_mem>>
        %dma_start3A_266 = arith.constant 0 : i32
        %dma_start3A_267 = tpu.memref_slice %arg6[%mul3A_254, %dma_start3A_266] : memref<16384x256xf32, #tpu.memory_space<hbm>> -> memref<32x256xf32, #tpu.memory_space<hbm>>
        %dma_start3A_268 = arith.constant 0 : i32
        %dma_start3A_269 = tpu.memref_slice %arg6[%mul3A_254, %dma_start3A_268] : memref<16384x256xf32, #tpu.memory_space<hbm>> -> memref<32x256xf32, #tpu.memory_space<hbm>>
        tpu.enqueue_dma source(%arg13 : memref<32x256xf32, #tpu.memory_space<vmem>>) target(%dma_start3A_269 : memref<32x256xf32, #tpu.memory_space<hbm>>) target_semaphore(%run_scoped3A : memref<!tpu.dma_semaphore, #tpu.memory_space<semaphore_mem>>)
        %dma_wait3A_270 = arith.constant 0 : i32
        %dma_wait3A_271 = tpu.memref_slice %arg6[%mul3A_254, %dma_wait3A_270] : memref<16384x256xf32, #tpu.memory_space<hbm>> -> memref<32x256xf32, #tpu.memory_space<hbm>>
        %dma_wait3A_272 = arith.constant 0 : i32
        %dma_wait3A_273 = tpu.memref_slice %arg6[%mul3A_254, %dma_wait3A_272] : memref<16384x256xf32, #tpu.memory_space<hbm>> -> memref<32x256xf32, #tpu.memory_space<hbm>>
        tpu.wait_dma2 semaphore(%run_scoped3A : memref<!tpu.dma_semaphore, #tpu.memory_space<semaphore_mem>>) src(%arg13 : memref<32x256xf32, #tpu.memory_space<vmem>>) dst(%dma_wait3A_273 : memref<32x256xf32, #tpu.memory_space<hbm>>)
        tpu.yield
      }) : () -> ()
      %dma_wait3A_255 = arith.constant 0 : i32
      %dma_wait3A_256 = arith.constant 0 : i32
      %dma_wait3A_257 = tpu.memref_slice %arg4[%dma_wait3A_255, %dma_wait3A_256] : memref<2048x256xf32, #tpu.memory_space<hbm>> -> memref<2048x256xf32, #tpu.memory_space<hbm>>
      tpu.wait_indirect_dma semaphore(%arg16 : memref<!tpu.dma_semaphore, #tpu.memory_space<semaphore_mem>>) src(%dma_wait3A_257 : memref<2048x256xf32, #tpu.memory_space<hbm>>) dst(%arg14 : memref<32x256xf32, #tpu.memory_space<vmem>>)
      %mul3A_258 = arith.constant 2 : i32
      %mul3A_259 = arith.muli %mul3A_258, %scan3A_32 : i32
      %add3A_260 = arith.addi %mul3A_18, %mul3A_259 : i32
      %add3A_261 = arith.constant 1 : i32
      %add3A_262 = arith.addi %add3A_260, %add3A_261 : i32
      %mul3A_263 = arith.constant 32 : i32
      %mul3A_264 = arith.muli %add3A_262, %mul3A_263 : i32
      "tpu.region"() ({
        %run_scoped3A = tpu.sem_alloc : memref<!tpu.dma_semaphore, #tpu.memory_space<semaphore_mem>>
        %dma_start3A_266 = arith.constant 0 : i32
        %dma_start3A_267 = tpu.memref_slice %arg6[%mul3A_264, %dma_start3A_266] : memref<16384x256xf32, #tpu.memory_space<hbm>> -> memref<32x256xf32, #tpu.memory_space<hbm>>
        %dma_start3A_268 = arith.constant 0 : i32
        %dma_start3A_269 = tpu.memref_slice %arg6[%mul3A_264, %dma_start3A_268] : memref<16384x256xf32, #tpu.memory_space<hbm>> -> memref<32x256xf32, #tpu.memory_space<hbm>>
        tpu.enqueue_dma source(%arg14 : memref<32x256xf32, #tpu.memory_space<vmem>>) target(%dma_start3A_269 : memref<32x256xf32, #tpu.memory_space<hbm>>) target_semaphore(%run_scoped3A : memref<!tpu.dma_semaphore, #tpu.memory_space<semaphore_mem>>)
        %dma_wait3A_270 = arith.constant 0 : i32
        %dma_wait3A_271 = tpu.memref_slice %arg6[%mul3A_264, %dma_wait3A_270] : memref<16384x256xf32, #tpu.memory_space<hbm>> -> memref<32x256xf32, #tpu.memory_space<hbm>>
        %dma_wait3A_272 = arith.constant 0 : i32
        %dma_wait3A_273 = tpu.memref_slice %arg6[%mul3A_264, %dma_wait3A_272] : memref<16384x256xf32, #tpu.memory_space<hbm>> -> memref<32x256xf32, #tpu.memory_space<hbm>>
        tpu.wait_dma2 semaphore(%run_scoped3A : memref<!tpu.dma_semaphore, #tpu.memory_space<semaphore_mem>>) src(%arg14 : memref<32x256xf32, #tpu.memory_space<vmem>>) dst(%dma_wait3A_273 : memref<32x256xf32, #tpu.memory_space<hbm>>)
        tpu.yield
      }) : () -> ()
      %scan3A_265 = arith.constant 0 : i32
      scf.yield %scan3A_265 : i32
    }
    %scan3A_29 = arith.constant 8 : i32
    %mul3A_30 = arith.constant 32 : i32
    %mul3A_31 = arith.muli %mul3A_18, %mul3A_30 : i32
    "tpu.region"() ({
      %run_scoped3A = tpu.sem_alloc : memref<!tpu.dma_semaphore, #tpu.memory_space<semaphore_mem>>
      %dma_start3A = arith.constant 0 : i32
      %dma_start3A_32 = tpu.memref_slice %arg5[%mul3A_31, %dma_start3A] : memref<16384x4xf32, #tpu.memory_space<hbm>> -> memref<512x4xf32, #tpu.memory_space<hbm>>
      %dma_start3A_33 = arith.constant 0 : i32
      %dma_start3A_34 = tpu.memref_slice %arg5[%mul3A_31, %dma_start3A_33] : memref<16384x4xf32, #tpu.memory_space<hbm>> -> memref<512x4xf32, #tpu.memory_space<hbm>>
      tpu.enqueue_dma source(%arg9 : memref<512x4xf32, #tpu.memory_space<vmem>>) target(%dma_start3A_34 : memref<512x4xf32, #tpu.memory_space<hbm>>) target_semaphore(%run_scoped3A : memref<!tpu.dma_semaphore, #tpu.memory_space<semaphore_mem>>)
      %dma_wait3A = arith.constant 0 : i32
      %dma_wait3A_35 = tpu.memref_slice %arg5[%mul3A_31, %dma_wait3A] : memref<16384x4xf32, #tpu.memory_space<hbm>> -> memref<512x4xf32, #tpu.memory_space<hbm>>
      %dma_wait3A_36 = arith.constant 0 : i32
      %dma_wait3A_37 = tpu.memref_slice %arg5[%mul3A_31, %dma_wait3A_36] : memref<16384x4xf32, #tpu.memory_space<hbm>> -> memref<512x4xf32, #tpu.memory_space<hbm>>
      tpu.wait_dma2 semaphore(%run_scoped3A : memref<!tpu.dma_semaphore, #tpu.memory_space<semaphore_mem>>) src(%arg9 : memref<512x4xf32, #tpu.memory_space<vmem>>) dst(%dma_wait3A_37 : memref<512x4xf32, #tpu.memory_space<hbm>>)
      tpu.yield
    }) : () -> ()
    return
  }
}

#map = affine_map<(d0, d1) -> (0, 0)>
#map1 = affine_map<(d0, d1) -> (0)>
module attributes {stable_mosaic.version = 14 : i64} {
  func.func @entry0(%arg0: i32, %arg1: i32, %arg2: memref<4x24576xf32, #tpu.memory_space<hbm>>, %arg3: memref<24576xf32, #tpu.memory_space<hbm>>, %arg4: memref<262144x4xf32, #tpu.memory_space<hbm>>, %arg5: memref<24576xf32, #tpu.memory_space<vmem>>, %arg6: memref<768xf32, #tpu.memory_space<vmem>>, %arg7: memref<8192x4xf32, #tpu.memory_space<vmem>>, %arg8: memref<128xi32, #tpu.memory_space<vmem>>, %arg9: memref<32xi32, #tpu.memory_space<vmem>>, %arg10: memref<32xi32, #tpu.memory_space<vmem>>, %arg11: memref<32x4xf32, #tpu.memory_space<vmem>>, %arg12: memref<32x4xf32, #tpu.memory_space<vmem>>, %arg13: memref<!tpu.dma_semaphore, #tpu.memory_space<semaphore_mem>>, %arg14: memref<!tpu.dma_semaphore, #tpu.memory_space<semaphore_mem>>) attributes {dimension_semantics = [#tpu.dimension_semantics<core_parallel>, #tpu.dimension_semantics<subcore_parallel>], iteration_bounds = array<i64: 2, 16>, scalar_prefetch = 0 : i64, scratch_operands = 10 : i64, tpu.core_type = #tpu.core_type<sc_vector_subcore>, window_params = [{transform_indices = #map}, {transform_indices = #map1}, {transform_indices = #map}]} {
    %mul3A = arith.constant 2 : i32
    %mul3A_0 = arith.muli %arg1, %mul3A : i32
    %add3A = arith.addi %mul3A_0, %arg0 : i32
    %jit3A = arith.constant 8 : i32
    %div3A = arith.divsi %add3A, %jit3A : i32
    %sign3A = arith.constant 0 : i32
    %sign3A_1 = arith.cmpi sgt, %add3A, %sign3A : i32
    %sign3A_2 = arith.extui %sign3A_1 : i1 to i32
    %sign3A_3 = arith.constant 0 : i32
    %sign3A_4 = arith.cmpi slt, %add3A, %sign3A_3 : i32
    %sign3A_5 = arith.extui %sign3A_4 : i1 to i32
    %sign3A_6 = arith.subi %sign3A_2, %sign3A_5 : i32
    %sign3A_7 = arith.constant 0 : i32
    %sign3A_8 = arith.cmpi sgt, %jit3A, %sign3A_7 : i32
    %sign3A_9 = arith.extui %sign3A_8 : i1 to i32
    %sign3A_10 = arith.constant 0 : i32
    %sign3A_11 = arith.cmpi slt, %jit3A, %sign3A_10 : i32
    %sign3A_12 = arith.extui %sign3A_11 : i1 to i32
    %sign3A_13 = arith.subi %sign3A_9, %sign3A_12 : i32
    %ne3A = arith.cmpi ne, %sign3A_6, %sign3A_13 : i32
    %rem3A = arith.remsi %add3A, %jit3A : i32
    %ne3A_14 = arith.constant 0 : i32
    %ne3A_15 = arith.cmpi ne, %rem3A, %ne3A_14 : i32
    %and3A = arith.andi %ne3A, %ne3A_15 : i1
    %sub3A = arith.constant 1 : i32
    %sub3A_16 = arith.subi %div3A, %sub3A : i32
    %select_n3A = arith.select %and3A, %sub3A_16, %div3A : i32
    %mul3A_17 = arith.constant 256 : i32
    %mul3A_18 = arith.muli %add3A, %mul3A_17 : i32
    "tpu.region"() ({
      %run_scoped3A = tpu.sem_alloc : memref<!tpu.dma_semaphore, #tpu.memory_space<semaphore_mem>>
      %dma_start3A = arith.constant 0 : i32
      %dma_start3A_32 = tpu.memref_slice %arg2[%select_n3A, %dma_start3A] : memref<4x24576xf32, #tpu.memory_space<hbm>> -> memref<1x24576xf32, #tpu.memory_space<hbm>>
      %dma_start3A_33 = tpu.memref_squeeze %dma_start3A_32 : memref<1x24576xf32, #tpu.memory_space<hbm>> -> memref<24576xf32, #tpu.memory_space<hbm>>
      %dma_start3A_34 = arith.constant 0 : i32
      %dma_start3A_35 = tpu.memref_slice %arg2[%select_n3A, %dma_start3A_34] : memref<4x24576xf32, #tpu.memory_space<hbm>> -> memref<1x24576xf32, #tpu.memory_space<hbm>>
      %dma_start3A_36 = tpu.memref_squeeze %dma_start3A_35 : memref<1x24576xf32, #tpu.memory_space<hbm>> -> memref<24576xf32, #tpu.memory_space<hbm>>
      tpu.enqueue_dma source(%dma_start3A_36 : memref<24576xf32, #tpu.memory_space<hbm>>) target(%arg5 : memref<24576xf32, #tpu.memory_space<vmem>>) target_semaphore(%run_scoped3A : memref<!tpu.dma_semaphore, #tpu.memory_space<semaphore_mem>>)
      %dma_wait3A = arith.constant 0 : i32
      %dma_wait3A_37 = tpu.memref_slice %arg2[%select_n3A, %dma_wait3A] : memref<4x24576xf32, #tpu.memory_space<hbm>> -> memref<1x24576xf32, #tpu.memory_space<hbm>>
      %dma_wait3A_38 = tpu.memref_squeeze %dma_wait3A_37 : memref<1x24576xf32, #tpu.memory_space<hbm>> -> memref<24576xf32, #tpu.memory_space<hbm>>
      %dma_wait3A_39 = arith.constant 0 : i32
      %dma_wait3A_40 = tpu.memref_slice %arg2[%select_n3A, %dma_wait3A_39] : memref<4x24576xf32, #tpu.memory_space<hbm>> -> memref<1x24576xf32, #tpu.memory_space<hbm>>
      %dma_wait3A_41 = tpu.memref_squeeze %dma_wait3A_40 : memref<1x24576xf32, #tpu.memory_space<hbm>> -> memref<24576xf32, #tpu.memory_space<hbm>>
      tpu.wait_dma2 semaphore(%run_scoped3A : memref<!tpu.dma_semaphore, #tpu.memory_space<semaphore_mem>>) src(%dma_wait3A_41 : memref<24576xf32, #tpu.memory_space<hbm>>) dst(%arg5 : memref<24576xf32, #tpu.memory_space<vmem>>)
      tpu.yield
    }) : () -> ()
    %mul3A_19 = arith.constant 3 : i32
    %mul3A_20 = arith.muli %mul3A_18, %mul3A_19 : i32
    "tpu.region"() ({
      %run_scoped3A = tpu.sem_alloc : memref<!tpu.dma_semaphore, #tpu.memory_space<semaphore_mem>>
      %dma_start3A = tpu.memref_slice %arg3[%mul3A_20] : memref<24576xf32, #tpu.memory_space<hbm>> -> memref<768xf32, #tpu.memory_space<hbm>>
      %dma_start3A_32 = tpu.memref_slice %arg3[%mul3A_20] : memref<24576xf32, #tpu.memory_space<hbm>> -> memref<768xf32, #tpu.memory_space<hbm>>
      tpu.enqueue_dma source(%dma_start3A_32 : memref<768xf32, #tpu.memory_space<hbm>>) target(%arg6 : memref<768xf32, #tpu.memory_space<vmem>>) target_semaphore(%run_scoped3A : memref<!tpu.dma_semaphore, #tpu.memory_space<semaphore_mem>>)
      %dma_wait3A = tpu.memref_slice %arg3[%mul3A_20] : memref<24576xf32, #tpu.memory_space<hbm>> -> memref<768xf32, #tpu.memory_space<hbm>>
      %dma_wait3A_33 = tpu.memref_slice %arg3[%mul3A_20] : memref<24576xf32, #tpu.memory_space<hbm>> -> memref<768xf32, #tpu.memory_space<hbm>>
      tpu.wait_dma2 semaphore(%run_scoped3A : memref<!tpu.dma_semaphore, #tpu.memory_space<semaphore_mem>>) src(%dma_wait3A_33 : memref<768xf32, #tpu.memory_space<hbm>>) dst(%arg6 : memref<768xf32, #tpu.memory_space<vmem>>)
      tpu.yield
    }) : () -> ()
    %iota3A = tpu.iota {dimensions = array<i32: 0>} : vector<16xi32>
    %mul3A_21 = arith.constant 0 : i32
    %mul3A_22 = vector.broadcast %mul3A_21 : i32 to vector<16xi32>
    %mul3A_23 = arith.muli %iota3A, %mul3A_22 : vector<16xi32>
    %scan3A = arith.constant 0 : i32
    %scan3A_24 = arith.constant 0 : i32
    %scan3A_25 = arith.constant 256 : i32
    %scan3A_26 = arith.addi %scan3A_24, %scan3A_25 : i32
    %scan3A_27 = arith.constant 1 : i32
    %scan3A_28 = scf.for %scan3A_32 = %scan3A_24 to %scan3A_26 step %scan3A_27 iter_args(%scan3A_33 = %scan3A) -> (i32)  : i32 {
      %swap3A = arith.constant 0 : index
      %swap3A_34 = tpu.vector_load %arg8[%swap3A] {strides = array<i32>} : memref<128xi32, #tpu.memory_space<vmem>>, vector<16xi32>,
      tpu.vector_store %arg8[%swap3A], %mul3A_23 {strides = array<i32>} : memref<128xi32, #tpu.memory_space<vmem>>, vector<16xi32>,
      %mul3A_35 = arith.constant 3 : i32
      %mul3A_36 = arith.muli %scan3A_32, %mul3A_35 : i32
      %add3A_37 = vector.broadcast %mul3A_36 : i32 to vector<16xi32>
      %add3A_38 = arith.addi %mul3A_23, %add3A_37 : vector<16xi32>
      %gather3A = tpu.vector_load_idx %arg6[%add3A_38] : memref<768xf32, #tpu.memory_space<vmem>>[vector<16xi32>], vector<16xf32>,
      %mul3A_39 = arith.constant 3 : i32
      %mul3A_40 = arith.muli %scan3A_32, %mul3A_39 : i32
      %add3A_41 = arith.constant 1 : i32
      %add3A_42 = arith.addi %mul3A_40, %add3A_41 : i32
      %add3A_43 = vector.broadcast %add3A_42 : i32 to vector<16xi32>
      %add3A_44 = arith.addi %mul3A_23, %add3A_43 : vector<16xi32>
      %gather3A_45 = tpu.vector_load_idx %arg6[%add3A_44] : memref<768xf32, #tpu.memory_space<vmem>>[vector<16xi32>], vector<16xf32>,
      %mul3A_46 = arith.constant 3 : i32
      %mul3A_47 = arith.muli %scan3A_32, %mul3A_46 : i32
      %add3A_48 = arith.constant 2 : i32
      %add3A_49 = arith.addi %mul3A_47, %add3A_48 : i32
      %add3A_50 = vector.broadcast %add3A_49 : i32 to vector<16xi32>
      %add3A_51 = arith.addi %mul3A_23, %add3A_50 : vector<16xi32>
      %gather3A_52 = tpu.vector_load_idx %arg6[%add3A_51] : memref<768xf32, #tpu.memory_space<vmem>>[vector<16xi32>], vector<16xf32>,
      %while3A = arith.constant 0 : i32
      %while3A_53 = arith.constant 0 : i32
      %while3A_54:2 = scf.while (%while3A_122 = %while3A, %while3A_123 = %while3A_53) : (i32, i32) -> (i32, i32) {
        %lt3A_124 = arith.constant 128 : i32
        %lt3A_125 = arith.cmpi slt, %while3A_122, %lt3A_124 : i32
        %lt3A_126 = arith.constant 32 : i32
        %lt3A_127 = arith.cmpi slt, %while3A_123, %lt3A_126 : i32
        %and3A_128 = arith.andi %lt3A_125, %lt3A_127 : i1
        scf.condition(%and3A_128) %while3A_122, %while3A_123 : i32, i32
      } do {
      ^bb0(%while3A_122: i32, %while3A_123: i32):
        %mul3A_124 = arith.constant 64 : i32
        %mul3A_125 = arith.muli %while3A_122, %mul3A_124 : i32
        %add3A_126 = arith.constant 0 : i32
        %add3A_127 = arith.addi %mul3A_125, %add3A_126 : i32
        %get3A_128 = arith.index_cast %add3A_127 : i32 to index
        %get3A_129 = tpu.vector_load %arg5[%get3A_128] {strides = array<i32>} : memref<24576xf32, #tpu.memory_space<vmem>>, vector<16xf32>,
        %add3A_130 = arith.constant 8192 : i32
        %add3A_131 = arith.addi %add3A_130, %add3A_127 : i32
        %get3A_132 = arith.index_cast %add3A_131 : i32 to index
        %get3A_133 = tpu.vector_load %arg5[%get3A_132] {strides = array<i32>} : memref<24576xf32, #tpu.memory_space<vmem>>, vector<16xf32>,
        %add3A_134 = arith.constant 16384 : i32
        %add3A_135 = arith.addi %add3A_134, %add3A_127 : i32
        %get3A_136 = arith.index_cast %add3A_135 : i32 to index
        %get3A_137 = tpu.vector_load %arg5[%get3A_136] {strides = array<i32>} : memref<24576xf32, #tpu.memory_space<vmem>>, vector<16xf32>,
        %sub3A_138 = arith.subf %get3A_129, %gather3A : vector<16xf32>
        %sub3A_139 = arith.subf %get3A_133, %gather3A_45 : vector<16xf32>
        %sub3A_140 = arith.subf %get3A_137, %gather3A_52 : vector<16xf32>
        %mul3A_141 = arith.mulf %sub3A_138, %sub3A_138 : vector<16xf32>
        %mul3A_142 = arith.mulf %sub3A_139, %sub3A_139 : vector<16xf32>
        %add3A_143 = arith.addf %mul3A_141, %mul3A_142 : vector<16xf32>
        %mul3A_144 = arith.mulf %sub3A_140, %sub3A_140 : vector<16xf32>
        %add3A_145 = arith.addf %add3A_143, %mul3A_144 : vector<16xf32>
        %le3A = arith.constant 4.000000e-02 : f32
        %le3A_146 = vector.broadcast %le3A : f32 to vector<16xf32>
        %le3A_147 = arith.cmpf ole, %add3A_145, %le3A_146 : vector<16xf32>
        %convert_element_type3A = arith.extui %le3A_147 : vector<16xi1> to vector<16xi32>
        %reduce_sum3A = arith.constant true
        %reduce_sum3A_148 = vector.broadcast %reduce_sum3A : i1 to vector<16xi1>
        %reduce_sum3A_149 = tpu.scan <sum>, %convert_element_type3A masked %reduce_sum3A_148 : vector<16xi32>, vector<16xi1> -> vector<16xi32>
        %reduce_sum3A_150 = vector.extract %reduce_sum3A_149[15] : i32 from vector<16xi32>
        %mul3A_151 = arith.constant 64 : i32
        %mul3A_152 = arith.muli %while3A_122, %mul3A_151 : i32
        %add3A_153 = arith.constant 16 : i32
        %add3A_154 = arith.addi %mul3A_152, %add3A_153 : i32
        %get3A_155 = arith.index_cast %add3A_154 : i32 to index
        %get3A_156 = tpu.vector_load %arg5[%get3A_155] {strides = array<i32>} : memref<24576xf32, #tpu.memory_space<vmem>>, vector<16xf32>,
        %add3A_157 = arith.constant 8192 : i32
        %add3A_158 = arith.addi %add3A_157, %add3A_154 : i32
        %get3A_159 = arith.index_cast %add3A_158 : i32 to index
        %get3A_160 = tpu.vector_load %arg5[%get3A_159] {strides = array<i32>} : memref<24576xf32, #tpu.memory_space<vmem>>, vector<16xf32>,
        %add3A_161 = arith.constant 16384 : i32
        %add3A_162 = arith.addi %add3A_161, %add3A_154 : i32
        %get3A_163 = arith.index_cast %add3A_162 : i32 to index
        %get3A_164 = tpu.vector_load %arg5[%get3A_163] {strides = array<i32>} : memref<24576xf32, #tpu.memory_space<vmem>>, vector<16xf32>,
        %sub3A_165 = arith.subf %get3A_156, %gather3A : vector<16xf32>
        %sub3A_166 = arith.subf %get3A_160, %gather3A_45 : vector<16xf32>
        %sub3A_167 = arith.subf %get3A_164, %gather3A_52 : vector<16xf32>
        %mul3A_168 = arith.mulf %sub3A_165, %sub3A_165 : vector<16xf32>
        %mul3A_169 = arith.mulf %sub3A_166, %sub3A_166 : vector<16xf32>
        %add3A_170 = arith.addf %mul3A_168, %mul3A_169 : vector<16xf32>
        %mul3A_171 = arith.mulf %sub3A_167, %sub3A_167 : vector<16xf32>
        %add3A_172 = arith.addf %add3A_170, %mul3A_171 : vector<16xf32>
        %le3A_173 = arith.constant 4.000000e-02 : f32
        %le3A_174 = vector.broadcast %le3A_173 : f32 to vector<16xf32>
        %le3A_175 = arith.cmpf ole, %add3A_172, %le3A_174 : vector<16xf32>
        %convert_element_type3A_176 = arith.extui %le3A_175 : vector<16xi1> to vector<16xi32>
        %reduce_sum3A_177 = arith.constant true
        %reduce_sum3A_178 = vector.broadcast %reduce_sum3A_177 : i1 to vector<16xi1>
        %reduce_sum3A_179 = tpu.scan <sum>, %convert_element_type3A_176 masked %reduce_sum3A_178 : vector<16xi32>, vector<16xi1> -> vector<16xi32>
        %reduce_sum3A_180 = vector.extract %reduce_sum3A_179[15] : i32 from vector<16xi32>
        %mul3A_181 = arith.constant 64 : i32
        %mul3A_182 = arith.muli %while3A_122, %mul3A_181 : i32
        %add3A_183 = arith.constant 32 : i32
        %add3A_184 = arith.addi %mul3A_182, %add3A_183 : i32
        %get3A_185 = arith.index_cast %add3A_184 : i32 to index
        %get3A_186 = tpu.vector_load %arg5[%get3A_185] {strides = array<i32>} : memref<24576xf32, #tpu.memory_space<vmem>>, vector<16xf32>,
        %add3A_187 = arith.constant 8192 : i32
        %add3A_188 = arith.addi %add3A_187, %add3A_184 : i32
        %get3A_189 = arith.index_cast %add3A_188 : i32 to index
        %get3A_190 = tpu.vector_load %arg5[%get3A_189] {strides = array<i32>} : memref<24576xf32, #tpu.memory_space<vmem>>, vector<16xf32>,
        %add3A_191 = arith.constant 16384 : i32
        %add3A_192 = arith.addi %add3A_191, %add3A_184 : i32
        %get3A_193 = arith.index_cast %add3A_192 : i32 to index
        %get3A_194 = tpu.vector_load %arg5[%get3A_193] {strides = array<i32>} : memref<24576xf32, #tpu.memory_space<vmem>>, vector<16xf32>,
        %sub3A_195 = arith.subf %get3A_186, %gather3A : vector<16xf32>
        %sub3A_196 = arith.subf %get3A_190, %gather3A_45 : vector<16xf32>
        %sub3A_197 = arith.subf %get3A_194, %gather3A_52 : vector<16xf32>
        %mul3A_198 = arith.mulf %sub3A_195, %sub3A_195 : vector<16xf32>
        %mul3A_199 = arith.mulf %sub3A_196, %sub3A_196 : vector<16xf32>
        %add3A_200 = arith.addf %mul3A_198, %mul3A_199 : vector<16xf32>
        %mul3A_201 = arith.mulf %sub3A_197, %sub3A_197 : vector<16xf32>
        %add3A_202 = arith.addf %add3A_200, %mul3A_201 : vector<16xf32>
        %le3A_203 = arith.constant 4.000000e-02 : f32
        %le3A_204 = vector.broadcast %le3A_203 : f32 to vector<16xf32>
        %le3A_205 = arith.cmpf ole, %add3A_202, %le3A_204 : vector<16xf32>
        %convert_element_type3A_206 = arith.extui %le3A_205 : vector<16xi1> to vector<16xi32>
        %reduce_sum3A_207 = arith.constant true
        %reduce_sum3A_208 = vector.broadcast %reduce_sum3A_207 : i1 to vector<16xi1>
        %reduce_sum3A_209 = tpu.scan <sum>, %convert_element_type3A_206 masked %reduce_sum3A_208 : vector<16xi32>, vector<16xi1> -> vector<16xi32>
        %reduce_sum3A_210 = vector.extract %reduce_sum3A_209[15] : i32 from vector<16xi32>
        %mul3A_211 = arith.constant 64 : i32
        %mul3A_212 = arith.muli %while3A_122, %mul3A_211 : i32
        %add3A_213 = arith.constant 48 : i32
        %add3A_214 = arith.addi %mul3A_212, %add3A_213 : i32
        %get3A_215 = arith.index_cast %add3A_214 : i32 to index
        %get3A_216 = tpu.vector_load %arg5[%get3A_215] {strides = array<i32>} : memref<24576xf32, #tpu.memory_space<vmem>>, vector<16xf32>,
        %add3A_217 = arith.constant 8192 : i32
        %add3A_218 = arith.addi %add3A_217, %add3A_214 : i32
        %get3A_219 = arith.index_cast %add3A_218 : i32 to index
        %get3A_220 = tpu.vector_load %arg5[%get3A_219] {strides = array<i32>} : memref<24576xf32, #tpu.memory_space<vmem>>, vector<16xf32>,
        %add3A_221 = arith.constant 16384 : i32
        %add3A_222 = arith.addi %add3A_221, %add3A_214 : i32
        %get3A_223 = arith.index_cast %add3A_222 : i32 to index
        %get3A_224 = tpu.vector_load %arg5[%get3A_223] {strides = array<i32>} : memref<24576xf32, #tpu.memory_space<vmem>>, vector<16xf32>,
        %sub3A_225 = arith.subf %get3A_216, %gather3A : vector<16xf32>
        %sub3A_226 = arith.subf %get3A_220, %gather3A_45 : vector<16xf32>
        %sub3A_227 = arith.subf %get3A_224, %gather3A_52 : vector<16xf32>
        %mul3A_228 = arith.mulf %sub3A_225, %sub3A_225 : vector<16xf32>
        %mul3A_229 = arith.mulf %sub3A_226, %sub3A_226 : vector<16xf32>
        %add3A_230 = arith.addf %mul3A_228, %mul3A_229 : vector<16xf32>
        %mul3A_231 = arith.mulf %sub3A_227, %sub3A_227 : vector<16xf32>
        %add3A_232 = arith.addf %add3A_230, %mul3A_231 : vector<16xf32>
        %le3A_233 = arith.constant 4.000000e-02 : f32
        %le3A_234 = vector.broadcast %le3A_233 : f32 to vector<16xf32>
        %le3A_235 = arith.cmpf ole, %add3A_232, %le3A_234 : vector<16xf32>
        %convert_element_type3A_236 = arith.extui %le3A_235 : vector<16xi1> to vector<16xi32>
        %reduce_sum3A_237 = arith.constant true
        %reduce_sum3A_238 = vector.broadcast %reduce_sum3A_237 : i1 to vector<16xi1>
        %reduce_sum3A_239 = tpu.scan <sum>, %convert_element_type3A_236 masked %reduce_sum3A_238 : vector<16xi32>, vector<16xi1> -> vector<16xi32>
        %reduce_sum3A_240 = vector.extract %reduce_sum3A_239[15] : i32 from vector<16xi32>
        %mul3A_241 = arith.constant 64 : i32
        %mul3A_242 = arith.muli %while3A_122, %mul3A_241 : i32
        %add3A_243 = arith.constant 0 : i32
        %add3A_244 = arith.addi %mul3A_242, %add3A_243 : i32
        %add3A_245 = vector.broadcast %add3A_244 : i32 to vector<16xi32>
        %add3A_246 = arith.addi %add3A_245, %iota3A : vector<16xi32>
        %swap3A_247 = arith.index_cast %while3A_123 : i32 to index
        %swap3A_248 = tpu.vector_load %arg8[%swap3A_247] masked %le3A_147 {strides = array<i32>} : memref<128xi32, #tpu.memory_space<vmem>>, vector<16xi32>, vector<16xi1>
        tpu.vector_store %arg8[%swap3A_247], %add3A_246 masked %le3A_147 {strides = array<i32>} : memref<128xi32, #tpu.memory_space<vmem>>, vector<16xi32>, vector<16xi1>
        %add3A_249 = arith.addi %while3A_123, %reduce_sum3A_150 : i32
        %mul3A_250 = arith.constant 64 : i32
        %mul3A_251 = arith.muli %while3A_122, %mul3A_250 : i32
        %add3A_252 = arith.constant 16 : i32
        %add3A_253 = arith.addi %mul3A_251, %add3A_252 : i32
        %add3A_254 = vector.broadcast %add3A_253 : i32 to vector<16xi32>
        %add3A_255 = arith.addi %add3A_254, %iota3A : vector<16xi32>
        %swap3A_256 = arith.index_cast %add3A_249 : i32 to index
        %swap3A_257 = tpu.vector_load %arg8[%swap3A_256] masked %le3A_175 {strides = array<i32>} : memref<128xi32, #tpu.memory_space<vmem>>, vector<16xi32>, vector<16xi1>
        tpu.vector_store %arg8[%swap3A_256], %add3A_255 masked %le3A_175 {strides = array<i32>} : memref<128xi32, #tpu.memory_space<vmem>>, vector<16xi32>, vector<16xi1>
        %add3A_258 = arith.addi %add3A_249, %reduce_sum3A_180 : i32
        %mul3A_259 = arith.constant 64 : i32
        %mul3A_260 = arith.muli %while3A_122, %mul3A_259 : i32
        %add3A_261 = arith.constant 32 : i32
        %add3A_262 = arith.addi %mul3A_260, %add3A_261 : i32
        %add3A_263 = vector.broadcast %add3A_262 : i32 to vector<16xi32>
        %add3A_264 = arith.addi %add3A_263, %iota3A : vector<16xi32>
        %swap3A_265 = arith.index_cast %add3A_258 : i32 to index
        %swap3A_266 = tpu.vector_load %arg8[%swap3A_265] masked %le3A_205 {strides = array<i32>} : memref<128xi32, #tpu.memory_space<vmem>>, vector<16xi32>, vector<16xi1>
        tpu.vector_store %arg8[%swap3A_265], %add3A_264 masked %le3A_205 {strides = array<i32>} : memref<128xi32, #tpu.memory_space<vmem>>, vector<16xi32>, vector<16xi1>
        %add3A_267 = arith.addi %add3A_258, %reduce_sum3A_210 : i32
        %mul3A_268 = arith.constant 64 : i32
        %mul3A_269 = arith.muli %while3A_122, %mul3A_268 : i32
        %add3A_270 = arith.constant 48 : i32
        %add3A_271 = arith.addi %mul3A_269, %add3A_270 : i32
        %add3A_272 = vector.broadcast %add3A_271 : i32 to vector<16xi32>
        %add3A_273 = arith.addi %add3A_272, %iota3A : vector<16xi32>
        %swap3A_274 = arith.index_cast %add3A_267 : i32 to index
        %swap3A_275 = tpu.vector_load %arg8[%swap3A_274] masked %le3A_235 {strides = array<i32>} : memref<128xi32, #tpu.memory_space<vmem>>, vector<16xi32>, vector<16xi1>
        tpu.vector_store %arg8[%swap3A_274], %add3A_273 masked %le3A_235 {strides = array<i32>} : memref<128xi32, #tpu.memory_space<vmem>>, vector<16xi32>, vector<16xi1>
        %add3A_276 = arith.addi %add3A_267, %reduce_sum3A_240 : i32
        %add3A_277 = arith.constant 1 : i32
        %add3A_278 = arith.addi %while3A_122, %add3A_277 : i32
        scf.yield %add3A_278, %add3A_276 : i32, i32
      }
      %get3A = arith.constant 0 : index
      %get3A_55 = tpu.vector_load %arg8[%get3A] {strides = array<i32>} : memref<128xi32, #tpu.memory_space<vmem>>, vector<16xi32>,
      %get3A_56 = arith.constant 16 : index
      %get3A_57 = tpu.vector_load %arg8[%get3A_56] {strides = array<i32>} : memref<128xi32, #tpu.memory_space<vmem>>, vector<16xi32>,
      %gather3A_58 = tpu.vector_load_idx %arg8[%mul3A_23] : memref<128xi32, #tpu.memory_space<vmem>>[vector<16xi32>], vector<16xi32>,
      %lt3A = vector.broadcast %while3A_54#1 : i32 to vector<16xi32>
      %lt3A_59 = arith.cmpi slt, %iota3A, %lt3A : vector<16xi32>
      %select_n3A_60 = arith.select %lt3A_59, %get3A_55, %gather3A_58 : vector<16xi1>, vector<16xi32>
      %add3A_61 = arith.constant 16 : i32
      %add3A_62 = vector.broadcast %add3A_61 : i32 to vector<16xi32>
      %add3A_63 = arith.addi %iota3A, %add3A_62 : vector<16xi32>
      %lt3A_64 = vector.broadcast %while3A_54#1 : i32 to vector<16xi32>
      %lt3A_65 = arith.cmpi slt, %add3A_63, %lt3A_64 : vector<16xi32>
      %select_n3A_66 = arith.select %lt3A_65, %get3A_57, %gather3A_58 : vector<16xi1>, vector<16xi32>
      %mul3A_67 = arith.constant 32 : i32
      %mul3A_68 = arith.muli %scan3A_32, %mul3A_67 : i32
      %add3A_69 = arith.constant 0 : i32
      %add3A_70 = arith.addi %mul3A_68, %add3A_69 : i32
      %add3A_71 = vector.broadcast %add3A_70 : i32 to vector<16xi32>
      %add3A_72 = arith.addi %add3A_71, %iota3A : vector<16xi32>
      %add3A_73 = arith.constant 0 : i32
      %add3A_74 = vector.broadcast %add3A_73 : i32 to vector<16xi32>
      %add3A_75 = arith.addi %select_n3A_60, %add3A_74 : vector<16xi32>
      %gather3A_76 = tpu.vector_load_idx %arg5[%add3A_75] : memref<24576xf32, #tpu.memory_space<vmem>>[vector<16xi32>], vector<16xf32>,
      %add3A_77 = arith.constant 0 : i32
      %add3A_78 = vector.broadcast %add3A_77 : i32 to vector<16xi32>
      %add3A_79 = arith.addi %mul3A_23, %add3A_78 : vector<16xi32>
      tpu.vector_store_idx %arg7[%add3A_72, %add3A_79], %gather3A_76 : memref<8192x4xf32, #tpu.memory_space<vmem>>[vector<16xi32>, vector<16xi32>], vector<16xf32>,
      %add3A_80 = arith.constant 8192 : i32
      %add3A_81 = vector.broadcast %add3A_80 : i32 to vector<16xi32>
      %add3A_82 = arith.addi %select_n3A_60, %add3A_81 : vector<16xi32>
      %gather3A_83 = tpu.vector_load_idx %arg5[%add3A_82] : memref<24576xf32, #tpu.memory_space<vmem>>[vector<16xi32>], vector<16xf32>,
      %add3A_84 = arith.constant 1 : i32
      %add3A_85 = vector.broadcast %add3A_84 : i32 to vector<16xi32>
      %add3A_86 = arith.addi %mul3A_23, %add3A_85 : vector<16xi32>
      tpu.vector_store_idx %arg7[%add3A_72, %add3A_86], %gather3A_83 : memref<8192x4xf32, #tpu.memory_space<vmem>>[vector<16xi32>, vector<16xi32>], vector<16xf32>,
      %add3A_87 = arith.constant 16384 : i32
      %add3A_88 = vector.broadcast %add3A_87 : i32 to vector<16xi32>
      %add3A_89 = arith.addi %select_n3A_60, %add3A_88 : vector<16xi32>
      %gather3A_90 = tpu.vector_load_idx %arg5[%add3A_89] : memref<24576xf32, #tpu.memory_space<vmem>>[vector<16xi32>], vector<16xf32>,
      %add3A_91 = arith.constant 2 : i32
      %add3A_92 = vector.broadcast %add3A_91 : i32 to vector<16xi32>
      %add3A_93 = arith.addi %mul3A_23, %add3A_92 : vector<16xi32>
      tpu.vector_store_idx %arg7[%add3A_72, %add3A_93], %gather3A_90 : memref<8192x4xf32, #tpu.memory_space<vmem>>[vector<16xi32>, vector<16xi32>], vector<16xf32>,
      %mul3A_94 = arith.constant 32 : i32
      %mul3A_95 = arith.muli %scan3A_32, %mul3A_94 : i32
      %add3A_96 = arith.constant 16 : i32
      %add3A_97 = arith.addi %mul3A_95, %add3A_96 : i32
      %add3A_98 = vector.broadcast %add3A_97 : i32 to vector<16xi32>
      %add3A_99 = arith.addi %add3A_98, %iota3A : vector<16xi32>
      %add3A_100 = arith.constant 0 : i32
      %add3A_101 = vector.broadcast %add3A_100 : i32 to vector<16xi32>
      %add3A_102 = arith.addi %select_n3A_66, %add3A_101 : vector<16xi32>
      %gather3A_103 = tpu.vector_load_idx %arg5[%add3A_102] : memref<24576xf32, #tpu.memory_space<vmem>>[vector<16xi32>], vector<16xf32>,
      %add3A_104 = arith.constant 0 : i32
      %add3A_105 = vector.broadcast %add3A_104 : i32 to vector<16xi32>
      %add3A_106 = arith.addi %mul3A_23, %add3A_105 : vector<16xi32>
      tpu.vector_store_idx %arg7[%add3A_99, %add3A_106], %gather3A_103 : memref<8192x4xf32, #tpu.memory_space<vmem>>[vector<16xi32>, vector<16xi32>], vector<16xf32>,
      %add3A_107 = arith.constant 8192 : i32
      %add3A_108 = vector.broadcast %add3A_107 : i32 to vector<16xi32>
      %add3A_109 = arith.addi %select_n3A_66, %add3A_108 : vector<16xi32>
      %gather3A_110 = tpu.vector_load_idx %arg5[%add3A_109] : memref<24576xf32, #tpu.memory_space<vmem>>[vector<16xi32>], vector<16xf32>,
      %add3A_111 = arith.constant 1 : i32
      %add3A_112 = vector.broadcast %add3A_111 : i32 to vector<16xi32>
      %add3A_113 = arith.addi %mul3A_23, %add3A_112 : vector<16xi32>
      tpu.vector_store_idx %arg7[%add3A_99, %add3A_113], %gather3A_110 : memref<8192x4xf32, #tpu.memory_space<vmem>>[vector<16xi32>, vector<16xi32>], vector<16xf32>,
      %add3A_114 = arith.constant 16384 : i32
      %add3A_115 = vector.broadcast %add3A_114 : i32 to vector<16xi32>
      %add3A_116 = arith.addi %select_n3A_66, %add3A_115 : vector<16xi32>
      %gather3A_117 = tpu.vector_load_idx %arg5[%add3A_116] : memref<24576xf32, #tpu.memory_space<vmem>>[vector<16xi32>], vector<16xf32>,
      %add3A_118 = arith.constant 2 : i32
      %add3A_119 = vector.broadcast %add3A_118 : i32 to vector<16xi32>
      %add3A_120 = arith.addi %mul3A_23, %add3A_119 : vector<16xi32>
      tpu.vector_store_idx %arg7[%add3A_99, %add3A_120], %gather3A_117 : memref<8192x4xf32, #tpu.memory_space<vmem>>[vector<16xi32>, vector<16xi32>], vector<16xf32>,
      %scan3A_121 = arith.constant 0 : i32
      scf.yield %scan3A_121 : i32
    }
    %scan3A_29 = arith.constant 256 : i32
    %mul3A_30 = arith.constant 32 : i32
    %mul3A_31 = arith.muli %mul3A_18, %mul3A_30 : i32
    "tpu.region"() ({
      %run_scoped3A = tpu.sem_alloc : memref<!tpu.dma_semaphore, #tpu.memory_space<semaphore_mem>>
      %dma_start3A = arith.constant 0 : i32
      %dma_start3A_32 = tpu.memref_slice %arg4[%mul3A_31, %dma_start3A] : memref<262144x4xf32, #tpu.memory_space<hbm>> -> memref<8192x4xf32, #tpu.memory_space<hbm>>
      %dma_start3A_33 = arith.constant 0 : i32
      %dma_start3A_34 = tpu.memref_slice %arg4[%mul3A_31, %dma_start3A_33] : memref<262144x4xf32, #tpu.memory_space<hbm>> -> memref<8192x4xf32, #tpu.memory_space<hbm>>
      tpu.enqueue_dma source(%arg7 : memref<8192x4xf32, #tpu.memory_space<vmem>>) target(%dma_start3A_34 : memref<8192x4xf32, #tpu.memory_space<hbm>>) target_semaphore(%run_scoped3A : memref<!tpu.dma_semaphore, #tpu.memory_space<semaphore_mem>>)
      %dma_wait3A = arith.constant 0 : i32
      %dma_wait3A_35 = tpu.memref_slice %arg4[%mul3A_31, %dma_wait3A] : memref<262144x4xf32, #tpu.memory_space<hbm>> -> memref<8192x4xf32, #tpu.memory_space<hbm>>
      %dma_wait3A_36 = arith.constant 0 : i32
      %dma_wait3A_37 = tpu.memref_slice %arg4[%mul3A_31, %dma_wait3A_36] : memref<262144x4xf32, #tpu.memory_space<hbm>> -> memref<8192x4xf32, #tpu.memory_space<hbm>>
      tpu.wait_dma2 semaphore(%run_scoped3A : memref<!tpu.dma_semaphore, #tpu.memory_space<semaphore_mem>>) src(%arg7 : memref<8192x4xf32, #tpu.memory_space<vmem>>) dst(%dma_wait3A_37 : memref<8192x4xf32, #tpu.memory_space<hbm>>)
      tpu.yield
    }) : () -> ()
    return
  }
}

#map = affine_map<(d0, d1) -> (0, 0)>
#map1 = affine_map<(d0, d1) -> (0)>
module attributes {stable_mosaic.version = 14 : i64} {
  func.func @entry(%arg0: i32, %arg1: i32, %arg2: memref<4x6144xf32, #tpu.memory_space<hbm>>, %arg3: memref<6144xf32, #tpu.memory_space<hbm>>, %arg4: memref<8192x128xf32, #tpu.memory_space<hbm>>, %arg5: memref<65536x4xf32, #tpu.memory_space<hbm>>, %arg6: memref<65536x128xf32, #tpu.memory_space<hbm>>, %arg7: memref<6144xf32, #tpu.memory_space<vmem>>, %arg8: memref<192xf32, #tpu.memory_space<vmem>>, %arg9: memref<2048x4xf32, #tpu.memory_space<vmem>>, %arg10: memref<128xi32, #tpu.memory_space<vmem>>, %arg11: memref<32xi32, #tpu.memory_space<vmem>>, %arg12: memref<32xi32, #tpu.memory_space<vmem>>, %arg13: memref<32x128xf32, #tpu.memory_space<vmem>>, %arg14: memref<32x128xf32, #tpu.memory_space<vmem>>, %arg15: memref<!tpu.dma_semaphore, #tpu.memory_space<semaphore_mem>>, %arg16: memref<!tpu.dma_semaphore, #tpu.memory_space<semaphore_mem>>) attributes {dimension_semantics = [#tpu.dimension_semantics<core_parallel>, #tpu.dimension_semantics<subcore_parallel>], iteration_bounds = array<i64: 2, 16>, scalar_prefetch = 0 : i64, scratch_operands = 10 : i64, tpu.core_type = #tpu.core_type<sc_vector_subcore>, window_params = [{transform_indices = #map}, {transform_indices = #map1}, {transform_indices = #map}, {transform_indices = #map}, {transform_indices = #map}]} {
    %mul3A = arith.constant 2 : i32
    %mul3A_0 = arith.muli %arg1, %mul3A : i32
    %add3A = arith.addi %mul3A_0, %arg0 : i32
    %jit3A = arith.constant 8 : i32
    %div3A = arith.divsi %add3A, %jit3A : i32
    %sign3A = arith.constant 0 : i32
    %sign3A_1 = arith.cmpi sgt, %add3A, %sign3A : i32
    %sign3A_2 = arith.extui %sign3A_1 : i1 to i32
    %sign3A_3 = arith.constant 0 : i32
    %sign3A_4 = arith.cmpi slt, %add3A, %sign3A_3 : i32
    %sign3A_5 = arith.extui %sign3A_4 : i1 to i32
    %sign3A_6 = arith.subi %sign3A_2, %sign3A_5 : i32
    %sign3A_7 = arith.constant 0 : i32
    %sign3A_8 = arith.cmpi sgt, %jit3A, %sign3A_7 : i32
    %sign3A_9 = arith.extui %sign3A_8 : i1 to i32
    %sign3A_10 = arith.constant 0 : i32
    %sign3A_11 = arith.cmpi slt, %jit3A, %sign3A_10 : i32
    %sign3A_12 = arith.extui %sign3A_11 : i1 to i32
    %sign3A_13 = arith.subi %sign3A_9, %sign3A_12 : i32
    %ne3A = arith.cmpi ne, %sign3A_6, %sign3A_13 : i32
    %rem3A = arith.remsi %add3A, %jit3A : i32
    %ne3A_14 = arith.constant 0 : i32
    %ne3A_15 = arith.cmpi ne, %rem3A, %ne3A_14 : i32
    %and3A = arith.andi %ne3A, %ne3A_15 : i1
    %sub3A = arith.constant 1 : i32
    %sub3A_16 = arith.subi %div3A, %sub3A : i32
    %select_n3A = arith.select %and3A, %sub3A_16, %div3A : i32
    %mul3A_17 = arith.constant 64 : i32
    %mul3A_18 = arith.muli %add3A, %mul3A_17 : i32
    "tpu.region"() ({
      %run_scoped3A = tpu.sem_alloc : memref<!tpu.dma_semaphore, #tpu.memory_space<semaphore_mem>>
      %dma_start3A = arith.constant 0 : i32
      %dma_start3A_32 = tpu.memref_slice %arg2[%select_n3A, %dma_start3A] : memref<4x6144xf32, #tpu.memory_space<hbm>> -> memref<1x6144xf32, #tpu.memory_space<hbm>>
      %dma_start3A_33 = tpu.memref_squeeze %dma_start3A_32 : memref<1x6144xf32, #tpu.memory_space<hbm>> -> memref<6144xf32, #tpu.memory_space<hbm>>
      %dma_start3A_34 = arith.constant 0 : i32
      %dma_start3A_35 = tpu.memref_slice %arg2[%select_n3A, %dma_start3A_34] : memref<4x6144xf32, #tpu.memory_space<hbm>> -> memref<1x6144xf32, #tpu.memory_space<hbm>>
      %dma_start3A_36 = tpu.memref_squeeze %dma_start3A_35 : memref<1x6144xf32, #tpu.memory_space<hbm>> -> memref<6144xf32, #tpu.memory_space<hbm>>
      tpu.enqueue_dma source(%dma_start3A_36 : memref<6144xf32, #tpu.memory_space<hbm>>) target(%arg7 : memref<6144xf32, #tpu.memory_space<vmem>>) target_semaphore(%run_scoped3A : memref<!tpu.dma_semaphore, #tpu.memory_space<semaphore_mem>>)
      %dma_wait3A = arith.constant 0 : i32
      %dma_wait3A_37 = tpu.memref_slice %arg2[%select_n3A, %dma_wait3A] : memref<4x6144xf32, #tpu.memory_space<hbm>> -> memref<1x6144xf32, #tpu.memory_space<hbm>>
      %dma_wait3A_38 = tpu.memref_squeeze %dma_wait3A_37 : memref<1x6144xf32, #tpu.memory_space<hbm>> -> memref<6144xf32, #tpu.memory_space<hbm>>
      %dma_wait3A_39 = arith.constant 0 : i32
      %dma_wait3A_40 = tpu.memref_slice %arg2[%select_n3A, %dma_wait3A_39] : memref<4x6144xf32, #tpu.memory_space<hbm>> -> memref<1x6144xf32, #tpu.memory_space<hbm>>
      %dma_wait3A_41 = tpu.memref_squeeze %dma_wait3A_40 : memref<1x6144xf32, #tpu.memory_space<hbm>> -> memref<6144xf32, #tpu.memory_space<hbm>>
      tpu.wait_dma2 semaphore(%run_scoped3A : memref<!tpu.dma_semaphore, #tpu.memory_space<semaphore_mem>>) src(%dma_wait3A_41 : memref<6144xf32, #tpu.memory_space<hbm>>) dst(%arg7 : memref<6144xf32, #tpu.memory_space<vmem>>)
      tpu.yield
    }) : () -> ()
    %mul3A_19 = arith.constant 3 : i32
    %mul3A_20 = arith.muli %mul3A_18, %mul3A_19 : i32
    "tpu.region"() ({
      %run_scoped3A = tpu.sem_alloc : memref<!tpu.dma_semaphore, #tpu.memory_space<semaphore_mem>>
      %dma_start3A = tpu.memref_slice %arg3[%mul3A_20] : memref<6144xf32, #tpu.memory_space<hbm>> -> memref<192xf32, #tpu.memory_space<hbm>>
      %dma_start3A_32 = tpu.memref_slice %arg3[%mul3A_20] : memref<6144xf32, #tpu.memory_space<hbm>> -> memref<192xf32, #tpu.memory_space<hbm>>
      tpu.enqueue_dma source(%dma_start3A_32 : memref<192xf32, #tpu.memory_space<hbm>>) target(%arg8 : memref<192xf32, #tpu.memory_space<vmem>>) target_semaphore(%run_scoped3A : memref<!tpu.dma_semaphore, #tpu.memory_space<semaphore_mem>>)
      %dma_wait3A = tpu.memref_slice %arg3[%mul3A_20] : memref<6144xf32, #tpu.memory_space<hbm>> -> memref<192xf32, #tpu.memory_space<hbm>>
      %dma_wait3A_33 = tpu.memref_slice %arg3[%mul3A_20] : memref<6144xf32, #tpu.memory_space<hbm>> -> memref<192xf32, #tpu.memory_space<hbm>>
      tpu.wait_dma2 semaphore(%run_scoped3A : memref<!tpu.dma_semaphore, #tpu.memory_space<semaphore_mem>>) src(%dma_wait3A_33 : memref<192xf32, #tpu.memory_space<hbm>>) dst(%arg8 : memref<192xf32, #tpu.memory_space<vmem>>)
      tpu.yield
    }) : () -> ()
    %iota3A = tpu.iota {dimensions = array<i32: 0>} : vector<16xi32>
    %mul3A_21 = arith.constant 0 : i32
    %mul3A_22 = vector.broadcast %mul3A_21 : i32 to vector<16xi32>
    %mul3A_23 = arith.muli %iota3A, %mul3A_22 : vector<16xi32>
    %scan3A = arith.constant 0 : i32
    %scan3A_24 = arith.constant 0 : i32
    %scan3A_25 = arith.constant 32 : i32
    %scan3A_26 = arith.addi %scan3A_24, %scan3A_25 : i32
    %scan3A_27 = arith.constant 1 : i32
    %scan3A_28 = scf.for %scan3A_32 = %scan3A_24 to %scan3A_26 step %scan3A_27 iter_args(%scan3A_33 = %scan3A) -> (i32)  : i32 {
      %mul3A_34 = arith.constant 2 : i32
      %mul3A_35 = arith.muli %mul3A_34, %scan3A_32 : i32
      %swap3A = arith.constant 0 : index
      %swap3A_36 = tpu.vector_load %arg10[%swap3A] {strides = array<i32>} : memref<128xi32, #tpu.memory_space<vmem>>, vector<16xi32>,
      tpu.vector_store %arg10[%swap3A], %mul3A_23 {strides = array<i32>} : memref<128xi32, #tpu.memory_space<vmem>>, vector<16xi32>,
      %mul3A_37 = arith.constant 3 : i32
      %mul3A_38 = arith.muli %mul3A_35, %mul3A_37 : i32
      %add3A_39 = vector.broadcast %mul3A_38 : i32 to vector<16xi32>
      %add3A_40 = arith.addi %mul3A_23, %add3A_39 : vector<16xi32>
      %gather3A = tpu.vector_load_idx %arg8[%add3A_40] : memref<192xf32, #tpu.memory_space<vmem>>[vector<16xi32>], vector<16xf32>,
      %mul3A_41 = arith.constant 3 : i32
      %mul3A_42 = arith.muli %mul3A_35, %mul3A_41 : i32
      %add3A_43 = arith.constant 1 : i32
      %add3A_44 = arith.addi %mul3A_42, %add3A_43 : i32
      %add3A_45 = vector.broadcast %add3A_44 : i32 to vector<16xi32>
      %add3A_46 = arith.addi %mul3A_23, %add3A_45 : vector<16xi32>
      %gather3A_47 = tpu.vector_load_idx %arg8[%add3A_46] : memref<192xf32, #tpu.memory_space<vmem>>[vector<16xi32>], vector<16xf32>,
      %mul3A_48 = arith.constant 3 : i32
      %mul3A_49 = arith.muli %mul3A_35, %mul3A_48 : i32
      %add3A_50 = arith.constant 2 : i32
      %add3A_51 = arith.addi %mul3A_49, %add3A_50 : i32
      %add3A_52 = vector.broadcast %add3A_51 : i32 to vector<16xi32>
      %add3A_53 = arith.addi %mul3A_23, %add3A_52 : vector<16xi32>
      %gather3A_54 = tpu.vector_load_idx %arg8[%add3A_53] : memref<192xf32, #tpu.memory_space<vmem>>[vector<16xi32>], vector<16xf32>,
      %while3A = arith.constant 0 : i32
      %while3A_55 = arith.constant 0 : i32
      %while3A_56:2 = scf.while (%while3A_266 = %while3A, %while3A_267 = %while3A_55) : (i32, i32) -> (i32, i32) {
        %lt3A_268 = arith.constant 32 : i32
        %lt3A_269 = arith.cmpi slt, %while3A_266, %lt3A_268 : i32
        %lt3A_270 = arith.constant 32 : i32
        %lt3A_271 = arith.cmpi slt, %while3A_267, %lt3A_270 : i32
        %and3A_272 = arith.andi %lt3A_269, %lt3A_271 : i1
        scf.condition(%and3A_272) %while3A_266, %while3A_267 : i32, i32
      } do {
      ^bb0(%while3A_266: i32, %while3A_267: i32):
        %mul3A_268 = arith.constant 64 : i32
        %mul3A_269 = arith.muli %while3A_266, %mul3A_268 : i32
        %add3A_270 = arith.constant 0 : i32
        %add3A_271 = arith.addi %mul3A_269, %add3A_270 : i32
        %get3A_272 = arith.index_cast %add3A_271 : i32 to index
        %get3A_273 = tpu.vector_load %arg7[%get3A_272] {strides = array<i32>} : memref<6144xf32, #tpu.memory_space<vmem>>, vector<16xf32>,
        %add3A_274 = arith.constant 2048 : i32
        %add3A_275 = arith.addi %add3A_274, %add3A_271 : i32
        %get3A_276 = arith.index_cast %add3A_275 : i32 to index
        %get3A_277 = tpu.vector_load %arg7[%get3A_276] {strides = array<i32>} : memref<6144xf32, #tpu.memory_space<vmem>>, vector<16xf32>,
        %add3A_278 = arith.constant 4096 : i32
        %add3A_279 = arith.addi %add3A_278, %add3A_271 : i32
        %get3A_280 = arith.index_cast %add3A_279 : i32 to index
        %get3A_281 = tpu.vector_load %arg7[%get3A_280] {strides = array<i32>} : memref<6144xf32, #tpu.memory_space<vmem>>, vector<16xf32>,
        %sub3A_282 = arith.subf %get3A_273, %gather3A : vector<16xf32>
        %sub3A_283 = arith.subf %get3A_277, %gather3A_47 : vector<16xf32>
        %sub3A_284 = arith.subf %get3A_281, %gather3A_54 : vector<16xf32>
        %mul3A_285 = arith.mulf %sub3A_282, %sub3A_282 : vector<16xf32>
        %mul3A_286 = arith.mulf %sub3A_283, %sub3A_283 : vector<16xf32>
        %add3A_287 = arith.addf %mul3A_285, %mul3A_286 : vector<16xf32>
        %mul3A_288 = arith.mulf %sub3A_284, %sub3A_284 : vector<16xf32>
        %add3A_289 = arith.addf %add3A_287, %mul3A_288 : vector<16xf32>
        %le3A = arith.constant 1.600000e-01 : f32
        %le3A_290 = vector.broadcast %le3A : f32 to vector<16xf32>
        %le3A_291 = arith.cmpf ole, %add3A_289, %le3A_290 : vector<16xf32>
        %convert_element_type3A = arith.extui %le3A_291 : vector<16xi1> to vector<16xi32>
        %reduce_sum3A = arith.constant true
        %reduce_sum3A_292 = vector.broadcast %reduce_sum3A : i1 to vector<16xi1>
        %reduce_sum3A_293 = tpu.scan <sum>, %convert_element_type3A masked %reduce_sum3A_292 : vector<16xi32>, vector<16xi1> -> vector<16xi32>
        %reduce_sum3A_294 = vector.extract %reduce_sum3A_293[15] : i32 from vector<16xi32>
        %mul3A_295 = arith.constant 64 : i32
        %mul3A_296 = arith.muli %while3A_266, %mul3A_295 : i32
        %add3A_297 = arith.constant 16 : i32
        %add3A_298 = arith.addi %mul3A_296, %add3A_297 : i32
        %get3A_299 = arith.index_cast %add3A_298 : i32 to index
        %get3A_300 = tpu.vector_load %arg7[%get3A_299] {strides = array<i32>} : memref<6144xf32, #tpu.memory_space<vmem>>, vector<16xf32>,
        %add3A_301 = arith.constant 2048 : i32
        %add3A_302 = arith.addi %add3A_301, %add3A_298 : i32
        %get3A_303 = arith.index_cast %add3A_302 : i32 to index
        %get3A_304 = tpu.vector_load %arg7[%get3A_303] {strides = array<i32>} : memref<6144xf32, #tpu.memory_space<vmem>>, vector<16xf32>,
        %add3A_305 = arith.constant 4096 : i32
        %add3A_306 = arith.addi %add3A_305, %add3A_298 : i32
        %get3A_307 = arith.index_cast %add3A_306 : i32 to index
        %get3A_308 = tpu.vector_load %arg7[%get3A_307] {strides = array<i32>} : memref<6144xf32, #tpu.memory_space<vmem>>, vector<16xf32>,
        %sub3A_309 = arith.subf %get3A_300, %gather3A : vector<16xf32>
        %sub3A_310 = arith.subf %get3A_304, %gather3A_47 : vector<16xf32>
        %sub3A_311 = arith.subf %get3A_308, %gather3A_54 : vector<16xf32>
        %mul3A_312 = arith.mulf %sub3A_309, %sub3A_309 : vector<16xf32>
        %mul3A_313 = arith.mulf %sub3A_310, %sub3A_310 : vector<16xf32>
        %add3A_314 = arith.addf %mul3A_312, %mul3A_313 : vector<16xf32>
        %mul3A_315 = arith.mulf %sub3A_311, %sub3A_311 : vector<16xf32>
        %add3A_316 = arith.addf %add3A_314, %mul3A_315 : vector<16xf32>
        %le3A_317 = arith.constant 1.600000e-01 : f32
        %le3A_318 = vector.broadcast %le3A_317 : f32 to vector<16xf32>
        %le3A_319 = arith.cmpf ole, %add3A_316, %le3A_318 : vector<16xf32>
        %convert_element_type3A_320 = arith.extui %le3A_319 : vector<16xi1> to vector<16xi32>
        %reduce_sum3A_321 = arith.constant true
        %reduce_sum3A_322 = vector.broadcast %reduce_sum3A_321 : i1 to vector<16xi1>
        %reduce_sum3A_323 = tpu.scan <sum>, %convert_element_type3A_320 masked %reduce_sum3A_322 : vector<16xi32>, vector<16xi1> -> vector<16xi32>
        %reduce_sum3A_324 = vector.extract %reduce_sum3A_323[15] : i32 from vector<16xi32>
        %mul3A_325 = arith.constant 64 : i32
        %mul3A_326 = arith.muli %while3A_266, %mul3A_325 : i32
        %add3A_327 = arith.constant 32 : i32
        %add3A_328 = arith.addi %mul3A_326, %add3A_327 : i32
        %get3A_329 = arith.index_cast %add3A_328 : i32 to index
        %get3A_330 = tpu.vector_load %arg7[%get3A_329] {strides = array<i32>} : memref<6144xf32, #tpu.memory_space<vmem>>, vector<16xf32>,
        %add3A_331 = arith.constant 2048 : i32
        %add3A_332 = arith.addi %add3A_331, %add3A_328 : i32
        %get3A_333 = arith.index_cast %add3A_332 : i32 to index
        %get3A_334 = tpu.vector_load %arg7[%get3A_333] {strides = array<i32>} : memref<6144xf32, #tpu.memory_space<vmem>>, vector<16xf32>,
        %add3A_335 = arith.constant 4096 : i32
        %add3A_336 = arith.addi %add3A_335, %add3A_328 : i32
        %get3A_337 = arith.index_cast %add3A_336 : i32 to index
        %get3A_338 = tpu.vector_load %arg7[%get3A_337] {strides = array<i32>} : memref<6144xf32, #tpu.memory_space<vmem>>, vector<16xf32>,
        %sub3A_339 = arith.subf %get3A_330, %gather3A : vector<16xf32>
        %sub3A_340 = arith.subf %get3A_334, %gather3A_47 : vector<16xf32>
        %sub3A_341 = arith.subf %get3A_338, %gather3A_54 : vector<16xf32>
        %mul3A_342 = arith.mulf %sub3A_339, %sub3A_339 : vector<16xf32>
        %mul3A_343 = arith.mulf %sub3A_340, %sub3A_340 : vector<16xf32>
        %add3A_344 = arith.addf %mul3A_342, %mul3A_343 : vector<16xf32>
        %mul3A_345 = arith.mulf %sub3A_341, %sub3A_341 : vector<16xf32>
        %add3A_346 = arith.addf %add3A_344, %mul3A_345 : vector<16xf32>
        %le3A_347 = arith.constant 1.600000e-01 : f32
        %le3A_348 = vector.broadcast %le3A_347 : f32 to vector<16xf32>
        %le3A_349 = arith.cmpf ole, %add3A_346, %le3A_348 : vector<16xf32>
        %convert_element_type3A_350 = arith.extui %le3A_349 : vector<16xi1> to vector<16xi32>
        %reduce_sum3A_351 = arith.constant true
        %reduce_sum3A_352 = vector.broadcast %reduce_sum3A_351 : i1 to vector<16xi1>
        %reduce_sum3A_353 = tpu.scan <sum>, %convert_element_type3A_350 masked %reduce_sum3A_352 : vector<16xi32>, vector<16xi1> -> vector<16xi32>
        %reduce_sum3A_354 = vector.extract %reduce_sum3A_353[15] : i32 from vector<16xi32>
        %mul3A_355 = arith.constant 64 : i32
        %mul3A_356 = arith.muli %while3A_266, %mul3A_355 : i32
        %add3A_357 = arith.constant 48 : i32
        %add3A_358 = arith.addi %mul3A_356, %add3A_357 : i32
        %get3A_359 = arith.index_cast %add3A_358 : i32 to index
        %get3A_360 = tpu.vector_load %arg7[%get3A_359] {strides = array<i32>} : memref<6144xf32, #tpu.memory_space<vmem>>, vector<16xf32>,
        %add3A_361 = arith.constant 2048 : i32
        %add3A_362 = arith.addi %add3A_361, %add3A_358 : i32
        %get3A_363 = arith.index_cast %add3A_362 : i32 to index
        %get3A_364 = tpu.vector_load %arg7[%get3A_363] {strides = array<i32>} : memref<6144xf32, #tpu.memory_space<vmem>>, vector<16xf32>,
        %add3A_365 = arith.constant 4096 : i32
        %add3A_366 = arith.addi %add3A_365, %add3A_358 : i32
        %get3A_367 = arith.index_cast %add3A_366 : i32 to index
        %get3A_368 = tpu.vector_load %arg7[%get3A_367] {strides = array<i32>} : memref<6144xf32, #tpu.memory_space<vmem>>, vector<16xf32>,
        %sub3A_369 = arith.subf %get3A_360, %gather3A : vector<16xf32>
        %sub3A_370 = arith.subf %get3A_364, %gather3A_47 : vector<16xf32>
        %sub3A_371 = arith.subf %get3A_368, %gather3A_54 : vector<16xf32>
        %mul3A_372 = arith.mulf %sub3A_369, %sub3A_369 : vector<16xf32>
        %mul3A_373 = arith.mulf %sub3A_370, %sub3A_370 : vector<16xf32>
        %add3A_374 = arith.addf %mul3A_372, %mul3A_373 : vector<16xf32>
        %mul3A_375 = arith.mulf %sub3A_371, %sub3A_371 : vector<16xf32>
        %add3A_376 = arith.addf %add3A_374, %mul3A_375 : vector<16xf32>
        %le3A_377 = arith.constant 1.600000e-01 : f32
        %le3A_378 = vector.broadcast %le3A_377 : f32 to vector<16xf32>
        %le3A_379 = arith.cmpf ole, %add3A_376, %le3A_378 : vector<16xf32>
        %convert_element_type3A_380 = arith.extui %le3A_379 : vector<16xi1> to vector<16xi32>
        %reduce_sum3A_381 = arith.constant true
        %reduce_sum3A_382 = vector.broadcast %reduce_sum3A_381 : i1 to vector<16xi1>
        %reduce_sum3A_383 = tpu.scan <sum>, %convert_element_type3A_380 masked %reduce_sum3A_382 : vector<16xi32>, vector<16xi1> -> vector<16xi32>
        %reduce_sum3A_384 = vector.extract %reduce_sum3A_383[15] : i32 from vector<16xi32>
        %mul3A_385 = arith.constant 64 : i32
        %mul3A_386 = arith.muli %while3A_266, %mul3A_385 : i32
        %add3A_387 = arith.constant 0 : i32
        %add3A_388 = arith.addi %mul3A_386, %add3A_387 : i32
        %add3A_389 = vector.broadcast %add3A_388 : i32 to vector<16xi32>
        %add3A_390 = arith.addi %add3A_389, %iota3A : vector<16xi32>
        %swap3A_391 = arith.index_cast %while3A_267 : i32 to index
        %swap3A_392 = tpu.vector_load %arg10[%swap3A_391] masked %le3A_291 {strides = array<i32>} : memref<128xi32, #tpu.memory_space<vmem>>, vector<16xi32>, vector<16xi1>
        tpu.vector_store %arg10[%swap3A_391], %add3A_390 masked %le3A_291 {strides = array<i32>} : memref<128xi32, #tpu.memory_space<vmem>>, vector<16xi32>, vector<16xi1>
        %add3A_393 = arith.addi %while3A_267, %reduce_sum3A_294 : i32
        %mul3A_394 = arith.constant 64 : i32
        %mul3A_395 = arith.muli %while3A_266, %mul3A_394 : i32
        %add3A_396 = arith.constant 16 : i32
        %add3A_397 = arith.addi %mul3A_395, %add3A_396 : i32
        %add3A_398 = vector.broadcast %add3A_397 : i32 to vector<16xi32>
        %add3A_399 = arith.addi %add3A_398, %iota3A : vector<16xi32>
        %swap3A_400 = arith.index_cast %add3A_393 : i32 to index
        %swap3A_401 = tpu.vector_load %arg10[%swap3A_400] masked %le3A_319 {strides = array<i32>} : memref<128xi32, #tpu.memory_space<vmem>>, vector<16xi32>, vector<16xi1>
        tpu.vector_store %arg10[%swap3A_400], %add3A_399 masked %le3A_319 {strides = array<i32>} : memref<128xi32, #tpu.memory_space<vmem>>, vector<16xi32>, vector<16xi1>
        %add3A_402 = arith.addi %add3A_393, %reduce_sum3A_324 : i32
        %mul3A_403 = arith.constant 64 : i32
        %mul3A_404 = arith.muli %while3A_266, %mul3A_403 : i32
        %add3A_405 = arith.constant 32 : i32
        %add3A_406 = arith.addi %mul3A_404, %add3A_405 : i32
        %add3A_407 = vector.broadcast %add3A_406 : i32 to vector<16xi32>
        %add3A_408 = arith.addi %add3A_407, %iota3A : vector<16xi32>
        %swap3A_409 = arith.index_cast %add3A_402 : i32 to index
        %swap3A_410 = tpu.vector_load %arg10[%swap3A_409] masked %le3A_349 {strides = array<i32>} : memref<128xi32, #tpu.memory_space<vmem>>, vector<16xi32>, vector<16xi1>
        tpu.vector_store %arg10[%swap3A_409], %add3A_408 masked %le3A_349 {strides = array<i32>} : memref<128xi32, #tpu.memory_space<vmem>>, vector<16xi32>, vector<16xi1>
        %add3A_411 = arith.addi %add3A_402, %reduce_sum3A_354 : i32
        %mul3A_412 = arith.constant 64 : i32
        %mul3A_413 = arith.muli %while3A_266, %mul3A_412 : i32
        %add3A_414 = arith.constant 48 : i32
        %add3A_415 = arith.addi %mul3A_413, %add3A_414 : i32
        %add3A_416 = vector.broadcast %add3A_415 : i32 to vector<16xi32>
        %add3A_417 = arith.addi %add3A_416, %iota3A : vector<16xi32>
        %swap3A_418 = arith.index_cast %add3A_411 : i32 to index
        %swap3A_419 = tpu.vector_load %arg10[%swap3A_418] masked %le3A_379 {strides = array<i32>} : memref<128xi32, #tpu.memory_space<vmem>>, vector<16xi32>, vector<16xi1>
        tpu.vector_store %arg10[%swap3A_418], %add3A_417 masked %le3A_379 {strides = array<i32>} : memref<128xi32, #tpu.memory_space<vmem>>, vector<16xi32>, vector<16xi1>
        %add3A_420 = arith.addi %add3A_411, %reduce_sum3A_384 : i32
        %add3A_421 = arith.constant 1 : i32
        %add3A_422 = arith.addi %while3A_266, %add3A_421 : i32
        scf.yield %add3A_422, %add3A_420 : i32, i32
      }
      %get3A = arith.constant 0 : index
      %get3A_57 = tpu.vector_load %arg10[%get3A] {strides = array<i32>} : memref<128xi32, #tpu.memory_space<vmem>>, vector<16xi32>,
      %get3A_58 = arith.constant 16 : index
      %get3A_59 = tpu.vector_load %arg10[%get3A_58] {strides = array<i32>} : memref<128xi32, #tpu.memory_space<vmem>>, vector<16xi32>,
      %gather3A_60 = tpu.vector_load_idx %arg10[%mul3A_23] : memref<128xi32, #tpu.memory_space<vmem>>[vector<16xi32>], vector<16xi32>,
      %lt3A = vector.broadcast %while3A_56#1 : i32 to vector<16xi32>
      %lt3A_61 = arith.cmpi slt, %iota3A, %lt3A : vector<16xi32>
      %select_n3A_62 = arith.select %lt3A_61, %get3A_57, %gather3A_60 : vector<16xi1>, vector<16xi32>
      %add3A_63 = arith.constant 16 : i32
      %add3A_64 = vector.broadcast %add3A_63 : i32 to vector<16xi32>
      %add3A_65 = arith.addi %iota3A, %add3A_64 : vector<16xi32>
      %lt3A_66 = vector.broadcast %while3A_56#1 : i32 to vector<16xi32>
      %lt3A_67 = arith.cmpi slt, %add3A_65, %lt3A_66 : vector<16xi32>
      %select_n3A_68 = arith.select %lt3A_67, %get3A_59, %gather3A_60 : vector<16xi1>, vector<16xi32>
      %mul3A_69 = arith.constant 32 : i32
      %mul3A_70 = arith.muli %mul3A_35, %mul3A_69 : i32
      %add3A_71 = arith.constant 0 : i32
      %add3A_72 = arith.addi %mul3A_70, %add3A_71 : i32
      %add3A_73 = vector.broadcast %add3A_72 : i32 to vector<16xi32>
      %add3A_74 = arith.addi %add3A_73, %iota3A : vector<16xi32>
      %add3A_75 = arith.constant 0 : i32
      %add3A_76 = vector.broadcast %add3A_75 : i32 to vector<16xi32>
      %add3A_77 = arith.addi %select_n3A_62, %add3A_76 : vector<16xi32>
      %gather3A_78 = tpu.vector_load_idx %arg7[%add3A_77] : memref<6144xf32, #tpu.memory_space<vmem>>[vector<16xi32>], vector<16xf32>,
      %add3A_79 = arith.constant 0 : i32
      %add3A_80 = vector.broadcast %add3A_79 : i32 to vector<16xi32>
      %add3A_81 = arith.addi %mul3A_23, %add3A_80 : vector<16xi32>
      tpu.vector_store_idx %arg9[%add3A_74, %add3A_81], %gather3A_78 : memref<2048x4xf32, #tpu.memory_space<vmem>>[vector<16xi32>, vector<16xi32>], vector<16xf32>,
      %add3A_82 = arith.constant 2048 : i32
      %add3A_83 = vector.broadcast %add3A_82 : i32 to vector<16xi32>
      %add3A_84 = arith.addi %select_n3A_62, %add3A_83 : vector<16xi32>
      %gather3A_85 = tpu.vector_load_idx %arg7[%add3A_84] : memref<6144xf32, #tpu.memory_space<vmem>>[vector<16xi32>], vector<16xf32>,
      %add3A_86 = arith.constant 1 : i32
      %add3A_87 = vector.broadcast %add3A_86 : i32 to vector<16xi32>
      %add3A_88 = arith.addi %mul3A_23, %add3A_87 : vector<16xi32>
      tpu.vector_store_idx %arg9[%add3A_74, %add3A_88], %gather3A_85 : memref<2048x4xf32, #tpu.memory_space<vmem>>[vector<16xi32>, vector<16xi32>], vector<16xf32>,
      %add3A_89 = arith.constant 4096 : i32
      %add3A_90 = vector.broadcast %add3A_89 : i32 to vector<16xi32>
      %add3A_91 = arith.addi %select_n3A_62, %add3A_90 : vector<16xi32>
      %gather3A_92 = tpu.vector_load_idx %arg7[%add3A_91] : memref<6144xf32, #tpu.memory_space<vmem>>[vector<16xi32>], vector<16xf32>,
      %add3A_93 = arith.constant 2 : i32
      %add3A_94 = vector.broadcast %add3A_93 : i32 to vector<16xi32>
      %add3A_95 = arith.addi %mul3A_23, %add3A_94 : vector<16xi32>
      tpu.vector_store_idx %arg9[%add3A_74, %add3A_95], %gather3A_92 : memref<2048x4xf32, #tpu.memory_space<vmem>>[vector<16xi32>, vector<16xi32>], vector<16xf32>,
      %mul3A_96 = arith.constant 2048 : i32
      %mul3A_97 = arith.muli %select_n3A, %mul3A_96 : i32
      %add3A_98 = vector.broadcast %mul3A_97 : i32 to vector<16xi32>
      %add3A_99 = arith.addi %select_n3A_62, %add3A_98 : vector<16xi32>
      %swap3A_100 = arith.constant 0 : index
      %swap3A_101 = tpu.vector_load %arg11[%swap3A_100] {strides = array<i32>} : memref<32xi32, #tpu.memory_space<vmem>>, vector<16xi32>,
      tpu.vector_store %arg11[%swap3A_100], %add3A_99 {strides = array<i32>} : memref<32xi32, #tpu.memory_space<vmem>>, vector<16xi32>,
      %mul3A_102 = arith.constant 32 : i32
      %mul3A_103 = arith.muli %mul3A_35, %mul3A_102 : i32
      %add3A_104 = arith.constant 16 : i32
      %add3A_105 = arith.addi %mul3A_103, %add3A_104 : i32
      %add3A_106 = vector.broadcast %add3A_105 : i32 to vector<16xi32>
      %add3A_107 = arith.addi %add3A_106, %iota3A : vector<16xi32>
      %add3A_108 = arith.constant 0 : i32
      %add3A_109 = vector.broadcast %add3A_108 : i32 to vector<16xi32>
      %add3A_110 = arith.addi %select_n3A_68, %add3A_109 : vector<16xi32>
      %gather3A_111 = tpu.vector_load_idx %arg7[%add3A_110] : memref<6144xf32, #tpu.memory_space<vmem>>[vector<16xi32>], vector<16xf32>,
      %add3A_112 = arith.constant 0 : i32
      %add3A_113 = vector.broadcast %add3A_112 : i32 to vector<16xi32>
      %add3A_114 = arith.addi %mul3A_23, %add3A_113 : vector<16xi32>
      tpu.vector_store_idx %arg9[%add3A_107, %add3A_114], %gather3A_111 : memref<2048x4xf32, #tpu.memory_space<vmem>>[vector<16xi32>, vector<16xi32>], vector<16xf32>,
      %add3A_115 = arith.constant 2048 : i32
      %add3A_116 = vector.broadcast %add3A_115 : i32 to vector<16xi32>
      %add3A_117 = arith.addi %select_n3A_68, %add3A_116 : vector<16xi32>
      %gather3A_118 = tpu.vector_load_idx %arg7[%add3A_117] : memref<6144xf32, #tpu.memory_space<vmem>>[vector<16xi32>], vector<16xf32>,
      %add3A_119 = arith.constant 1 : i32
      %add3A_120 = vector.broadcast %add3A_119 : i32 to vector<16xi32>
      %add3A_121 = arith.addi %mul3A_23, %add3A_120 : vector<16xi32>
      tpu.vector_store_idx %arg9[%add3A_107, %add3A_121], %gather3A_118 : memref<2048x4xf32, #tpu.memory_space<vmem>>[vector<16xi32>, vector<16xi32>], vector<16xf32>,
      %add3A_122 = arith.constant 4096 : i32
      %add3A_123 = vector.broadcast %add3A_122 : i32 to vector<16xi32>
      %add3A_124 = arith.addi %select_n3A_68, %add3A_123 : vector<16xi32>
      %gather3A_125 = tpu.vector_load_idx %arg7[%add3A_124] : memref<6144xf32, #tpu.memory_space<vmem>>[vector<16xi32>], vector<16xf32>,
      %add3A_126 = arith.constant 2 : i32
      %add3A_127 = vector.broadcast %add3A_126 : i32 to vector<16xi32>
      %add3A_128 = arith.addi %mul3A_23, %add3A_127 : vector<16xi32>
      tpu.vector_store_idx %arg9[%add3A_107, %add3A_128], %gather3A_125 : memref<2048x4xf32, #tpu.memory_space<vmem>>[vector<16xi32>, vector<16xi32>], vector<16xf32>,
      %mul3A_129 = arith.constant 2048 : i32
      %mul3A_130 = arith.muli %select_n3A, %mul3A_129 : i32
      %add3A_131 = vector.broadcast %mul3A_130 : i32 to vector<16xi32>
      %add3A_132 = arith.addi %select_n3A_68, %add3A_131 : vector<16xi32>
      %swap3A_133 = arith.constant 16 : index
      %swap3A_134 = tpu.vector_load %arg11[%swap3A_133] {strides = array<i32>} : memref<32xi32, #tpu.memory_space<vmem>>, vector<16xi32>,
      tpu.vector_store %arg11[%swap3A_133], %add3A_132 {strides = array<i32>} : memref<32xi32, #tpu.memory_space<vmem>>, vector<16xi32>,
      %dma_start3A = arith.constant 0 : i32
      %dma_start3A_135 = arith.constant 0 : i32
      %dma_start3A_136 = tpu.memref_slice %arg4[%dma_start3A, %dma_start3A_135] : memref<8192x128xf32, #tpu.memory_space<hbm>> -> memref<8192x128xf32, #tpu.memory_space<hbm>>
      tpu.enqueue_indirect_dma source(%dma_start3A_136 : memref<8192x128xf32, #tpu.memory_space<hbm>>) target(%arg13 : memref<32x128xf32, #tpu.memory_space<vmem>>) offsets(%arg11 : memref<32xi32, #tpu.memory_space<vmem>>) semaphore(%arg15 : memref<!tpu.dma_semaphore, #tpu.memory_space<semaphore_mem>>)
      %mul3A_137 = arith.constant 2 : i32
      %mul3A_138 = arith.muli %mul3A_137, %scan3A_32 : i32
      %add3A_139 = arith.constant 1 : i32
      %add3A_140 = arith.addi %mul3A_138, %add3A_139 : i32
      %swap3A_141 = arith.constant 0 : index
      %swap3A_142 = tpu.vector_load %arg10[%swap3A_141] {strides = array<i32>} : memref<128xi32, #tpu.memory_space<vmem>>, vector<16xi32>,
      tpu.vector_store %arg10[%swap3A_141], %mul3A_23 {strides = array<i32>} : memref<128xi32, #tpu.memory_space<vmem>>, vector<16xi32>,
      %mul3A_143 = arith.constant 3 : i32
      %mul3A_144 = arith.muli %add3A_140, %mul3A_143 : i32
      %add3A_145 = vector.broadcast %mul3A_144 : i32 to vector<16xi32>
      %add3A_146 = arith.addi %mul3A_23, %add3A_145 : vector<16xi32>
      %gather3A_147 = tpu.vector_load_idx %arg8[%add3A_146] : memref<192xf32, #tpu.memory_space<vmem>>[vector<16xi32>], vector<16xf32>,
      %mul3A_148 = arith.constant 3 : i32
      %mul3A_149 = arith.muli %add3A_140, %mul3A_148 : i32
      %add3A_150 = arith.constant 1 : i32
      %add3A_151 = arith.addi %mul3A_149, %add3A_150 : i32
      %add3A_152 = vector.broadcast %add3A_151 : i32 to vector<16xi32>
      %add3A_153 = arith.addi %mul3A_23, %add3A_152 : vector<16xi32>
      %gather3A_154 = tpu.vector_load_idx %arg8[%add3A_153] : memref<192xf32, #tpu.memory_space<vmem>>[vector<16xi32>], vector<16xf32>,
      %mul3A_155 = arith.constant 3 : i32
      %mul3A_156 = arith.muli %add3A_140, %mul3A_155 : i32
      %add3A_157 = arith.constant 2 : i32
      %add3A_158 = arith.addi %mul3A_156, %add3A_157 : i32
      %add3A_159 = vector.broadcast %add3A_158 : i32 to vector<16xi32>
      %add3A_160 = arith.addi %mul3A_23, %add3A_159 : vector<16xi32>
      %gather3A_161 = tpu.vector_load_idx %arg8[%add3A_160] : memref<192xf32, #tpu.memory_space<vmem>>[vector<16xi32>], vector<16xf32>,
      %while3A_162 = arith.constant 0 : i32
      %while3A_163 = arith.constant 0 : i32
      %while3A_164:2 = scf.while (%while3A_266 = %while3A_162, %while3A_267 = %while3A_163) : (i32, i32) -> (i32, i32) {
        %lt3A_268 = arith.constant 32 : i32
        %lt3A_269 = arith.cmpi slt, %while3A_266, %lt3A_268 : i32
        %lt3A_270 = arith.constant 32 : i32
        %lt3A_271 = arith.cmpi slt, %while3A_267, %lt3A_270 : i32
        %and3A_272 = arith.andi %lt3A_269, %lt3A_271 : i1
        scf.condition(%and3A_272) %while3A_266, %while3A_267 : i32, i32
      } do {
      ^bb0(%while3A_266: i32, %while3A_267: i32):
        %mul3A_268 = arith.constant 64 : i32
        %mul3A_269 = arith.muli %while3A_266, %mul3A_268 : i32
        %add3A_270 = arith.constant 0 : i32
        %add3A_271 = arith.addi %mul3A_269, %add3A_270 : i32
        %get3A_272 = arith.index_cast %add3A_271 : i32 to index
        %get3A_273 = tpu.vector_load %arg7[%get3A_272] {strides = array<i32>} : memref<6144xf32, #tpu.memory_space<vmem>>, vector<16xf32>,
        %add3A_274 = arith.constant 2048 : i32
        %add3A_275 = arith.addi %add3A_274, %add3A_271 : i32
        %get3A_276 = arith.index_cast %add3A_275 : i32 to index
        %get3A_277 = tpu.vector_load %arg7[%get3A_276] {strides = array<i32>} : memref<6144xf32, #tpu.memory_space<vmem>>, vector<16xf32>,
        %add3A_278 = arith.constant 4096 : i32
        %add3A_279 = arith.addi %add3A_278, %add3A_271 : i32
        %get3A_280 = arith.index_cast %add3A_279 : i32 to index
        %get3A_281 = tpu.vector_load %arg7[%get3A_280] {strides = array<i32>} : memref<6144xf32, #tpu.memory_space<vmem>>, vector<16xf32>,
        %sub3A_282 = arith.subf %get3A_273, %gather3A_147 : vector<16xf32>
        %sub3A_283 = arith.subf %get3A_277, %gather3A_154 : vector<16xf32>
        %sub3A_284 = arith.subf %get3A_281, %gather3A_161 : vector<16xf32>
        %mul3A_285 = arith.mulf %sub3A_282, %sub3A_282 : vector<16xf32>
        %mul3A_286 = arith.mulf %sub3A_283, %sub3A_283 : vector<16xf32>
        %add3A_287 = arith.addf %mul3A_285, %mul3A_286 : vector<16xf32>
        %mul3A_288 = arith.mulf %sub3A_284, %sub3A_284 : vector<16xf32>
        %add3A_289 = arith.addf %add3A_287, %mul3A_288 : vector<16xf32>
        %le3A = arith.constant 1.600000e-01 : f32
        %le3A_290 = vector.broadcast %le3A : f32 to vector<16xf32>
        %le3A_291 = arith.cmpf ole, %add3A_289, %le3A_290 : vector<16xf32>
        %convert_element_type3A = arith.extui %le3A_291 : vector<16xi1> to vector<16xi32>
        %reduce_sum3A = arith.constant true
        %reduce_sum3A_292 = vector.broadcast %reduce_sum3A : i1 to vector<16xi1>
        %reduce_sum3A_293 = tpu.scan <sum>, %convert_element_type3A masked %reduce_sum3A_292 : vector<16xi32>, vector<16xi1> -> vector<16xi32>
        %reduce_sum3A_294 = vector.extract %reduce_sum3A_293[15] : i32 from vector<16xi32>
        %mul3A_295 = arith.constant 64 : i32
        %mul3A_296 = arith.muli %while3A_266, %mul3A_295 : i32
        %add3A_297 = arith.constant 16 : i32
        %add3A_298 = arith.addi %mul3A_296, %add3A_297 : i32
        %get3A_299 = arith.index_cast %add3A_298 : i32 to index
        %get3A_300 = tpu.vector_load %arg7[%get3A_299] {strides = array<i32>} : memref<6144xf32, #tpu.memory_space<vmem>>, vector<16xf32>,
        %add3A_301 = arith.constant 2048 : i32
        %add3A_302 = arith.addi %add3A_301, %add3A_298 : i32
        %get3A_303 = arith.index_cast %add3A_302 : i32 to index
        %get3A_304 = tpu.vector_load %arg7[%get3A_303] {strides = array<i32>} : memref<6144xf32, #tpu.memory_space<vmem>>, vector<16xf32>,
        %add3A_305 = arith.constant 4096 : i32
        %add3A_306 = arith.addi %add3A_305, %add3A_298 : i32
        %get3A_307 = arith.index_cast %add3A_306 : i32 to index
        %get3A_308 = tpu.vector_load %arg7[%get3A_307] {strides = array<i32>} : memref<6144xf32, #tpu.memory_space<vmem>>, vector<16xf32>,
        %sub3A_309 = arith.subf %get3A_300, %gather3A_147 : vector<16xf32>
        %sub3A_310 = arith.subf %get3A_304, %gather3A_154 : vector<16xf32>
        %sub3A_311 = arith.subf %get3A_308, %gather3A_161 : vector<16xf32>
        %mul3A_312 = arith.mulf %sub3A_309, %sub3A_309 : vector<16xf32>
        %mul3A_313 = arith.mulf %sub3A_310, %sub3A_310 : vector<16xf32>
        %add3A_314 = arith.addf %mul3A_312, %mul3A_313 : vector<16xf32>
        %mul3A_315 = arith.mulf %sub3A_311, %sub3A_311 : vector<16xf32>
        %add3A_316 = arith.addf %add3A_314, %mul3A_315 : vector<16xf32>
        %le3A_317 = arith.constant 1.600000e-01 : f32
        %le3A_318 = vector.broadcast %le3A_317 : f32 to vector<16xf32>
        %le3A_319 = arith.cmpf ole, %add3A_316, %le3A_318 : vector<16xf32>
        %convert_element_type3A_320 = arith.extui %le3A_319 : vector<16xi1> to vector<16xi32>
        %reduce_sum3A_321 = arith.constant true
        %reduce_sum3A_322 = vector.broadcast %reduce_sum3A_321 : i1 to vector<16xi1>
        %reduce_sum3A_323 = tpu.scan <sum>, %convert_element_type3A_320 masked %reduce_sum3A_322 : vector<16xi32>, vector<16xi1> -> vector<16xi32>
        %reduce_sum3A_324 = vector.extract %reduce_sum3A_323[15] : i32 from vector<16xi32>
        %mul3A_325 = arith.constant 64 : i32
        %mul3A_326 = arith.muli %while3A_266, %mul3A_325 : i32
        %add3A_327 = arith.constant 32 : i32
        %add3A_328 = arith.addi %mul3A_326, %add3A_327 : i32
        %get3A_329 = arith.index_cast %add3A_328 : i32 to index
        %get3A_330 = tpu.vector_load %arg7[%get3A_329] {strides = array<i32>} : memref<6144xf32, #tpu.memory_space<vmem>>, vector<16xf32>,
        %add3A_331 = arith.constant 2048 : i32
        %add3A_332 = arith.addi %add3A_331, %add3A_328 : i32
        %get3A_333 = arith.index_cast %add3A_332 : i32 to index
        %get3A_334 = tpu.vector_load %arg7[%get3A_333] {strides = array<i32>} : memref<6144xf32, #tpu.memory_space<vmem>>, vector<16xf32>,
        %add3A_335 = arith.constant 4096 : i32
        %add3A_336 = arith.addi %add3A_335, %add3A_328 : i32
        %get3A_337 = arith.index_cast %add3A_336 : i32 to index
        %get3A_338 = tpu.vector_load %arg7[%get3A_337] {strides = array<i32>} : memref<6144xf32, #tpu.memory_space<vmem>>, vector<16xf32>,
        %sub3A_339 = arith.subf %get3A_330, %gather3A_147 : vector<16xf32>
        %sub3A_340 = arith.subf %get3A_334, %gather3A_154 : vector<16xf32>
        %sub3A_341 = arith.subf %get3A_338, %gather3A_161 : vector<16xf32>
        %mul3A_342 = arith.mulf %sub3A_339, %sub3A_339 : vector<16xf32>
        %mul3A_343 = arith.mulf %sub3A_340, %sub3A_340 : vector<16xf32>
        %add3A_344 = arith.addf %mul3A_342, %mul3A_343 : vector<16xf32>
        %mul3A_345 = arith.mulf %sub3A_341, %sub3A_341 : vector<16xf32>
        %add3A_346 = arith.addf %add3A_344, %mul3A_345 : vector<16xf32>
        %le3A_347 = arith.constant 1.600000e-01 : f32
        %le3A_348 = vector.broadcast %le3A_347 : f32 to vector<16xf32>
        %le3A_349 = arith.cmpf ole, %add3A_346, %le3A_348 : vector<16xf32>
        %convert_element_type3A_350 = arith.extui %le3A_349 : vector<16xi1> to vector<16xi32>
        %reduce_sum3A_351 = arith.constant true
        %reduce_sum3A_352 = vector.broadcast %reduce_sum3A_351 : i1 to vector<16xi1>
        %reduce_sum3A_353 = tpu.scan <sum>, %convert_element_type3A_350 masked %reduce_sum3A_352 : vector<16xi32>, vector<16xi1> -> vector<16xi32>
        %reduce_sum3A_354 = vector.extract %reduce_sum3A_353[15] : i32 from vector<16xi32>
        %mul3A_355 = arith.constant 64 : i32
        %mul3A_356 = arith.muli %while3A_266, %mul3A_355 : i32
        %add3A_357 = arith.constant 48 : i32
        %add3A_358 = arith.addi %mul3A_356, %add3A_357 : i32
        %get3A_359 = arith.index_cast %add3A_358 : i32 to index
        %get3A_360 = tpu.vector_load %arg7[%get3A_359] {strides = array<i32>} : memref<6144xf32, #tpu.memory_space<vmem>>, vector<16xf32>,
        %add3A_361 = arith.constant 2048 : i32
        %add3A_362 = arith.addi %add3A_361, %add3A_358 : i32
        %get3A_363 = arith.index_cast %add3A_362 : i32 to index
        %get3A_364 = tpu.vector_load %arg7[%get3A_363] {strides = array<i32>} : memref<6144xf32, #tpu.memory_space<vmem>>, vector<16xf32>,
        %add3A_365 = arith.constant 4096 : i32
        %add3A_366 = arith.addi %add3A_365, %add3A_358 : i32
        %get3A_367 = arith.index_cast %add3A_366 : i32 to index
        %get3A_368 = tpu.vector_load %arg7[%get3A_367] {strides = array<i32>} : memref<6144xf32, #tpu.memory_space<vmem>>, vector<16xf32>,
        %sub3A_369 = arith.subf %get3A_360, %gather3A_147 : vector<16xf32>
        %sub3A_370 = arith.subf %get3A_364, %gather3A_154 : vector<16xf32>
        %sub3A_371 = arith.subf %get3A_368, %gather3A_161 : vector<16xf32>
        %mul3A_372 = arith.mulf %sub3A_369, %sub3A_369 : vector<16xf32>
        %mul3A_373 = arith.mulf %sub3A_370, %sub3A_370 : vector<16xf32>
        %add3A_374 = arith.addf %mul3A_372, %mul3A_373 : vector<16xf32>
        %mul3A_375 = arith.mulf %sub3A_371, %sub3A_371 : vector<16xf32>
        %add3A_376 = arith.addf %add3A_374, %mul3A_375 : vector<16xf32>
        %le3A_377 = arith.constant 1.600000e-01 : f32
        %le3A_378 = vector.broadcast %le3A_377 : f32 to vector<16xf32>
        %le3A_379 = arith.cmpf ole, %add3A_376, %le3A_378 : vector<16xf32>
        %convert_element_type3A_380 = arith.extui %le3A_379 : vector<16xi1> to vector<16xi32>
        %reduce_sum3A_381 = arith.constant true
        %reduce_sum3A_382 = vector.broadcast %reduce_sum3A_381 : i1 to vector<16xi1>
        %reduce_sum3A_383 = tpu.scan <sum>, %convert_element_type3A_380 masked %reduce_sum3A_382 : vector<16xi32>, vector<16xi1> -> vector<16xi32>
        %reduce_sum3A_384 = vector.extract %reduce_sum3A_383[15] : i32 from vector<16xi32>
        %mul3A_385 = arith.constant 64 : i32
        %mul3A_386 = arith.muli %while3A_266, %mul3A_385 : i32
        %add3A_387 = arith.constant 0 : i32
        %add3A_388 = arith.addi %mul3A_386, %add3A_387 : i32
        %add3A_389 = vector.broadcast %add3A_388 : i32 to vector<16xi32>
        %add3A_390 = arith.addi %add3A_389, %iota3A : vector<16xi32>
        %swap3A_391 = arith.index_cast %while3A_267 : i32 to index
        %swap3A_392 = tpu.vector_load %arg10[%swap3A_391] masked %le3A_291 {strides = array<i32>} : memref<128xi32, #tpu.memory_space<vmem>>, vector<16xi32>, vector<16xi1>
        tpu.vector_store %arg10[%swap3A_391], %add3A_390 masked %le3A_291 {strides = array<i32>} : memref<128xi32, #tpu.memory_space<vmem>>, vector<16xi32>, vector<16xi1>
        %add3A_393 = arith.addi %while3A_267, %reduce_sum3A_294 : i32
        %mul3A_394 = arith.constant 64 : i32
        %mul3A_395 = arith.muli %while3A_266, %mul3A_394 : i32
        %add3A_396 = arith.constant 16 : i32
        %add3A_397 = arith.addi %mul3A_395, %add3A_396 : i32
        %add3A_398 = vector.broadcast %add3A_397 : i32 to vector<16xi32>
        %add3A_399 = arith.addi %add3A_398, %iota3A : vector<16xi32>
        %swap3A_400 = arith.index_cast %add3A_393 : i32 to index
        %swap3A_401 = tpu.vector_load %arg10[%swap3A_400] masked %le3A_319 {strides = array<i32>} : memref<128xi32, #tpu.memory_space<vmem>>, vector<16xi32>, vector<16xi1>
        tpu.vector_store %arg10[%swap3A_400], %add3A_399 masked %le3A_319 {strides = array<i32>} : memref<128xi32, #tpu.memory_space<vmem>>, vector<16xi32>, vector<16xi1>
        %add3A_402 = arith.addi %add3A_393, %reduce_sum3A_324 : i32
        %mul3A_403 = arith.constant 64 : i32
        %mul3A_404 = arith.muli %while3A_266, %mul3A_403 : i32
        %add3A_405 = arith.constant 32 : i32
        %add3A_406 = arith.addi %mul3A_404, %add3A_405 : i32
        %add3A_407 = vector.broadcast %add3A_406 : i32 to vector<16xi32>
        %add3A_408 = arith.addi %add3A_407, %iota3A : vector<16xi32>
        %swap3A_409 = arith.index_cast %add3A_402 : i32 to index
        %swap3A_410 = tpu.vector_load %arg10[%swap3A_409] masked %le3A_349 {strides = array<i32>} : memref<128xi32, #tpu.memory_space<vmem>>, vector<16xi32>, vector<16xi1>
        tpu.vector_store %arg10[%swap3A_409], %add3A_408 masked %le3A_349 {strides = array<i32>} : memref<128xi32, #tpu.memory_space<vmem>>, vector<16xi32>, vector<16xi1>
        %add3A_411 = arith.addi %add3A_402, %reduce_sum3A_354 : i32
        %mul3A_412 = arith.constant 64 : i32
        %mul3A_413 = arith.muli %while3A_266, %mul3A_412 : i32
        %add3A_414 = arith.constant 48 : i32
        %add3A_415 = arith.addi %mul3A_413, %add3A_414 : i32
        %add3A_416 = vector.broadcast %add3A_415 : i32 to vector<16xi32>
        %add3A_417 = arith.addi %add3A_416, %iota3A : vector<16xi32>
        %swap3A_418 = arith.index_cast %add3A_411 : i32 to index
        %swap3A_419 = tpu.vector_load %arg10[%swap3A_418] masked %le3A_379 {strides = array<i32>} : memref<128xi32, #tpu.memory_space<vmem>>, vector<16xi32>, vector<16xi1>
        tpu.vector_store %arg10[%swap3A_418], %add3A_417 masked %le3A_379 {strides = array<i32>} : memref<128xi32, #tpu.memory_space<vmem>>, vector<16xi32>, vector<16xi1>
        %add3A_420 = arith.addi %add3A_411, %reduce_sum3A_384 : i32
        %add3A_421 = arith.constant 1 : i32
        %add3A_422 = arith.addi %while3A_266, %add3A_421 : i32
        scf.yield %add3A_422, %add3A_420 : i32, i32
      }
      %get3A_165 = arith.constant 0 : index
      %get3A_166 = tpu.vector_load %arg10[%get3A_165] {strides = array<i32>} : memref<128xi32, #tpu.memory_space<vmem>>, vector<16xi32>,
      %get3A_167 = arith.constant 16 : index
      %get3A_168 = tpu.vector_load %arg10[%get3A_167] {strides = array<i32>} : memref<128xi32, #tpu.memory_space<vmem>>, vector<16xi32>,
      %gather3A_169 = tpu.vector_load_idx %arg10[%mul3A_23] : memref<128xi32, #tpu.memory_space<vmem>>[vector<16xi32>], vector<16xi32>,
      %lt3A_170 = vector.broadcast %while3A_164#1 : i32 to vector<16xi32>
      %lt3A_171 = arith.cmpi slt, %iota3A, %lt3A_170 : vector<16xi32>
      %select_n3A_172 = arith.select %lt3A_171, %get3A_166, %gather3A_169 : vector<16xi1>, vector<16xi32>
      %add3A_173 = arith.constant 16 : i32
      %add3A_174 = vector.broadcast %add3A_173 : i32 to vector<16xi32>
      %add3A_175 = arith.addi %iota3A, %add3A_174 : vector<16xi32>
      %lt3A_176 = vector.broadcast %while3A_164#1 : i32 to vector<16xi32>
      %lt3A_177 = arith.cmpi slt, %add3A_175, %lt3A_176 : vector<16xi32>
      %select_n3A_178 = arith.select %lt3A_177, %get3A_168, %gather3A_169 : vector<16xi1>, vector<16xi32>
      %mul3A_179 = arith.constant 32 : i32
      %mul3A_180 = arith.muli %add3A_140, %mul3A_179 : i32
      %add3A_181 = arith.constant 0 : i32
      %add3A_182 = arith.addi %mul3A_180, %add3A_181 : i32
      %add3A_183 = vector.broadcast %add3A_182 : i32 to vector<16xi32>
      %add3A_184 = arith.addi %add3A_183, %iota3A : vector<16xi32>
      %add3A_185 = arith.constant 0 : i32
      %add3A_186 = vector.broadcast %add3A_185 : i32 to vector<16xi32>
      %add3A_187 = arith.addi %select_n3A_172, %add3A_186 : vector<16xi32>
      %gather3A_188 = tpu.vector_load_idx %arg7[%add3A_187] : memref<6144xf32, #tpu.memory_space<vmem>>[vector<16xi32>], vector<16xf32>,
      %add3A_189 = arith.constant 0 : i32
      %add3A_190 = vector.broadcast %add3A_189 : i32 to vector<16xi32>
      %add3A_191 = arith.addi %mul3A_23, %add3A_190 : vector<16xi32>
      tpu.vector_store_idx %arg9[%add3A_184, %add3A_191], %gather3A_188 : memref<2048x4xf32, #tpu.memory_space<vmem>>[vector<16xi32>, vector<16xi32>], vector<16xf32>,
      %add3A_192 = arith.constant 2048 : i32
      %add3A_193 = vector.broadcast %add3A_192 : i32 to vector<16xi32>
      %add3A_194 = arith.addi %select_n3A_172, %add3A_193 : vector<16xi32>
      %gather3A_195 = tpu.vector_load_idx %arg7[%add3A_194] : memref<6144xf32, #tpu.memory_space<vmem>>[vector<16xi32>], vector<16xf32>,
      %add3A_196 = arith.constant 1 : i32
      %add3A_197 = vector.broadcast %add3A_196 : i32 to vector<16xi32>
      %add3A_198 = arith.addi %mul3A_23, %add3A_197 : vector<16xi32>
      tpu.vector_store_idx %arg9[%add3A_184, %add3A_198], %gather3A_195 : memref<2048x4xf32, #tpu.memory_space<vmem>>[vector<16xi32>, vector<16xi32>], vector<16xf32>,
      %add3A_199 = arith.constant 4096 : i32
      %add3A_200 = vector.broadcast %add3A_199 : i32 to vector<16xi32>
      %add3A_201 = arith.addi %select_n3A_172, %add3A_200 : vector<16xi32>
      %gather3A_202 = tpu.vector_load_idx %arg7[%add3A_201] : memref<6144xf32, #tpu.memory_space<vmem>>[vector<16xi32>], vector<16xf32>,
      %add3A_203 = arith.constant 2 : i32
      %add3A_204 = vector.broadcast %add3A_203 : i32 to vector<16xi32>
      %add3A_205 = arith.addi %mul3A_23, %add3A_204 : vector<16xi32>
      tpu.vector_store_idx %arg9[%add3A_184, %add3A_205], %gather3A_202 : memref<2048x4xf32, #tpu.memory_space<vmem>>[vector<16xi32>, vector<16xi32>], vector<16xf32>,
      %mul3A_206 = arith.constant 2048 : i32
      %mul3A_207 = arith.muli %select_n3A, %mul3A_206 : i32
      %add3A_208 = vector.broadcast %mul3A_207 : i32 to vector<16xi32>
      %add3A_209 = arith.addi %select_n3A_172, %add3A_208 : vector<16xi32>
      %swap3A_210 = arith.constant 0 : index
      %swap3A_211 = tpu.vector_load %arg12[%swap3A_210] {strides = array<i32>} : memref<32xi32, #tpu.memory_space<vmem>>, vector<16xi32>,
      tpu.vector_store %arg12[%swap3A_210], %add3A_209 {strides = array<i32>} : memref<32xi32, #tpu.memory_space<vmem>>, vector<16xi32>,
      %mul3A_212 = arith.constant 32 : i32
      %mul3A_213 = arith.muli %add3A_140, %mul3A_212 : i32
      %add3A_214 = arith.constant 16 : i32
      %add3A_215 = arith.addi %mul3A_213, %add3A_214 : i32
      %add3A_216 = vector.broadcast %add3A_215 : i32 to vector<16xi32>
      %add3A_217 = arith.addi %add3A_216, %iota3A : vector<16xi32>
      %add3A_218 = arith.constant 0 : i32
      %add3A_219 = vector.broadcast %add3A_218 : i32 to vector<16xi32>
      %add3A_220 = arith.addi %select_n3A_178, %add3A_219 : vector<16xi32>
      %gather3A_221 = tpu.vector_load_idx %arg7[%add3A_220] : memref<6144xf32, #tpu.memory_space<vmem>>[vector<16xi32>], vector<16xf32>,
      %add3A_222 = arith.constant 0 : i32
      %add3A_223 = vector.broadcast %add3A_222 : i32 to vector<16xi32>
      %add3A_224 = arith.addi %mul3A_23, %add3A_223 : vector<16xi32>
      tpu.vector_store_idx %arg9[%add3A_217, %add3A_224], %gather3A_221 : memref<2048x4xf32, #tpu.memory_space<vmem>>[vector<16xi32>, vector<16xi32>], vector<16xf32>,
      %add3A_225 = arith.constant 2048 : i32
      %add3A_226 = vector.broadcast %add3A_225 : i32 to vector<16xi32>
      %add3A_227 = arith.addi %select_n3A_178, %add3A_226 : vector<16xi32>
      %gather3A_228 = tpu.vector_load_idx %arg7[%add3A_227] : memref<6144xf32, #tpu.memory_space<vmem>>[vector<16xi32>], vector<16xf32>,
      %add3A_229 = arith.constant 1 : i32
      %add3A_230 = vector.broadcast %add3A_229 : i32 to vector<16xi32>
      %add3A_231 = arith.addi %mul3A_23, %add3A_230 : vector<16xi32>
      tpu.vector_store_idx %arg9[%add3A_217, %add3A_231], %gather3A_228 : memref<2048x4xf32, #tpu.memory_space<vmem>>[vector<16xi32>, vector<16xi32>], vector<16xf32>,
      %add3A_232 = arith.constant 4096 : i32
      %add3A_233 = vector.broadcast %add3A_232 : i32 to vector<16xi32>
      %add3A_234 = arith.addi %select_n3A_178, %add3A_233 : vector<16xi32>
      %gather3A_235 = tpu.vector_load_idx %arg7[%add3A_234] : memref<6144xf32, #tpu.memory_space<vmem>>[vector<16xi32>], vector<16xf32>,
      %add3A_236 = arith.constant 2 : i32
      %add3A_237 = vector.broadcast %add3A_236 : i32 to vector<16xi32>
      %add3A_238 = arith.addi %mul3A_23, %add3A_237 : vector<16xi32>
      tpu.vector_store_idx %arg9[%add3A_217, %add3A_238], %gather3A_235 : memref<2048x4xf32, #tpu.memory_space<vmem>>[vector<16xi32>, vector<16xi32>], vector<16xf32>,
      %mul3A_239 = arith.constant 2048 : i32
      %mul3A_240 = arith.muli %select_n3A, %mul3A_239 : i32
      %add3A_241 = vector.broadcast %mul3A_240 : i32 to vector<16xi32>
      %add3A_242 = arith.addi %select_n3A_178, %add3A_241 : vector<16xi32>
      %swap3A_243 = arith.constant 16 : index
      %swap3A_244 = tpu.vector_load %arg12[%swap3A_243] {strides = array<i32>} : memref<32xi32, #tpu.memory_space<vmem>>, vector<16xi32>,
      tpu.vector_store %arg12[%swap3A_243], %add3A_242 {strides = array<i32>} : memref<32xi32, #tpu.memory_space<vmem>>, vector<16xi32>,
      %dma_start3A_245 = arith.constant 0 : i32
      %dma_start3A_246 = arith.constant 0 : i32
      %dma_start3A_247 = tpu.memref_slice %arg4[%dma_start3A_245, %dma_start3A_246] : memref<8192x128xf32, #tpu.memory_space<hbm>> -> memref<8192x128xf32, #tpu.memory_space<hbm>>
      tpu.enqueue_indirect_dma source(%dma_start3A_247 : memref<8192x128xf32, #tpu.memory_space<hbm>>) target(%arg14 : memref<32x128xf32, #tpu.memory_space<vmem>>) offsets(%arg12 : memref<32xi32, #tpu.memory_space<vmem>>) semaphore(%arg16 : memref<!tpu.dma_semaphore, #tpu.memory_space<semaphore_mem>>)
      %dma_wait3A = arith.constant 0 : i32
      %dma_wait3A_248 = arith.constant 0 : i32
      %dma_wait3A_249 = tpu.memref_slice %arg4[%dma_wait3A, %dma_wait3A_248] : memref<8192x128xf32, #tpu.memory_space<hbm>> -> memref<8192x128xf32, #tpu.memory_space<hbm>>
      tpu.wait_indirect_dma semaphore(%arg15 : memref<!tpu.dma_semaphore, #tpu.memory_space<semaphore_mem>>) src(%dma_wait3A_249 : memref<8192x128xf32, #tpu.memory_space<hbm>>) dst(%arg13 : memref<32x128xf32, #tpu.memory_space<vmem>>)
      %mul3A_250 = arith.constant 2 : i32
      %mul3A_251 = arith.muli %mul3A_250, %scan3A_32 : i32
      %add3A_252 = arith.addi %mul3A_18, %mul3A_251 : i32
      %mul3A_253 = arith.constant 32 : i32
      %mul3A_254 = arith.muli %add3A_252, %mul3A_253 : i32
      "tpu.region"() ({
        %run_scoped3A = tpu.sem_alloc : memref<!tpu.dma_semaphore, #tpu.memory_space<semaphore_mem>>
        %dma_start3A_266 = arith.constant 0 : i32
        %dma_start3A_267 = tpu.memref_slice %arg6[%mul3A_254, %dma_start3A_266] : memref<65536x128xf32, #tpu.memory_space<hbm>> -> memref<32x128xf32, #tpu.memory_space<hbm>>
        %dma_start3A_268 = arith.constant 0 : i32
        %dma_start3A_269 = tpu.memref_slice %arg6[%mul3A_254, %dma_start3A_268] : memref<65536x128xf32, #tpu.memory_space<hbm>> -> memref<32x128xf32, #tpu.memory_space<hbm>>
        tpu.enqueue_dma source(%arg13 : memref<32x128xf32, #tpu.memory_space<vmem>>) target(%dma_start3A_269 : memref<32x128xf32, #tpu.memory_space<hbm>>) target_semaphore(%run_scoped3A : memref<!tpu.dma_semaphore, #tpu.memory_space<semaphore_mem>>)
        %dma_wait3A_270 = arith.constant 0 : i32
        %dma_wait3A_271 = tpu.memref_slice %arg6[%mul3A_254, %dma_wait3A_270] : memref<65536x128xf32, #tpu.memory_space<hbm>> -> memref<32x128xf32, #tpu.memory_space<hbm>>
        %dma_wait3A_272 = arith.constant 0 : i32
        %dma_wait3A_273 = tpu.memref_slice %arg6[%mul3A_254, %dma_wait3A_272] : memref<65536x128xf32, #tpu.memory_space<hbm>> -> memref<32x128xf32, #tpu.memory_space<hbm>>
        tpu.wait_dma2 semaphore(%run_scoped3A : memref<!tpu.dma_semaphore, #tpu.memory_space<semaphore_mem>>) src(%arg13 : memref<32x128xf32, #tpu.memory_space<vmem>>) dst(%dma_wait3A_273 : memref<32x128xf32, #tpu.memory_space<hbm>>)
        tpu.yield
      }) : () -> ()
      %dma_wait3A_255 = arith.constant 0 : i32
      %dma_wait3A_256 = arith.constant 0 : i32
      %dma_wait3A_257 = tpu.memref_slice %arg4[%dma_wait3A_255, %dma_wait3A_256] : memref<8192x128xf32, #tpu.memory_space<hbm>> -> memref<8192x128xf32, #tpu.memory_space<hbm>>
      tpu.wait_indirect_dma semaphore(%arg16 : memref<!tpu.dma_semaphore, #tpu.memory_space<semaphore_mem>>) src(%dma_wait3A_257 : memref<8192x128xf32, #tpu.memory_space<hbm>>) dst(%arg14 : memref<32x128xf32, #tpu.memory_space<vmem>>)
      %mul3A_258 = arith.constant 2 : i32
      %mul3A_259 = arith.muli %mul3A_258, %scan3A_32 : i32
      %add3A_260 = arith.addi %mul3A_18, %mul3A_259 : i32
      %add3A_261 = arith.constant 1 : i32
      %add3A_262 = arith.addi %add3A_260, %add3A_261 : i32
      %mul3A_263 = arith.constant 32 : i32
      %mul3A_264 = arith.muli %add3A_262, %mul3A_263 : i32
      "tpu.region"() ({
        %run_scoped3A = tpu.sem_alloc : memref<!tpu.dma_semaphore, #tpu.memory_space<semaphore_mem>>
        %dma_start3A_266 = arith.constant 0 : i32
        %dma_start3A_267 = tpu.memref_slice %arg6[%mul3A_264, %dma_start3A_266] : memref<65536x128xf32, #tpu.memory_space<hbm>> -> memref<32x128xf32, #tpu.memory_space<hbm>>
        %dma_start3A_268 = arith.constant 0 : i32
        %dma_start3A_269 = tpu.memref_slice %arg6[%mul3A_264, %dma_start3A_268] : memref<65536x128xf32, #tpu.memory_space<hbm>> -> memref<32x128xf32, #tpu.memory_space<hbm>>
        tpu.enqueue_dma source(%arg14 : memref<32x128xf32, #tpu.memory_space<vmem>>) target(%dma_start3A_269 : memref<32x128xf32, #tpu.memory_space<hbm>>) target_semaphore(%run_scoped3A : memref<!tpu.dma_semaphore, #tpu.memory_space<semaphore_mem>>)
        %dma_wait3A_270 = arith.constant 0 : i32
        %dma_wait3A_271 = tpu.memref_slice %arg6[%mul3A_264, %dma_wait3A_270] : memref<65536x128xf32, #tpu.memory_space<hbm>> -> memref<32x128xf32, #tpu.memory_space<hbm>>
        %dma_wait3A_272 = arith.constant 0 : i32
        %dma_wait3A_273 = tpu.memref_slice %arg6[%mul3A_264, %dma_wait3A_272] : memref<65536x128xf32, #tpu.memory_space<hbm>> -> memref<32x128xf32, #tpu.memory_space<hbm>>
        tpu.wait_dma2 semaphore(%run_scoped3A : memref<!tpu.dma_semaphore, #tpu.memory_space<semaphore_mem>>) src(%arg14 : memref<32x128xf32, #tpu.memory_space<vmem>>) dst(%dma_wait3A_273 : memref<32x128xf32, #tpu.memory_space<hbm>>)
        tpu.yield
      }) : () -> ()
      %scan3A_265 = arith.constant 0 : i32
      scf.yield %scan3A_265 : i32
    }
    %scan3A_29 = arith.constant 32 : i32
    %mul3A_30 = arith.constant 32 : i32
    %mul3A_31 = arith.muli %mul3A_18, %mul3A_30 : i32
    "tpu.region"() ({
      %run_scoped3A = tpu.sem_alloc : memref<!tpu.dma_semaphore, #tpu.memory_space<semaphore_mem>>
      %dma_start3A = arith.constant 0 : i32
      %dma_start3A_32 = tpu.memref_slice %arg5[%mul3A_31, %dma_start3A] : memref<65536x4xf32, #tpu.memory_space<hbm>> -> memref<2048x4xf32, #tpu.memory_space<hbm>>
      %dma_start3A_33 = arith.constant 0 : i32
      %dma_start3A_34 = tpu.memref_slice %arg5[%mul3A_31, %dma_start3A_33] : memref<65536x4xf32, #tpu.memory_space<hbm>> -> memref<2048x4xf32, #tpu.memory_space<hbm>>
      tpu.enqueue_dma source(%arg9 : memref<2048x4xf32, #tpu.memory_space<vmem>>) target(%dma_start3A_34 : memref<2048x4xf32, #tpu.memory_space<hbm>>) target_semaphore(%run_scoped3A : memref<!tpu.dma_semaphore, #tpu.memory_space<semaphore_mem>>)
      %dma_wait3A = arith.constant 0 : i32
      %dma_wait3A_35 = tpu.memref_slice %arg5[%mul3A_31, %dma_wait3A] : memref<65536x4xf32, #tpu.memory_space<hbm>> -> memref<2048x4xf32, #tpu.memory_space<hbm>>
      %dma_wait3A_36 = arith.constant 0 : i32
      %dma_wait3A_37 = tpu.memref_slice %arg5[%mul3A_31, %dma_wait3A_36] : memref<65536x4xf32, #tpu.memory_space<hbm>> -> memref<2048x4xf32, #tpu.memory_space<hbm>>
      tpu.wait_dma2 semaphore(%run_scoped3A : memref<!tpu.dma_semaphore, #tpu.memory_space<semaphore_mem>>) src(%arg9 : memref<2048x4xf32, #tpu.memory_space<vmem>>) dst(%dma_wait3A_37 : memref<2048x4xf32, #tpu.memory_space<hbm>>)
      tpu.yield
    }) : () -> ()
    return
  }
}

module attributes {stable_mosaic.version = 14 : i64} {
  func.func @_fps_body(%arg0: memref<4x3x2048xf32, #tpu.memory_space<vmem>>, %arg1: memref<4x512x3xf32, #tpu.memory_space<vmem>>) attributes {dimension_semantics = [], scalar_prefetch = 0 : i64, scratch_operands = 0 : i64, tpu.core_type = #tpu.core_type<tc>} {
    %get3A = arith.constant 0 : index
    %get3A_0 = arith.constant 0 : index
    %get3A_1 = arith.constant 0 : index
    %get3A_2 = vector.load %arg0[%get3A, %get3A_0, %get3A_1] : memref<4x3x2048xf32, #tpu.memory_space<vmem>>, vector<4x3x2048xf32>
    %iota3A = tpu.iota {dimensions = array<i32: 1>} : vector<1x2048xi32>
    %broadcast_in_dim3A = arith.constant 1.000000e+10 : f32
    %broadcast_in_dim3A_3 = vector.broadcast %broadcast_in_dim3A : f32 to vector<4x2048xf32>
    %broadcast_in_dim3A_4 = arith.constant 0 : i32
    %broadcast_in_dim3A_5 = vector.broadcast %broadcast_in_dim3A_4 : i32 to vector<4x1xi32>
    %scan3A = arith.constant 0 : i32
    %scan3A_6 = arith.constant 512 : i32
    %scan3A_7 = arith.addi %scan3A, %scan3A_6 : i32
    %scan3A_8 = arith.constant 1 : i32
    %scan3A_9:2 = scf.for %scan3A_11 = %scan3A to %scan3A_7 step %scan3A_8 iter_args(%scan3A_12 = %broadcast_in_dim3A_3, %scan3A_13 = %broadcast_in_dim3A_5) -> (vector<4x2048xf32>, vector<4x1xi32>)  : i32 {
      %eq3A = vector.broadcast %iota3A : vector<1x2048xi32> to vector<4x2048xi32>
      %eq3A_14 = vector.broadcast %scan3A_13 : vector<4x1xi32> to vector<4x2048xi32>
      %eq3A_15 = arith.cmpi eq, %eq3A, %eq3A_14 : vector<4x2048xi32>
      %broadcast_in_dim3A_16 = vector.shape_cast %eq3A_15 : vector<4x2048xi1> to vector<4x1x2048xi1>
      %jit3A = arith.constant 0.000000e+00 : f32
      %broadcast_in_dim3A_17 = vector.shape_cast %broadcast_in_dim3A_16 : vector<4x1x2048xi1> to vector<4x1x2048xi1>
      %broadcast_in_dim3A_18 = vector.broadcast %broadcast_in_dim3A_17 : vector<4x1x2048xi1> to vector<4x3x2048xi1>
      %broadcast_in_dim3A_19 = vector.broadcast %jit3A : f32 to vector<4x3x2048xf32>
      %select_n3A = arith.select %broadcast_in_dim3A_18, %get3A_2, %broadcast_in_dim3A_19 : vector<4x3x2048xi1>, vector<4x3x2048xf32>
      %reduce_sum3A = arith.constant dense<0.000000e+00> : vector<4x3xf32>
      %reduce_sum3A_20 = vector.multi_reduction <add>, %select_n3A, %reduce_sum3A [2] : vector<4x3x2048xf32> to vector<4x3xf32>
      %broadcast_in_dim3A_21 = vector.shape_cast %reduce_sum3A_20 : vector<4x3xf32> to vector<4x1x3xf32>
      %swap3A = arith.constant 0 : index
      %swap3A_22 = arith.index_cast %scan3A_11 : i32 to index
      %swap3A_23 = arith.constant 0 : index
      %swap3A_24 = vector.load %arg1[%swap3A, %swap3A_22, %swap3A_23] : memref<4x512x3xf32, #tpu.memory_space<vmem>>, vector<4x1x3xf32>
      tpu.vector_store %arg1[%swap3A, %swap3A_22, %swap3A_23], %broadcast_in_dim3A_21 {strides = array<i32>} : memref<4x512x3xf32, #tpu.memory_space<vmem>>, vector<4x1x3xf32>,
      %broadcast_in_dim3A_25 = vector.shape_cast %reduce_sum3A_20 : vector<4x3xf32> to vector<4x3x1xf32>
      %sub3A = vector.broadcast %broadcast_in_dim3A_25 : vector<4x3x1xf32> to vector<4x3x2048xf32>
      %sub3A_26 = arith.subf %get3A_2, %sub3A : vector<4x3x2048xf32>
      %integer_pow3A = arith.mulf %sub3A_26, %sub3A_26 : vector<4x3x2048xf32>
      %reduce_sum3A_27 = arith.constant dense<0.000000e+00> : vector<4x2048xf32>
      %reduce_sum3A_28 = vector.multi_reduction <add>, %integer_pow3A, %reduce_sum3A_27 [1] : vector<4x3x2048xf32> to vector<4x2048xf32>
      %min3A = arith.minimumf %scan3A_12, %reduce_sum3A_28 : vector<4x2048xf32>
      %reduce_max3A = arith.constant dense<0xFF800000> : vector<4xf32>
      %reduce_max3A_29 = vector.multi_reduction <maximumf>, %min3A, %reduce_max3A [1] : vector<4x2048xf32> to vector<4xf32>
      %broadcast_in_dim3A_30 = vector.shape_cast %reduce_max3A_29 : vector<4xf32> to vector<4x1xf32>
      %eq3A_31 = vector.broadcast %broadcast_in_dim3A_30 : vector<4x1xf32> to vector<4x2048xf32>
      %eq3A_32 = arith.cmpf oeq, %min3A, %eq3A_31 : vector<4x2048xf32>
      %jit3A_33 = arith.constant 2048 : i32
      %broadcast_in_dim3A_34 = vector.shape_cast %iota3A : vector<1x2048xi32> to vector<1x2048xi32>
      %broadcast_in_dim3A_35 = vector.broadcast %broadcast_in_dim3A_34 : vector<1x2048xi32> to vector<4x2048xi32>
      %broadcast_in_dim3A_36 = vector.broadcast %jit3A_33 : i32 to vector<4x2048xi32>
      %select_n3A_37 = arith.select %eq3A_32, %broadcast_in_dim3A_35, %broadcast_in_dim3A_36 : vector<4x2048xi1>, vector<4x2048xi32>
      %reduce_min3A = arith.constant dense<2147483647> : vector<4xi32>
      %reduce_min3A_38 = vector.multi_reduction <minsi>, %select_n3A_37, %reduce_min3A [1] : vector<4x2048xi32> to vector<4xi32>
      %broadcast_in_dim3A_39 = vector.shape_cast %reduce_min3A_38 : vector<4xi32> to vector<4x1xi32>
      scf.yield %min3A, %broadcast_in_dim3A_39 : vector<4x2048xf32>, vector<4x1xi32>
    }
    %scan3A_10 = arith.constant 512 : i32
    return
  }
}

module attributes {stable_mosaic.version = 14 : i64} {
  func.func @_sa_mlp_body(%arg0: i32, %arg1: i32, %arg2: memref<1x8192x4xf32, #tpu.memory_space<vmem>>, %arg3: memref<1x8192x1xf32, #tpu.memory_space<vmem>>, %arg4: memref<1x256x3xf32, #tpu.memory_space<vmem>>, %arg5: memref<3x64xf32, #tpu.memory_space<vmem>>, %arg6: memref<1x64xf32, #tpu.memory_space<vmem>>, %arg7: memref<1x64xf32, #tpu.memory_space<vmem>>, %arg8: memref<64x64xf32, #tpu.memory_space<vmem>>, %arg9: memref<1x64xf32, #tpu.memory_space<vmem>>, %arg10: memref<64x128xf32, #tpu.memory_space<vmem>>, %arg11: memref<1x128xf32, #tpu.memory_space<vmem>>, %arg12: memref<1x256x128xf32, #tpu.memory_space<vmem>>) attributes {dimension_semantics = [#tpu.dimension_semantics<arbitrary>, #tpu.dimension_semantics<arbitrary>], iteration_bounds = array<i64: 4, 8>, scalar_prefetch = 0 : i64, scratch_operands = 0 : i64, tpu.core_type = #tpu.core_type<tc>, window_params = [{transform_indices = @transform_0, window_bounds = array<i64: 1, 8192, 4>}, {transform_indices = @transform_1, window_bounds = array<i64: 1, 8192, 1>}, {transform_indices = @transform_2, window_bounds = array<i64: 1, 256, 3>}, {pipeline_mode = #tpu.pipeline_mode<synchronous>, transform_indices = @transform_3, window_bounds = array<i64: 3, 64>}, {pipeline_mode = #tpu.pipeline_mode<synchronous>, transform_indices = @transform_4, window_bounds = array<i64: 1, 64>}, {pipeline_mode = #tpu.pipeline_mode<synchronous>, transform_indices = @transform_5, window_bounds = array<i64: 1, 64>}, {pipeline_mode = #tpu.pipeline_mode<synchronous>, transform_indices = @transform_6, window_bounds = array<i64: 64, 64>}, {pipeline_mode = #tpu.pipeline_mode<synchronous>, transform_indices = @transform_7, window_bounds = array<i64: 1, 64>}, {pipeline_mode = #tpu.pipeline_mode<synchronous>, transform_indices = @transform_8, window_bounds = array<i64: 64, 128>}, {pipeline_mode = #tpu.pipeline_mode<synchronous>, transform_indices = @transform_9, window_bounds = array<i64: 1, 128>}, {transform_indices = @transform_10, window_bounds = array<i64: 1, 256, 128>}]} {
    %get3A = arith.constant 0 : index
    %get3A_0 = arith.constant 0 : index
    %get3A_1 = arith.constant 0 : index
    %get3A_2 = vector.load %arg4[%get3A, %get3A_0, %get3A_1] : memref<1x256x3xf32, #tpu.memory_space<vmem>>, vector<1x256x3xf32>
    %get3A_3 = vector.shape_cast %get3A_2 : vector<1x256x3xf32> to vector<256x3xf32>
    %broadcast_in_dim3A = vector.shape_cast %get3A_3 : vector<256x3xf32> to vector<256x1x3xf32>
    %broadcast_in_dim3A_4 = vector.shape_cast %broadcast_in_dim3A : vector<256x1x3xf32> to vector<256x1x3xf32>
    %broadcast_in_dim3A_5 = vector.broadcast %broadcast_in_dim3A_4 : vector<256x1x3xf32> to vector<256x32x3xf32>
    %reshape3A = vector.shape_cast %broadcast_in_dim3A_5 : vector<256x32x3xf32> to vector<8192x3xf32>
    %get3A_6 = arith.constant 0 : index
    %get3A_7 = arith.constant 0 : index
    %get3A_8 = arith.constant 0 : index
    %get3A_9 = vector.load %arg2[%get3A_6, %get3A_7, %get3A_8] : memref<1x8192x4xf32, #tpu.memory_space<vmem>>, vector<1x8192x4xf32>
    %get3A_10 = vector.shape_cast %get3A_9 : vector<1x8192x4xf32> to vector<8192x4xf32>
    %slice3A = vector.extract_strided_slice %get3A_10 {offsets = [0, 0], sizes = [8192, 3], strides = [1, 1]} : vector<8192x4xf32> to vector<8192x3xf32>
    %sub3A = arith.subf %slice3A, %reshape3A : vector<8192x3xf32>
    %get3A_11 = arith.constant 0 : index
    %get3A_12 = arith.constant 0 : index
    %get3A_13 = vector.load %arg5[%get3A_11, %get3A_12] : memref<3x64xf32, #tpu.memory_space<vmem>>, vector<3x64xf32>
    %dot_general3A = arith.constant dense<0.000000e+00> : vector<8192x64xf32>
    %dot_general3A_14 = tpu.matmul %sub3A, %get3A_13, %dot_general3A {dimension_numbers = #tpu.dot_dimension_numbers<[1], [0], [0], [1], [0, 0, 1, 1], [], []>, transpose_lhs_hint = false} : vector<8192x3xf32>, vector<3x64xf32>, vector<8192x64xf32> -> vector<8192x64xf32>
    %get3A_15 = arith.constant 0 : index
    %get3A_16 = arith.constant 0 : index
    %get3A_17 = vector.load %arg7[%get3A_15, %get3A_16] : memref<1x64xf32, #tpu.memory_space<vmem>>, vector<1x64xf32>
    %add3A = vector.broadcast %get3A_17 : vector<1x64xf32> to vector<8192x64xf32>
    %add3A_18 = arith.addf %dot_general3A_14, %add3A : vector<8192x64xf32>
    %ge3A = arith.constant 0.000000e+00 : f32
    %ge3A_19 = vector.broadcast %ge3A : f32 to vector<8192x64xf32>
    %ge3A_20 = arith.cmpf oge, %add3A_18, %ge3A_19 : vector<8192x64xf32>
    %mul3A = arith.constant 2.000000e-01 : f32
    %mul3A_21 = vector.broadcast %mul3A : f32 to vector<8192x64xf32>
    %mul3A_22 = arith.mulf %mul3A_21, %add3A_18 : vector<8192x64xf32>
    %select_n3A = arith.select %ge3A_20, %add3A_18, %mul3A_22 : vector<8192x64xi1>, vector<8192x64xf32>
    %get3A_23 = arith.constant 0 : index
    %get3A_24 = arith.constant 0 : index
    %get3A_25 = vector.load %arg8[%get3A_23, %get3A_24] : memref<64x64xf32, #tpu.memory_space<vmem>>, vector<64x64xf32>
    %dot_general3A_26 = arith.constant dense<0.000000e+00> : vector<8192x64xf32>
    %dot_general3A_27 = tpu.matmul %select_n3A, %get3A_25, %dot_general3A_26 {dimension_numbers = #tpu.dot_dimension_numbers<[1], [0], [0], [1], [0, 0, 1, 1], [], []>, transpose_lhs_hint = false} : vector<8192x64xf32>, vector<64x64xf32>, vector<8192x64xf32> -> vector<8192x64xf32>
    %get3A_28 = arith.constant 0 : index
    %get3A_29 = arith.constant 0 : index
    %get3A_30 = vector.load %arg9[%get3A_28, %get3A_29] : memref<1x64xf32, #tpu.memory_space<vmem>>, vector<1x64xf32>
    %add3A_31 = vector.broadcast %get3A_30 : vector<1x64xf32> to vector<8192x64xf32>
    %add3A_32 = arith.addf %dot_general3A_27, %add3A_31 : vector<8192x64xf32>
    %ge3A_33 = arith.constant 0.000000e+00 : f32
    %ge3A_34 = vector.broadcast %ge3A_33 : f32 to vector<8192x64xf32>
    %ge3A_35 = arith.cmpf oge, %add3A_32, %ge3A_34 : vector<8192x64xf32>
    %mul3A_36 = arith.constant 2.000000e-01 : f32
    %mul3A_37 = vector.broadcast %mul3A_36 : f32 to vector<8192x64xf32>
    %mul3A_38 = arith.mulf %mul3A_37, %add3A_32 : vector<8192x64xf32>
    %select_n3A_39 = arith.select %ge3A_35, %add3A_32, %mul3A_38 : vector<8192x64xi1>, vector<8192x64xf32>
    %get3A_40 = arith.constant 0 : index
    %get3A_41 = arith.constant 0 : index
    %get3A_42 = vector.load %arg10[%get3A_40, %get3A_41] : memref<64x128xf32, #tpu.memory_space<vmem>>, vector<64x128xf32>
    %dot_general3A_43 = arith.constant dense<0.000000e+00> : vector<8192x128xf32>
    %dot_general3A_44 = tpu.matmul %select_n3A_39, %get3A_42, %dot_general3A_43 {dimension_numbers = #tpu.dot_dimension_numbers<[1], [0], [0], [1], [0, 0, 1, 1], [], []>, transpose_lhs_hint = false} : vector<8192x64xf32>, vector<64x128xf32>, vector<8192x128xf32> -> vector<8192x128xf32>
    %get3A_45 = arith.constant 0 : index
    %get3A_46 = arith.constant 0 : index
    %get3A_47 = vector.load %arg11[%get3A_45, %get3A_46] : memref<1x128xf32, #tpu.memory_space<vmem>>, vector<1x128xf32>
    %add3A_48 = vector.broadcast %get3A_47 : vector<1x128xf32> to vector<8192x128xf32>
    %add3A_49 = arith.addf %dot_general3A_44, %add3A_48 : vector<8192x128xf32>
    %ge3A_50 = arith.constant 0.000000e+00 : f32
    %ge3A_51 = vector.broadcast %ge3A_50 : f32 to vector<8192x128xf32>
    %ge3A_52 = arith.cmpf oge, %add3A_49, %ge3A_51 : vector<8192x128xf32>
    %mul3A_53 = arith.constant 2.000000e-01 : f32
    %mul3A_54 = vector.broadcast %mul3A_53 : f32 to vector<8192x128xf32>
    %mul3A_55 = arith.mulf %mul3A_54, %add3A_49 : vector<8192x128xf32>
    %select_n3A_56 = arith.select %ge3A_52, %add3A_49, %mul3A_55 : vector<8192x128xi1>, vector<8192x128xf32>
    %reshape3A_57 = vector.shape_cast %select_n3A_56 : vector<8192x128xf32> to vector<256x32x128xf32>
    %reduce_max3A = arith.constant dense<0xFF800000> : vector<256x128xf32>
    %reduce_max3A_58 = vector.multi_reduction <maximumf>, %reshape3A_57, %reduce_max3A [1] : vector<256x32x128xf32> to vector<256x128xf32>
    %swap3A = arith.constant 0 : index
    %swap3A_59 = arith.constant 0 : index
    %swap3A_60 = arith.constant 0 : index
    %swap3A_61 = vector.load %arg12[%swap3A, %swap3A_59, %swap3A_60] : memref<1x256x128xf32, #tpu.memory_space<vmem>>, vector<1x256x128xf32>
    %swap3A_62 = vector.shape_cast %swap3A_61 : vector<1x256x128xf32> to vector<256x128xf32>
    %swap3A_63 = vector.shape_cast %reduce_max3A_58 : vector<256x128xf32> to vector<1x256x128xf32>
    tpu.vector_store %arg12[%swap3A, %swap3A_59, %swap3A_60], %swap3A_63 {strides = array<i32>} : memref<1x256x128xf32, #tpu.memory_space<vmem>>, vector<1x256x128xf32>,
    return
  }
  func.func @transform_0(%arg0: i32, %arg1: i32) -> (i32, i32, i32) {
    %c0_i32 = arith.constant 0 : i32
    %c0_i32_0 = arith.constant 0 : i32
    return %arg0, %arg1, %c0_i32 : i32, i32, i32
  }
  func.func @transform_1(%arg0: i32, %arg1: i32) -> (i32, i32, i32) {
    %c0_i32 = arith.constant 0 : i32
    %c0_i32_0 = arith.constant 0 : i32
    return %arg0, %arg1, %c0_i32 : i32, i32, i32
  }
  func.func @transform_2(%arg0: i32, %arg1: i32) -> (i32, i32, i32) {
    %c0_i32 = arith.constant 0 : i32
    %c0_i32_0 = arith.constant 0 : i32
    return %arg0, %arg1, %c0_i32 : i32, i32, i32
  }
  func.func @transform_3(%arg0: i32, %arg1: i32) -> (i32, i32) {
    %c0_i32 = arith.constant 0 : i32
    %c0_i32_0 = arith.constant 0 : i32
    %c0_i32_1 = arith.constant 0 : i32
    return %c0_i32, %c0_i32_0 : i32, i32
  }
  func.func @transform_4(%arg0: i32, %arg1: i32) -> (i32, i32) {
    %c0_i32 = arith.constant 0 : i32
    %c0_i32_0 = arith.constant 0 : i32
    %c0_i32_1 = arith.constant 0 : i32
    return %c0_i32, %c0_i32_0 : i32, i32
  }
  func.func @transform_5(%arg0: i32, %arg1: i32) -> (i32, i32) {
    %c0_i32 = arith.constant 0 : i32
    %c0_i32_0 = arith.constant 0 : i32
    %c0_i32_1 = arith.constant 0 : i32
    return %c0_i32, %c0_i32_0 : i32, i32
  }
  func.func @transform_6(%arg0: i32, %arg1: i32) -> (i32, i32) {
    %c0_i32 = arith.constant 0 : i32
    %c0_i32_0 = arith.constant 0 : i32
    %c0_i32_1 = arith.constant 0 : i32
    return %c0_i32, %c0_i32_0 : i32, i32
  }
  func.func @transform_7(%arg0: i32, %arg1: i32) -> (i32, i32) {
    %c0_i32 = arith.constant 0 : i32
    %c0_i32_0 = arith.constant 0 : i32
    %c0_i32_1 = arith.constant 0 : i32
    return %c0_i32, %c0_i32_0 : i32, i32
  }
  func.func @transform_8(%arg0: i32, %arg1: i32) -> (i32, i32) {
    %c0_i32 = arith.constant 0 : i32
    %c0_i32_0 = arith.constant 0 : i32
    %c0_i32_1 = arith.constant 0 : i32
    return %c0_i32, %c0_i32_0 : i32, i32
  }
  func.func @transform_9(%arg0: i32, %arg1: i32) -> (i32, i32) {
    %c0_i32 = arith.constant 0 : i32
    %c0_i32_0 = arith.constant 0 : i32
    %c0_i32_1 = arith.constant 0 : i32
    return %c0_i32, %c0_i32_0 : i32, i32
  }
  func.func @transform_10(%arg0: i32, %arg1: i32) -> (i32, i32, i32) {
    %c0_i32 = arith.constant 0 : i32
    %c0_i32_0 = arith.constant 0 : i32
    return %arg0, %arg1, %c0_i32 : i32, i32, i32
  }
}

module attributes {stable_mosaic.version = 14 : i64} {
  func.func @_fps_body(%arg0: memref<4x3x512xf32, #tpu.memory_space<vmem>>, %arg1: memref<4x128x3xf32, #tpu.memory_space<vmem>>) attributes {dimension_semantics = [], scalar_prefetch = 0 : i64, scratch_operands = 0 : i64, tpu.core_type = #tpu.core_type<tc>} {
    %get3A = arith.constant 0 : index
    %get3A_0 = arith.constant 0 : index
    %get3A_1 = arith.constant 0 : index
    %get3A_2 = vector.load %arg0[%get3A, %get3A_0, %get3A_1] : memref<4x3x512xf32, #tpu.memory_space<vmem>>, vector<4x3x512xf32>
    %iota3A = tpu.iota {dimensions = array<i32: 1>} : vector<1x512xi32>
    %broadcast_in_dim3A = arith.constant 1.000000e+10 : f32
    %broadcast_in_dim3A_3 = vector.broadcast %broadcast_in_dim3A : f32 to vector<4x512xf32>
    %broadcast_in_dim3A_4 = arith.constant 0 : i32
    %broadcast_in_dim3A_5 = vector.broadcast %broadcast_in_dim3A_4 : i32 to vector<4x1xi32>
    %scan3A = arith.constant 0 : i32
    %scan3A_6 = arith.constant 128 : i32
    %scan3A_7 = arith.addi %scan3A, %scan3A_6 : i32
    %scan3A_8 = arith.constant 1 : i32
    %scan3A_9:2 = scf.for %scan3A_11 = %scan3A to %scan3A_7 step %scan3A_8 iter_args(%scan3A_12 = %broadcast_in_dim3A_3, %scan3A_13 = %broadcast_in_dim3A_5) -> (vector<4x512xf32>, vector<4x1xi32>)  : i32 {
      %eq3A = vector.broadcast %iota3A : vector<1x512xi32> to vector<4x512xi32>
      %eq3A_14 = vector.broadcast %scan3A_13 : vector<4x1xi32> to vector<4x512xi32>
      %eq3A_15 = arith.cmpi eq, %eq3A, %eq3A_14 : vector<4x512xi32>
      %broadcast_in_dim3A_16 = vector.shape_cast %eq3A_15 : vector<4x512xi1> to vector<4x1x512xi1>
      %jit3A = arith.constant 0.000000e+00 : f32
      %broadcast_in_dim3A_17 = vector.shape_cast %broadcast_in_dim3A_16 : vector<4x1x512xi1> to vector<4x1x512xi1>
      %broadcast_in_dim3A_18 = vector.broadcast %broadcast_in_dim3A_17 : vector<4x1x512xi1> to vector<4x3x512xi1>
      %broadcast_in_dim3A_19 = vector.broadcast %jit3A : f32 to vector<4x3x512xf32>
      %select_n3A = arith.select %broadcast_in_dim3A_18, %get3A_2, %broadcast_in_dim3A_19 : vector<4x3x512xi1>, vector<4x3x512xf32>
      %reduce_sum3A = arith.constant dense<0.000000e+00> : vector<4x3xf32>
      %reduce_sum3A_20 = vector.multi_reduction <add>, %select_n3A, %reduce_sum3A [2] : vector<4x3x512xf32> to vector<4x3xf32>
      %broadcast_in_dim3A_21 = vector.shape_cast %reduce_sum3A_20 : vector<4x3xf32> to vector<4x1x3xf32>
      %swap3A = arith.constant 0 : index
      %swap3A_22 = arith.index_cast %scan3A_11 : i32 to index
      %swap3A_23 = arith.constant 0 : index
      %swap3A_24 = vector.load %arg1[%swap3A, %swap3A_22, %swap3A_23] : memref<4x128x3xf32, #tpu.memory_space<vmem>>, vector<4x1x3xf32>
      tpu.vector_store %arg1[%swap3A, %swap3A_22, %swap3A_23], %broadcast_in_dim3A_21 {strides = array<i32>} : memref<4x128x3xf32, #tpu.memory_space<vmem>>, vector<4x1x3xf32>,
      %broadcast_in_dim3A_25 = vector.shape_cast %reduce_sum3A_20 : vector<4x3xf32> to vector<4x3x1xf32>
      %sub3A = vector.broadcast %broadcast_in_dim3A_25 : vector<4x3x1xf32> to vector<4x3x512xf32>
      %sub3A_26 = arith.subf %get3A_2, %sub3A : vector<4x3x512xf32>
      %integer_pow3A = arith.mulf %sub3A_26, %sub3A_26 : vector<4x3x512xf32>
      %reduce_sum3A_27 = arith.constant dense<0.000000e+00> : vector<4x512xf32>
      %reduce_sum3A_28 = vector.multi_reduction <add>, %integer_pow3A, %reduce_sum3A_27 [1] : vector<4x3x512xf32> to vector<4x512xf32>
      %min3A = arith.minimumf %scan3A_12, %reduce_sum3A_28 : vector<4x512xf32>
      %reduce_max3A = arith.constant dense<0xFF800000> : vector<4xf32>
      %reduce_max3A_29 = vector.multi_reduction <maximumf>, %min3A, %reduce_max3A [1] : vector<4x512xf32> to vector<4xf32>
      %broadcast_in_dim3A_30 = vector.shape_cast %reduce_max3A_29 : vector<4xf32> to vector<4x1xf32>
      %eq3A_31 = vector.broadcast %broadcast_in_dim3A_30 : vector<4x1xf32> to vector<4x512xf32>
      %eq3A_32 = arith.cmpf oeq, %min3A, %eq3A_31 : vector<4x512xf32>
      %jit3A_33 = arith.constant 512 : i32
      %broadcast_in_dim3A_34 = vector.shape_cast %iota3A : vector<1x512xi32> to vector<1x512xi32>
      %broadcast_in_dim3A_35 = vector.broadcast %broadcast_in_dim3A_34 : vector<1x512xi32> to vector<4x512xi32>
      %broadcast_in_dim3A_36 = vector.broadcast %jit3A_33 : i32 to vector<4x512xi32>
      %select_n3A_37 = arith.select %eq3A_32, %broadcast_in_dim3A_35, %broadcast_in_dim3A_36 : vector<4x512xi1>, vector<4x512xi32>
      %reduce_min3A = arith.constant dense<2147483647> : vector<4xi32>
      %reduce_min3A_38 = vector.multi_reduction <minsi>, %select_n3A_37, %reduce_min3A [1] : vector<4x512xi32> to vector<4xi32>
      %broadcast_in_dim3A_39 = vector.shape_cast %reduce_min3A_38 : vector<4xi32> to vector<4x1xi32>
      scf.yield %min3A, %broadcast_in_dim3A_39 : vector<4x512xf32>, vector<4x1xi32>
    }
    %scan3A_10 = arith.constant 128 : i32
    return
  }
}

module attributes {stable_mosaic.version = 14 : i64} {
  func.func @_sa_mlp_body(%arg0: i32, %arg1: i32, %arg2: memref<1x4096x4xf32, #tpu.memory_space<vmem>>, %arg3: memref<1x4096x128xf32, #tpu.memory_space<vmem>>, %arg4: memref<1x128x3xf32, #tpu.memory_space<vmem>>, %arg5: memref<3x128xf32, #tpu.memory_space<vmem>>, %arg6: memref<128x128xf32, #tpu.memory_space<vmem>>, %arg7: memref<1x128xf32, #tpu.memory_space<vmem>>, %arg8: memref<128x128xf32, #tpu.memory_space<vmem>>, %arg9: memref<1x128xf32, #tpu.memory_space<vmem>>, %arg10: memref<128x256xf32, #tpu.memory_space<vmem>>, %arg11: memref<1x256xf32, #tpu.memory_space<vmem>>, %arg12: memref<1x128x256xf32, #tpu.memory_space<vmem>>) attributes {dimension_semantics = [#tpu.dimension_semantics<arbitrary>, #tpu.dimension_semantics<arbitrary>], iteration_bounds = array<i64: 4, 4>, scalar_prefetch = 0 : i64, scratch_operands = 0 : i64, tpu.core_type = #tpu.core_type<tc>, window_params = [{transform_indices = @transform_0, window_bounds = array<i64: 1, 4096, 4>}, {transform_indices = @transform_1, window_bounds = array<i64: 1, 4096, 128>}, {transform_indices = @transform_2, window_bounds = array<i64: 1, 128, 3>}, {pipeline_mode = #tpu.pipeline_mode<synchronous>, transform_indices = @transform_3, window_bounds = array<i64: 3, 128>}, {pipeline_mode = #tpu.pipeline_mode<synchronous>, transform_indices = @transform_4, window_bounds = array<i64: 128, 128>}, {pipeline_mode = #tpu.pipeline_mode<synchronous>, transform_indices = @transform_5, window_bounds = array<i64: 1, 128>}, {pipeline_mode = #tpu.pipeline_mode<synchronous>, transform_indices = @transform_6, window_bounds = array<i64: 128, 128>}, {pipeline_mode = #tpu.pipeline_mode<synchronous>, transform_indices = @transform_7, window_bounds = array<i64: 1, 128>}, {pipeline_mode = #tpu.pipeline_mode<synchronous>, transform_indices = @transform_8, window_bounds = array<i64: 128, 256>}, {pipeline_mode = #tpu.pipeline_mode<synchronous>, transform_indices = @transform_9, window_bounds = array<i64: 1, 256>}, {transform_indices = @transform_10, window_bounds = array<i64: 1, 128, 256>}]} {
    %get3A = arith.constant 0 : index
    %get3A_0 = arith.constant 0 : index
    %get3A_1 = arith.constant 0 : index
    %get3A_2 = vector.load %arg4[%get3A, %get3A_0, %get3A_1] : memref<1x128x3xf32, #tpu.memory_space<vmem>>, vector<1x128x3xf32>
    %get3A_3 = vector.shape_cast %get3A_2 : vector<1x128x3xf32> to vector<128x3xf32>
    %broadcast_in_dim3A = vector.shape_cast %get3A_3 : vector<128x3xf32> to vector<128x1x3xf32>
    %broadcast_in_dim3A_4 = vector.shape_cast %broadcast_in_dim3A : vector<128x1x3xf32> to vector<128x1x3xf32>
    %broadcast_in_dim3A_5 = vector.broadcast %broadcast_in_dim3A_4 : vector<128x1x3xf32> to vector<128x32x3xf32>
    %reshape3A = vector.shape_cast %broadcast_in_dim3A_5 : vector<128x32x3xf32> to vector<4096x3xf32>
    %get3A_6 = arith.constant 0 : index
    %get3A_7 = arith.constant 0 : index
    %get3A_8 = arith.constant 0 : index
    %get3A_9 = vector.load %arg2[%get3A_6, %get3A_7, %get3A_8] : memref<1x4096x4xf32, #tpu.memory_space<vmem>>, vector<1x4096x4xf32>
    %get3A_10 = vector.shape_cast %get3A_9 : vector<1x4096x4xf32> to vector<4096x4xf32>
    %slice3A = vector.extract_strided_slice %get3A_10 {offsets = [0, 0], sizes = [4096, 3], strides = [1, 1]} : vector<4096x4xf32> to vector<4096x3xf32>
    %sub3A = arith.subf %slice3A, %reshape3A : vector<4096x3xf32>
    %get3A_11 = arith.constant 0 : index
    %get3A_12 = arith.constant 0 : index
    %get3A_13 = vector.load %arg5[%get3A_11, %get3A_12] : memref<3x128xf32, #tpu.memory_space<vmem>>, vector<3x128xf32>
    %dot_general3A = arith.constant dense<0.000000e+00> : vector<4096x128xf32>
    %dot_general3A_14 = tpu.matmul %sub3A, %get3A_13, %dot_general3A {dimension_numbers = #tpu.dot_dimension_numbers<[1], [0], [0], [1], [0, 0, 1, 1], [], []>, transpose_lhs_hint = false} : vector<4096x3xf32>, vector<3x128xf32>, vector<4096x128xf32> -> vector<4096x128xf32>
    %get3A_15 = arith.constant 0 : index
    %get3A_16 = arith.constant 0 : index
    %get3A_17 = arith.constant 0 : index
    %get3A_18 = vector.load %arg3[%get3A_15, %get3A_16, %get3A_17] : memref<1x4096x128xf32, #tpu.memory_space<vmem>>, vector<1x4096x128xf32>
    %get3A_19 = vector.shape_cast %get3A_18 : vector<1x4096x128xf32> to vector<4096x128xf32>
    %get3A_20 = arith.constant 0 : index
    %get3A_21 = arith.constant 0 : index
    %get3A_22 = vector.load %arg6[%get3A_20, %get3A_21] : memref<128x128xf32, #tpu.memory_space<vmem>>, vector<128x128xf32>
    %dot_general3A_23 = arith.constant dense<0.000000e+00> : vector<4096x128xf32>
    %dot_general3A_24 = tpu.matmul %get3A_19, %get3A_22, %dot_general3A_23 {dimension_numbers = #tpu.dot_dimension_numbers<[1], [0], [0], [1], [0, 0, 1, 1], [], []>, transpose_lhs_hint = false} : vector<4096x128xf32>, vector<128x128xf32>, vector<4096x128xf32> -> vector<4096x128xf32>
    %add3A = arith.addf %dot_general3A_14, %dot_general3A_24 : vector<4096x128xf32>
    %get3A_25 = arith.constant 0 : index
    %get3A_26 = arith.constant 0 : index
    %get3A_27 = vector.load %arg7[%get3A_25, %get3A_26] : memref<1x128xf32, #tpu.memory_space<vmem>>, vector<1x128xf32>
    %add3A_28 = vector.broadcast %get3A_27 : vector<1x128xf32> to vector<4096x128xf32>
    %add3A_29 = arith.addf %add3A, %add3A_28 : vector<4096x128xf32>
    %ge3A = arith.constant 0.000000e+00 : f32
    %ge3A_30 = vector.broadcast %ge3A : f32 to vector<4096x128xf32>
    %ge3A_31 = arith.cmpf oge, %add3A_29, %ge3A_30 : vector<4096x128xf32>
    %mul3A = arith.constant 2.000000e-01 : f32
    %mul3A_32 = vector.broadcast %mul3A : f32 to vector<4096x128xf32>
    %mul3A_33 = arith.mulf %mul3A_32, %add3A_29 : vector<4096x128xf32>
    %select_n3A = arith.select %ge3A_31, %add3A_29, %mul3A_33 : vector<4096x128xi1>, vector<4096x128xf32>
    %get3A_34 = arith.constant 0 : index
    %get3A_35 = arith.constant 0 : index
    %get3A_36 = vector.load %arg8[%get3A_34, %get3A_35] : memref<128x128xf32, #tpu.memory_space<vmem>>, vector<128x128xf32>
    %dot_general3A_37 = arith.constant dense<0.000000e+00> : vector<4096x128xf32>
    %dot_general3A_38 = tpu.matmul %select_n3A, %get3A_36, %dot_general3A_37 {dimension_numbers = #tpu.dot_dimension_numbers<[1], [0], [0], [1], [0, 0, 1, 1], [], []>, transpose_lhs_hint = false} : vector<4096x128xf32>, vector<128x128xf32>, vector<4096x128xf32> -> vector<4096x128xf32>
    %get3A_39 = arith.constant 0 : index
    %get3A_40 = arith.constant 0 : index
    %get3A_41 = vector.load %arg9[%get3A_39, %get3A_40] : memref<1x128xf32, #tpu.memory_space<vmem>>, vector<1x128xf32>
    %add3A_42 = vector.broadcast %get3A_41 : vector<1x128xf32> to vector<4096x128xf32>
    %add3A_43 = arith.addf %dot_general3A_38, %add3A_42 : vector<4096x128xf32>
    %ge3A_44 = arith.constant 0.000000e+00 : f32
    %ge3A_45 = vector.broadcast %ge3A_44 : f32 to vector<4096x128xf32>
    %ge3A_46 = arith.cmpf oge, %add3A_43, %ge3A_45 : vector<4096x128xf32>
    %mul3A_47 = arith.constant 2.000000e-01 : f32
    %mul3A_48 = vector.broadcast %mul3A_47 : f32 to vector<4096x128xf32>
    %mul3A_49 = arith.mulf %mul3A_48, %add3A_43 : vector<4096x128xf32>
    %select_n3A_50 = arith.select %ge3A_46, %add3A_43, %mul3A_49 : vector<4096x128xi1>, vector<4096x128xf32>
    %get3A_51 = arith.constant 0 : index
    %get3A_52 = arith.constant 0 : index
    %get3A_53 = vector.load %arg10[%get3A_51, %get3A_52] : memref<128x256xf32, #tpu.memory_space<vmem>>, vector<128x256xf32>
    %dot_general3A_54 = arith.constant dense<0.000000e+00> : vector<4096x256xf32>
    %dot_general3A_55 = tpu.matmul %select_n3A_50, %get3A_53, %dot_general3A_54 {dimension_numbers = #tpu.dot_dimension_numbers<[1], [0], [0], [1], [0, 0, 1, 1], [], []>, transpose_lhs_hint = false} : vector<4096x128xf32>, vector<128x256xf32>, vector<4096x256xf32> -> vector<4096x256xf32>
    %get3A_56 = arith.constant 0 : index
    %get3A_57 = arith.constant 0 : index
    %get3A_58 = vector.load %arg11[%get3A_56, %get3A_57] : memref<1x256xf32, #tpu.memory_space<vmem>>, vector<1x256xf32>
    %add3A_59 = vector.broadcast %get3A_58 : vector<1x256xf32> to vector<4096x256xf32>
    %add3A_60 = arith.addf %dot_general3A_55, %add3A_59 : vector<4096x256xf32>
    %ge3A_61 = arith.constant 0.000000e+00 : f32
    %ge3A_62 = vector.broadcast %ge3A_61 : f32 to vector<4096x256xf32>
    %ge3A_63 = arith.cmpf oge, %add3A_60, %ge3A_62 : vector<4096x256xf32>
    %mul3A_64 = arith.constant 2.000000e-01 : f32
    %mul3A_65 = vector.broadcast %mul3A_64 : f32 to vector<4096x256xf32>
    %mul3A_66 = arith.mulf %mul3A_65, %add3A_60 : vector<4096x256xf32>
    %select_n3A_67 = arith.select %ge3A_63, %add3A_60, %mul3A_66 : vector<4096x256xi1>, vector<4096x256xf32>
    %reshape3A_68 = vector.shape_cast %select_n3A_67 : vector<4096x256xf32> to vector<128x32x256xf32>
    %reduce_max3A = arith.constant dense<0xFF800000> : vector<128x256xf32>
    %reduce_max3A_69 = vector.multi_reduction <maximumf>, %reshape3A_68, %reduce_max3A [1] : vector<128x32x256xf32> to vector<128x256xf32>
    %swap3A = arith.constant 0 : index
    %swap3A_70 = arith.constant 0 : index
    %swap3A_71 = arith.constant 0 : index
    %swap3A_72 = vector.load %arg12[%swap3A, %swap3A_70, %swap3A_71] : memref<1x128x256xf32, #tpu.memory_space<vmem>>, vector<1x128x256xf32>
    %swap3A_73 = vector.shape_cast %swap3A_72 : vector<1x128x256xf32> to vector<128x256xf32>
    %swap3A_74 = vector.shape_cast %reduce_max3A_69 : vector<128x256xf32> to vector<1x128x256xf32>
    tpu.vector_store %arg12[%swap3A, %swap3A_70, %swap3A_71], %swap3A_74 {strides = array<i32>} : memref<1x128x256xf32, #tpu.memory_space<vmem>>, vector<1x128x256xf32>,
    return
  }
  func.func @transform_0(%arg0: i32, %arg1: i32) -> (i32, i32, i32) {
    %c0_i32 = arith.constant 0 : i32
    %c0_i32_0 = arith.constant 0 : i32
    return %arg0, %arg1, %c0_i32 : i32, i32, i32
  }
  func.func @transform_1(%arg0: i32, %arg1: i32) -> (i32, i32, i32) {
    %c0_i32 = arith.constant 0 : i32
    %c0_i32_0 = arith.constant 0 : i32
    return %arg0, %arg1, %c0_i32 : i32, i32, i32
  }
  func.func @transform_2(%arg0: i32, %arg1: i32) -> (i32, i32, i32) {
    %c0_i32 = arith.constant 0 : i32
    %c0_i32_0 = arith.constant 0 : i32
    return %arg0, %arg1, %c0_i32 : i32, i32, i32
  }
  func.func @transform_3(%arg0: i32, %arg1: i32) -> (i32, i32) {
    %c0_i32 = arith.constant 0 : i32
    %c0_i32_0 = arith.constant 0 : i32
    %c0_i32_1 = arith.constant 0 : i32
    return %c0_i32, %c0_i32_0 : i32, i32
  }
  func.func @transform_4(%arg0: i32, %arg1: i32) -> (i32, i32) {
    %c0_i32 = arith.constant 0 : i32
    %c0_i32_0 = arith.constant 0 : i32
    %c0_i32_1 = arith.constant 0 : i32
    return %c0_i32, %c0_i32_0 : i32, i32
  }
  func.func @transform_5(%arg0: i32, %arg1: i32) -> (i32, i32) {
    %c0_i32 = arith.constant 0 : i32
    %c0_i32_0 = arith.constant 0 : i32
    %c0_i32_1 = arith.constant 0 : i32
    return %c0_i32, %c0_i32_0 : i32, i32
  }
  func.func @transform_6(%arg0: i32, %arg1: i32) -> (i32, i32) {
    %c0_i32 = arith.constant 0 : i32
    %c0_i32_0 = arith.constant 0 : i32
    %c0_i32_1 = arith.constant 0 : i32
    return %c0_i32, %c0_i32_0 : i32, i32
  }
  func.func @transform_7(%arg0: i32, %arg1: i32) -> (i32, i32) {
    %c0_i32 = arith.constant 0 : i32
    %c0_i32_0 = arith.constant 0 : i32
    %c0_i32_1 = arith.constant 0 : i32
    return %c0_i32, %c0_i32_0 : i32, i32
  }
  func.func @transform_8(%arg0: i32, %arg1: i32) -> (i32, i32) {
    %c0_i32 = arith.constant 0 : i32
    %c0_i32_0 = arith.constant 0 : i32
    %c0_i32_1 = arith.constant 0 : i32
    return %c0_i32, %c0_i32_0 : i32, i32
  }
  func.func @transform_9(%arg0: i32, %arg1: i32) -> (i32, i32) {
    %c0_i32 = arith.constant 0 : i32
    %c0_i32_0 = arith.constant 0 : i32
    %c0_i32_1 = arith.constant 0 : i32
    return %c0_i32, %c0_i32_0 : i32, i32
  }
  func.func @transform_10(%arg0: i32, %arg1: i32) -> (i32, i32, i32) {
    %c0_i32 = arith.constant 0 : i32
    %c0_i32_0 = arith.constant 0 : i32
    return %arg0, %arg1, %c0_i32 : i32, i32, i32
  }
}

module attributes {stable_mosaic.version = 14 : i64} {
  func.func @_sa_mlp_body(%arg0: i32, %arg1: i32, %arg2: memref<1x2048x4xf32, #tpu.memory_space<vmem>>, %arg3: memref<1x2048x256xf32, #tpu.memory_space<vmem>>, %arg4: memref<1x64x3xf32, #tpu.memory_space<vmem>>, %arg5: memref<3x256xf32, #tpu.memory_space<vmem>>, %arg6: memref<256x256xf32, #tpu.memory_space<vmem>>, %arg7: memref<1x256xf32, #tpu.memory_space<vmem>>, %arg8: memref<256x256xf32, #tpu.memory_space<vmem>>, %arg9: memref<1x256xf32, #tpu.memory_space<vmem>>, %arg10: memref<256x512xf32, #tpu.memory_space<vmem>>, %arg11: memref<1x512xf32, #tpu.memory_space<vmem>>, %arg12: memref<1x64x512xf32, #tpu.memory_space<vmem>>) attributes {dimension_semantics = [#tpu.dimension_semantics<arbitrary>, #tpu.dimension_semantics<arbitrary>], iteration_bounds = array<i64: 4, 2>, scalar_prefetch = 0 : i64, scratch_operands = 0 : i64, tpu.core_type = #tpu.core_type<tc>, window_params = [{transform_indices = @transform_0, window_bounds = array<i64: 1, 2048, 4>}, {transform_indices = @transform_1, window_bounds = array<i64: 1, 2048, 256>}, {transform_indices = @transform_2, window_bounds = array<i64: 1, 64, 3>}, {pipeline_mode = #tpu.pipeline_mode<synchronous>, transform_indices = @transform_3, window_bounds = array<i64: 3, 256>}, {pipeline_mode = #tpu.pipeline_mode<synchronous>, transform_indices = @transform_4, window_bounds = array<i64: 256, 256>}, {pipeline_mode = #tpu.pipeline_mode<synchronous>, transform_indices = @transform_5, window_bounds = array<i64: 1, 256>}, {pipeline_mode = #tpu.pipeline_mode<synchronous>, transform_indices = @transform_6, window_bounds = array<i64: 256, 256>}, {pipeline_mode = #tpu.pipeline_mode<synchronous>, transform_indices = @transform_7, window_bounds = array<i64: 1, 256>}, {pipeline_mode = #tpu.pipeline_mode<synchronous>, transform_indices = @transform_8, window_bounds = array<i64: 256, 512>}, {pipeline_mode = #tpu.pipeline_mode<synchronous>, transform_indices = @transform_9, window_bounds = array<i64: 1, 512>}, {transform_indices = @transform_10, window_bounds = array<i64: 1, 64, 512>}]} {
    %get3A = arith.constant 0 : index
    %get3A_0 = arith.constant 0 : index
    %get3A_1 = arith.constant 0 : index
    %get3A_2 = vector.load %arg4[%get3A, %get3A_0, %get3A_1] : memref<1x64x3xf32, #tpu.memory_space<vmem>>, vector<1x64x3xf32>
    %get3A_3 = vector.shape_cast %get3A_2 : vector<1x64x3xf32> to vector<64x3xf32>
    %broadcast_in_dim3A = vector.shape_cast %get3A_3 : vector<64x3xf32> to vector<64x1x3xf32>
    %broadcast_in_dim3A_4 = vector.shape_cast %broadcast_in_dim3A : vector<64x1x3xf32> to vector<64x1x3xf32>
    %broadcast_in_dim3A_5 = vector.broadcast %broadcast_in_dim3A_4 : vector<64x1x3xf32> to vector<64x32x3xf32>
    %reshape3A = vector.shape_cast %broadcast_in_dim3A_5 : vector<64x32x3xf32> to vector<2048x3xf32>
    %get3A_6 = arith.constant 0 : index
    %get3A_7 = arith.constant 0 : index
    %get3A_8 = arith.constant 0 : index
    %get3A_9 = vector.load %arg2[%get3A_6, %get3A_7, %get3A_8] : memref<1x2048x4xf32, #tpu.memory_space<vmem>>, vector<1x2048x4xf32>
    %get3A_10 = vector.shape_cast %get3A_9 : vector<1x2048x4xf32> to vector<2048x4xf32>
    %slice3A = vector.extract_strided_slice %get3A_10 {offsets = [0, 0], sizes = [2048, 3], strides = [1, 1]} : vector<2048x4xf32> to vector<2048x3xf32>
    %sub3A = arith.subf %slice3A, %reshape3A : vector<2048x3xf32>
    %get3A_11 = arith.constant 0 : index
    %get3A_12 = arith.constant 0 : index
    %get3A_13 = vector.load %arg5[%get3A_11, %get3A_12] : memref<3x256xf32, #tpu.memory_space<vmem>>, vector<3x256xf32>
    %dot_general3A = arith.constant dense<0.000000e+00> : vector<2048x256xf32>
    %dot_general3A_14 = tpu.matmul %sub3A, %get3A_13, %dot_general3A {dimension_numbers = #tpu.dot_dimension_numbers<[1], [0], [0], [1], [0, 0, 1, 1], [], []>, transpose_lhs_hint = false} : vector<2048x3xf32>, vector<3x256xf32>, vector<2048x256xf32> -> vector<2048x256xf32>
    %get3A_15 = arith.constant 0 : index
    %get3A_16 = arith.constant 0 : index
    %get3A_17 = arith.constant 0 : index
    %get3A_18 = vector.load %arg3[%get3A_15, %get3A_16, %get3A_17] : memref<1x2048x256xf32, #tpu.memory_space<vmem>>, vector<1x2048x256xf32>
    %get3A_19 = vector.shape_cast %get3A_18 : vector<1x2048x256xf32> to vector<2048x256xf32>
    %get3A_20 = arith.constant 0 : index
    %get3A_21 = arith.constant 0 : index
    %get3A_22 = vector.load %arg6[%get3A_20, %get3A_21] : memref<256x256xf32, #tpu.memory_space<vmem>>, vector<256x256xf32>
    %dot_general3A_23 = arith.constant dense<0.000000e+00> : vector<2048x256xf32>
    %dot_general3A_24 = tpu.matmul %get3A_19, %get3A_22, %dot_general3A_23 {dimension_numbers = #tpu.dot_dimension_numbers<[1], [0], [0], [1], [0, 0, 1, 1], [], []>, transpose_lhs_hint = false} : vector<2048x256xf32>, vector<256x256xf32>, vector<2048x256xf32> -> vector<2048x256xf32>
    %add3A = arith.addf %dot_general3A_14, %dot_general3A_24 : vector<2048x256xf32>
    %get3A_25 = arith.constant 0 : index
    %get3A_26 = arith.constant 0 : index
    %get3A_27 = vector.load %arg7[%get3A_25, %get3A_26] : memref<1x256xf32, #tpu.memory_space<vmem>>, vector<1x256xf32>
    %add3A_28 = vector.broadcast %get3A_27 : vector<1x256xf32> to vector<2048x256xf32>
    %add3A_29 = arith.addf %add3A, %add3A_28 : vector<2048x256xf32>
    %ge3A = arith.constant 0.000000e+00 : f32
    %ge3A_30 = vector.broadcast %ge3A : f32 to vector<2048x256xf32>
    %ge3A_31 = arith.cmpf oge, %add3A_29, %ge3A_30 : vector<2048x256xf32>
    %mul3A = arith.constant 2.000000e-01 : f32
    %mul3A_32 = vector.broadcast %mul3A : f32 to vector<2048x256xf32>
    %mul3A_33 = arith.mulf %mul3A_32, %add3A_29 : vector<2048x256xf32>
    %select_n3A = arith.select %ge3A_31, %add3A_29, %mul3A_33 : vector<2048x256xi1>, vector<2048x256xf32>
    %get3A_34 = arith.constant 0 : index
    %get3A_35 = arith.constant 0 : index
    %get3A_36 = vector.load %arg8[%get3A_34, %get3A_35] : memref<256x256xf32, #tpu.memory_space<vmem>>, vector<256x256xf32>
    %dot_general3A_37 = arith.constant dense<0.000000e+00> : vector<2048x256xf32>
    %dot_general3A_38 = tpu.matmul %select_n3A, %get3A_36, %dot_general3A_37 {dimension_numbers = #tpu.dot_dimension_numbers<[1], [0], [0], [1], [0, 0, 1, 1], [], []>, transpose_lhs_hint = false} : vector<2048x256xf32>, vector<256x256xf32>, vector<2048x256xf32> -> vector<2048x256xf32>
    %get3A_39 = arith.constant 0 : index
    %get3A_40 = arith.constant 0 : index
    %get3A_41 = vector.load %arg9[%get3A_39, %get3A_40] : memref<1x256xf32, #tpu.memory_space<vmem>>, vector<1x256xf32>
    %add3A_42 = vector.broadcast %get3A_41 : vector<1x256xf32> to vector<2048x256xf32>
    %add3A_43 = arith.addf %dot_general3A_38, %add3A_42 : vector<2048x256xf32>
    %ge3A_44 = arith.constant 0.000000e+00 : f32
    %ge3A_45 = vector.broadcast %ge3A_44 : f32 to vector<2048x256xf32>
    %ge3A_46 = arith.cmpf oge, %add3A_43, %ge3A_45 : vector<2048x256xf32>
    %mul3A_47 = arith.constant 2.000000e-01 : f32
    %mul3A_48 = vector.broadcast %mul3A_47 : f32 to vector<2048x256xf32>
    %mul3A_49 = arith.mulf %mul3A_48, %add3A_43 : vector<2048x256xf32>
    %select_n3A_50 = arith.select %ge3A_46, %add3A_43, %mul3A_49 : vector<2048x256xi1>, vector<2048x256xf32>
    %get3A_51 = arith.constant 0 : index
    %get3A_52 = arith.constant 0 : index
    %get3A_53 = vector.load %arg10[%get3A_51, %get3A_52] : memref<256x512xf32, #tpu.memory_space<vmem>>, vector<256x512xf32>
    %dot_general3A_54 = arith.constant dense<0.000000e+00> : vector<2048x512xf32>
    %dot_general3A_55 = tpu.matmul %select_n3A_50, %get3A_53, %dot_general3A_54 {dimension_numbers = #tpu.dot_dimension_numbers<[1], [0], [0], [1], [0, 0, 1, 1], [], []>, transpose_lhs_hint = false} : vector<2048x256xf32>, vector<256x512xf32>, vector<2048x512xf32> -> vector<2048x512xf32>
    %get3A_56 = arith.constant 0 : index
    %get3A_57 = arith.constant 0 : index
    %get3A_58 = vector.load %arg11[%get3A_56, %get3A_57] : memref<1x512xf32, #tpu.memory_space<vmem>>, vector<1x512xf32>
    %add3A_59 = vector.broadcast %get3A_58 : vector<1x512xf32> to vector<2048x512xf32>
    %add3A_60 = arith.addf %dot_general3A_55, %add3A_59 : vector<2048x512xf32>
    %ge3A_61 = arith.constant 0.000000e+00 : f32
    %ge3A_62 = vector.broadcast %ge3A_61 : f32 to vector<2048x512xf32>
    %ge3A_63 = arith.cmpf oge, %add3A_60, %ge3A_62 : vector<2048x512xf32>
    %mul3A_64 = arith.constant 2.000000e-01 : f32
    %mul3A_65 = vector.broadcast %mul3A_64 : f32 to vector<2048x512xf32>
    %mul3A_66 = arith.mulf %mul3A_65, %add3A_60 : vector<2048x512xf32>
    %select_n3A_67 = arith.select %ge3A_63, %add3A_60, %mul3A_66 : vector<2048x512xi1>, vector<2048x512xf32>
    %reshape3A_68 = vector.shape_cast %select_n3A_67 : vector<2048x512xf32> to vector<64x32x512xf32>
    %reduce_max3A = arith.constant dense<0xFF800000> : vector<64x512xf32>
    %reduce_max3A_69 = vector.multi_reduction <maximumf>, %reshape3A_68, %reduce_max3A [1] : vector<64x32x512xf32> to vector<64x512xf32>
    %swap3A = arith.constant 0 : index
    %swap3A_70 = arith.constant 0 : index
    %swap3A_71 = arith.constant 0 : index
    %swap3A_72 = vector.load %arg12[%swap3A, %swap3A_70, %swap3A_71] : memref<1x64x512xf32, #tpu.memory_space<vmem>>, vector<1x64x512xf32>
    %swap3A_73 = vector.shape_cast %swap3A_72 : vector<1x64x512xf32> to vector<64x512xf32>
    %swap3A_74 = vector.shape_cast %reduce_max3A_69 : vector<64x512xf32> to vector<1x64x512xf32>
    tpu.vector_store %arg12[%swap3A, %swap3A_70, %swap3A_71], %swap3A_74 {strides = array<i32>} : memref<1x64x512xf32, #tpu.memory_space<vmem>>, vector<1x64x512xf32>,
    return
  }
  func.func @transform_0(%arg0: i32, %arg1: i32) -> (i32, i32, i32) {
    %c0_i32 = arith.constant 0 : i32
    %c0_i32_0 = arith.constant 0 : i32
    return %arg0, %arg1, %c0_i32 : i32, i32, i32
  }
  func.func @transform_1(%arg0: i32, %arg1: i32) -> (i32, i32, i32) {
    %c0_i32 = arith.constant 0 : i32
    %c0_i32_0 = arith.constant 0 : i32
    return %arg0, %arg1, %c0_i32 : i32, i32, i32
  }
  func.func @transform_2(%arg0: i32, %arg1: i32) -> (i32, i32, i32) {
    %c0_i32 = arith.constant 0 : i32
    %c0_i32_0 = arith.constant 0 : i32
    return %arg0, %arg1, %c0_i32 : i32, i32, i32
  }
  func.func @transform_3(%arg0: i32, %arg1: i32) -> (i32, i32) {
    %c0_i32 = arith.constant 0 : i32
    %c0_i32_0 = arith.constant 0 : i32
    %c0_i32_1 = arith.constant 0 : i32
    return %c0_i32, %c0_i32_0 : i32, i32
  }
  func.func @transform_4(%arg0: i32, %arg1: i32) -> (i32, i32) {
    %c0_i32 = arith.constant 0 : i32
    %c0_i32_0 = arith.constant 0 : i32
    %c0_i32_1 = arith.constant 0 : i32
    return %c0_i32, %c0_i32_0 : i32, i32
  }
  func.func @transform_5(%arg0: i32, %arg1: i32) -> (i32, i32) {
    %c0_i32 = arith.constant 0 : i32
    %c0_i32_0 = arith.constant 0 : i32
    %c0_i32_1 = arith.constant 0 : i32
    return %c0_i32, %c0_i32_0 : i32, i32
  }
  func.func @transform_6(%arg0: i32, %arg1: i32) -> (i32, i32) {
    %c0_i32 = arith.constant 0 : i32
    %c0_i32_0 = arith.constant 0 : i32
    %c0_i32_1 = arith.constant 0 : i32
    return %c0_i32, %c0_i32_0 : i32, i32
  }
  func.func @transform_7(%arg0: i32, %arg1: i32) -> (i32, i32) {
    %c0_i32 = arith.constant 0 : i32
    %c0_i32_0 = arith.constant 0 : i32
    %c0_i32_1 = arith.constant 0 : i32
    return %c0_i32, %c0_i32_0 : i32, i32
  }
  func.func @transform_8(%arg0: i32, %arg1: i32) -> (i32, i32) {
    %c0_i32 = arith.constant 0 : i32
    %c0_i32_0 = arith.constant 0 : i32
    %c0_i32_1 = arith.constant 0 : i32
    return %c0_i32, %c0_i32_0 : i32, i32
  }
  func.func @transform_9(%arg0: i32, %arg1: i32) -> (i32, i32) {
    %c0_i32 = arith.constant 0 : i32
    %c0_i32_0 = arith.constant 0 : i32
    %c0_i32_1 = arith.constant 0 : i32
    return %c0_i32, %c0_i32_0 : i32, i32
  }
  func.func @transform_10(%arg0: i32, %arg1: i32) -> (i32, i32, i32) {
    %c0_i32 = arith.constant 0 : i32
    %c0_i32_0 = arith.constant 0 : i32
    return %arg0, %arg1, %c0_i32 : i32, i32, i32
  }
}

module attributes {stable_mosaic.version = 14 : i64} {
  func.func @_fp_body(%arg0: i32, %arg1: i32, %arg2: memref<1x512x3xf32, #tpu.memory_space<vmem>>, %arg3: memref<1x3x128xf32, #tpu.memory_space<vmem>>, %arg4: memref<1x512x256xf32, #tpu.memory_space<vmem>>, %arg5: memref<1x128x512xf32, #tpu.memory_space<vmem>>, %arg6: memref<512x512xf32, #tpu.memory_space<vmem>>, %arg7: memref<256x512xf32, #tpu.memory_space<vmem>>, %arg8: memref<1x512xf32, #tpu.memory_space<vmem>>, %arg9: memref<512x512xf32, #tpu.memory_space<vmem>>, %arg10: memref<1x512xf32, #tpu.memory_space<vmem>>, %arg11: memref<3x1xf32, #tpu.memory_space<vmem>>, %arg12: memref<512x1xf32, #tpu.memory_space<vmem>>, %arg13: memref<1x1xf32, #tpu.memory_space<vmem>>, %arg14: memref<1x512x512xf32, #tpu.memory_space<vmem>>) attributes {dimension_semantics = [#tpu.dimension_semantics<arbitrary>, #tpu.dimension_semantics<arbitrary>], iteration_bounds = array<i64: 4, 1>, scalar_prefetch = 0 : i64, scratch_operands = 0 : i64, tpu.core_type = #tpu.core_type<tc>, window_params = [{transform_indices = @transform_0, window_bounds = array<i64: 1, 512, 3>}, {transform_indices = @transform_1, window_bounds = array<i64: 1, 3, 128>}, {transform_indices = @transform_2, window_bounds = array<i64: 1, 512, 256>}, {transform_indices = @transform_3, window_bounds = array<i64: 1, 128, 512>}, {pipeline_mode = #tpu.pipeline_mode<synchronous>, transform_indices = @transform_4, window_bounds = array<i64: 512, 512>}, {pipeline_mode = #tpu.pipeline_mode<synchronous>, transform_indices = @transform_5, window_bounds = array<i64: 256, 512>}, {pipeline_mode = #tpu.pipeline_mode<synchronous>, transform_indices = @transform_6, window_bounds = array<i64: 1, 512>}, {pipeline_mode = #tpu.pipeline_mode<synchronous>, transform_indices = @transform_7, window_bounds = array<i64: 512, 512>}, {pipeline_mode = #tpu.pipeline_mode<synchronous>, transform_indices = @transform_8, window_bounds = array<i64: 1, 512>}, {pipeline_mode = #tpu.pipeline_mode<synchronous>, transform_indices = @transform_9, window_bounds = array<i64: 3, 1>}, {pipeline_mode = #tpu.pipeline_mode<synchronous>, transform_indices = @transform_10, window_bounds = array<i64: 512, 1>}, {pipeline_mode = #tpu.pipeline_mode<synchronous>, transform_indices = @transform_11, window_bounds = array<i64: 1, 1>}, {transform_indices = @transform_12, window_bounds = array<i64: 1, 512, 512>}]} {
    %get3A = arith.constant 0 : index
    %get3A_0 = arith.constant 0 : index
    %get3A_1 = arith.constant 0 : index
    %get3A_2 = vector.load %arg2[%get3A, %get3A_0, %get3A_1] : memref<1x512x3xf32, #tpu.memory_space<vmem>>, vector<1x512x3xf32>
    %get3A_3 = vector.shape_cast %get3A_2 : vector<1x512x3xf32> to vector<512x3xf32>
    %get3A_4 = arith.constant 0 : index
    %get3A_5 = arith.constant 0 : index
    %get3A_6 = arith.constant 0 : index
    %get3A_7 = vector.load %arg3[%get3A_4, %get3A_5, %get3A_6] : memref<1x3x128xf32, #tpu.memory_space<vmem>>, vector<1x3x128xf32>
    %get3A_8 = vector.shape_cast %get3A_7 : vector<1x3x128xf32> to vector<3x128xf32>
    %slice3A = vector.extract_strided_slice %get3A_8 {offsets = [0, 0], sizes = [1, 128], strides = [1, 1]} : vector<3x128xf32> to vector<1x128xf32>
    %slice3A_9 = vector.extract_strided_slice %get3A_3 {offsets = [0, 0], sizes = [512, 1], strides = [1, 1]} : vector<512x3xf32> to vector<512x1xf32>
    %sub3A = vector.broadcast %slice3A : vector<1x128xf32> to vector<512x128xf32>
    %sub3A_10 = vector.broadcast %slice3A_9 : vector<512x1xf32> to vector<512x128xf32>
    %sub3A_11 = arith.subf %sub3A, %sub3A_10 : vector<512x128xf32>
    %integer_pow3A = arith.mulf %sub3A_11, %sub3A_11 : vector<512x128xf32>
    %slice3A_12 = vector.extract_strided_slice %get3A_8 {offsets = [1, 0], sizes = [1, 128], strides = [1, 1]} : vector<3x128xf32> to vector<1x128xf32>
    %slice3A_13 = vector.extract_strided_slice %get3A_3 {offsets = [0, 1], sizes = [512, 1], strides = [1, 1]} : vector<512x3xf32> to vector<512x1xf32>
    %sub3A_14 = vector.broadcast %slice3A_12 : vector<1x128xf32> to vector<512x128xf32>
    %sub3A_15 = vector.broadcast %slice3A_13 : vector<512x1xf32> to vector<512x128xf32>
    %sub3A_16 = arith.subf %sub3A_14, %sub3A_15 : vector<512x128xf32>
    %integer_pow3A_17 = arith.mulf %sub3A_16, %sub3A_16 : vector<512x128xf32>
    %add3A = arith.addf %integer_pow3A, %integer_pow3A_17 : vector<512x128xf32>
    %slice3A_18 = vector.extract_strided_slice %get3A_8 {offsets = [2, 0], sizes = [1, 128], strides = [1, 1]} : vector<3x128xf32> to vector<1x128xf32>
    %slice3A_19 = vector.extract_strided_slice %get3A_3 {offsets = [0, 2], sizes = [512, 1], strides = [1, 1]} : vector<512x3xf32> to vector<512x1xf32>
    %sub3A_20 = vector.broadcast %slice3A_18 : vector<1x128xf32> to vector<512x128xf32>
    %sub3A_21 = vector.broadcast %slice3A_19 : vector<512x1xf32> to vector<512x128xf32>
    %sub3A_22 = arith.subf %sub3A_20, %sub3A_21 : vector<512x128xf32>
    %integer_pow3A_23 = arith.mulf %sub3A_22, %sub3A_22 : vector<512x128xf32>
    %add3A_24 = arith.addf %add3A, %integer_pow3A_23 : vector<512x128xf32>
    %iota3A = tpu.iota {dimensions = array<i32: 1>} : vector<1x128xi32>
    %reduce_min3A = arith.constant dense<0x7F800000> : vector<512xf32>
    %reduce_min3A_25 = vector.multi_reduction <minimumf>, %add3A_24, %reduce_min3A [1] : vector<512x128xf32> to vector<512xf32>
    %broadcast_in_dim3A = vector.shape_cast %reduce_min3A_25 : vector<512xf32> to vector<512x1xf32>
    %eq3A = vector.broadcast %broadcast_in_dim3A : vector<512x1xf32> to vector<512x128xf32>
    %eq3A_26 = arith.cmpf oeq, %add3A_24, %eq3A : vector<512x128xf32>
    %jit3A = arith.constant 128 : i32
    %broadcast_in_dim3A_27 = vector.shape_cast %iota3A : vector<1x128xi32> to vector<1x128xi32>
    %broadcast_in_dim3A_28 = vector.broadcast %broadcast_in_dim3A_27 : vector<1x128xi32> to vector<512x128xi32>
    %broadcast_in_dim3A_29 = vector.broadcast %jit3A : i32 to vector<512x128xi32>
    %select_n3A = arith.select %eq3A_26, %broadcast_in_dim3A_28, %broadcast_in_dim3A_29 : vector<512x128xi1>, vector<512x128xi32>
    %reduce_min3A_30 = arith.constant dense<2147483647> : vector<512xi32>
    %reduce_min3A_31 = vector.multi_reduction <minsi>, %select_n3A, %reduce_min3A_30 [1] : vector<512x128xi32> to vector<512xi32>
    %broadcast_in_dim3A_32 = vector.shape_cast %reduce_min3A_31 : vector<512xi32> to vector<512x1xi32>
    %eq3A_33 = vector.broadcast %iota3A : vector<1x128xi32> to vector<512x128xi32>
    %eq3A_34 = vector.broadcast %broadcast_in_dim3A_32 : vector<512x1xi32> to vector<512x128xi32>
    %eq3A_35 = arith.cmpi eq, %eq3A_33, %eq3A_34 : vector<512x128xi32>
    %jit3A_36 = arith.constant 3.000000e+38 : f32
    %broadcast_in_dim3A_37 = vector.broadcast %jit3A_36 : f32 to vector<512x128xf32>
    %select_n3A_38 = arith.select %eq3A_35, %broadcast_in_dim3A_37, %add3A_24 : vector<512x128xi1>, vector<512x128xf32>
    %reduce_min3A_39 = arith.constant dense<0x7F800000> : vector<512xf32>
    %reduce_min3A_40 = vector.multi_reduction <minimumf>, %select_n3A_38, %reduce_min3A_39 [1] : vector<512x128xf32> to vector<512xf32>
    %broadcast_in_dim3A_41 = vector.shape_cast %reduce_min3A_40 : vector<512xf32> to vector<512x1xf32>
    %eq3A_42 = vector.broadcast %broadcast_in_dim3A_41 : vector<512x1xf32> to vector<512x128xf32>
    %eq3A_43 = arith.cmpf oeq, %select_n3A_38, %eq3A_42 : vector<512x128xf32>
    %jit3A_44 = arith.constant 128 : i32
    %broadcast_in_dim3A_45 = vector.shape_cast %iota3A : vector<1x128xi32> to vector<1x128xi32>
    %broadcast_in_dim3A_46 = vector.broadcast %broadcast_in_dim3A_45 : vector<1x128xi32> to vector<512x128xi32>
    %broadcast_in_dim3A_47 = vector.broadcast %jit3A_44 : i32 to vector<512x128xi32>
    %select_n3A_48 = arith.select %eq3A_43, %broadcast_in_dim3A_46, %broadcast_in_dim3A_47 : vector<512x128xi1>, vector<512x128xi32>
    %reduce_min3A_49 = arith.constant dense<2147483647> : vector<512xi32>
    %reduce_min3A_50 = vector.multi_reduction <minsi>, %select_n3A_48, %reduce_min3A_49 [1] : vector<512x128xi32> to vector<512xi32>
    %broadcast_in_dim3A_51 = vector.shape_cast %reduce_min3A_50 : vector<512xi32> to vector<512x1xi32>
    %eq3A_52 = vector.broadcast %iota3A : vector<1x128xi32> to vector<512x128xi32>
    %eq3A_53 = vector.broadcast %broadcast_in_dim3A_51 : vector<512x1xi32> to vector<512x128xi32>
    %eq3A_54 = arith.cmpi eq, %eq3A_52, %eq3A_53 : vector<512x128xi32>
    %jit3A_55 = arith.constant 3.000000e+38 : f32
    %broadcast_in_dim3A_56 = vector.broadcast %jit3A_55 : f32 to vector<512x128xf32>
    %select_n3A_57 = arith.select %eq3A_54, %broadcast_in_dim3A_56, %select_n3A_38 : vector<512x128xi1>, vector<512x128xf32>
    %reduce_min3A_58 = arith.constant dense<0x7F800000> : vector<512xf32>
    %reduce_min3A_59 = vector.multi_reduction <minimumf>, %select_n3A_57, %reduce_min3A_58 [1] : vector<512x128xf32> to vector<512xf32>
    %broadcast_in_dim3A_60 = vector.shape_cast %reduce_min3A_59 : vector<512xf32> to vector<512x1xf32>
    %eq3A_61 = vector.broadcast %broadcast_in_dim3A_60 : vector<512x1xf32> to vector<512x128xf32>
    %eq3A_62 = arith.cmpf oeq, %select_n3A_57, %eq3A_61 : vector<512x128xf32>
    %jit3A_63 = arith.constant 128 : i32
    %broadcast_in_dim3A_64 = vector.shape_cast %iota3A : vector<1x128xi32> to vector<1x128xi32>
    %broadcast_in_dim3A_65 = vector.broadcast %broadcast_in_dim3A_64 : vector<1x128xi32> to vector<512x128xi32>
    %broadcast_in_dim3A_66 = vector.broadcast %jit3A_63 : i32 to vector<512x128xi32>
    %select_n3A_67 = arith.select %eq3A_62, %broadcast_in_dim3A_65, %broadcast_in_dim3A_66 : vector<512x128xi1>, vector<512x128xi32>
    %reduce_min3A_68 = arith.constant dense<2147483647> : vector<512xi32>
    %reduce_min3A_69 = vector.multi_reduction <minsi>, %select_n3A_67, %reduce_min3A_68 [1] : vector<512x128xi32> to vector<512xi32>
    %broadcast_in_dim3A_70 = vector.shape_cast %reduce_min3A_69 : vector<512xi32> to vector<512x1xi32>
    %eq3A_71 = vector.broadcast %iota3A : vector<1x128xi32> to vector<512x128xi32>
    %eq3A_72 = vector.broadcast %broadcast_in_dim3A_70 : vector<512x1xi32> to vector<512x128xi32>
    %eq3A_73 = arith.cmpi eq, %eq3A_71, %eq3A_72 : vector<512x128xi32>
    %max3A = arith.constant 1.000000e-10 : f32
    %max3A_74 = vector.broadcast %max3A : f32 to vector<512x1xf32>
    %max3A_75 = arith.maximumf %broadcast_in_dim3A, %max3A_74 : vector<512x1xf32>
    %div3A = arith.constant 1.000000e+00 : f32
    %div3A_76 = vector.broadcast %div3A : f32 to vector<512x1xf32>
    %div3A_77 = arith.divf %div3A_76, %max3A_75 : vector<512x1xf32>
    %max3A_78 = arith.constant 1.000000e-10 : f32
    %max3A_79 = vector.broadcast %max3A_78 : f32 to vector<512x1xf32>
    %max3A_80 = arith.maximumf %broadcast_in_dim3A_41, %max3A_79 : vector<512x1xf32>
    %div3A_81 = arith.constant 1.000000e+00 : f32
    %div3A_82 = vector.broadcast %div3A_81 : f32 to vector<512x1xf32>
    %div3A_83 = arith.divf %div3A_82, %max3A_80 : vector<512x1xf32>
    %max3A_84 = arith.constant 1.000000e-10 : f32
    %max3A_85 = vector.broadcast %max3A_84 : f32 to vector<512x1xf32>
    %max3A_86 = arith.maximumf %broadcast_in_dim3A_60, %max3A_85 : vector<512x1xf32>
    %div3A_87 = arith.constant 1.000000e+00 : f32
    %div3A_88 = vector.broadcast %div3A_87 : f32 to vector<512x1xf32>
    %div3A_89 = arith.divf %div3A_88, %max3A_86 : vector<512x1xf32>
    %add3A_90 = arith.addf %div3A_77, %div3A_83 : vector<512x1xf32>
    %add3A_91 = arith.addf %add3A_90, %div3A_89 : vector<512x1xf32>
    %div3A_92 = arith.divf %div3A_77, %add3A_91 : vector<512x1xf32>
    %jit3A_93 = arith.constant 0.000000e+00 : f32
    %broadcast_in_dim3A_94 = vector.shape_cast %div3A_92 : vector<512x1xf32> to vector<512x1xf32>
    %broadcast_in_dim3A_95 = vector.broadcast %broadcast_in_dim3A_94 : vector<512x1xf32> to vector<512x128xf32>
    %broadcast_in_dim3A_96 = vector.broadcast %jit3A_93 : f32 to vector<512x128xf32>
    %select_n3A_97 = arith.select %eq3A_35, %broadcast_in_dim3A_95, %broadcast_in_dim3A_96 : vector<512x128xi1>, vector<512x128xf32>
    %div3A_98 = arith.divf %div3A_83, %add3A_91 : vector<512x1xf32>
    %jit3A_99 = arith.constant 0.000000e+00 : f32
    %broadcast_in_dim3A_100 = vector.shape_cast %div3A_98 : vector<512x1xf32> to vector<512x1xf32>
    %broadcast_in_dim3A_101 = vector.broadcast %broadcast_in_dim3A_100 : vector<512x1xf32> to vector<512x128xf32>
    %broadcast_in_dim3A_102 = vector.broadcast %jit3A_99 : f32 to vector<512x128xf32>
    %select_n3A_103 = arith.select %eq3A_54, %broadcast_in_dim3A_101, %broadcast_in_dim3A_102 : vector<512x128xi1>, vector<512x128xf32>
    %add3A_104 = arith.addf %select_n3A_97, %select_n3A_103 : vector<512x128xf32>
    %div3A_105 = arith.divf %div3A_89, %add3A_91 : vector<512x1xf32>
    %jit3A_106 = arith.constant 0.000000e+00 : f32
    %broadcast_in_dim3A_107 = vector.shape_cast %div3A_105 : vector<512x1xf32> to vector<512x1xf32>
    %broadcast_in_dim3A_108 = vector.broadcast %broadcast_in_dim3A_107 : vector<512x1xf32> to vector<512x128xf32>
    %broadcast_in_dim3A_109 = vector.broadcast %jit3A_106 : f32 to vector<512x128xf32>
    %select_n3A_110 = arith.select %eq3A_73, %broadcast_in_dim3A_108, %broadcast_in_dim3A_109 : vector<512x128xi1>, vector<512x128xf32>
    %add3A_111 = arith.addf %add3A_104, %select_n3A_110 : vector<512x128xf32>
    %get3A_112 = arith.constant 0 : index
    %get3A_113 = arith.constant 0 : index
    %get3A_114 = arith.constant 0 : index
    %get3A_115 = vector.load %arg5[%get3A_112, %get3A_113, %get3A_114] : memref<1x128x512xf32, #tpu.memory_space<vmem>>, vector<1x128x512xf32>
    %get3A_116 = vector.shape_cast %get3A_115 : vector<1x128x512xf32> to vector<128x512xf32>
    %dot_general3A = arith.constant dense<0.000000e+00> : vector<512x512xf32>
    %dot_general3A_117 = tpu.matmul %add3A_111, %get3A_116, %dot_general3A {dimension_numbers = #tpu.dot_dimension_numbers<[1], [0], [0], [1], [0, 0, 1, 1], [], []>, transpose_lhs_hint = false} : vector<512x128xf32>, vector<128x512xf32>, vector<512x512xf32> -> vector<512x512xf32>
    %get3A_118 = arith.constant 0 : index
    %get3A_119 = arith.constant 0 : index
    %get3A_120 = vector.load %arg6[%get3A_118, %get3A_119] : memref<512x512xf32, #tpu.memory_space<vmem>>, vector<512x512xf32>
    %dot_general3A_121 = arith.constant dense<0.000000e+00> : vector<512x512xf32>
    %dot_general3A_122 = tpu.matmul %dot_general3A_117, %get3A_120, %dot_general3A_121 {dimension_numbers = #tpu.dot_dimension_numbers<[1], [0], [0], [1], [0, 0, 1, 1], [], []>, transpose_lhs_hint = false} : vector<512x512xf32>, vector<512x512xf32>, vector<512x512xf32> -> vector<512x512xf32>
    %get3A_123 = arith.constant 0 : index
    %get3A_124 = arith.constant 0 : index
    %get3A_125 = arith.constant 0 : index
    %get3A_126 = vector.load %arg4[%get3A_123, %get3A_124, %get3A_125] : memref<1x512x256xf32, #tpu.memory_space<vmem>>, vector<1x512x256xf32>
    %get3A_127 = vector.shape_cast %get3A_126 : vector<1x512x256xf32> to vector<512x256xf32>
    %get3A_128 = arith.constant 0 : index
    %get3A_129 = arith.constant 0 : index
    %get3A_130 = vector.load %arg7[%get3A_128, %get3A_129] : memref<256x512xf32, #tpu.memory_space<vmem>>, vector<256x512xf32>
    %dot_general3A_131 = arith.constant dense<0.000000e+00> : vector<512x512xf32>
    %dot_general3A_132 = tpu.matmul %get3A_127, %get3A_130, %dot_general3A_131 {dimension_numbers = #tpu.dot_dimension_numbers<[1], [0], [0], [1], [0, 0, 1, 1], [], []>, transpose_lhs_hint = false} : vector<512x256xf32>, vector<256x512xf32>, vector<512x512xf32> -> vector<512x512xf32>
    %add3A_133 = arith.addf %dot_general3A_122, %dot_general3A_132 : vector<512x512xf32>
    %get3A_134 = arith.constant 0 : index
    %get3A_135 = arith.constant 0 : index
    %get3A_136 = vector.load %arg8[%get3A_134, %get3A_135] : memref<1x512xf32, #tpu.memory_space<vmem>>, vector<1x512xf32>
    %add3A_137 = vector.broadcast %get3A_136 : vector<1x512xf32> to vector<512x512xf32>
    %add3A_138 = arith.addf %add3A_133, %add3A_137 : vector<512x512xf32>
    %max3A_139 = arith.constant 0.000000e+00 : f32
    %max3A_140 = vector.broadcast %max3A_139 : f32 to vector<512x512xf32>
    %max3A_141 = arith.maximumf %add3A_138, %max3A_140 : vector<512x512xf32>
    %get3A_142 = arith.constant 0 : index
    %get3A_143 = arith.constant 0 : index
    %get3A_144 = vector.load %arg9[%get3A_142, %get3A_143] : memref<512x512xf32, #tpu.memory_space<vmem>>, vector<512x512xf32>
    %dot_general3A_145 = arith.constant dense<0.000000e+00> : vector<512x512xf32>
    %dot_general3A_146 = tpu.matmul %max3A_141, %get3A_144, %dot_general3A_145 {dimension_numbers = #tpu.dot_dimension_numbers<[1], [0], [0], [1], [0, 0, 1, 1], [], []>, transpose_lhs_hint = false} : vector<512x512xf32>, vector<512x512xf32>, vector<512x512xf32> -> vector<512x512xf32>
    %get3A_147 = arith.constant 0 : index
    %get3A_148 = arith.constant 0 : index
    %get3A_149 = vector.load %arg10[%get3A_147, %get3A_148] : memref<1x512xf32, #tpu.memory_space<vmem>>, vector<1x512xf32>
    %add3A_150 = vector.broadcast %get3A_149 : vector<1x512xf32> to vector<512x512xf32>
    %add3A_151 = arith.addf %dot_general3A_146, %add3A_150 : vector<512x512xf32>
    %max3A_152 = arith.constant 0.000000e+00 : f32
    %max3A_153 = vector.broadcast %max3A_152 : f32 to vector<512x512xf32>
    %max3A_154 = arith.maximumf %add3A_151, %max3A_153 : vector<512x512xf32>
    %swap3A = arith.constant 0 : index
    %swap3A_155 = arith.constant 0 : index
    %swap3A_156 = arith.constant 0 : index
    %swap3A_157 = vector.load %arg14[%swap3A, %swap3A_155, %swap3A_156] : memref<1x512x512xf32, #tpu.memory_space<vmem>>, vector<1x512x512xf32>
    %swap3A_158 = vector.shape_cast %swap3A_157 : vector<1x512x512xf32> to vector<512x512xf32>
    %swap3A_159 = vector.shape_cast %max3A_154 : vector<512x512xf32> to vector<1x512x512xf32>
    tpu.vector_store %arg14[%swap3A, %swap3A_155, %swap3A_156], %swap3A_159 {strides = array<i32>} : memref<1x512x512xf32, #tpu.memory_space<vmem>>, vector<1x512x512xf32>,
    return
  }
  func.func @transform_0(%arg0: i32, %arg1: i32) -> (i32, i32, i32) {
    %c0_i32 = arith.constant 0 : i32
    %c0_i32_0 = arith.constant 0 : i32
    return %arg0, %arg1, %c0_i32 : i32, i32, i32
  }
  func.func @transform_1(%arg0: i32, %arg1: i32) -> (i32, i32, i32) {
    %c0_i32 = arith.constant 0 : i32
    %c0_i32_0 = arith.constant 0 : i32
    %c0_i32_1 = arith.constant 0 : i32
    return %arg0, %c0_i32, %c0_i32_0 : i32, i32, i32
  }
  func.func @transform_2(%arg0: i32, %arg1: i32) -> (i32, i32, i32) {
    %c0_i32 = arith.constant 0 : i32
    %c0_i32_0 = arith.constant 0 : i32
    return %arg0, %arg1, %c0_i32 : i32, i32, i32
  }
  func.func @transform_3(%arg0: i32, %arg1: i32) -> (i32, i32, i32) {
    %c0_i32 = arith.constant 0 : i32
    %c0_i32_0 = arith.constant 0 : i32
    %c0_i32_1 = arith.constant 0 : i32
    return %arg0, %c0_i32, %c0_i32_0 : i32, i32, i32
  }
  func.func @transform_4(%arg0: i32, %arg1: i32) -> (i32, i32) {
    %c0_i32 = arith.constant 0 : i32
    %c0_i32_0 = arith.constant 0 : i32
    %c0_i32_1 = arith.constant 0 : i32
    return %c0_i32, %c0_i32_0 : i32, i32
  }
  func.func @transform_5(%arg0: i32, %arg1: i32) -> (i32, i32) {
    %c0_i32 = arith.constant 0 : i32
    %c0_i32_0 = arith.constant 0 : i32
    %c0_i32_1 = arith.constant 0 : i32
    return %c0_i32, %c0_i32_0 : i32, i32
  }
  func.func @transform_6(%arg0: i32, %arg1: i32) -> (i32, i32) {
    %c0_i32 = arith.constant 0 : i32
    %c0_i32_0 = arith.constant 0 : i32
    %c0_i32_1 = arith.constant 0 : i32
    return %c0_i32, %c0_i32_0 : i32, i32
  }
  func.func @transform_7(%arg0: i32, %arg1: i32) -> (i32, i32) {
    %c0_i32 = arith.constant 0 : i32
    %c0_i32_0 = arith.constant 0 : i32
    %c0_i32_1 = arith.constant 0 : i32
    return %c0_i32, %c0_i32_0 : i32, i32
  }
  func.func @transform_8(%arg0: i32, %arg1: i32) -> (i32, i32) {
    %c0_i32 = arith.constant 0 : i32
    %c0_i32_0 = arith.constant 0 : i32
    %c0_i32_1 = arith.constant 0 : i32
    return %c0_i32, %c0_i32_0 : i32, i32
  }
  func.func @transform_9(%arg0: i32, %arg1: i32) -> (i32, i32) {
    %c0_i32 = arith.constant 0 : i32
    %c0_i32_0 = arith.constant 0 : i32
    %c0_i32_1 = arith.constant 0 : i32
    return %c0_i32, %c0_i32_0 : i32, i32
  }
  func.func @transform_10(%arg0: i32, %arg1: i32) -> (i32, i32) {
    %c0_i32 = arith.constant 0 : i32
    %c0_i32_0 = arith.constant 0 : i32
    %c0_i32_1 = arith.constant 0 : i32
    return %c0_i32, %c0_i32_0 : i32, i32
  }
  func.func @transform_11(%arg0: i32, %arg1: i32) -> (i32, i32) {
    %c0_i32 = arith.constant 0 : i32
    %c0_i32_0 = arith.constant 0 : i32
    %c0_i32_1 = arith.constant 0 : i32
    return %c0_i32, %c0_i32_0 : i32, i32
  }
  func.func @transform_12(%arg0: i32, %arg1: i32) -> (i32, i32, i32) {
    %c0_i32 = arith.constant 0 : i32
    %c0_i32_0 = arith.constant 0 : i32
    return %arg0, %arg1, %c0_i32 : i32, i32, i32
  }
}

module attributes {stable_mosaic.version = 14 : i64} {
  func.func @_fp_body(%arg0: i32, %arg1: i32, %arg2: memref<1x512x3xf32, #tpu.memory_space<vmem>>, %arg3: memref<1x3x512xf32, #tpu.memory_space<vmem>>, %arg4: memref<1x512x128xf32, #tpu.memory_space<vmem>>, %arg5: memref<1x512x512xf32, #tpu.memory_space<vmem>>, %arg6: memref<512x256xf32, #tpu.memory_space<vmem>>, %arg7: memref<128x256xf32, #tpu.memory_space<vmem>>, %arg8: memref<1x256xf32, #tpu.memory_space<vmem>>, %arg9: memref<256x256xf32, #tpu.memory_space<vmem>>, %arg10: memref<1x256xf32, #tpu.memory_space<vmem>>, %arg11: memref<3x3xf32, #tpu.memory_space<vmem>>, %arg12: memref<256x3xf32, #tpu.memory_space<vmem>>, %arg13: memref<1x3xf32, #tpu.memory_space<vmem>>, %arg14: memref<1x512x3xf32, #tpu.memory_space<vmem>>) attributes {dimension_semantics = [#tpu.dimension_semantics<arbitrary>, #tpu.dimension_semantics<arbitrary>], iteration_bounds = array<i64: 4, 4>, scalar_prefetch = 0 : i64, scratch_operands = 0 : i64, tpu.core_type = #tpu.core_type<tc>, window_params = [{transform_indices = @transform_0, window_bounds = array<i64: 1, 512, 3>}, {transform_indices = @transform_1, window_bounds = array<i64: 1, 3, 512>}, {transform_indices = @transform_2, window_bounds = array<i64: 1, 512, 128>}, {transform_indices = @transform_3, window_bounds = array<i64: 1, 512, 512>}, {pipeline_mode = #tpu.pipeline_mode<synchronous>, transform_indices = @transform_4, window_bounds = array<i64: 512, 256>}, {pipeline_mode = #tpu.pipeline_mode<synchronous>, transform_indices = @transform_5, window_bounds = array<i64: 128, 256>}, {pipeline_mode = #tpu.pipeline_mode<synchronous>, transform_indices = @transform_6, window_bounds = array<i64: 1, 256>}, {pipeline_mode = #tpu.pipeline_mode<synchronous>, transform_indices = @transform_7, window_bounds = array<i64: 256, 256>}, {pipeline_mode = #tpu.pipeline_mode<synchronous>, transform_indices = @transform_8, window_bounds = array<i64: 1, 256>}, {pipeline_mode = #tpu.pipeline_mode<synchronous>, transform_indices = @transform_9, window_bounds = array<i64: 3, 3>}, {pipeline_mode = #tpu.pipeline_mode<synchronous>, transform_indices = @transform_10, window_bounds = array<i64: 256, 3>}, {pipeline_mode = #tpu.pipeline_mode<synchronous>, transform_indices = @transform_11, window_bounds = array<i64: 1, 3>}, {transform_indices = @transform_12, window_bounds = array<i64: 1, 512, 3>}]} {
    %get3A = arith.constant 0 : index
    %get3A_0 = arith.constant 0 : index
    %get3A_1 = arith.constant 0 : index
    %get3A_2 = vector.load %arg2[%get3A, %get3A_0, %get3A_1] : memref<1x512x3xf32, #tpu.memory_space<vmem>>, vector<1x512x3xf32>
    %get3A_3 = vector.shape_cast %get3A_2 : vector<1x512x3xf32> to vector<512x3xf32>
    %get3A_4 = arith.constant 0 : index
    %get3A_5 = arith.constant 0 : index
    %get3A_6 = arith.constant 0 : index
    %get3A_7 = vector.load %arg3[%get3A_4, %get3A_5, %get3A_6] : memref<1x3x512xf32, #tpu.memory_space<vmem>>, vector<1x3x512xf32>
    %get3A_8 = vector.shape_cast %get3A_7 : vector<1x3x512xf32> to vector<3x512xf32>
    %slice3A = vector.extract_strided_slice %get3A_8 {offsets = [0, 0], sizes = [1, 512], strides = [1, 1]} : vector<3x512xf32> to vector<1x512xf32>
    %slice3A_9 = vector.extract_strided_slice %get3A_3 {offsets = [0, 0], sizes = [512, 1], strides = [1, 1]} : vector<512x3xf32> to vector<512x1xf32>
    %sub3A = vector.broadcast %slice3A : vector<1x512xf32> to vector<512x512xf32>
    %sub3A_10 = vector.broadcast %slice3A_9 : vector<512x1xf32> to vector<512x512xf32>
    %sub3A_11 = arith.subf %sub3A, %sub3A_10 : vector<512x512xf32>
    %integer_pow3A = arith.mulf %sub3A_11, %sub3A_11 : vector<512x512xf32>
    %slice3A_12 = vector.extract_strided_slice %get3A_8 {offsets = [1, 0], sizes = [1, 512], strides = [1, 1]} : vector<3x512xf32> to vector<1x512xf32>
    %slice3A_13 = vector.extract_strided_slice %get3A_3 {offsets = [0, 1], sizes = [512, 1], strides = [1, 1]} : vector<512x3xf32> to vector<512x1xf32>
    %sub3A_14 = vector.broadcast %slice3A_12 : vector<1x512xf32> to vector<512x512xf32>
    %sub3A_15 = vector.broadcast %slice3A_13 : vector<512x1xf32> to vector<512x512xf32>
    %sub3A_16 = arith.subf %sub3A_14, %sub3A_15 : vector<512x512xf32>
    %integer_pow3A_17 = arith.mulf %sub3A_16, %sub3A_16 : vector<512x512xf32>
    %add3A = arith.addf %integer_pow3A, %integer_pow3A_17 : vector<512x512xf32>
    %slice3A_18 = vector.extract_strided_slice %get3A_8 {offsets = [2, 0], sizes = [1, 512], strides = [1, 1]} : vector<3x512xf32> to vector<1x512xf32>
    %slice3A_19 = vector.extract_strided_slice %get3A_3 {offsets = [0, 2], sizes = [512, 1], strides = [1, 1]} : vector<512x3xf32> to vector<512x1xf32>
    %sub3A_20 = vector.broadcast %slice3A_18 : vector<1x512xf32> to vector<512x512xf32>
    %sub3A_21 = vector.broadcast %slice3A_19 : vector<512x1xf32> to vector<512x512xf32>
    %sub3A_22 = arith.subf %sub3A_20, %sub3A_21 : vector<512x512xf32>
    %integer_pow3A_23 = arith.mulf %sub3A_22, %sub3A_22 : vector<512x512xf32>
    %add3A_24 = arith.addf %add3A, %integer_pow3A_23 : vector<512x512xf32>
    %iota3A = tpu.iota {dimensions = array<i32: 1>} : vector<1x512xi32>
    %reduce_min3A = arith.constant dense<0x7F800000> : vector<512xf32>
    %reduce_min3A_25 = vector.multi_reduction <minimumf>, %add3A_24, %reduce_min3A [1] : vector<512x512xf32> to vector<512xf32>
    %broadcast_in_dim3A = vector.shape_cast %reduce_min3A_25 : vector<512xf32> to vector<512x1xf32>
    %eq3A = vector.broadcast %broadcast_in_dim3A : vector<512x1xf32> to vector<512x512xf32>
    %eq3A_26 = arith.cmpf oeq, %add3A_24, %eq3A : vector<512x512xf32>
    %jit3A = arith.constant 512 : i32
    %broadcast_in_dim3A_27 = vector.shape_cast %iota3A : vector<1x512xi32> to vector<1x512xi32>
    %broadcast_in_dim3A_28 = vector.broadcast %broadcast_in_dim3A_27 : vector<1x512xi32> to vector<512x512xi32>
    %broadcast_in_dim3A_29 = vector.broadcast %jit3A : i32 to vector<512x512xi32>
    %select_n3A = arith.select %eq3A_26, %broadcast_in_dim3A_28, %broadcast_in_dim3A_29 : vector<512x512xi1>, vector<512x512xi32>
    %reduce_min3A_30 = arith.constant dense<2147483647> : vector<512xi32>
    %reduce_min3A_31 = vector.multi_reduction <minsi>, %select_n3A, %reduce_min3A_30 [1] : vector<512x512xi32> to vector<512xi32>
    %broadcast_in_dim3A_32 = vector.shape_cast %reduce_min3A_31 : vector<512xi32> to vector<512x1xi32>
    %eq3A_33 = vector.broadcast %iota3A : vector<1x512xi32> to vector<512x512xi32>
    %eq3A_34 = vector.broadcast %broadcast_in_dim3A_32 : vector<512x1xi32> to vector<512x512xi32>
    %eq3A_35 = arith.cmpi eq, %eq3A_33, %eq3A_34 : vector<512x512xi32>
    %jit3A_36 = arith.constant 3.000000e+38 : f32
    %broadcast_in_dim3A_37 = vector.broadcast %jit3A_36 : f32 to vector<512x512xf32>
    %select_n3A_38 = arith.select %eq3A_35, %broadcast_in_dim3A_37, %add3A_24 : vector<512x512xi1>, vector<512x512xf32>
    %reduce_min3A_39 = arith.constant dense<0x7F800000> : vector<512xf32>
    %reduce_min3A_40 = vector.multi_reduction <minimumf>, %select_n3A_38, %reduce_min3A_39 [1] : vector<512x512xf32> to vector<512xf32>
    %broadcast_in_dim3A_41 = vector.shape_cast %reduce_min3A_40 : vector<512xf32> to vector<512x1xf32>
    %eq3A_42 = vector.broadcast %broadcast_in_dim3A_41 : vector<512x1xf32> to vector<512x512xf32>
    %eq3A_43 = arith.cmpf oeq, %select_n3A_38, %eq3A_42 : vector<512x512xf32>
    %jit3A_44 = arith.constant 512 : i32
    %broadcast_in_dim3A_45 = vector.shape_cast %iota3A : vector<1x512xi32> to vector<1x512xi32>
    %broadcast_in_dim3A_46 = vector.broadcast %broadcast_in_dim3A_45 : vector<1x512xi32> to vector<512x512xi32>
    %broadcast_in_dim3A_47 = vector.broadcast %jit3A_44 : i32 to vector<512x512xi32>
    %select_n3A_48 = arith.select %eq3A_43, %broadcast_in_dim3A_46, %broadcast_in_dim3A_47 : vector<512x512xi1>, vector<512x512xi32>
    %reduce_min3A_49 = arith.constant dense<2147483647> : vector<512xi32>
    %reduce_min3A_50 = vector.multi_reduction <minsi>, %select_n3A_48, %reduce_min3A_49 [1] : vector<512x512xi32> to vector<512xi32>
    %broadcast_in_dim3A_51 = vector.shape_cast %reduce_min3A_50 : vector<512xi32> to vector<512x1xi32>
    %eq3A_52 = vector.broadcast %iota3A : vector<1x512xi32> to vector<512x512xi32>
    %eq3A_53 = vector.broadcast %broadcast_in_dim3A_51 : vector<512x1xi32> to vector<512x512xi32>
    %eq3A_54 = arith.cmpi eq, %eq3A_52, %eq3A_53 : vector<512x512xi32>
    %jit3A_55 = arith.constant 3.000000e+38 : f32
    %broadcast_in_dim3A_56 = vector.broadcast %jit3A_55 : f32 to vector<512x512xf32>
    %select_n3A_57 = arith.select %eq3A_54, %broadcast_in_dim3A_56, %select_n3A_38 : vector<512x512xi1>, vector<512x512xf32>
    %reduce_min3A_58 = arith.constant dense<0x7F800000> : vector<512xf32>
    %reduce_min3A_59 = vector.multi_reduction <minimumf>, %select_n3A_57, %reduce_min3A_58 [1] : vector<512x512xf32> to vector<512xf32>
    %broadcast_in_dim3A_60 = vector.shape_cast %reduce_min3A_59 : vector<512xf32> to vector<512x1xf32>
    %eq3A_61 = vector.broadcast %broadcast_in_dim3A_60 : vector<512x1xf32> to vector<512x512xf32>
    %eq3A_62 = arith.cmpf oeq, %select_n3A_57, %eq3A_61 : vector<512x512xf32>
    %jit3A_63 = arith.constant 512 : i32
    %broadcast_in_dim3A_64 = vector.shape_cast %iota3A : vector<1x512xi32> to vector<1x512xi32>
    %broadcast_in_dim3A_65 = vector.broadcast %broadcast_in_dim3A_64 : vector<1x512xi32> to vector<512x512xi32>
    %broadcast_in_dim3A_66 = vector.broadcast %jit3A_63 : i32 to vector<512x512xi32>
    %select_n3A_67 = arith.select %eq3A_62, %broadcast_in_dim3A_65, %broadcast_in_dim3A_66 : vector<512x512xi1>, vector<512x512xi32>
    %reduce_min3A_68 = arith.constant dense<2147483647> : vector<512xi32>
    %reduce_min3A_69 = vector.multi_reduction <minsi>, %select_n3A_67, %reduce_min3A_68 [1] : vector<512x512xi32> to vector<512xi32>
    %broadcast_in_dim3A_70 = vector.shape_cast %reduce_min3A_69 : vector<512xi32> to vector<512x1xi32>
    %eq3A_71 = vector.broadcast %iota3A : vector<1x512xi32> to vector<512x512xi32>
    %eq3A_72 = vector.broadcast %broadcast_in_dim3A_70 : vector<512x1xi32> to vector<512x512xi32>
    %eq3A_73 = arith.cmpi eq, %eq3A_71, %eq3A_72 : vector<512x512xi32>
    %max3A = arith.constant 1.000000e-10 : f32
    %max3A_74 = vector.broadcast %max3A : f32 to vector<512x1xf32>
    %max3A_75 = arith.maximumf %broadcast_in_dim3A, %max3A_74 : vector<512x1xf32>
    %div3A = arith.constant 1.000000e+00 : f32
    %div3A_76 = vector.broadcast %div3A : f32 to vector<512x1xf32>
    %div3A_77 = arith.divf %div3A_76, %max3A_75 : vector<512x1xf32>
    %max3A_78 = arith.constant 1.000000e-10 : f32
    %max3A_79 = vector.broadcast %max3A_78 : f32 to vector<512x1xf32>
    %max3A_80 = arith.maximumf %broadcast_in_dim3A_41, %max3A_79 : vector<512x1xf32>
    %div3A_81 = arith.constant 1.000000e+00 : f32
    %div3A_82 = vector.broadcast %div3A_81 : f32 to vector<512x1xf32>
    %div3A_83 = arith.divf %div3A_82, %max3A_80 : vector<512x1xf32>
    %max3A_84 = arith.constant 1.000000e-10 : f32
    %max3A_85 = vector.broadcast %max3A_84 : f32 to vector<512x1xf32>
    %max3A_86 = arith.maximumf %broadcast_in_dim3A_60, %max3A_85 : vector<512x1xf32>
    %div3A_87 = arith.constant 1.000000e+00 : f32
    %div3A_88 = vector.broadcast %div3A_87 : f32 to vector<512x1xf32>
    %div3A_89 = arith.divf %div3A_88, %max3A_86 : vector<512x1xf32>
    %add3A_90 = arith.addf %div3A_77, %div3A_83 : vector<512x1xf32>
    %add3A_91 = arith.addf %add3A_90, %div3A_89 : vector<512x1xf32>
    %div3A_92 = arith.divf %div3A_77, %add3A_91 : vector<512x1xf32>
    %jit3A_93 = arith.constant 0.000000e+00 : f32
    %broadcast_in_dim3A_94 = vector.shape_cast %div3A_92 : vector<512x1xf32> to vector<512x1xf32>
    %broadcast_in_dim3A_95 = vector.broadcast %broadcast_in_dim3A_94 : vector<512x1xf32> to vector<512x512xf32>
    %broadcast_in_dim3A_96 = vector.broadcast %jit3A_93 : f32 to vector<512x512xf32>
    %select_n3A_97 = arith.select %eq3A_35, %broadcast_in_dim3A_95, %broadcast_in_dim3A_96 : vector<512x512xi1>, vector<512x512xf32>
    %div3A_98 = arith.divf %div3A_83, %add3A_91 : vector<512x1xf32>
    %jit3A_99 = arith.constant 0.000000e+00 : f32
    %broadcast_in_dim3A_100 = vector.shape_cast %div3A_98 : vector<512x1xf32> to vector<512x1xf32>
    %broadcast_in_dim3A_101 = vector.broadcast %broadcast_in_dim3A_100 : vector<512x1xf32> to vector<512x512xf32>
    %broadcast_in_dim3A_102 = vector.broadcast %jit3A_99 : f32 to vector<512x512xf32>
    %select_n3A_103 = arith.select %eq3A_54, %broadcast_in_dim3A_101, %broadcast_in_dim3A_102 : vector<512x512xi1>, vector<512x512xf32>
    %add3A_104 = arith.addf %select_n3A_97, %select_n3A_103 : vector<512x512xf32>
    %div3A_105 = arith.divf %div3A_89, %add3A_91 : vector<512x1xf32>
    %jit3A_106 = arith.constant 0.000000e+00 : f32
    %broadcast_in_dim3A_107 = vector.shape_cast %div3A_105 : vector<512x1xf32> to vector<512x1xf32>
    %broadcast_in_dim3A_108 = vector.broadcast %broadcast_in_dim3A_107 : vector<512x1xf32> to vector<512x512xf32>
    %broadcast_in_dim3A_109 = vector.broadcast %jit3A_106 : f32 to vector<512x512xf32>
    %select_n3A_110 = arith.select %eq3A_73, %broadcast_in_dim3A_108, %broadcast_in_dim3A_109 : vector<512x512xi1>, vector<512x512xf32>
    %add3A_111 = arith.addf %add3A_104, %select_n3A_110 : vector<512x512xf32>
    %get3A_112 = arith.constant 0 : index
    %get3A_113 = arith.constant 0 : index
    %get3A_114 = arith.constant 0 : index
    %get3A_115 = vector.load %arg5[%get3A_112, %get3A_113, %get3A_114] : memref<1x512x512xf32, #tpu.memory_space<vmem>>, vector<1x512x512xf32>
    %get3A_116 = vector.shape_cast %get3A_115 : vector<1x512x512xf32> to vector<512x512xf32>
    %dot_general3A = arith.constant dense<0.000000e+00> : vector<512x512xf32>
    %dot_general3A_117 = tpu.matmul %add3A_111, %get3A_116, %dot_general3A {dimension_numbers = #tpu.dot_dimension_numbers<[1], [0], [0], [1], [0, 0, 1, 1], [], []>, transpose_lhs_hint = false} : vector<512x512xf32>, vector<512x512xf32>, vector<512x512xf32> -> vector<512x512xf32>
    %get3A_118 = arith.constant 0 : index
    %get3A_119 = arith.constant 0 : index
    %get3A_120 = vector.load %arg6[%get3A_118, %get3A_119] : memref<512x256xf32, #tpu.memory_space<vmem>>, vector<512x256xf32>
    %dot_general3A_121 = arith.constant dense<0.000000e+00> : vector<512x256xf32>
    %dot_general3A_122 = tpu.matmul %dot_general3A_117, %get3A_120, %dot_general3A_121 {dimension_numbers = #tpu.dot_dimension_numbers<[1], [0], [0], [1], [0, 0, 1, 1], [], []>, transpose_lhs_hint = false} : vector<512x512xf32>, vector<512x256xf32>, vector<512x256xf32> -> vector<512x256xf32>
    %get3A_123 = arith.constant 0 : index
    %get3A_124 = arith.constant 0 : index
    %get3A_125 = arith.constant 0 : index
    %get3A_126 = vector.load %arg4[%get3A_123, %get3A_124, %get3A_125] : memref<1x512x128xf32, #tpu.memory_space<vmem>>, vector<1x512x128xf32>
    %get3A_127 = vector.shape_cast %get3A_126 : vector<1x512x128xf32> to vector<512x128xf32>
    %get3A_128 = arith.constant 0 : index
    %get3A_129 = arith.constant 0 : index
    %get3A_130 = vector.load %arg7[%get3A_128, %get3A_129] : memref<128x256xf32, #tpu.memory_space<vmem>>, vector<128x256xf32>
    %dot_general3A_131 = arith.constant dense<0.000000e+00> : vector<512x256xf32>
    %dot_general3A_132 = tpu.matmul %get3A_127, %get3A_130, %dot_general3A_131 {dimension_numbers = #tpu.dot_dimension_numbers<[1], [0], [0], [1], [0, 0, 1, 1], [], []>, transpose_lhs_hint = false} : vector<512x128xf32>, vector<128x256xf32>, vector<512x256xf32> -> vector<512x256xf32>
    %add3A_133 = arith.addf %dot_general3A_122, %dot_general3A_132 : vector<512x256xf32>
    %get3A_134 = arith.constant 0 : index
    %get3A_135 = arith.constant 0 : index
    %get3A_136 = vector.load %arg8[%get3A_134, %get3A_135] : memref<1x256xf32, #tpu.memory_space<vmem>>, vector<1x256xf32>
    %add3A_137 = vector.broadcast %get3A_136 : vector<1x256xf32> to vector<512x256xf32>
    %add3A_138 = arith.addf %add3A_133, %add3A_137 : vector<512x256xf32>
    %max3A_139 = arith.constant 0.000000e+00 : f32
    %max3A_140 = vector.broadcast %max3A_139 : f32 to vector<512x256xf32>
    %max3A_141 = arith.maximumf %add3A_138, %max3A_140 : vector<512x256xf32>
    %get3A_142 = arith.constant 0 : index
    %get3A_143 = arith.constant 0 : index
    %get3A_144 = vector.load %arg9[%get3A_142, %get3A_143] : memref<256x256xf32, #tpu.memory_space<vmem>>, vector<256x256xf32>
    %dot_general3A_145 = arith.constant dense<0.000000e+00> : vector<512x256xf32>
    %dot_general3A_146 = tpu.matmul %max3A_141, %get3A_144, %dot_general3A_145 {dimension_numbers = #tpu.dot_dimension_numbers<[1], [0], [0], [1], [0, 0, 1, 1], [], []>, transpose_lhs_hint = false} : vector<512x256xf32>, vector<256x256xf32>, vector<512x256xf32> -> vector<512x256xf32>
    %get3A_147 = arith.constant 0 : index
    %get3A_148 = arith.constant 0 : index
    %get3A_149 = vector.load %arg10[%get3A_147, %get3A_148] : memref<1x256xf32, #tpu.memory_space<vmem>>, vector<1x256xf32>
    %add3A_150 = vector.broadcast %get3A_149 : vector<1x256xf32> to vector<512x256xf32>
    %add3A_151 = arith.addf %dot_general3A_146, %add3A_150 : vector<512x256xf32>
    %max3A_152 = arith.constant 0.000000e+00 : f32
    %max3A_153 = vector.broadcast %max3A_152 : f32 to vector<512x256xf32>
    %max3A_154 = arith.maximumf %add3A_151, %max3A_153 : vector<512x256xf32>
    %get3A_155 = arith.constant 0 : index
    %get3A_156 = arith.constant 0 : index
    %get3A_157 = vector.load %arg11[%get3A_155, %get3A_156] : memref<3x3xf32, #tpu.memory_space<vmem>>, vector<3x3xf32>
    %dot_general3A_158 = arith.constant dense<0.000000e+00> : vector<512x3xf32>
    %dot_general3A_159 = tpu.matmul %get3A_3, %get3A_157, %dot_general3A_158 {dimension_numbers = #tpu.dot_dimension_numbers<[1], [0], [0], [1], [0, 0, 1, 1], [], []>, transpose_lhs_hint = false} : vector<512x3xf32>, vector<3x3xf32>, vector<512x3xf32> -> vector<512x3xf32>
    %get3A_160 = arith.constant 0 : index
    %get3A_161 = arith.constant 0 : index
    %get3A_162 = vector.load %arg12[%get3A_160, %get3A_161] : memref<256x3xf32, #tpu.memory_space<vmem>>, vector<256x3xf32>
    %dot_general3A_163 = arith.constant dense<0.000000e+00> : vector<512x3xf32>
    %dot_general3A_164 = tpu.matmul %max3A_154, %get3A_162, %dot_general3A_163 {dimension_numbers = #tpu.dot_dimension_numbers<[1], [0], [0], [1], [0, 0, 1, 1], [], []>, transpose_lhs_hint = false} : vector<512x256xf32>, vector<256x3xf32>, vector<512x3xf32> -> vector<512x3xf32>
    %add3A_165 = arith.addf %dot_general3A_159, %dot_general3A_164 : vector<512x3xf32>
    %get3A_166 = arith.constant 0 : index
    %get3A_167 = arith.constant 0 : index
    %get3A_168 = vector.load %arg13[%get3A_166, %get3A_167] : memref<1x3xf32, #tpu.memory_space<vmem>>, vector<1x3xf32>
    %add3A_169 = vector.broadcast %get3A_168 : vector<1x3xf32> to vector<512x3xf32>
    %add3A_170 = arith.addf %add3A_165, %add3A_169 : vector<512x3xf32>
    %add3A_171 = arith.addf %get3A_3, %add3A_170 : vector<512x3xf32>
    %swap3A = arith.constant 0 : index
    %swap3A_172 = arith.constant 0 : index
    %swap3A_173 = arith.constant 0 : index
    %swap3A_174 = vector.load %arg14[%swap3A, %swap3A_172, %swap3A_173] : memref<1x512x3xf32, #tpu.memory_space<vmem>>, vector<1x512x3xf32>
    %swap3A_175 = vector.shape_cast %swap3A_174 : vector<1x512x3xf32> to vector<512x3xf32>
    %swap3A_176 = vector.shape_cast %add3A_171 : vector<512x3xf32> to vector<1x512x3xf32>
    tpu.vector_store %arg14[%swap3A, %swap3A_172, %swap3A_173], %swap3A_176 {strides = array<i32>} : memref<1x512x3xf32, #tpu.memory_space<vmem>>, vector<1x512x3xf32>,
    return
  }
  func.func @transform_0(%arg0: i32, %arg1: i32) -> (i32, i32, i32) {
    %c0_i32 = arith.constant 0 : i32
    %c0_i32_0 = arith.constant 0 : i32
    return %arg0, %arg1, %c0_i32 : i32, i32, i32
  }
  func.func @transform_1(%arg0: i32, %arg1: i32) -> (i32, i32, i32) {
    %c0_i32 = arith.constant 0 : i32
    %c0_i32_0 = arith.constant 0 : i32
    %c0_i32_1 = arith.constant 0 : i32
    return %arg0, %c0_i32, %c0_i32_0 : i32, i32, i32
  }
  func.func @transform_2(%arg0: i32, %arg1: i32) -> (i32, i32, i32) {
    %c0_i32 = arith.constant 0 : i32
    %c0_i32_0 = arith.constant 0 : i32
    return %arg0, %arg1, %c0_i32 : i32, i32, i32
  }
  func.func @transform_3(%arg0: i32, %arg1: i32) -> (i32, i32, i32) {
    %c0_i32 = arith.constant 0 : i32
    %c0_i32_0 = arith.constant 0 : i32
    %c0_i32_1 = arith.constant 0 : i32
    return %arg0, %c0_i32, %c0_i32_0 : i32, i32, i32
  }
  func.func @transform_4(%arg0: i32, %arg1: i32) -> (i32, i32) {
    %c0_i32 = arith.constant 0 : i32
    %c0_i32_0 = arith.constant 0 : i32
    %c0_i32_1 = arith.constant 0 : i32
    return %c0_i32, %c0_i32_0 : i32, i32
  }
  func.func @transform_5(%arg0: i32, %arg1: i32) -> (i32, i32) {
    %c0_i32 = arith.constant 0 : i32
    %c0_i32_0 = arith.constant 0 : i32
    %c0_i32_1 = arith.constant 0 : i32
    return %c0_i32, %c0_i32_0 : i32, i32
  }
  func.func @transform_6(%arg0: i32, %arg1: i32) -> (i32, i32) {
    %c0_i32 = arith.constant 0 : i32
    %c0_i32_0 = arith.constant 0 : i32
    %c0_i32_1 = arith.constant 0 : i32
    return %c0_i32, %c0_i32_0 : i32, i32
  }
  func.func @transform_7(%arg0: i32, %arg1: i32) -> (i32, i32) {
    %c0_i32 = arith.constant 0 : i32
    %c0_i32_0 = arith.constant 0 : i32
    %c0_i32_1 = arith.constant 0 : i32
    return %c0_i32, %c0_i32_0 : i32, i32
  }
  func.func @transform_8(%arg0: i32, %arg1: i32) -> (i32, i32) {
    %c0_i32 = arith.constant 0 : i32
    %c0_i32_0 = arith.constant 0 : i32
    %c0_i32_1 = arith.constant 0 : i32
    return %c0_i32, %c0_i32_0 : i32, i32
  }
  func.func @transform_9(%arg0: i32, %arg1: i32) -> (i32, i32) {
    %c0_i32 = arith.constant 0 : i32
    %c0_i32_0 = arith.constant 0 : i32
    %c0_i32_1 = arith.constant 0 : i32
    return %c0_i32, %c0_i32_0 : i32, i32
  }
  func.func @transform_10(%arg0: i32, %arg1: i32) -> (i32, i32) {
    %c0_i32 = arith.constant 0 : i32
    %c0_i32_0 = arith.constant 0 : i32
    %c0_i32_1 = arith.constant 0 : i32
    return %c0_i32, %c0_i32_0 : i32, i32
  }
  func.func @transform_11(%arg0: i32, %arg1: i32) -> (i32, i32) {
    %c0_i32 = arith.constant 0 : i32
    %c0_i32_0 = arith.constant 0 : i32
    %c0_i32_1 = arith.constant 0 : i32
    return %c0_i32, %c0_i32_0 : i32, i32
  }
  func.func @transform_12(%arg0: i32, %arg1: i32) -> (i32, i32, i32) {
    %c0_i32 = arith.constant 0 : i32
    %c0_i32_0 = arith.constant 0 : i32
    return %arg0, %arg1, %c0_i32 : i32, i32, i32
  }
}

</mosaic_0001>

<sc_bundles>
// kernel: kernel.12.cloned.1.call-start
scs
__scs_entry_jumppad:
0x0: {  	(pc) =	sbr.rel $0x88, $3  }
0x1: {  	(tag) =	ssettag $0x0;
	lr =	simm.s32 $0x1  }
0x2: {  	[smem:$0x3F83] =	sst lr;
	_ =	strace $0xD0000000  }
0x3: {  	_ = 	snop  }
0x4: {  	_ = 	snop  }
0x5: {  	_ = 	snop  }
0x6: {  	_ = 	snop  }
0x7: {  	_ = 	snop  }
__scs_overlays_trampoline_lowered:
0x8: {  	[smem:$0x3F92] =	sst s0  }
0x9: {  	[smem:$0x3F93] =	sst s1  }
0xa: {  	[smem:$0x3F94] =	sst s2  }
0xb: {  	[smem:$0x3F95] =	sst s3  }
0xc: {  	[smem:$0x3F96] =	sst s4  }
0xd: {  	[smem:$0x3F97] =	sst s5  }
0xe: {  	[smem:$0x3F98] =	sst s6  }
0xf: {  	[smem:$0x3F99] =	sst s7  }
0x10: {  	[smem:$0x3F9A] =	sst s8  }
0x11: {  	[smem:$0x3F9B] =	sst s9;
	s0 =	simm.s32 @!p0 $0x0  }
0x12: {  	s1 =	sld [smem:$0x3F81];
	s0 =	simm.s32 @p0 $0x1  }
0x13: {  	[smem:$0x3F9C] =	sst s0;
	s0 =	simm.s32 @!p1 $0x0  }
0x14: {  	s2 =	sld [smem:$0x3F80];
	s0 =	simm.s32 @p1 $0x1  }
0x15: {  	[smem:$0x3F9D] =	sst s0;
	s0 =	simm.s32 @!p2 $0x0  }
0x16: {  	s3 =	sld [smem:$0x3FDB];
	s0 =	simm.s32 @p2 $0x1  }
0x17: {  	s4 =	simm.s32 $0x1BF5;
	[smem:$0x3F9F] =	sst s0  }
0x18: {  	s0 =	sld [smem:$0x3F82];
	_ =	swait.ge [sflag:s4], $0x0  }
0x19: {  	s7 =	sld [smem:$0x3F83]  }
0x1a: {  	s8 =	sadd.s32 $0xFFFFE003, lr  }
0x1b: {  	s9 =	sadd.s32 $0xFFFFFEF7, lr;
	s5 =	simm.s32 $0xFFFFFFFF;
	p2 =	slt.u32 s8, $0xFFFFF086  }
0x1c: {  	p1 =	slt.u32 s9, $0xF7A;
	s5 =	simm.s32 @!p2 $0x0  }
0x1d: {  	s5 =	simm.s32 @p1 $0x1;
	p0 =	seq.s32 s7, s2  }
0x1e: {  	s7 =	smul.u32 @!p0 $0xF7A, s2;
	p2 =	seq.s32 @!p0 s5, $0x0  }
0x1f: {  	s9 =	smul.u32 $0xF7A, s1;
	s8 =	simm.s32 @!p0 $0x1BF5;
	p2 =	por !p2, p0  }
0x20: {  	[sflag:s8] =	ssyncset.s32 @!p0 $0xFFFFF086;
	s6 =	sadd.s32 @!p0 s3, s7;
	s7 =	simm.s32 @!p0 $0x108  }
0x21: {  	s3 =	sadd.s32 s3, s9;
	s6 =	sadd.s32 @!p0 $0x88, s6;
	s7 =	simm.s32 @p2 $0x1082  }
0x22: {  	[simem:s7], [sflag:s8] =	dma.local @!p0 [hbm:s6], $0xF7A  }
0x23: {  	s9 =	sor.u32 $0xD0000000, s2;
	s6 =	simm.s32 $0x108;
	_ =	swait.ge @!p0 [sflag:s8], $0x0  }
0x24: {  	s3 =	sadd.s32 $0x88, s3;
	s6 =	simm.s32 @!p1 $0x1082;
	[sflag:s4] =	ssyncset.s32 $0xFFFFF086  }
0x25: {  	[simem:s6], [sflag:s4] =	dma.local [hbm:s3], $0xF7A  }
0x26: {  	[smem:$0x3F83] =	sst s1;
	(tag) =	ssettag s2;
	_ =	strace s9  }
0x27: {  	s1 =	sld [smem:$0x3F93]  }
0x28: {  	s2 =	sld [smem:$0x3F94]  }
0x29: {  	s4 =	sld [smem:$0x3F96]  }
0x2a: {  	p0 =	seq.s32 s5, $0x0;
	s5 =	sld [smem:$0x3F97]  }
0x2b: {  	s6 =	sld [smem:$0x3F98]  }
0x2c: {  	s7 =	sld [smem:$0x3F99]  }
0x2d: {  	s3 =	simm.s32 $0x108;
	s8 =	sld [smem:$0x3F9A]  }
0x2e: {  	s3 =	simm.s32 @!p0 $0x1082;
	s9 =	sld [smem:$0x3F9B]  }
0x2f: {  	lr =	sadd.s32 s0, s3;
	s0 =	sld [smem:$0x3F92]  }
0x30: {  	s3 =	sld [smem:$0x3F95]  }
0x31: {  	[smem:$0x3F9E] =	sst s10  }
0x32: {  	s10 =	sld [smem:$0x3F9C];
	_ =	sdelay $0x3  }
0x33: {  	p0 =	seq.s32 s10, $0x1;
	s10 =	sld [smem:$0x3F9E];
	_ =	sdelay $0x3  }
0x34: {  	[smem:$0x3F9E] =	sst s10  }
0x35: {  	s10 =	sld [smem:$0x3F9D];
	_ =	sdelay $0x3  }
0x36: {  	p1 =	seq.s32 s10, $0x1;
	s10 =	sld [smem:$0x3F9E];
	_ =	sdelay $0x3  }
0x37: {  	[smem:$0x3F9E] =	sst s10  }
0x38: {  	s10 =	sld [smem:$0x3F9F]  }
0x39: {  	_ = 	snop;
	(pc) =	sbr.ind lr, $3  }
0x3a: {  	_ = 	snop  }
0x3b: {  	_ = 	snop  }
0x3c: {  	p2 =	seq.s32 s10, $0x1;
	s10 =	sld [smem:$0x3F9E]  }
0x3d: {  	_ =	shalt  }
0x3e: {  	_ =	shalt  }
0x3f: {  	_ =	shalt  }
0x40: {  	_ =	shalt  }
0x41: {  	_ =	shalt  }
0x42: {  	_ =	shalt  }
0x43: {  	_ =	shalt  }
0x44: {  	_ =	shalt  }
0x45: {  	_ =	shalt  }
0x46: {  	_ =	shalt  }
0x47: {  	_ =	shalt  }
0x48: {  	_ =	shalt  }
0x49: {  	_ =	shalt  }
0x4a: {  	_ =	shalt  }
0x4b: {  	_ =	shalt  }
0x4c: {  	_ =	shalt  }
0x4d: {  	_ =	shalt  }
0x4e: {  	_ =	shalt  }
0x4f: {  	_ =	shalt  }
0x50: {  	_ =	shalt  }
0x51: {  	_ =	shalt  }
0x52: {  	_ =	shalt  }
0x53: {  	_ =	shalt  }
0x54: {  	_ =	shalt  }
0x55: {  	_ =	shalt  }
0x56: {  	_ =	shalt  }
0x57: {  	_ =	shalt  }
0x58: {  	_ =	shalt  }
0x59: {  	_ =	shalt  }
0x5a: {  	_ =	shalt  }
0x5b: {  	_ =	shalt  }
0x5c: {  	_ =	shalt  }
0x5d: {  	_ =	shalt  }
0x5e: {  	_ =	shalt  }
0x5f: {  	_ =	shalt  }
0x60: {  	_ =	shalt  }
0x61: {  	_ =	shalt  }
0x62: {  	_ =	shalt  }
0x63: {  	_ =	shalt  }
0x64: {  	_ =	shalt  }
0x65: {  	_ =	shalt  }
0x66: {  	_ =	shalt  }
0x67: {  	_ =	shalt  }
0x68: {  	_ =	shalt  }
0x69: {  	_ =	shalt  }
0x6a: {  	_ =	shalt  }
0x6b: {  	_ =	shalt  }
0x6c: {  	_ =	shalt  }
0x6d: {  	_ =	shalt  }
0x6e: {  	_ =	shalt  }
0x6f: {  	_ =	shalt  }
0x70: {  	_ =	shalt  }
0x71: {  	_ =	shalt  }
0x72: {  	_ =	shalt  }
0x73: {  	_ =	shalt  }
0x74: {  	_ =	shalt  }
0x75: {  	_ =	shalt  }
0x76: {  	_ =	shalt  }
0x77: {  	_ =	shalt  }
0x78: {  	_ =	shalt  }
0x79: {  	_ =	shalt  }
0x7a: {  	_ =	shalt  }
0x7b: {  	_ =	shalt  }
0x7c: {  	_ =	shalt  }
0x7d: {  	_ =	shalt  }
0x7e: {  	_ =	shalt  }
0x7f: {  	_ =	shalt  }
0x80: {  	_ =	shalt  }
0x81: {  	_ =	shalt  }
0x82: {  	_ =	shalt  }
0x83: {  	_ =	shalt  }
0x84: {  	_ =	shalt  }
0x85: {  	_ =	shalt  }
0x86: {  	_ =	shalt  }
0x87: {  	_ =	shalt  }
.Lfunc_end0:
.L_simem_size_0:
called_computation_lowered:
.L_overlay_start_0:
0x88: {  	s2 =	sld [smem:$0x3FD9]  }
0x89: {  	s3 =	sld [smem:$0x3FFE];
	_ =	sdelay $0x1  }
0x8a: {  	s1 =	srdreg.scid  }
0x8b: {  	s0 =	sand.u32 $0x1, s1  }
0x8c: {  	s17 =	sshll.u32 s0, $0xA;
	s2 =	sadd.s32 s3, s2  }
0x8d: {  	s2 =	sadd.s32 s2, s17  }
0x8e: {  	[smem:$0x3FAA] =	sst s2  }
0x8f: {  	_ = 	snop  }
0x90: {  	s2 =	sld [smem:$0x3FD0];
	(tm) =	ssettm $0x1  }
0x91: {  	s18 =	sld [smem:$0x3FFB];
	_ =	sdelay $0x3  }
0x92: {  	_ =	strace s18  }
0x93: {  	s3 =	sld [smem:$0x3FFC];
	_ =	sdelay $0x3  }
0x94: {  	_ =	strace s3  }
0x95: {  	s3 =	sld [smem:$0x3FFD];
	_ =	sdelay $0x3  }
0x96: {  	_ =	strace s3  }
0x97: {  	_ =	strace $0x8FFFFFFF  }
0x98: {  	s19 =	sld [smem:$0x3FDB];
	_ =	sdelay $0x1  }
0x99: {  	s4 =	simm.s32 $_scs_section_size  }
0x9a: {  	s5 =	simm.s32 $_size__tile_overlayer_lowered;
	s6 =	simm.s32 $_tile_overlayer_lowered  }
0x9b: {  	s22 =	simm.s32 $0x1BFF;
	s21 =	sshll.u32 s6, $0x1;
	s3 =	sadd.s32 s4, s19  }
0x9c: {  	s7 =	simm.s32 $0x0;
	s20 =	sshll.u32 s5, $0x1;
	s5 =	sadd.s32 s21, s3  }
0x9d: {  	[timem:s7], [sflag:s22] =	dma.local [hbm:s5], s20  }
0x9e: {  	_ =	swait.ge [sflag:s22], s20  }
0x9f: {  	s4 =	ssub.s32 $0x0, s20;
	[sflag:s22] =	ssyncset.done $0x0  }
0xa0: {  	[sflag:s22] =	ssyncadd.s32 s4;
	_ =	sdelay $0x1  }
0xa1: {  	s23 =	simm.s32 $0x1B8B  }
0xa2: {  	_ =	swait.ge [sflag:s23], $0x1  }
0xa3: {  	[sflag:s23] =	ssyncset.done $0x0  }
0xa4: {  	s25 =	simm.s32 $0x1B8E;
	s24 =	sld [smem:$0x3FFE];
	[sflag:s23] =	ssyncadd.s32 $0xFFFFFFFF  }
0xa5: {  	s26 =	simm.s32 $execute0_lowered;
	[smem:$0x3FD2] =	sst s25  }
0xa6: {  	s5 =	sshll.u32 s26, $0x1;
	_ =	strace $0x80000046;
	[dreg:$0x1] =	wrdreg $0xFFFFFFFF  }
0xa7: {  	s28 =	simm.s32 $_size_execute0_lowered;
	s3 =	sadd.s32 s3, s5;
	[dreg:$0x0] =	wrdreg $0x0  }
0xa8: {  	s5 =	sshll.u32 s28, $0x1;
	[dreg:$0x2] =	wrdreg s3  }
0xa9: {  	[dreg:$0x3] =	wrdreg s5  }
0xaa: {  	[dreg:$0x4] =	wrdreg $0xC0  }
0xab: {  	_ =	task [dreg:s7], $0x5FFFF  }
0xac: {  	[dreg:$0x1] =	wrdreg $0xFFFFFFFF  }
0xad: {  	[dreg:$0x0] =	wrdreg $0x60  }
0xae: {  	[dreg:$0x2] =	wrdreg s24  }
0xaf: {  	[dreg:$0x3] =	wrdreg s2  }
0xb0: {  	[dreg:$0x4] =	wrdreg $0x9  }
0xb1: {  	_ =	task.clear_ibuf [dreg:s7], $0x5FFFF;
	_ =	strace $0x90000046  }
0xb2: {  	s29 =	simm.s32 $0x9;
	_ =	strace $0x80000048  }
0xb3: {  	_ =	swait.ge [sflag:s29], $0x1  }
0xb4: {  	[sflag:s29] =	ssyncadd.s32 $0xFFFFFFFF  }
0xb5: {  	_ =	strace $0x90000048  }
0xb6: {  	_ =	sfence  }
0xb7: {  	s30 =	sld [smem:$0x0];
	_ =	sdelay $0x2  }
0xb8: {  	s31 =	sshll.u32 s1, $0xD;
	s1 =	sshrl.u32 s1, $0x2  }
0xb9: {  	s3 =	sand.u32 $0x4000, s31;
	s1 =	sadd.s32 s1, s30  }
0xba: {  	s0 =	sor.u32 s3, s0;
	s1 =	sshll.u32 s1, $0x11  }
0xbb: {  	s0 =	sor.u32 s1, s0  }
0xbc: {  	s0 =	sadd.s32 $0x8F2B, s0  }
0xbd: {  	[sflag:s0] =	ssyncadd.remote.s32 $0x1  }
0xbe: {  	_ =	sfence.sel $0xFFFF  }
0xbf: {  	[dreg:$0x0] =	wrdreg $0xFFFFFFFF;
	(pc) =	sbr.abs _section_cstart, $3  }
0xc0: {  	[dreg:$0x1] =	wrdreg $0xFFFFFFFF  }
0xc1: {  	_ =	task.clear_ibuf [dreg:s7], $0x2FFFF;
	_ =	strace $0x9FFFFFFF  }
0xc2: {  	(tm) =	ssettm $0x7FFFFFFF  }
0xc3: {  	_ =	shalt  }
tec
execute0_lowered:
.L_overlay_start_1:
0x0: {  	(tag) =	ssettag $0x1  }
0x1: {  	s3 =	rddreg [dreg:$0x0]  }
0x2: {  	s4 =	rddreg [dreg:$0x1]  }
0x3: {  	s0 =	rddreg [dreg:$0x2];
	s2 =	simm.s32 $0x0;
	s1 =	stileid.u32  }
0x4: {  	s5 =	srdreg.scid;
	s10 =	simm.s32 $0x6300;
	s11 =	simm.s32 $0x0  }
0x5: {  	s6 =	sshrl.u32 s1, $0x2;
	s5 =	sand.u32 $0x1, s5;
	s7 =	sshll.u32 s1, $0x1  }
0x6: {  	[smem:$0x7FF] =	sst s2;
	s6 =	smul.u32 $0xC00, s6;
	s7 =	sor.u32 s5, s7  }
0x7: {  	_ =	strace $0x80000047;
	s5 =	ssub.s32 $0x2, s5;
	s8 =	sshll.u32 s7, $0xD  }
0x8: {  	s9 =	sshrl.u32 s5, $0x1;
	s7 =	smul.u32 $0x60, s7;
	s6 =	sadd.s32 s6, s3  }
0x9: {  	s8 =	sadd.s32 s8, s3;
	s9 =	ssub.s32 s5, s9;
	s3 =	sadd.s32 $0x5E00, s6  }
0xa: {  	v0 =	vlaneseq.u32;
	s4 =	sadd.s32 s4, s7;
	s5 =	sadd.s32 $0x8E00, s8;
	s6 =	smax.u32 s9, $0x1  }
0xb: {  	v1 =	vimm.s32 $0x0;
	v2 =	vor.u32 $0x10, v0;
	v3 =	vmul.u32 $0x8, v0;
	s7 =	simm.s32 $0x1;
	s8 =	simm.s32 $0x6000;
	s9 =	simm.s32 $0x16300  }
.LBB2_1:
0xc: {  	[tilespmem:s2], [sflag:$0x1] =	stream.linear.gather [hbm4b:s3+s2], $0x6000, $0x38;
	[tilespmem:$0x16380] =	vst v63  }
0xd: {  	_ =	swait.ge [sflag:s7], $0x6000  }
0xe: {  	[sflag:s7] =	ssyncset.done $0x0  }
0xf: {  	[sflag:s7] =	ssyncadd.s32 $0xFFFFA000  }
0x10: {  	[tilespmem:s8], [sflag:$0x1] =	stream.linear.gather [hbm4b:s4+s2], $0x300, $0x38;
	[tilespmem:$0x16380] =	vst v63  }
0x11: {  	_ =	swait.ge [sflag:s7], $0x300  }
0x12: {  	[sflag:s7] =	ssyncset.done $0x0  }
0x13: {  	s12 =	simm.s32 $0x0;
	[sflag:s7] =	ssyncadd.s32 $0xFFFFFD00  }
.LBB2_2:
0x14: {  	s13 =	smul.u32 $0x3, s12;
	_ =	sdelay $0x1  }
0x15: {  	v4 =	vmov s13;
	s14 =	sadd.s32 $0x1, s13  }
0x16: {  	s13 =	sadd.s32 $0x2, s13;
	v5 =	vmov s14  }
0x17: {  	v6 =	vmov s13;
	_ =	sdelay $0x1  }
0x18: {  	[tilespmem:$0x16300] =	vst v1  }
0x19: {  	v4 =	vld.idx.msk [tilespmem:v4+s8+$0x0], $0xffff  }
0x1a: {  	s16 =	simm.s32 $0x0;
	v5 =	vld.idx.msk [tilespmem:v5+s8+$0x0], $0xffff  }
0x1b: {  	s15 =	simm.s32 $0x0;
	s13 =	simm.s32 $0x0;
	s14 =	simm.s32 $0x0;
	v6 =	vld.idx.msk [tilespmem:v6+s8+$0x0], $0xffff  }
.LBB2_3:
0x1c: {  	v7 =	vld [tilespmem:s13+$0x0]  }
0x1d: {  	v8 =	vld [tilespmem:s13+$0x2000]  }
0x1e: {  	v9 =	vld [tilespmem:s13+$0x10]  }
0x1f: {  	v10 =	vld [tilespmem:s13+$0x2010]  }
0x20: {  	v11 =	vld [tilespmem:s13+$0x4000]  }
0x21: {  	v13 =	vld [tilespmem:s13+$0x20]  }
0x22: {  	v14 =	vld [tilespmem:s13+$0x2020]  }
0x23: {  	v15 =	vld [tilespmem:s13+$0x30];
	v7 =	vsub.f32 v7, v4;
	v8 =	vsub.f32 v8, v5  }
0x24: {  	v16 =	vld [tilespmem:s13+$0x2030]  }
0x25: {  	v12 =	vld [tilespmem:s13+$0x4010];
	v9 =	vsub.f32 v9, v4;
	v7 =	vmul.f32 v7, v7;
	v8 =	vmul.f32 v8, v8  }
0x26: {  	v17 =	vld [tilespmem:s13+$0x4020];
	v10 =	vsub.f32 v10, v5;
	v11 =	vsub.f32 v11, v6  }
0x27: {  	v54 =	vsub.f32 v13, v4;
	v7 =	vadd.f32 v8, v7;
	v8 =	vld [tilespmem:s13+$0x4030]  }
0x28: {  	v55 =	vsub.f32 v14, v5;
	v56 =	vsub.f32 v15, v4;
	v9 =	vmul.f32 v9, v9  }
0x29: {  	v57 =	vsub.f32 v16, v5;
	v10 =	vmul.f32 v10, v10;
	v11 =	vmul.f32 v11, v11  }
0x2a: {  	v53 =	vsub.f32 v12, v6;
	v12 =	vmul.f32 v54, v54;
	v13 =	vmul.f32 v55, v55  }
0x2b: {  	v58 =	vsub.f32 v17, v6;
	v14 =	vmul.f32 v56, v56;
	v15 =	vmul.f32 v57, v57  }
0x2c: {  	v9 =	vadd.f32 v10, v9;
	v10 =	vmul.f32 v53, v53;
	v8 =	vsub.f32 v8, v6  }
0x2d: {  	v60 =	vmul.f32 v58, v58;
	v59 =	vadd.f32 v13, v12;
	v7 =	vadd.f32 v11, v7  }
0x2e: {  	v61 =	vadd.f32 v15, v14;
	v9 =	vadd.f32 v10, v9;
	v8 =	vmul.f32 v8, v8  }
0x2f: {  	vm3 =	vle.f32 v7, $3.999999910e-02;
	v7 =	vadd.f32 v60, v59  }
0x30: {  	vm0 =	vle.f32 v9, $3.999999910e-02;
	v62 =	vsel vm3, $0x1, v1;
	v8 =	vadd.f32 v8, v61  }
0x31: {  	v63 =	vsel vm0, $0x1, v1;
	(xrf0) =	vadd.scan.msk.s32 $0xffff, v62;
	vm2 =	vle.f32 v7, $3.999999910e-02  }
0x32: {  	(xrf0) =	vadd.scan.msk.s32 $0xffff, v63;
	v7 =	vsel vm2, $0x1, v1;
	vm1 =	vle.f32 v8, $3.999999910e-02  }
0x33: {  	(xrf0) =	vadd.scan.msk.s32 $0xffff, v7;
	v7 =	vsel vm1, $0x1, v1  }
0x34: {  	(xrf0) =	vadd.scan.msk.s32 $0xffff, v7;
	_ =	sdelay $0x2  }
0x35: {  	v7, _, _ =	vpop (xrf0)  }
0x36: {  	v8, _, _ =	vpop (xrf0);
	(v2sf) =	vpush v7, $0xF  }
0x37: {  	v7, _, _ =	vpop (xrf0);
	(v2sf) =	vpush v8, $0xF  }
0x38: {  	(v2sf) =	vpush v7, $0xF;
	v7, _, _ =	vpop (xrf0)  }
0x39: {  	(v2sf) =	vpush v7, $0xF;
	_ =	sdelay $0xb  }
0x3a: {  	s17 =	spop (v2sf)  }
0x3b: {  	s18 =	spop (v2sf);
	s17 =	sadd.s32 s15, s17  }
0x3c: {  	s19 =	spop (v2sf);
	s18 =	sadd.s32 s17, s18  }
0x3d: {  	v7 =	vor.u32 s14, v0;
	s19 =	sadd.s32 s18, s19;
	s21 =	spop (v2sf)  }
0x3e: {  	p0 =	sgt.u32 s16, $0x7E;
	[tilespmem:s15+$0x16300] =	vst.msk vm3, v7;
	s15 =	sadd.s32 s19, s21  }
0x3f: {  	p1 =	slt.s32 @!p0 s15, $0x20  }
0x40: {  	p0 =	por p0, !p1  }
.Ltmp0:
0x41: {  	s20 =	sadd.s32 $0x10, s14;
	(pc) =	sbr.rel @!p0 .LBB2_3-.Ltmp0, $4  }
0x42: {  	s22 =	sadd.s32 $0x20, s14;
	v7 =	vor.u32 s20, v0  }
0x43: {  	s31 =	sadd.s32 $0x30, s14;
	[tilespmem:s17+$0x16300] =	vst.msk vm0, v7;
	v7 =	vor.u32 s22, v0  }
0x44: {  	[tilespmem:s18+$0x16300] =	vst.msk vm2, v7;
	v7 =	vor.u32 s31, v0  }
0x45: {  	s16 =	sadd.s32 $0x1, s16;
	s13 =	sadd.s32 $0x40, s13;
	s14 =	sadd.s32 $0x40, s14;
	[tilespmem:s19+$0x16300] =	vst.msk vm1, v7  }
0x46: {  	v4 =	vld [tilespmem:$0x16300]  }
0x47: {  	v5 =	vld.msk [tilespmem:s9+$0x0], $0xffff;
	_ =	sdelay $0x2  }
0x48: {  	v6 =	vmov s15  }
0x49: {  	vm0 =	vgt.s32 v6, v0  }
0x4a: {  	v4 =	vsel vm0, v4, v5;
	_ =	sdelay $0x1  }
0x4b: {  	s13 =	sshll.u32 s12, $0x5  }
0x4c: {  	v7 =	vmov s13  }
0x4d: {  	v7 =	vshll.u32 v7, $0x3  }
0x4e: {  	v7 =	vor.u32 v3, v7;
	v8 =	vld.idx.msk [tilespmem:v4+s2+$0x0], $0xffff  }
0x4f: {  	v9 =	vadd.s32 $0x2000, v4;
	_ =	sdelay $0x3  }
0x50: {  	v10 =	vld [tilespmem:$0x16310];
	[tilespmem:v7+s10+$0x0] =	vst.idx.msk $0xffff, v8  }
0x51: {  	v59 =	vor.u32 $0x1, v7;
	v8 =	vld.idx.msk [tilespmem:v9+s2+$0x0], $0xffff  }
0x52: {  	v4 =	vadd.s32 $0x4000, v4;
	_ =	sdelay $0x3  }
0x53: {  	[tilespmem:v59+s10+$0x0] =	vst.idx.msk $0xffff, v8  }
0x54: {  	vm15 =	vgt.s32 v6, v2;
	v60 =	vor.u32 $0x2, v7;
	v4 =	vld.idx.msk [tilespmem:v4+s2+$0x0], $0xffff  }
0x55: {  	v5 =	vsel vm15, v10, v5;
	_ =	sdelay $0x1  }
0x56: {  	s13 =	sor.u32 $0x10, s13  }
0x57: {  	v61 =	vmov s13  }
0x58: {  	[tilespmem:v60+s10+$0x0] =	vst.idx.msk $0xffff, v4;
	v4 =	vshll.u32 v61, $0x3  }
0x59: {  	v6 =	vld.idx.msk [tilespmem:v5+s2+$0x0], $0xffff;
	v4 =	vor.u32 v3, v4  }
0x5a: {  	v62 =	vadd.s32 $0x2000, v5;
	_ =	sdelay $0x3  }
0x5b: {  	[tilespmem:v4+s10+$0x0] =	vst.idx.msk $0xffff, v6  }
0x5c: {  	v63 =	vor.u32 $0x1, v4;
	v6 =	vld.idx.msk [tilespmem:v62+s2+$0x0], $0xffff  }
0x5d: {  	v5 =	vadd.s32 $0x4000, v5;
	_ =	sdelay $0x3  }
0x5e: {  	s12 =	sadd.s32 $0x1, s12;
	[tilespmem:v63+s10+$0x0] =	vst.idx.msk $0xffff, v6  }
0x5f: {  	p0 =	sne.s32 s12, $0x100;
	v4 =	vor.u32 $0x2, v4;
	v5 =	vld.idx.msk [tilespmem:v5+s2+$0x0], $0xffff  }
.Ltmp1:
0x60: {  	_ = 	snop;
	(pc) =	sbr.rel @p0 .LBB2_2-.Ltmp1, $2  }
0x61: {  	_ =	sdelay $0x2  }
0x62: {  	[tilespmem:v4+s10+$0x0] =	vst.idx.msk $0xffff, v5  }
0x63: {  	s11 =	sadd.s32 $0x1, s11  }
0x64: {  	p0 =	sne.s32 s11, s6  }
.Ltmp2:
0x65: {  	_ = 	snop;
	(pc) =	sbr.rel @p0 .LBB2_1-.Ltmp2, $4  }
0x66: {  	[hbm4b:s5+s2] =	stream.linear.scatter [tilespmem:s10], [sflag:$0x1], $0x10000, $0x38;
	[tilespmem:$0x16380] =	vst v63  }
0x67: {  	_ =	swait.ge [sflag:s7], $0x10000  }
0x68: {  	[sflag:s7] =	ssyncset.done $0x0  }
0x69: {  	[sflag:s7] =	ssyncadd.s32 $0xFFFF0000  }
0x6a: {  	_ =	sfence.sel $0x180000  }
0x6b: {  	[bflag:$0x0] =	sbarrier.arrive $0xFFFF  }
0x6c: {  	p0 =	sne.s32 s1, $0x0;
	_ =	strace $0x90000047  }
0x6d: {  	s0 =	sadd.s32 @!p0 $0x100000, s0;
	[bflag:$0x2] =	sbarrier.arrive $0xFFFF  }
0x6e: {  	[sflag:s0] =	ssyncadd.tile.s32 @!p0 $0x1;
	_ =	shalt  }
.Lfunc_end2:
_tile_overlayer_lowered:
.L_overlay_start_2:
0x6f: {  	(tag) =	ssettag $0x2  }
0x70: {  	s0 =	rddreg [dreg:$0x0];
	s2 =	stileid.u32  }
0x71: {  	s1 =	rddreg [dreg:$0x1];
	p0 =	sne.s32 s2, $0x0  }
0x72: {  	s3 =	rddreg [dreg:$0x2];
	[bflag:$0x3] =	sbarrier.arrive $0xFFFF;
	s2 =	simm.s32 @!p0 $0x1C01  }
0x73: {  	[timem:s3], [sflag:s2] =	dma.local @!p0 [hbm:s0], s1  }
0x74: {  	s0 =	simm.s32 @!p0 $0x1  }
0x75: {  	_ =	swait.ge @!p0 [sflag:s0], s1  }
0x76: {  	s1 =	ssub.s32 @!p0 $0x0, s1;
	[sflag:s0] =	ssyncset.done @!p0 $0x0  }
0x77: {  	[sflag:s0] =	ssyncadd.s32 @!p0 s1  }
0x78: {  	[bflag:$0x3] =	sbarrier.arrive $0xFFFF  }
0x79: {  	_ =	shalt  }

// kernel: kernel.15.cloned.1.call-start
scs
__scs_entry_jumppad:
0x0: {  	(pc) =	sbr.rel $0x88, $3  }
0x1: {  	(tag) =	ssettag $0x0;
	lr =	simm.s32 $0x1  }
0x2: {  	[smem:$0x3F83] =	sst lr;
	_ =	strace $0xD0000000  }
0x3: {  	_ = 	snop  }
0x4: {  	_ = 	snop  }
0x5: {  	_ = 	snop  }
0x6: {  	_ = 	snop  }
0x7: {  	_ = 	snop  }
__scs_overlays_trampoline_lowered:
0x8: {  	[smem:$0x3F92] =	sst s0  }
0x9: {  	[smem:$0x3F93] =	sst s1  }
0xa: {  	[smem:$0x3F94] =	sst s2  }
0xb: {  	[smem:$0x3F95] =	sst s3  }
0xc: {  	[smem:$0x3F96] =	sst s4  }
0xd: {  	[smem:$0x3F97] =	sst s5  }
0xe: {  	[smem:$0x3F98] =	sst s6  }
0xf: {  	[smem:$0x3F99] =	sst s7  }
0x10: {  	[smem:$0x3F9A] =	sst s8  }
0x11: {  	[smem:$0x3F9B] =	sst s9;
	s0 =	simm.s32 @!p0 $0x0  }
0x12: {  	s1 =	sld [smem:$0x3F81];
	s0 =	simm.s32 @p0 $0x1  }
0x13: {  	[smem:$0x3F9C] =	sst s0;
	s0 =	simm.s32 @!p1 $0x0  }
0x14: {  	s2 =	sld [smem:$0x3F80];
	s0 =	simm.s32 @p1 $0x1  }
0x15: {  	[smem:$0x3F9D] =	sst s0;
	s0 =	simm.s32 @!p2 $0x0  }
0x16: {  	s3 =	sld [smem:$0x3FDB];
	s0 =	simm.s32 @p2 $0x1  }
0x17: {  	s4 =	simm.s32 $0x1BF5;
	[smem:$0x3F9F] =	sst s0  }
0x18: {  	s0 =	sld [smem:$0x3F82];
	_ =	swait.ge [sflag:s4], $0x0  }
0x19: {  	s7 =	sld [smem:$0x3F83]  }
0x1a: {  	s8 =	sadd.s32 $0xFFFFE003, lr  }
0x1b: {  	s9 =	sadd.s32 $0xFFFFFEF7, lr;
	s5 =	simm.s32 $0xFFFFFFFF;
	p2 =	slt.u32 s8, $0xFFFFF086  }
0x1c: {  	p1 =	slt.u32 s9, $0xF7A;
	s5 =	simm.s32 @!p2 $0x0  }
0x1d: {  	s5 =	simm.s32 @p1 $0x1;
	p0 =	seq.s32 s7, s2  }
0x1e: {  	s7 =	smul.u32 @!p0 $0xF7A, s2;
	p2 =	seq.s32 @!p0 s5, $0x0  }
0x1f: {  	s9 =	smul.u32 $0xF7A, s1;
	s8 =	simm.s32 @!p0 $0x1BF5;
	p2 =	por !p2, p0  }
0x20: {  	[sflag:s8] =	ssyncset.s32 @!p0 $0xFFFFF086;
	s6 =	sadd.s32 @!p0 s3, s7;
	s7 =	simm.s32 @!p0 $0x108  }
0x21: {  	s3 =	sadd.s32 s3, s9;
	s6 =	sadd.s32 @!p0 $0x88, s6;
	s7 =	simm.s32 @p2 $0x1082  }
0x22: {  	[simem:s7], [sflag:s8] =	dma.local @!p0 [hbm:s6], $0xF7A  }
0x23: {  	s9 =	sor.u32 $0xD0000000, s2;
	s6 =	simm.s32 $0x108;
	_ =	swait.ge @!p0 [sflag:s8], $0x0  }
0x24: {  	s3 =	sadd.s32 $0x88, s3;
	s6 =	simm.s32 @!p1 $0x1082;
	[sflag:s4] =	ssyncset.s32 $0xFFFFF086  }
0x25: {  	[simem:s6], [sflag:s4] =	dma.local [hbm:s3], $0xF7A  }
0x26: {  	[smem:$0x3F83] =	sst s1;
	(tag) =	ssettag s2;
	_ =	strace s9  }
0x27: {  	s1 =	sld [smem:$0x3F93]  }
0x28: {  	s2 =	sld [smem:$0x3F94]  }
0x29: {  	s4 =	sld [smem:$0x3F96]  }
0x2a: {  	p0 =	seq.s32 s5, $0x0;
	s5 =	sld [smem:$0x3F97]  }
0x2b: {  	s6 =	sld [smem:$0x3F98]  }
0x2c: {  	s7 =	sld [smem:$0x3F99]  }
0x2d: {  	s3 =	simm.s32 $0x108;
	s8 =	sld [smem:$0x3F9A]  }
0x2e: {  	s3 =	simm.s32 @!p0 $0x1082;
	s9 =	sld [smem:$0x3F9B]  }
0x2f: {  	lr =	sadd.s32 s0, s3;
	s0 =	sld [smem:$0x3F92]  }
0x30: {  	s3 =	sld [smem:$0x3F95]  }
0x31: {  	[smem:$0x3F9E] =	sst s10  }
0x32: {  	s10 =	sld [smem:$0x3F9C];
	_ =	sdelay $0x3  }
0x33: {  	p0 =	seq.s32 s10, $0x1;
	s10 =	sld [smem:$0x3F9E];
	_ =	sdelay $0x3  }
0x34: {  	[smem:$0x3F9E] =	sst s10  }
0x35: {  	s10 =	sld [smem:$0x3F9D];
	_ =	sdelay $0x3  }
0x36: {  	p1 =	seq.s32 s10, $0x1;
	s10 =	sld [smem:$0x3F9E];
	_ =	sdelay $0x3  }
0x37: {  	[smem:$0x3F9E] =	sst s10  }
0x38: {  	s10 =	sld [smem:$0x3F9F]  }
0x39: {  	_ = 	snop;
	(pc) =	sbr.ind lr, $3  }
0x3a: {  	_ = 	snop  }
0x3b: {  	_ = 	snop  }
0x3c: {  	p2 =	seq.s32 s10, $0x1;
	s10 =	sld [smem:$0x3F9E]  }
0x3d: {  	_ =	shalt  }
0x3e: {  	_ =	shalt  }
0x3f: {  	_ =	shalt  }
0x40: {  	_ =	shalt  }
0x41: {  	_ =	shalt  }
0x42: {  	_ =	shalt  }
0x43: {  	_ =	shalt  }
0x44: {  	_ =	shalt  }
0x45: {  	_ =	shalt  }
0x46: {  	_ =	shalt  }
0x47: {  	_ =	shalt  }
0x48: {  	_ =	shalt  }
0x49: {  	_ =	shalt  }
0x4a: {  	_ =	shalt  }
0x4b: {  	_ =	shalt  }
0x4c: {  	_ =	shalt  }
0x4d: {  	_ =	shalt  }
0x4e: {  	_ =	shalt  }
0x4f: {  	_ =	shalt  }
0x50: {  	_ =	shalt  }
0x51: {  	_ =	shalt  }
0x52: {  	_ =	shalt  }
0x53: {  	_ =	shalt  }
0x54: {  	_ =	shalt  }
0x55: {  	_ =	shalt  }
0x56: {  	_ =	shalt  }
0x57: {  	_ =	shalt  }
0x58: {  	_ =	shalt  }
0x59: {  	_ =	shalt  }
0x5a: {  	_ =	shalt  }
0x5b: {  	_ =	shalt  }
0x5c: {  	_ =	shalt  }
0x5d: {  	_ =	shalt  }
0x5e: {  	_ =	shalt  }
0x5f: {  	_ =	shalt  }
0x60: {  	_ =	shalt  }
0x61: {  	_ =	shalt  }
0x62: {  	_ =	shalt  }
0x63: {  	_ =	shalt  }
0x64: {  	_ =	shalt  }
0x65: {  	_ =	shalt  }
0x66: {  	_ =	shalt  }
0x67: {  	_ =	shalt  }
0x68: {  	_ =	shalt  }
0x69: {  	_ =	shalt  }
0x6a: {  	_ =	shalt  }
0x6b: {  	_ =	shalt  }
0x6c: {  	_ =	shalt  }
0x6d: {  	_ =	shalt  }
0x6e: {  	_ =	shalt  }
0x6f: {  	_ =	shalt  }
0x70: {  	_ =	shalt  }
0x71: {  	_ =	shalt  }
0x72: {  	_ =	shalt  }
0x73: {  	_ =	shalt  }
0x74: {  	_ =	shalt  }
0x75: {  	_ =	shalt  }
0x76: {  	_ =	shalt  }
0x77: {  	_ =	shalt  }
0x78: {  	_ =	shalt  }
0x79: {  	_ =	shalt  }
0x7a: {  	_ =	shalt  }
0x7b: {  	_ =	shalt  }
0x7c: {  	_ =	shalt  }
0x7d: {  	_ =	shalt  }
0x7e: {  	_ =	shalt  }
0x7f: {  	_ =	shalt  }
0x80: {  	_ =	shalt  }
0x81: {  	_ =	shalt  }
0x82: {  	_ =	shalt  }
0x83: {  	_ =	shalt  }
0x84: {  	_ =	shalt  }
0x85: {  	_ =	shalt  }
0x86: {  	_ =	shalt  }
0x87: {  	_ =	shalt  }
.Lfunc_end0:
.L_simem_size_0:
called_computation.1_lowered:
.L_overlay_start_0:
0x88: {  	s2 =	sld [smem:$0x3FD9]  }
0x89: {  	s3 =	sld [smem:$0x3FFE];
	_ =	sdelay $0x1  }
0x8a: {  	s1 =	srdreg.scid  }
0x8b: {  	s0 =	sand.u32 $0x1, s1  }
0x8c: {  	s16 =	sshll.u32 s0, $0xA;
	s2 =	sadd.s32 s3, s2  }
0x8d: {  	s2 =	sadd.s32 s2, s16  }
0x8e: {  	[smem:$0x3FAA] =	sst s2  }
0x8f: {  	_ = 	snop  }
0x90: {  	(tm) =	ssettm $0x1  }
0x91: {  	s17 =	sld [smem:$0x3FFB];
	_ =	sdelay $0x3  }
0x92: {  	_ =	strace s17  }
0x93: {  	s2 =	sld [smem:$0x3FFC];
	_ =	sdelay $0x3  }
0x94: {  	_ =	strace s2  }
0x95: {  	s2 =	sld [smem:$0x3FFD];
	_ =	sdelay $0x3  }
0x96: {  	_ =	strace s2  }
0x97: {  	_ =	strace $0x8FFFFFFF  }
0x98: {  	s18 =	sld [smem:$0x3FDB];
	_ =	sdelay $0x1  }
0x99: {  	s19 =	simm.s32 $_scs_section_size  }
0x9a: {  	s4 =	simm.s32 $_size__tile_overlayer_lowered;
	s5 =	simm.s32 $_tile_overlayer_lowered  }
0x9b: {  	s22 =	simm.s32 $0x1BFF;
	s21 =	sshll.u32 s5, $0x1;
	s2 =	sadd.s32 s19, s18  }
0x9c: {  	s6 =	simm.s32 $0x0;
	s20 =	sshll.u32 s4, $0x1;
	s4 =	sadd.s32 s21, s2  }
0x9d: {  	[timem:s6], [sflag:s22] =	dma.local [hbm:s4], s20  }
0x9e: {  	_ =	swait.ge [sflag:s22], s20  }
0x9f: {  	s3 =	ssub.s32 $0x0, s20;
	[sflag:s22] =	ssyncset.done $0x0  }
0xa0: {  	[sflag:s22] =	ssyncadd.s32 s3;
	_ =	sdelay $0x1  }
0xa1: {  	s23 =	simm.s32 $0x1B8B  }
0xa2: {  	_ =	swait.ge [sflag:s23], $0x1  }
0xa3: {  	[sflag:s23] =	ssyncset.done $0x0  }
0xa4: {  	s25 =	simm.s32 $0x1B8E;
	s24 =	sld [smem:$0x3FFE];
	[sflag:s23] =	ssyncadd.s32 $0xFFFFFFFF  }
0xa5: {  	s26 =	simm.s32 $execute0_lowered;
	[smem:$0x3FD2] =	sst s25  }
0xa6: {  	s4 =	sshll.u32 s26, $0x1;
	_ =	strace $0x80000049;
	[dreg:$0x1] =	wrdreg $0xFFFFFFFF  }
0xa7: {  	s28 =	simm.s32 $_size_execute0_lowered;
	s2 =	sadd.s32 s2, s4;
	[dreg:$0x0] =	wrdreg $0x0  }
0xa8: {  	s4 =	sshll.u32 s28, $0x1;
	[dreg:$0x2] =	wrdreg s2  }
0xa9: {  	[dreg:$0x3] =	wrdreg s4  }
0xaa: {  	[dreg:$0x4] =	wrdreg $0xC0  }
0xab: {  	_ =	task [dreg:s6], $0x5FFFF  }
0xac: {  	[dreg:$0x1] =	wrdreg $0xFFFFFFFF  }
0xad: {  	[dreg:$0x0] =	wrdreg $0x60  }
0xae: {  	[dreg:$0x2] =	wrdreg s24  }
0xaf: {  	[dreg:$0x3] =	wrdreg $0x9  }
0xb0: {  	_ =	task.clear_ibuf [dreg:s6], $0x4FFFF;
	_ =	strace $0x90000049  }
0xb1: {  	s29 =	simm.s32 $0x9;
	_ =	strace $0x8000004B  }
0xb2: {  	_ =	swait.ge [sflag:s29], $0x1  }
0xb3: {  	[sflag:s29] =	ssyncadd.s32 $0xFFFFFFFF  }
0xb4: {  	_ =	strace $0x9000004B  }
0xb5: {  	_ =	sfence  }
0xb6: {  	s30 =	sld [smem:$0x0];
	_ =	sdelay $0x2  }
0xb7: {  	s31 =	sshll.u32 s1, $0xD;
	s1 =	sshrl.u32 s1, $0x2  }
0xb8: {  	s3 =	sand.u32 $0x4000, s31;
	s1 =	sadd.s32 s1, s30  }
0xb9: {  	s0 =	sor.u32 s3, s0;
	s1 =	sshll.u32 s1, $0x11  }
0xba: {  	s0 =	sor.u32 s1, s0  }
0xbb: {  	s0 =	sadd.s32 $0x8F2B, s0  }
0xbc: {  	[sflag:s0] =	ssyncadd.remote.s32 $0x1  }
0xbd: {  	_ =	sfence.sel $0xFFFF  }
0xbe: {  	[dreg:$0x0] =	wrdreg $0xFFFFFFFF;
	(pc) =	sbr.abs _section_cstart, $3  }
0xbf: {  	[dreg:$0x1] =	wrdreg $0xFFFFFFFF  }
0xc0: {  	_ =	task.clear_ibuf [dreg:s6], $0x2FFFF;
	_ =	strace $0x9FFFFFFF  }
0xc1: {  	(tm) =	ssettm $0x7FFFFFFF  }
tec
execute0_lowered:
.L_overlay_start_1:
0x0: {  	(tag) =	ssettag $0x1  }
0x1: {  	s8 =	rddreg [dreg:$0x0]  }
0x2: {  	s0 =	stileid.u32;
	s2 =	srdreg.scid  }
0x3: {  	s13 =	simm.s32 $0x58C0;
	s14 =	simm.s32 $0x18C0;
	s15 =	simm.s32 $0x20  }
0x4: {  	s16 =	simm.s32 $0x5940;
	s18 =	simm.s32 $0x5960;
	s19 =	simm.s32 $0x6980  }
0x5: {  	s20 =	simm.s32 $0x1;
	s21 =	simm.s32 $0x2;
	s22 =	simm.s32 $0x0  }
0x6: {  	s7 =	sshrl.u32 s0, $0x2;
	s3 =	sand.u32 $0x1, s2;
	s4 =	sshll.u32 s0, $0x1  }
0x7: {  	s2 =	simm.s32 $0x0;
	s5 =	smul.u32 $0x300, s7;
	s9 =	sor.u32 s3, s4  }
0x8: {  	[smem:$0x7FF] =	sst s2;
	s10 =	ssub.s32 $0x2, s3;
	s3 =	sadd.s32 $0x5E00, s8  }
0x9: {  	s17 =	sshll.u32 s7, $0xB;
	s4 =	smul.u32 $0x18, s9;
	_ =	strace $0x8000004A  }
0xa: {  	s29 =	sshll.u32 s9, $0xB;
	s12 =	sshrl.u32 s10, $0x1;
	s7 =	sshll.u32 s9, $0xF  }
0xb: {  	v0 =	vmov s17;
	s17 =	simm.s32 $0x5980;
	s5 =	sadd.s32 s5, s8;
	s11 =	sadd.s32 s29, s8  }
0xc: {  	s10 =	ssub.s32 s10, s12;
	s12 =	simm.s32 $0x1800;
	s6 =	sadd.s32 s4, s8  }
0xd: {  	s4 =	sadd.s32 $0x51E00, s8;
	s30 =	sadd.s32 $0x50E00, s5;
	s8 =	sadd.s32 $0x52000, s8  }
0xe: {  	v1 =	vlaneseq.u32;
	s9 =	sadd.s32 $0x25E00, s11;
	[dreg:$0x2] =	wrdreg s30;
	s31 =	sadd.s32 $0x51A00, s6  }
0xf: {  	v2 =	vimm.s32 $0x0;
	v3 =	vor.u32 $0x10, v1;
	v4 =	vmul.u32 $0x8, v1;
	s10 =	smax.u32 s10, $0x1;
	s11 =	simm.s32 $0x3;
	[dreg:$0x3] =	wrdreg s31  }
.LBB2_1:
0x10: {  	s0 =	rddreg [dreg:$0x2]  }
0x11: {  	[tilespmem:s2], [sflag:$0x3] =	stream.linear.gather [hbm4b:s0+s2], $0x1800, $0x38;
	[tilespmem:$0x7980] =	vst v63  }
0x12: {  	_ =	swait.ge [sflag:s11], $0x1800  }
0x13: {  	[sflag:s11] =	ssyncset.done $0x0  }
0x14: {  	s31 =	rddreg [dreg:$0x3];
	[sflag:s11] =	ssyncadd.s32 $0xFFFFE800  }
0x15: {  	[tilespmem:s12], [sflag:$0x3] =	stream.linear.gather [hbm4b:s31+s2], $0xC0, $0x38;
	[tilespmem:$0x7980] =	vst v63  }
0x16: {  	_ =	swait.ge [sflag:s11], $0xC0  }
0x17: {  	[sflag:s11] =	ssyncset.done $0x0  }
0x18: {  	s23 =	simm.s32 $0x0;
	[sflag:s11] =	ssyncadd.s32 $0xFFFFFF40  }
.LBB2_2:
0x19: {  	s24 =	smul.u32 $0x6, s23;
	_ =	sdelay $0x1  }
0x1a: {  	v5 =	vmov s24;
	s25 =	sadd.s32 $0x2, s24;
	s24 =	sor.u32 $0x1, s24  }
0x1b: {  	v5 =	vbroadcast v5, $0x0;
	v6 =	vmov s25;
	v7 =	vmov s24  }
0x1c: {  	v8 =	vbroadcast v6, $0x0;
	_ =	sdelay $0x2  }
0x1d: {  	[tilespmem:$0x58C0] =	vst v2  }
0x1e: {  	v6 =	vld.idx.msk [tilespmem:v7+s12+$0x0], $0xffff  }
0x1f: {  	s28 =	simm.s32 $0x0;
	v5 =	vld.idx.msk [tilespmem:v5+s12+$0x0], $0xffff  }
0x20: {  	s26 =	simm.s32 $0x0;
	s24 =	simm.s32 $0x820;
	s25 =	simm.s32 $0x0;
	v7 =	vld.idx.msk [tilespmem:v8+s12+$0x0], $0xffff  }
.LBB2_3:
0x21: {  	v8 =	vld [tilespmem:s24+$0xFFFFF7E0]  }
0x22: {  	v9 =	vld [tilespmem:s24+$0xFFFFFFE0]  }
0x23: {  	v10 =	vld [tilespmem:s24+$0xFFFFF7F0]  }
0x24: {  	v11 =	vld [tilespmem:s24+$0xFFFFFFF0]  }
0x25: {  	v12 =	vld [tilespmem:s24+$0x7E0]  }
0x26: {  	v13 =	vld [tilespmem:s24+$0x7F0]  }
0x27: {  	v14 =	vld [tilespmem:s24+$0xFFFFF800]  }
0x28: {  	v15 =	vld [tilespmem:s24+$0x0]  }
0x29: {  	v16 =	vld [tilespmem:s24+$0xFFFFF810]  }
0x2a: {  	v17 =	vld [tilespmem:s24+$0x10];
	v8 =	vsub.f32 v8, v5;
	v9 =	vsub.f32 v9, v6  }
0x2b: {  	v18 =	vld [tilespmem:s24+$0x800];
	v10 =	vsub.f32 v10, v5;
	v11 =	vsub.f32 v11, v6  }
0x2c: {  	v12 =	vsub.f32 v12, v7;
	v52 =	vsub.f32 v13, v7  }
0x2d: {  	v51 =	vld [tilespmem:s24+$0x810];
	v53 =	vsub.f32 v14, v5;
	v54 =	vsub.f32 v15, v6;
	v8 =	vmul.f32 v8, v8  }
0x2e: {  	v55 =	vsub.f32 v16, v5;
	v9 =	vmul.f32 v9, v9;
	v10 =	vmul.f32 v10, v10  }
0x2f: {  	v56 =	vsub.f32 v17, v6;
	v11 =	vmul.f32 v11, v11;
	v12 =	vmul.f32 v12, v12  }
0x30: {  	v57 =	vsub.f32 v18, v7;
	v13 =	vmul.f32 v53, v53;
	v14 =	vmul.f32 v54, v54  }
0x31: {  	v15 =	vmul.f32 v55, v55;
	v16 =	vmul.f32 v56, v56;
	v8 =	vadd.f32 v9, v8  }
0x32: {  	v10 =	vadd.f32 v11, v10;
	v11 =	vmul.f32 v52, v52;
	v9 =	vsub.f32 v51, v7  }
0x33: {  	v59 =	vmul.f32 v57, v57;
	v58 =	vadd.f32 v14, v13;
	v8 =	vadd.f32 v12, v8  }
0x34: {  	v60 =	vadd.f32 v16, v15;
	v10 =	vadd.f32 v11, v10;
	v9 =	vmul.f32 v9, v9  }
0x35: {  	vm3 =	vle.f32 v8, $1.599999960e-01;
	v8 =	vadd.f32 v59, v58  }
0x36: {  	vm0 =	vle.f32 v10, $1.599999960e-01;
	v9 =	vadd.f32 v9, v60;
	v61 =	vsel vm3, $0x1, v2  }
0x37: {  	v62 =	vsel vm0, $0x1, v2;
	(xrf0) =	vadd.scan.msk.s32 $0xffff, v61;
	vm2 =	vle.f32 v8, $1.599999960e-01  }
0x38: {  	vm1 =	vle.f32 v9, $1.599999960e-01;
	(xrf0) =	vadd.scan.msk.s32 $0xffff, v62;
	v8 =	vsel vm2, $0x1, v2  }
0x39: {  	(xrf0) =	vadd.scan.msk.s32 $0xffff, v8;
	v8 =	vsel vm1, $0x1, v2  }
0x3a: {  	(xrf0) =	vadd.scan.msk.s32 $0xffff, v8;
	_ =	sdelay $0x2  }
0x3b: {  	v8, _, _ =	vpop (xrf0)  }
0x3c: {  	v63, _, _ =	vpop (xrf0);
	(v2sf) =	vpush v8, $0xF  }
0x3d: {  	v8, _, _ =	vpop (xrf0);
	(v2sf) =	vpush v63, $0xF  }
0x3e: {  	(v2sf) =	vpush v8, $0xF;
	v8, _, _ =	vpop (xrf0)  }
0x3f: {  	(v2sf) =	vpush v8, $0xF;
	_ =	sdelay $0xb  }
0x40: {  	s29 =	spop (v2sf)  }
0x41: {  	s30 =	spop (v2sf);
	s29 =	sadd.s32 s26, s29  }
0x42: {  	s31 =	spop (v2sf);
	s30 =	sadd.s32 s29, s30  }
0x43: {  	v8 =	vor.u32 s25, v1;
	s1 =	spop (v2sf);
	s31 =	sadd.s32 s30, s31  }
0x44: {  	p0 =	sgt.u32 s28, $0x1E;
	[tilespmem:s26+$0x58C0] =	vst.msk vm3, v8;
	s26 =	sadd.s32 s31, s1  }
0x45: {  	p1 =	slt.s32 @!p0 s26, $0x20  }
0x46: {  	p0 =	por p0, !p1  }
.Ltmp0:
0x47: {  	s0 =	sadd.s32 $0x10, s25;
	(pc) =	sbr.rel @!p0 .LBB2_3-.Ltmp0, $4  }
0x48: {  	s5 =	sadd.s32 $0x20, s25;
	v8 =	vor.u32 s0, v1  }
0x49: {  	s6 =	sadd.s32 $0x30, s25;
	[tilespmem:s29+$0x58C0] =	vst.msk vm0, v8;
	v8 =	vor.u32 s5, v1  }
0x4a: {  	[tilespmem:s30+$0x58C0] =	vst.msk vm2, v8;
	v8 =	vor.u32 s6, v1  }
0x4b: {  	s28 =	sadd.s32 $0x1, s28;
	s24 =	sadd.s32 $0x40, s24;
	s25 =	sadd.s32 $0x40, s25;
	[tilespmem:s31+$0x58C0] =	vst.msk vm1, v8  }
0x4c: {  	v5 =	vld [tilespmem:$0x58C0]  }
0x4d: {  	v6 =	vld.msk [tilespmem:s13+$0x0], $0xffff;
	_ =	sdelay $0x2  }
0x4e: {  	v7 =	vmov s26  }
0x4f: {  	vm0 =	vgt.s32 v7, v1  }
0x50: {  	v5 =	vsel vm0, v5, v6;
	_ =	sdelay $0x1  }
0x51: {  	s0 =	sshll.u32 s23, $0x6  }
0x52: {  	v8 =	vmov s0  }
0x53: {  	s24 =	simm.s32 $0x0;
	v8 =	vshll.u32 v8, $0x3  }
0x54: {  	v8 =	vor.u32 v4, v8;
	v9 =	vld.idx.msk [tilespmem:v5+s24+$0x0], $0xffff  }
0x55: {  	v10 =	vadd.s32 $0x800, v5;
	_ =	sdelay $0x3  }
0x56: {  	v11 =	vld [tilespmem:$0x58D0];
	[tilespmem:v8+s14+$0x0] =	vst.idx.msk $0xffff, v9  }
0x57: {  	v61 =	vor.u32 $0x1, v8;
	v9 =	vld.idx.msk [tilespmem:v10+s24+$0x0], $0xffff  }
0x58: {  	v12 =	vadd.s32 $0x1000, v5;
	_ =	sdelay $0x3  }
0x59: {  	[tilespmem:v61+s14+$0x0] =	vst.idx.msk $0xffff, v9  }
0x5a: {  	v8 =	vor.u32 $0x2, v8;
	v9 =	vld.idx.msk [tilespmem:v12+s24+$0x0], $0xffff  }
0x5b: {  	vm15 =	vgt.s32 v7, v3  }
0x5c: {  	v6 =	vsel vm15, v11, v6;
	_ =	sdelay $0x1  }
0x5d: {  	s0 =	sor.u32 $0x10, s0  }
0x5e: {  	v7 =	vmov s0;
	v5 =	vadd.s32 v0, v5;
	[tilespmem:v8+s14+$0x0] =	vst.idx.msk $0xffff, v9  }
0x5f: {  	[tilespmem:$0x5940] =	vst v5;
	v5 =	vshll.u32 v7, $0x3  }
0x60: {  	v7 =	vld.idx.msk [tilespmem:v6+s24+$0x0], $0xffff;
	v5 =	vor.u32 v4, v5  }
0x61: {  	v8 =	vadd.s32 $0x800, v6;
	_ =	sdelay $0x3  }
0x62: {  	[tilespmem:v5+s14+$0x0] =	vst.idx.msk $0xffff, v7  }
0x63: {  	v7 =	vld.idx.msk [tilespmem:v8+s24+$0x0], $0xffff;
	v8 =	vor.u32 $0x1, v5  }
0x64: {  	v62 =	vadd.s32 $0x1000, v6;
	_ =	sdelay $0x3  }
0x65: {  	s25 =	sshllo.u32 s23, $0x1;
	[tilespmem:v8+s14+$0x0] =	vst.idx.msk $0xffff, v7  }
0x66: {  	s31 =	smul.u32 $0x3, s25;
	v5 =	vor.u32 $0x2, v5;
	v7 =	vld.idx.msk [tilespmem:v62+s24+$0x0], $0xffff;
	_ =	sdelay $0x1  }
0x67: {  	s1 =	sadd.s32 $0x1, s31  }
0x68: {  	v8 =	vmov s1  }
0x69: {  	v63 =	vmov s31;
	v8 =	vbroadcast v8, $0x0  }
0x6a: {  	s0 =	sadd.s32 $0x2, s31;
	[tilespmem:v5+s14+$0x0] =	vst.idx.msk $0xffff, v7;
	v5 =	vadd.s32 v0, v6  }
0x6b: {  	v7 =	vmov s0;
	[tilespmem:$0x5950] =	vst v5  }
0x6c: {  	[tilespmem:s17], [sflag:$0x1] =	stream.indirect.gather [hbm4b:s3+s15], $0x80, s16, s15, $0xb8;
	[tilespmem:$0x7980] =	vst v63  }
0x6d: {  	[tilespmem:$0x58C0] =	vst v2  }
0x6e: {  	v5 =	vld.idx.msk [tilespmem:v63+s12+$0x0], $0xffff  }
0x6f: {  	v6 =	vld.idx.msk [tilespmem:v8+s12+$0x0], $0xffff  }
0x70: {  	s26 =	simm.s32 $0x820;
	s28 =	simm.s32 $0x0;
	s29 =	simm.s32 $0x0;
	v7 =	vld.idx.msk [tilespmem:v7+s12+$0x0], $0xffff  }
.LBB2_5:
0x71: {  	v8 =	vld [tilespmem:s26+$0xFFFFF7E0]  }
0x72: {  	v9 =	vld [tilespmem:s26+$0xFFFFFFE0]  }
0x73: {  	v10 =	vld [tilespmem:s26+$0xFFFFF7F0]  }
0x74: {  	v11 =	vld [tilespmem:s26+$0xFFFFFFF0]  }
0x75: {  	v12 =	vld [tilespmem:s26+$0x7E0]  }
0x76: {  	v13 =	vld [tilespmem:s26+$0x7F0]  }
0x77: {  	v14 =	vld [tilespmem:s26+$0xFFFFF800]  }
0x78: {  	v15 =	vld [tilespmem:s26+$0x0]  }
0x79: {  	v16 =	vld [tilespmem:s26+$0xFFFFF810]  }
0x7a: {  	v17 =	vld [tilespmem:s26+$0x10];
	v8 =	vsub.f32 v8, v5;
	v9 =	vsub.f32 v9, v6  }
0x7b: {  	v18 =	vld [tilespmem:s26+$0x800];
	v10 =	vsub.f32 v10, v5;
	v11 =	vsub.f32 v11, v6  }
0x7c: {  	v12 =	vsub.f32 v12, v7;
	v52 =	vsub.f32 v13, v7  }
0x7d: {  	v51 =	vld [tilespmem:s26+$0x810];
	v53 =	vsub.f32 v14, v5;
	v54 =	vsub.f32 v15, v6;
	v8 =	vmul.f32 v8, v8  }
0x7e: {  	v55 =	vsub.f32 v16, v5;
	v9 =	vmul.f32 v9, v9;
	v10 =	vmul.f32 v10, v10  }
0x7f: {  	v56 =	vsub.f32 v17, v6;
	v11 =	vmul.f32 v11, v11;
	v12 =	vmul.f32 v12, v12  }
0x80: {  	v57 =	vsub.f32 v18, v7;
	v13 =	vmul.f32 v53, v53;
	v14 =	vmul.f32 v54, v54  }
0x81: {  	v15 =	vmul.f32 v55, v55;
	v16 =	vmul.f32 v56, v56;
	v8 =	vadd.f32 v9, v8  }
0x82: {  	v10 =	vadd.f32 v11, v10;
	v11 =	vmul.f32 v52, v52;
	v9 =	vsub.f32 v51, v7  }
0x83: {  	v59 =	vmul.f32 v57, v57;
	v58 =	vadd.f32 v14, v13;
	v8 =	vadd.f32 v12, v8  }
0x84: {  	v60 =	vadd.f32 v16, v15;
	v10 =	vadd.f32 v11, v10;
	v9 =	vmul.f32 v9, v9  }
0x85: {  	vm3 =	vle.f32 v8, $1.599999960e-01;
	v8 =	vadd.f32 v59, v58  }
0x86: {  	vm0 =	vle.f32 v10, $1.599999960e-01;
	v9 =	vadd.f32 v9, v60;
	v61 =	vsel vm3, $0x1, v2  }
0x87: {  	v62 =	vsel vm0, $0x1, v2;
	(xrf0) =	vadd.scan.msk.s32 $0xffff, v61;
	vm2 =	vle.f32 v8, $1.599999960e-01  }
0x88: {  	vm1 =	vle.f32 v9, $1.599999960e-01;
	(xrf0) =	vadd.scan.msk.s32 $0xffff, v62;
	v8 =	vsel vm2, $0x1, v2  }
0x89: {  	(xrf0) =	vadd.scan.msk.s32 $0xffff, v8;
	v8 =	vsel vm1, $0x1, v2  }
0x8a: {  	(xrf0) =	vadd.scan.msk.s32 $0xffff, v8;
	_ =	sdelay $0x2  }
0x8b: {  	v8, _, _ =	vpop (xrf0)  }
0x8c: {  	v63, _, _ =	vpop (xrf0);
	(v2sf) =	vpush v8, $0xF  }
0x8d: {  	v8, _, _ =	vpop (xrf0);
	(v2sf) =	vpush v63, $0xF  }
0x8e: {  	(v2sf) =	vpush v8, $0xF;
	v8, _, _ =	vpop (xrf0)  }
0x8f: {  	(v2sf) =	vpush v8, $0xF;
	_ =	sdelay $0xb  }
0x90: {  	s0 =	spop (v2sf)  }
0x91: {  	s1 =	spop (v2sf);
	s0 =	sadd.s32 s29, s0  }
0x92: {  	s5 =	spop (v2sf);
	s1 =	sadd.s32 s0, s1  }
0x93: {  	v8 =	vor.u32 s28, v1;
	s31 =	spop (v2sf);
	s5 =	sadd.s32 s1, s5  }
0x94: {  	p0 =	sgt.u32 s24, $0x1E;
	[tilespmem:s29+$0x58C0] =	vst.msk vm3, v8;
	s29 =	sadd.s32 s5, s31  }
0x95: {  	p1 =	slt.s32 @!p0 s29, $0x20  }
0x96: {  	p0 =	por p0, !p1  }
.Ltmp1:
0x97: {  	s30 =	sadd.s32 $0x10, s28;
	(pc) =	sbr.rel @!p0 .LBB2_5-.Ltmp1, $4  }
0x98: {  	s6 =	sadd.s32 $0x20, s28;
	v8 =	vor.u32 s30, v1  }
0x99: {  	[tilespmem:s0+$0x58C0] =	vst.msk vm0, v8;
	v8 =	vor.u32 s6, v1;
	s31 =	sadd.s32 $0x30, s28  }
0x9a: {  	[tilespmem:s1+$0x58C0] =	vst.msk vm2, v8;
	v8 =	vor.u32 s31, v1  }
0x9b: {  	s24 =	sadd.s32 $0x1, s24;
	s26 =	sadd.s32 $0x40, s26;
	s28 =	sadd.s32 $0x40, s28;
	[tilespmem:s5+$0x58C0] =	vst.msk vm1, v8  }
0x9c: {  	v5 =	vld [tilespmem:$0x58C0]  }
0x9d: {  	v6 =	vld.msk [tilespmem:s13+$0x0], $0xffff;
	_ =	sdelay $0x2  }
0x9e: {  	v7 =	vmov s29  }
0x9f: {  	vm0 =	vgt.s32 v7, v1  }
0xa0: {  	v5 =	vsel vm0, v5, v6;
	_ =	sdelay $0x1  }
0xa1: {  	s0 =	sshll.u32 s25, $0x5  }
0xa2: {  	v8 =	vmov s0  }
0xa3: {  	v8 =	vshll.u32 v8, $0x3  }
0xa4: {  	v8 =	vor.u32 v4, v8;
	v9 =	vld.idx.msk [tilespmem:v5+s2+$0x0], $0xffff  }
0xa5: {  	v10 =	vadd.s32 $0x800, v5;
	_ =	sdelay $0x3  }
0xa6: {  	v11 =	vld [tilespmem:$0x58D0];
	[tilespmem:v8+s14+$0x0] =	vst.idx.msk $0xffff, v9  }
0xa7: {  	v60 =	vor.u32 $0x1, v8;
	v9 =	vld.idx.msk [tilespmem:v10+s2+$0x0], $0xffff  }
0xa8: {  	v12 =	vadd.s32 $0x1000, v5;
	_ =	sdelay $0x3  }
0xa9: {  	[tilespmem:v60+s14+$0x0] =	vst.idx.msk $0xffff, v9  }
0xaa: {  	v8 =	vor.u32 $0x2, v8;
	v9 =	vld.idx.msk [tilespmem:v12+s2+$0x0], $0xffff  }
0xab: {  	vm15 =	vgt.s32 v7, v3  }
0xac: {  	v6 =	vsel vm15, v11, v6;
	_ =	sdelay $0x1  }
0xad: {  	s0 =	sor.u32 $0x10, s0  }
0xae: {  	v7 =	vmov s0;
	v5 =	vadd.s32 v0, v5;
	[tilespmem:v8+s14+$0x0] =	vst.idx.msk $0xffff, v9  }
0xaf: {  	[tilespmem:$0x5960] =	vst v5;
	v5 =	vshll.u32 v7, $0x3  }
0xb0: {  	v7 =	vld.idx.msk [tilespmem:v6+s2+$0x0], $0xffff;
	v5 =	vor.u32 v4, v5  }
0xb1: {  	v61 =	vadd.s32 $0x800, v6;
	_ =	sdelay $0x3  }
0xb2: {  	[tilespmem:v5+s14+$0x0] =	vst.idx.msk $0xffff, v7  }
0xb3: {  	v62 =	vor.u32 $0x1, v5;
	v7 =	vld.idx.msk [tilespmem:v61+s2+$0x0], $0xffff  }
0xb4: {  	v63 =	vadd.s32 $0x1000, v6;
	_ =	sdelay $0x3  }
0xb5: {  	[tilespmem:v62+s14+$0x0] =	vst.idx.msk $0xffff, v7  }
0xb6: {  	v5 =	vor.u32 $0x2, v5;
	v7 =	vld.idx.msk [tilespmem:v63+s2+$0x0], $0xffff;
	_ =	sdelay $0x4  }
0xb7: {  	[tilespmem:v5+s14+$0x0] =	vst.idx.msk $0xffff, v7;
	v5 =	vadd.s32 v0, v6  }
0xb8: {  	[tilespmem:$0x5970] =	vst v5  }
0xb9: {  	[tilespmem:s19], [sflag:$0x2] =	stream.indirect.gather [hbm4b:s3+s15], $0x80, s18, s15, $0xb8;
	[tilespmem:$0x7980] =	vst v63  }
0xba: {  	s31 =	sshll.u32 s23, $0xA;
	_ =	swait.ge [sflag:s20], $0x1000  }
0xbb: {  	s0 =	sadd.s32 s7, s31;
	[sflag:s20] =	ssyncset.done $0x0  }
0xbc: {  	s1 =	sadd.s32 s4, s0;
	[sflag:s20] =	ssyncadd.s32 $0xFFFFF000  }
0xbd: {  	[hbm4b:s1+s2] =	stream.linear.scatter [tilespmem:s17], [sflag:$0x3], $0x1000, $0x38;
	[tilespmem:$0x7980] =	vst v63  }
0xbe: {  	_ =	swait.ge [sflag:s11], $0x1000  }
0xbf: {  	[sflag:s11] =	ssyncset.done $0x0  }
0xc0: {  	[sflag:s11] =	ssyncadd.s32 $0xFFFFF000  }
0xc1: {  	s23 =	sadd.s32 $0x1, s23;
	_ =	swait.ge [sflag:s21], $0x1000  }
0xc2: {  	p0 =	sne.s32 s23, $0x20;
	[sflag:s21] =	ssyncset.done $0x0  }
.Ltmp2:
0xc3: {  	s0 =	sadd.s32 s0, s8;
	[sflag:s21] =	ssyncadd.s32 $0xFFFFF000;
	(pc) =	sbr.rel @p0 .LBB2_2-.Ltmp2, $4  }
0xc4: {  	[hbm4b:s0+s2] =	stream.linear.scatter [tilespmem:s19], [sflag:$0x3], $0x1000, $0x38;
	[tilespmem:$0x7980] =	vst v63  }
0xc5: {  	_ =	swait.ge [sflag:s11], $0x1000  }
0xc6: {  	[sflag:s11] =	ssyncset.done $0x0  }
0xc7: {  	[sflag:s11] =	ssyncadd.s32 $0xFFFFF000  }
0xc8: {  	s22 =	sadd.s32 $0x1, s22  }
0xc9: {  	p0 =	sne.s32 s22, s10  }
.Ltmp3:
0xca: {  	_ = 	snop;
	(pc) =	sbr.rel @p0 .LBB2_1-.Ltmp3, $4  }
0xcb: {  	[hbm4b:s9+s2] =	stream.linear.scatter [tilespmem:s14], [sflag:$0x3], $0x4000, $0x38;
	[tilespmem:$0x7980] =	vst v63  }
0xcc: {  	_ =	swait.ge [sflag:s11], $0x4000  }
0xcd: {  	[sflag:s11] =	ssyncset.done $0x0  }
0xce: {  	[sflag:s11] =	ssyncadd.s32 $0xFFFFC000  }
0xcf: {  	_ =	sfence.sel $0x180000  }
0xd0: {  	[bflag:$0x0] =	sbarrier.arrive $0xFFFF  }
0xd1: {  	_ =	strace $0x9000004A  }
0xd2: {  	s0 =	stileid.u32;
	[bflag:$0x2] =	sbarrier.arrive $0xFFFF  }
0xd3: {  	p0 =	sne.s32 s0, $0x0;
	s0 =	rddreg [dreg:$0x1]  }
0xd4: {  	s0 =	sadd.s32 @!p0 $0x100000, s0  }
0xd5: {  	[sflag:s0] =	ssyncadd.tile.s32 @!p0 $0x1;
	_ =	shalt  }
.Lfunc_end2:
_tile_overlayer_lowered:
.L_overlay_start_2:
0xd6: {  	(tag) =	ssettag $0x2  }
0xd7: {  	s0 =	rddreg [dreg:$0x0];
	s2 =	stileid.u32  }
0xd8: {  	s1 =	rddreg [dreg:$0x1];
	p0 =	sne.s32 s2, $0x0  }
0xd9: {  	s3 =	rddreg [dreg:$0x2];
	[bflag:$0x3] =	sbarrier.arrive $0xFFFF;
	s2 =	simm.s32 @!p0 $0x1C03  }
0xda: {  	[timem:s3], [sflag:s2] =	dma.local @!p0 [hbm:s0], s1  }
0xdb: {  	s0 =	simm.s32 @!p0 $0x3  }
0xdc: {  	_ =	swait.ge @!p0 [sflag:s0], s1  }
0xdd: {  	s1 =	ssub.s32 @!p0 $0x0, s1;
	[sflag:s0] =	ssyncset.done @!p0 $0x0  }
0xde: {  	[sflag:s0] =	ssyncadd.s32 @!p0 s1  }
0xdf: {  	[bflag:$0x3] =	sbarrier.arrive $0xFFFF  }
0xe0: {  	_ =	shalt  }

// kernel: kernel.18.cloned.1.call-start
scs
__scs_entry_jumppad:
0x0: {  	(pc) =	sbr.rel $0x88, $3  }
0x1: {  	(tag) =	ssettag $0x0;
	lr =	simm.s32 $0x1  }
0x2: {  	[smem:$0x3F83] =	sst lr;
	_ =	strace $0xD0000000  }
0x3: {  	_ = 	snop  }
0x4: {  	_ = 	snop  }
0x5: {  	_ = 	snop  }
0x6: {  	_ = 	snop  }
0x7: {  	_ = 	snop  }
__scs_overlays_trampoline_lowered:
0x8: {  	[smem:$0x3F92] =	sst s0  }
0x9: {  	[smem:$0x3F93] =	sst s1  }
0xa: {  	[smem:$0x3F94] =	sst s2  }
0xb: {  	[smem:$0x3F95] =	sst s3  }
0xc: {  	[smem:$0x3F96] =	sst s4  }
0xd: {  	[smem:$0x3F97] =	sst s5  }
0xe: {  	[smem:$0x3F98] =	sst s6  }
0xf: {  	[smem:$0x3F99] =	sst s7  }
0x10: {  	[smem:$0x3F9A] =	sst s8  }
0x11: {  	[smem:$0x3F9B] =	sst s9;
	s0 =	simm.s32 @!p0 $0x0  }
0x12: {  	s1 =	sld [smem:$0x3F81];
	s0 =	simm.s32 @p0 $0x1  }
0x13: {  	[smem:$0x3F9C] =	sst s0;
	s0 =	simm.s32 @!p1 $0x0  }
0x14: {  	s2 =	sld [smem:$0x3F80];
	s0 =	simm.s32 @p1 $0x1  }
0x15: {  	[smem:$0x3F9D] =	sst s0;
	s0 =	simm.s32 @!p2 $0x0  }
0x16: {  	s3 =	sld [smem:$0x3FDB];
	s0 =	simm.s32 @p2 $0x1  }
0x17: {  	s4 =	simm.s32 $0x1BF5;
	[smem:$0x3F9F] =	sst s0  }
0x18: {  	s0 =	sld [smem:$0x3F82];
	_ =	swait.ge [sflag:s4], $0x0  }
0x19: {  	s7 =	sld [smem:$0x3F83]  }
0x1a: {  	s8 =	sadd.s32 $0xFFFFE003, lr  }
0x1b: {  	s9 =	sadd.s32 $0xFFFFFEF7, lr;
	s5 =	simm.s32 $0xFFFFFFFF;
	p2 =	slt.u32 s8, $0xFFFFF086  }
0x1c: {  	p1 =	slt.u32 s9, $0xF7A;
	s5 =	simm.s32 @!p2 $0x0  }
0x1d: {  	s5 =	simm.s32 @p1 $0x1;
	p0 =	seq.s32 s7, s2  }
0x1e: {  	s7 =	smul.u32 @!p0 $0xF7A, s2;
	p2 =	seq.s32 @!p0 s5, $0x0  }
0x1f: {  	s9 =	smul.u32 $0xF7A, s1;
	s8 =	simm.s32 @!p0 $0x1BF5;
	p2 =	por !p2, p0  }
0x20: {  	[sflag:s8] =	ssyncset.s32 @!p0 $0xFFFFF086;
	s6 =	sadd.s32 @!p0 s3, s7;
	s7 =	simm.s32 @!p0 $0x108  }
0x21: {  	s3 =	sadd.s32 s3, s9;
	s6 =	sadd.s32 @!p0 $0x88, s6;
	s7 =	simm.s32 @p2 $0x1082  }
0x22: {  	[simem:s7], [sflag:s8] =	dma.local @!p0 [hbm:s6], $0xF7A  }
0x23: {  	s9 =	sor.u32 $0xD0000000, s2;
	s6 =	simm.s32 $0x108;
	_ =	swait.ge @!p0 [sflag:s8], $0x0  }
0x24: {  	s3 =	sadd.s32 $0x88, s3;
	s6 =	simm.s32 @!p1 $0x1082;
	[sflag:s4] =	ssyncset.s32 $0xFFFFF086  }
0x25: {  	[simem:s6], [sflag:s4] =	dma.local [hbm:s3], $0xF7A  }
0x26: {  	[smem:$0x3F83] =	sst s1;
	(tag) =	ssettag s2;
	_ =	strace s9  }
0x27: {  	s1 =	sld [smem:$0x3F93]  }
0x28: {  	s2 =	sld [smem:$0x3F94]  }
0x29: {  	s4 =	sld [smem:$0x3F96]  }
0x2a: {  	p0 =	seq.s32 s5, $0x0;
	s5 =	sld [smem:$0x3F97]  }
0x2b: {  	s6 =	sld [smem:$0x3F98]  }
0x2c: {  	s7 =	sld [smem:$0x3F99]  }
0x2d: {  	s3 =	simm.s32 $0x108;
	s8 =	sld [smem:$0x3F9A]  }
0x2e: {  	s3 =	simm.s32 @!p0 $0x1082;
	s9 =	sld [smem:$0x3F9B]  }
0x2f: {  	lr =	sadd.s32 s0, s3;
	s0 =	sld [smem:$0x3F92]  }
0x30: {  	s3 =	sld [smem:$0x3F95]  }
0x31: {  	[smem:$0x3F9E] =	sst s10  }
0x32: {  	s10 =	sld [smem:$0x3F9C];
	_ =	sdelay $0x3  }
0x33: {  	p0 =	seq.s32 s10, $0x1;
	s10 =	sld [smem:$0x3F9E];
	_ =	sdelay $0x3  }
0x34: {  	[smem:$0x3F9E] =	sst s10  }
0x35: {  	s10 =	sld [smem:$0x3F9D];
	_ =	sdelay $0x3  }
0x36: {  	p1 =	seq.s32 s10, $0x1;
	s10 =	sld [smem:$0x3F9E];
	_ =	sdelay $0x3  }
0x37: {  	[smem:$0x3F9E] =	sst s10  }
0x38: {  	s10 =	sld [smem:$0x3F9F]  }
0x39: {  	_ = 	snop;
	(pc) =	sbr.ind lr, $3  }
0x3a: {  	_ = 	snop  }
0x3b: {  	_ = 	snop  }
0x3c: {  	p2 =	seq.s32 s10, $0x1;
	s10 =	sld [smem:$0x3F9E]  }
0x3d: {  	_ =	shalt  }
0x3e: {  	_ =	shalt  }
0x3f: {  	_ =	shalt  }
0x40: {  	_ =	shalt  }
0x41: {  	_ =	shalt  }
0x42: {  	_ =	shalt  }
0x43: {  	_ =	shalt  }
0x44: {  	_ =	shalt  }
0x45: {  	_ =	shalt  }
0x46: {  	_ =	shalt  }
0x47: {  	_ =	shalt  }
0x48: {  	_ =	shalt  }
0x49: {  	_ =	shalt  }
0x4a: {  	_ =	shalt  }
0x4b: {  	_ =	shalt  }
0x4c: {  	_ =	shalt  }
0x4d: {  	_ =	shalt  }
0x4e: {  	_ =	shalt  }
0x4f: {  	_ =	shalt  }
0x50: {  	_ =	shalt  }
0x51: {  	_ =	shalt  }
0x52: {  	_ =	shalt  }
0x53: {  	_ =	shalt  }
0x54: {  	_ =	shalt  }
0x55: {  	_ =	shalt  }
0x56: {  	_ =	shalt  }
0x57: {  	_ =	shalt  }
0x58: {  	_ =	shalt  }
0x59: {  	_ =	shalt  }
0x5a: {  	_ =	shalt  }
0x5b: {  	_ =	shalt  }
0x5c: {  	_ =	shalt  }
0x5d: {  	_ =	shalt  }
0x5e: {  	_ =	shalt  }
0x5f: {  	_ =	shalt  }
0x60: {  	_ =	shalt  }
0x61: {  	_ =	shalt  }
0x62: {  	_ =	shalt  }
0x63: {  	_ =	shalt  }
0x64: {  	_ =	shalt  }
0x65: {  	_ =	shalt  }
0x66: {  	_ =	shalt  }
0x67: {  	_ =	shalt  }
0x68: {  	_ =	shalt  }
0x69: {  	_ =	shalt  }
0x6a: {  	_ =	shalt  }
0x6b: {  	_ =	shalt  }
0x6c: {  	_ =	shalt  }
0x6d: {  	_ =	shalt  }
0x6e: {  	_ =	shalt  }
0x6f: {  	_ =	shalt  }
0x70: {  	_ =	shalt  }
0x71: {  	_ =	shalt  }
0x72: {  	_ =	shalt  }
0x73: {  	_ =	shalt  }
0x74: {  	_ =	shalt  }
0x75: {  	_ =	shalt  }
0x76: {  	_ =	shalt  }
0x77: {  	_ =	shalt  }
0x78: {  	_ =	shalt  }
0x79: {  	_ =	shalt  }
0x7a: {  	_ =	shalt  }
0x7b: {  	_ =	shalt  }
0x7c: {  	_ =	shalt  }
0x7d: {  	_ =	shalt  }
0x7e: {  	_ =	shalt  }
0x7f: {  	_ =	shalt  }
0x80: {  	_ =	shalt  }
0x81: {  	_ =	shalt  }
0x82: {  	_ =	shalt  }
0x83: {  	_ =	shalt  }
0x84: {  	_ =	shalt  }
0x85: {  	_ =	shalt  }
0x86: {  	_ =	shalt  }
0x87: {  	_ =	shalt  }
.Lfunc_end0:
.L_simem_size_0:
called_computation.2_lowered:
.L_overlay_start_0:
0x88: {  	s2 =	sld [smem:$0x3FD9]  }
0x89: {  	s3 =	sld [smem:$0x3FFE];
	_ =	sdelay $0x1  }
0x8a: {  	s1 =	srdreg.scid  }
0x8b: {  	s0 =	sand.u32 $0x1, s1  }
0x8c: {  	s17 =	sshll.u32 s0, $0xA;
	s2 =	sadd.s32 s3, s2  }
0x8d: {  	s2 =	sadd.s32 s2, s17  }
0x8e: {  	[smem:$0x3FAA] =	sst s2  }
0x8f: {  	_ = 	snop  }
0x90: {  	s2 =	sld [smem:$0x3FD0];
	(tm) =	ssettm $0x1  }
0x91: {  	s18 =	sld [smem:$0x3FFB];
	_ =	sdelay $0x3  }
0x92: {  	_ =	strace s18  }
0x93: {  	s3 =	sld [smem:$0x3FFC];
	_ =	sdelay $0x3  }
0x94: {  	_ =	strace s3  }
0x95: {  	s3 =	sld [smem:$0x3FFD];
	_ =	sdelay $0x3  }
0x96: {  	_ =	strace s3  }
0x97: {  	_ =	strace $0x8FFFFFFF  }
0x98: {  	s19 =	sld [smem:$0x3FDB];
	_ =	sdelay $0x1  }
0x99: {  	s4 =	simm.s32 $_scs_section_size  }
0x9a: {  	s5 =	simm.s32 $_size__tile_overlayer_lowered;
	s6 =	simm.s32 $_tile_overlayer_lowered  }
0x9b: {  	s22 =	simm.s32 $0x1BFF;
	s21 =	sshll.u32 s6, $0x1;
	s3 =	sadd.s32 s4, s19  }
0x9c: {  	s7 =	simm.s32 $0x0;
	s20 =	sshll.u32 s5, $0x1;
	s5 =	sadd.s32 s21, s3  }
0x9d: {  	[timem:s7], [sflag:s22] =	dma.local [hbm:s5], s20  }
0x9e: {  	_ =	swait.ge [sflag:s22], s20  }
0x9f: {  	s4 =	ssub.s32 $0x0, s20;
	[sflag:s22] =	ssyncset.done $0x0  }
0xa0: {  	[sflag:s22] =	ssyncadd.s32 s4;
	_ =	sdelay $0x1  }
0xa1: {  	s23 =	simm.s32 $0x1B8B  }
0xa2: {  	_ =	swait.ge [sflag:s23], $0x1  }
0xa3: {  	[sflag:s23] =	ssyncset.done $0x0  }
0xa4: {  	s25 =	simm.s32 $0x1B8E;
	s24 =	sld [smem:$0x3FFE];
	[sflag:s23] =	ssyncadd.s32 $0xFFFFFFFF  }
0xa5: {  	s26 =	simm.s32 $execute0_lowered;
	[smem:$0x3FD2] =	sst s25  }
0xa6: {  	s5 =	sshll.u32 s26, $0x1;
	_ =	strace $0x8000004C;
	[dreg:$0x1] =	wrdreg $0xFFFFFFFF  }
0xa7: {  	s28 =	simm.s32 $_size_execute0_lowered;
	s3 =	sadd.s32 s3, s5;
	[dreg:$0x0] =	wrdreg $0x0  }
0xa8: {  	s5 =	sshll.u32 s28, $0x1;
	[dreg:$0x2] =	wrdreg s3  }
0xa9: {  	[dreg:$0x3] =	wrdreg s5  }
0xaa: {  	[dreg:$0x4] =	wrdreg $0xC0  }
0xab: {  	_ =	task [dreg:s7], $0x5FFFF  }
0xac: {  	[dreg:$0x1] =	wrdreg $0xFFFFFFFF  }
0xad: {  	[dreg:$0x0] =	wrdreg $0x60  }
0xae: {  	[dreg:$0x2] =	wrdreg s2  }
0xaf: {  	[dreg:$0x3] =	wrdreg s24  }
0xb0: {  	[dreg:$0x4] =	wrdreg $0x9  }
0xb1: {  	_ =	task.clear_ibuf [dreg:s7], $0x5FFFF;
	_ =	strace $0x9000004C  }
0xb2: {  	s29 =	simm.s32 $0x9;
	_ =	strace $0x8000004E  }
0xb3: {  	_ =	swait.ge [sflag:s29], $0x1  }
0xb4: {  	[sflag:s29] =	ssyncadd.s32 $0xFFFFFFFF  }
0xb5: {  	_ =	strace $0x9000004E  }
0xb6: {  	_ =	sfence  }
0xb7: {  	s30 =	sld [smem:$0x0];
	_ =	sdelay $0x2  }
0xb8: {  	s31 =	sshll.u32 s1, $0xD;
	s1 =	sshrl.u32 s1, $0x2  }
0xb9: {  	s3 =	sand.u32 $0x4000, s31;
	s1 =	sadd.s32 s1, s30  }
0xba: {  	s0 =	sor.u32 s3, s0;
	s1 =	sshll.u32 s1, $0x11  }
0xbb: {  	s0 =	sor.u32 s1, s0  }
0xbc: {  	s0 =	sadd.s32 $0x8F2B, s0  }
0xbd: {  	[sflag:s0] =	ssyncadd.remote.s32 $0x1  }
0xbe: {  	_ =	sfence.sel $0xFFFF  }
0xbf: {  	[dreg:$0x0] =	wrdreg $0xFFFFFFFF;
	(pc) =	sbr.abs _section_cstart, $3  }
0xc0: {  	[dreg:$0x1] =	wrdreg $0xFFFFFFFF  }
0xc1: {  	_ =	task.clear_ibuf [dreg:s7], $0x2FFFF;
	_ =	strace $0x9FFFFFFF  }
0xc2: {  	(tm) =	ssettm $0x7FFFFFFF  }
0xc3: {  	_ =	shalt  }
tec
execute0_lowered:
.L_overlay_start_1:
0x0: {  	(tag) =	ssettag $0x1  }
0x1: {  	s1 =	srdreg.scid  }
0x2: {  	s0 =	stileid.u32;
	s5 =	rddreg [dreg:$0x0]  }
0x3: {  	s8 =	rddreg [dreg:$0x1];
	s2 =	simm.s32 $0x0;
	s14 =	simm.s32 $0x630  }
0x4: {  	s15 =	simm.s32 $0x20;
	s16 =	simm.s32 $0x16B0;
	s18 =	simm.s32 $0x16D0  }
0x5: {  	s19 =	simm.s32 $0x36F0;
	s20 =	simm.s32 $0x1;
	s21 =	simm.s32 $0x2  }
0x6: {  	s22 =	simm.s32 $0x0;
	s3 =	sand.u32 $0x1, s1;
	s28 =	sshll.u32 s0, $0x1  }
0x7: {  	[smem:$0x7FF] =	sst s2;
	s9 =	sshrl.u32 s0, $0x2;
	s7 =	sor.u32 s3, s28  }
0x8: {  	_ =	strace $0x8000004D;
	s10 =	ssub.s32 $0x2, s3;
	s11 =	smul.u32 $0xC0, s9  }
0x9: {  	s3 =	sadd.s32 $0x25E00, s8;
	s17 =	sshll.u32 s9, $0x9;
	s4 =	smul.u32 $0x6, s7  }
0xa: {  	s29 =	sshll.u32 s7, $0x9;
	s13 =	sshrl.u32 s10, $0x1;
	s7 =	sshll.u32 s7, $0xE  }
0xb: {  	v0 =	vmov s17;
	s17 =	simm.s32 $0x16F0;
	s12 =	sadd.s32 s29, s8;
	s10 =	ssub.s32 s10, s13  }
0xc: {  	s30 =	sadd.s32 s5, s11;
	s11 =	simm.s32 $0x3;
	s13 =	simm.s32 $0x1630  }
0xd: {  	s6 =	sadd.s32 s4, s8;
	s4 =	sadd.s32 $0x36000, s8;
	[dreg:$0x3] =	wrdreg s30  }
0xe: {  	v1 =	vlaneseq.u32;
	s8 =	sadd.s32 $0x36400, s8;
	s9 =	sadd.s32 $0xB6000, s12;
	s31 =	sadd.s32 $0x35E00, s6  }
0xf: {  	v2 =	vimm.s32 $0x0;
	v3 =	vor.u32 $0x10, v1;
	v4 =	vmul.u32 $0x8, v1;
	s10 =	smax.u32 s10, $0x1;
	s12 =	simm.s32 $0x600;
	[dreg:$0x4] =	wrdreg s31  }
.LBB2_1:
0x10: {  	s0 =	rddreg [dreg:$0x3]  }
0x11: {  	[tilespmem:s2], [sflag:$0x3] =	stream.linear.gather [hbm4b:s0+s2], $0x600, $0x38;
	[tilespmem:$0x56F0] =	vst v63  }
0x12: {  	_ =	swait.ge [sflag:s11], $0x600  }
0x13: {  	[sflag:s11] =	ssyncset.done $0x0  }
0x14: {  	s31 =	rddreg [dreg:$0x4];
	[sflag:s11] =	ssyncadd.s32 $0xFFFFFA00  }
0x15: {  	[tilespmem:s12], [sflag:$0x3] =	stream.linear.gather [hbm4b:s31+s2], $0x30, $0x38;
	[tilespmem:$0x56F0] =	vst v63  }
0x16: {  	_ =	swait.ge [sflag:s11], $0x30  }
0x17: {  	[sflag:s11] =	ssyncset.done $0x0  }
0x18: {  	s23 =	simm.s32 $0x0;
	[sflag:s11] =	ssyncadd.s32 $0xFFFFFFD0  }
.LBB2_2:
0x19: {  	s24 =	smul.u32 $0x6, s23;
	_ =	sdelay $0x1  }
0x1a: {  	v5 =	vmov s24;
	s25 =	sadd.s32 $0x2, s24;
	s24 =	sor.u32 $0x1, s24  }
0x1b: {  	v5 =	vbroadcast v5, $0x0;
	v6 =	vmov s25;
	v7 =	vmov s24  }
0x1c: {  	v8 =	vbroadcast v6, $0x0;
	_ =	sdelay $0x2  }
0x1d: {  	[tilespmem:$0x1630] =	vst v2  }
0x1e: {  	v6 =	vld.idx.msk [tilespmem:v7+s12+$0x0], $0xffff  }
0x1f: {  	s28 =	simm.s32 $0x0;
	v5 =	vld.idx.msk [tilespmem:v5+s12+$0x0], $0xffff  }
0x20: {  	s26 =	simm.s32 $0x0;
	s24 =	simm.s32 $0x220;
	s25 =	simm.s32 $0x0;
	v7 =	vld.idx.msk [tilespmem:v8+s12+$0x0], $0xffff  }
.LBB2_3:
0x21: {  	v8 =	vld [tilespmem:s24+$0xFFFFFDE0]  }
0x22: {  	v9 =	vld [tilespmem:s24+$0xFFFFFFE0]  }
0x23: {  	v10 =	vld [tilespmem:s24+$0xFFFFFDF0]  }
0x24: {  	v11 =	vld [tilespmem:s24+$0xFFFFFFF0]  }
0x25: {  	v12 =	vld [tilespmem:s24+$0x1E0]  }
0x26: {  	v13 =	vld [tilespmem:s24+$0x1F0]  }
0x27: {  	v14 =	vld [tilespmem:s24+$0xFFFFFE00]  }
0x28: {  	v15 =	vld [tilespmem:s24+$0x0]  }
0x29: {  	v16 =	vld [tilespmem:s24+$0xFFFFFE10]  }
0x2a: {  	v17 =	vld [tilespmem:s24+$0x10];
	v8 =	vsub.f32 v8, v5;
	v9 =	vsub.f32 v9, v6  }
0x2b: {  	v18 =	vld [tilespmem:s24+$0x200];
	v10 =	vsub.f32 v10, v5;
	v11 =	vsub.f32 v11, v6  }
0x2c: {  	v12 =	vsub.f32 v12, v7;
	v52 =	vsub.f32 v13, v7  }
0x2d: {  	v51 =	vld [tilespmem:s24+$0x210];
	v53 =	vsub.f32 v14, v5;
	v54 =	vsub.f32 v15, v6;
	v8 =	vmul.f32 v8, v8  }
0x2e: {  	v55 =	vsub.f32 v16, v5;
	v9 =	vmul.f32 v9, v9;
	v10 =	vmul.f32 v10, v10  }
0x2f: {  	v56 =	vsub.f32 v17, v6;
	v11 =	vmul.f32 v11, v11;
	v12 =	vmul.f32 v12, v12  }
0x30: {  	v57 =	vsub.f32 v18, v7;
	v13 =	vmul.f32 v53, v53;
	v14 =	vmul.f32 v54, v54  }
0x31: {  	v15 =	vmul.f32 v55, v55;
	v16 =	vmul.f32 v56, v56;
	v8 =	vadd.f32 v9, v8  }
0x32: {  	v10 =	vadd.f32 v11, v10;
	v11 =	vmul.f32 v52, v52;
	v9 =	vsub.f32 v51, v7  }
0x33: {  	v59 =	vmul.f32 v57, v57;
	v58 =	vadd.f32 v14, v13;
	v8 =	vadd.f32 v12, v8  }
0x34: {  	v60 =	vadd.f32 v16, v15;
	v10 =	vadd.f32 v11, v10;
	v9 =	vmul.f32 v9, v9  }
0x35: {  	vm3 =	vle.f32 v8, $6.399999860e-01;
	v8 =	vadd.f32 v59, v58  }
0x36: {  	vm0 =	vle.f32 v10, $6.399999860e-01;
	v9 =	vadd.f32 v9, v60;
	v61 =	vsel vm3, $0x1, v2  }
0x37: {  	v62 =	vsel vm0, $0x1, v2;
	(xrf0) =	vadd.scan.msk.s32 $0xffff, v61;
	vm2 =	vle.f32 v8, $6.399999860e-01  }
0x38: {  	vm1 =	vle.f32 v9, $6.399999860e-01;
	(xrf0) =	vadd.scan.msk.s32 $0xffff, v62;
	v8 =	vsel vm2, $0x1, v2  }
0x39: {  	(xrf0) =	vadd.scan.msk.s32 $0xffff, v8;
	v8 =	vsel vm1, $0x1, v2  }
0x3a: {  	(xrf0) =	vadd.scan.msk.s32 $0xffff, v8;
	_ =	sdelay $0x2  }
0x3b: {  	v8, _, _ =	vpop (xrf0)  }
0x3c: {  	v63, _, _ =	vpop (xrf0);
	(v2sf) =	vpush v8, $0xF  }
0x3d: {  	v8, _, _ =	vpop (xrf0);
	(v2sf) =	vpush v63, $0xF  }
0x3e: {  	(v2sf) =	vpush v8, $0xF;
	v8, _, _ =	vpop (xrf0)  }
0x3f: {  	(v2sf) =	vpush v8, $0xF;
	_ =	sdelay $0xb  }
0x40: {  	s29 =	spop (v2sf)  }
0x41: {  	s30 =	spop (v2sf);
	s29 =	sadd.s32 s26, s29  }
0x42: {  	s31 =	spop (v2sf);
	s30 =	sadd.s32 s29, s30  }
0x43: {  	v8 =	vor.u32 s25, v1;
	s0 =	spop (v2sf);
	s31 =	sadd.s32 s30, s31  }
0x44: {  	p0 =	sgt.u32 s28, $0x6;
	[tilespmem:s26+$0x1630] =	vst.msk vm3, v8;
	s26 =	sadd.s32 s31, s0  }
0x45: {  	p1 =	slt.s32 @!p0 s26, $0x20  }
0x46: {  	p0 =	por p0, !p1  }
.Ltmp0:
0x47: {  	s1 =	sadd.s32 $0x10, s25;
	(pc) =	sbr.rel @!p0 .LBB2_3-.Ltmp0, $4  }
0x48: {  	s5 =	sadd.s32 $0x20, s25;
	v8 =	vor.u32 s1, v1  }
0x49: {  	s6 =	sadd.s32 $0x30, s25;
	[tilespmem:s29+$0x1630] =	vst.msk vm0, v8;
	v8 =	vor.u32 s5, v1  }
0x4a: {  	[tilespmem:s30+$0x1630] =	vst.msk vm2, v8;
	v8 =	vor.u32 s6, v1  }
0x4b: {  	s28 =	sadd.s32 $0x1, s28;
	s24 =	sadd.s32 $0x40, s24;
	s25 =	sadd.s32 $0x40, s25;
	[tilespmem:s31+$0x1630] =	vst.msk vm1, v8  }
0x4c: {  	v5 =	vld [tilespmem:$0x1630]  }
0x4d: {  	v6 =	vld.msk [tilespmem:s13+$0x0], $0xffff;
	_ =	sdelay $0x2  }
0x4e: {  	v7 =	vmov s26  }
0x4f: {  	vm0 =	vgt.s32 v7, v1  }
0x50: {  	v5 =	vsel vm0, v5, v6;
	_ =	sdelay $0x1  }
0x51: {  	s0 =	sshll.u32 s23, $0x6  }
0x52: {  	v8 =	vmov s0  }
0x53: {  	s24 =	simm.s32 $0x0;
	v8 =	vshll.u32 v8, $0x3  }
0x54: {  	v8 =	vor.u32 v4, v8;
	v9 =	vld.idx.msk [tilespmem:v5+s24+$0x0], $0xffff  }
0x55: {  	v10 =	vadd.s32 $0x200, v5;
	_ =	sdelay $0x3  }
0x56: {  	v11 =	vld [tilespmem:$0x1640];
	[tilespmem:v8+s14+$0x0] =	vst.idx.msk $0xffff, v9  }
0x57: {  	v61 =	vor.u32 $0x1, v8;
	v9 =	vld.idx.msk [tilespmem:v10+s24+$0x0], $0xffff  }
0x58: {  	v12 =	vadd.s32 $0x400, v5;
	_ =	sdelay $0x3  }
0x59: {  	[tilespmem:v61+s14+$0x0] =	vst.idx.msk $0xffff, v9  }
0x5a: {  	v8 =	vor.u32 $0x2, v8;
	v9 =	vld.idx.msk [tilespmem:v12+s24+$0x0], $0xffff  }
0x5b: {  	vm15 =	vgt.s32 v7, v3  }
0x5c: {  	v6 =	vsel vm15, v11, v6;
	_ =	sdelay $0x1  }
0x5d: {  	s0 =	sor.u32 $0x10, s0  }
0x5e: {  	v7 =	vmov s0;
	v5 =	vadd.s32 v0, v5;
	[tilespmem:v8+s14+$0x0] =	vst.idx.msk $0xffff, v9  }
0x5f: {  	[tilespmem:$0x16B0] =	vst v5;
	v5 =	vshll.u32 v7, $0x3  }
0x60: {  	v7 =	vld.idx.msk [tilespmem:v6+s24+$0x0], $0xffff;
	v5 =	vor.u32 v4, v5  }
0x61: {  	v8 =	vadd.s32 $0x200, v6;
	_ =	sdelay $0x3  }
0x62: {  	[tilespmem:v5+s14+$0x0] =	vst.idx.msk $0xffff, v7  }
0x63: {  	v7 =	vld.idx.msk [tilespmem:v8+s24+$0x0], $0xffff;
	v8 =	vor.u32 $0x1, v5  }
0x64: {  	v62 =	vadd.s32 $0x400, v6;
	_ =	sdelay $0x3  }
0x65: {  	s25 =	sshllo.u32 s23, $0x1;
	[tilespmem:v8+s14+$0x0] =	vst.idx.msk $0xffff, v7  }
0x66: {  	s31 =	smul.u32 $0x3, s25;
	v5 =	vor.u32 $0x2, v5;
	v7 =	vld.idx.msk [tilespmem:v62+s24+$0x0], $0xffff;
	_ =	sdelay $0x1  }
0x67: {  	s1 =	sadd.s32 $0x1, s31  }
0x68: {  	v8 =	vmov s1  }
0x69: {  	v63 =	vmov s31;
	v8 =	vbroadcast v8, $0x0  }
0x6a: {  	s0 =	sadd.s32 $0x2, s31;
	[tilespmem:v5+s14+$0x0] =	vst.idx.msk $0xffff, v7;
	v5 =	vadd.s32 v0, v6  }
0x6b: {  	v7 =	vmov s0;
	[tilespmem:$0x16C0] =	vst v5  }
0x6c: {  	[tilespmem:s17], [sflag:$0x1] =	stream.indirect.gather [hbm4b:s3+s15], $0x100, s16, s15, $0xb8;
	[tilespmem:$0x56F0] =	vst v63  }
0x6d: {  	[tilespmem:$0x1630] =	vst v2  }
0x6e: {  	v5 =	vld.idx.msk [tilespmem:v63+s12+$0x0], $0xffff  }
0x6f: {  	v6 =	vld.idx.msk [tilespmem:v8+s12+$0x0], $0xffff  }
0x70: {  	s26 =	simm.s32 $0x220;
	s28 =	simm.s32 $0x0;
	s29 =	simm.s32 $0x0;
	v7 =	vld.idx.msk [tilespmem:v7+s12+$0x0], $0xffff  }
.LBB2_5:
0x71: {  	v8 =	vld [tilespmem:s26+$0xFFFFFDE0]  }
0x72: {  	v9 =	vld [tilespmem:s26+$0xFFFFFFE0]  }
0x73: {  	v10 =	vld [tilespmem:s26+$0xFFFFFDF0]  }
0x74: {  	v11 =	vld [tilespmem:s26+$0xFFFFFFF0]  }
0x75: {  	v12 =	vld [tilespmem:s26+$0x1E0]  }
0x76: {  	v13 =	vld [tilespmem:s26+$0x1F0]  }
0x77: {  	v14 =	vld [tilespmem:s26+$0xFFFFFE00]  }
0x78: {  	v15 =	vld [tilespmem:s26+$0x0]  }
0x79: {  	v16 =	vld [tilespmem:s26+$0xFFFFFE10]  }
0x7a: {  	v17 =	vld [tilespmem:s26+$0x10];
	v8 =	vsub.f32 v8, v5;
	v9 =	vsub.f32 v9, v6  }
0x7b: {  	v18 =	vld [tilespmem:s26+$0x200];
	v10 =	vsub.f32 v10, v5;
	v11 =	vsub.f32 v11, v6  }
0x7c: {  	v12 =	vsub.f32 v12, v7;
	v52 =	vsub.f32 v13, v7  }
0x7d: {  	v51 =	vld [tilespmem:s26+$0x210];
	v53 =	vsub.f32 v14, v5;
	v54 =	vsub.f32 v15, v6;
	v8 =	vmul.f32 v8, v8  }
0x7e: {  	v55 =	vsub.f32 v16, v5;
	v9 =	vmul.f32 v9, v9;
	v10 =	vmul.f32 v10, v10  }
0x7f: {  	v56 =	vsub.f32 v17, v6;
	v11 =	vmul.f32 v11, v11;
	v12 =	vmul.f32 v12, v12  }
0x80: {  	v57 =	vsub.f32 v18, v7;
	v13 =	vmul.f32 v53, v53;
	v14 =	vmul.f32 v54, v54  }
0x81: {  	v15 =	vmul.f32 v55, v55;
	v16 =	vmul.f32 v56, v56;
	v8 =	vadd.f32 v9, v8  }
0x82: {  	v10 =	vadd.f32 v11, v10;
	v11 =	vmul.f32 v52, v52;
	v9 =	vsub.f32 v51, v7  }
0x83: {  	v59 =	vmul.f32 v57, v57;
	v58 =	vadd.f32 v14, v13;
	v8 =	vadd.f32 v12, v8  }
0x84: {  	v60 =	vadd.f32 v16, v15;
	v10 =	vadd.f32 v11, v10;
	v9 =	vmul.f32 v9, v9  }
0x85: {  	vm3 =	vle.f32 v8, $6.399999860e-01;
	v8 =	vadd.f32 v59, v58  }
0x86: {  	vm0 =	vle.f32 v10, $6.399999860e-01;
	v9 =	vadd.f32 v9, v60;
	v61 =	vsel vm3, $0x1, v2  }
0x87: {  	v62 =	vsel vm0, $0x1, v2;
	(xrf0) =	vadd.scan.msk.s32 $0xffff, v61;
	vm2 =	vle.f32 v8, $6.399999860e-01  }
0x88: {  	vm1 =	vle.f32 v9, $6.399999860e-01;
	(xrf0) =	vadd.scan.msk.s32 $0xffff, v62;
	v8 =	vsel vm2, $0x1, v2  }
0x89: {  	(xrf0) =	vadd.scan.msk.s32 $0xffff, v8;
	v8 =	vsel vm1, $0x1, v2  }
0x8a: {  	(xrf0) =	vadd.scan.msk.s32 $0xffff, v8;
	_ =	sdelay $0x2  }
0x8b: {  	v8, _, _ =	vpop (xrf0)  }
0x8c: {  	v63, _, _ =	vpop (xrf0);
	(v2sf) =	vpush v8, $0xF  }
0x8d: {  	v8, _, _ =	vpop (xrf0);
	(v2sf) =	vpush v63, $0xF  }
0x8e: {  	(v2sf) =	vpush v8, $0xF;
	v8, _, _ =	vpop (xrf0)  }
0x8f: {  	(v2sf) =	vpush v8, $0xF;
	_ =	sdelay $0xb  }
0x90: {  	s0 =	spop (v2sf)  }
0x91: {  	s1 =	spop (v2sf);
	s0 =	sadd.s32 s29, s0  }
0x92: {  	s5 =	spop (v2sf);
	s1 =	sadd.s32 s0, s1  }
0x93: {  	v8 =	vor.u32 s28, v1;
	s31 =	spop (v2sf);
	s5 =	sadd.s32 s1, s5  }
0x94: {  	p0 =	sgt.u32 s24, $0x6;
	[tilespmem:s29+$0x1630] =	vst.msk vm3, v8;
	s29 =	sadd.s32 s5, s31  }
0x95: {  	p1 =	slt.s32 @!p0 s29, $0x20  }
0x96: {  	p0 =	por p0, !p1  }
.Ltmp1:
0x97: {  	s30 =	sadd.s32 $0x10, s28;
	(pc) =	sbr.rel @!p0 .LBB2_5-.Ltmp1, $4  }
0x98: {  	s6 =	sadd.s32 $0x20, s28;
	v8 =	vor.u32 s30, v1  }
0x99: {  	[tilespmem:s0+$0x1630] =	vst.msk vm0, v8;
	v8 =	vor.u32 s6, v1;
	s31 =	sadd.s32 $0x30, s28  }
0x9a: {  	[tilespmem:s1+$0x1630] =	vst.msk vm2, v8;
	v8 =	vor.u32 s31, v1  }
0x9b: {  	s24 =	sadd.s32 $0x1, s24;
	s26 =	sadd.s32 $0x40, s26;
	s28 =	sadd.s32 $0x40, s28;
	[tilespmem:s5+$0x1630] =	vst.msk vm1, v8  }
0x9c: {  	v5 =	vld [tilespmem:$0x1630]  }
0x9d: {  	v6 =	vld.msk [tilespmem:s13+$0x0], $0xffff;
	_ =	sdelay $0x2  }
0x9e: {  	v7 =	vmov s29  }
0x9f: {  	vm0 =	vgt.s32 v7, v1  }
0xa0: {  	v5 =	vsel vm0, v5, v6;
	_ =	sdelay $0x1  }
0xa1: {  	s0 =	sshll.u32 s25, $0x5  }
0xa2: {  	v8 =	vmov s0  }
0xa3: {  	v8 =	vshll.u32 v8, $0x3  }
0xa4: {  	v8 =	vor.u32 v4, v8;
	v9 =	vld.idx.msk [tilespmem:v5+s2+$0x0], $0xffff  }
0xa5: {  	v10 =	vadd.s32 $0x200, v5;
	_ =	sdelay $0x3  }
0xa6: {  	v11 =	vld [tilespmem:$0x1640];
	[tilespmem:v8+s14+$0x0] =	vst.idx.msk $0xffff, v9  }
0xa7: {  	v60 =	vor.u32 $0x1, v8;
	v9 =	vld.idx.msk [tilespmem:v10+s2+$0x0], $0xffff  }
0xa8: {  	v12 =	vadd.s32 $0x400, v5;
	_ =	sdelay $0x3  }
0xa9: {  	[tilespmem:v60+s14+$0x0] =	vst.idx.msk $0xffff, v9  }
0xaa: {  	v8 =	vor.u32 $0x2, v8;
	v9 =	vld.idx.msk [tilespmem:v12+s2+$0x0], $0xffff  }
0xab: {  	vm15 =	vgt.s32 v7, v3  }
0xac: {  	v6 =	vsel vm15, v11, v6;
	_ =	sdelay $0x1  }
0xad: {  	s0 =	sor.u32 $0x10, s0  }
0xae: {  	v7 =	vmov s0;
	v5 =	vadd.s32 v0, v5;
	[tilespmem:v8+s14+$0x0] =	vst.idx.msk $0xffff, v9  }
0xaf: {  	[tilespmem:$0x16D0] =	vst v5;
	v5 =	vshll.u32 v7, $0x3  }
0xb0: {  	v7 =	vld.idx.msk [tilespmem:v6+s2+$0x0], $0xffff;
	v5 =	vor.u32 v4, v5  }
0xb1: {  	v61 =	vadd.s32 $0x200, v6;
	_ =	sdelay $0x3  }
0xb2: {  	[tilespmem:v5+s14+$0x0] =	vst.idx.msk $0xffff, v7  }
0xb3: {  	v62 =	vor.u32 $0x1, v5;
	v7 =	vld.idx.msk [tilespmem:v61+s2+$0x0], $0xffff  }
0xb4: {  	v63 =	vadd.s32 $0x400, v6;
	_ =	sdelay $0x3  }
0xb5: {  	[tilespmem:v62+s14+$0x0] =	vst.idx.msk $0xffff, v7  }
0xb6: {  	v5 =	vor.u32 $0x2, v5;
	v7 =	vld.idx.msk [tilespmem:v63+s2+$0x0], $0xffff;
	_ =	sdelay $0x4  }
0xb7: {  	[tilespmem:v5+s14+$0x0] =	vst.idx.msk $0xffff, v7;
	v5 =	vadd.s32 v0, v6  }
0xb8: {  	[tilespmem:$0x16E0] =	vst v5  }
0xb9: {  	[tilespmem:s19], [sflag:$0x2] =	stream.indirect.gather [hbm4b:s3+s15], $0x100, s18, s15, $0xb8;
	[tilespmem:$0x56F0] =	vst v63  }
0xba: {  	s31 =	sshll.u32 s23, $0xB;
	_ =	swait.ge [sflag:s20], $0x2000  }
0xbb: {  	s0 =	sadd.s32 s7, s31;
	[sflag:s20] =	ssyncset.done $0x0  }
0xbc: {  	s1 =	sadd.s32 s4, s0;
	[sflag:s20] =	ssyncadd.s32 $0xFFFFE000  }
0xbd: {  	[hbm4b:s1+s2] =	stream.linear.scatter [tilespmem:s17], [sflag:$0x3], $0x2000, $0x38;
	[tilespmem:$0x56F0] =	vst v63  }
0xbe: {  	_ =	swait.ge [sflag:s11], $0x2000  }
0xbf: {  	[sflag:s11] =	ssyncset.done $0x0  }
0xc0: {  	[sflag:s11] =	ssyncadd.s32 $0xFFFFE000  }
0xc1: {  	s23 =	sadd.s32 $0x1, s23;
	_ =	swait.ge [sflag:s21], $0x2000  }
0xc2: {  	p0 =	sne.s32 s23, $0x8;
	[sflag:s21] =	ssyncset.done $0x0  }
.Ltmp2:
0xc3: {  	s0 =	sadd.s32 s0, s8;
	[sflag:s21] =	ssyncadd.s32 $0xFFFFE000;
	(pc) =	sbr.rel @p0 .LBB2_2-.Ltmp2, $4  }
0xc4: {  	[hbm4b:s0+s2] =	stream.linear.scatter [tilespmem:s19], [sflag:$0x3], $0x2000, $0x38;
	[tilespmem:$0x56F0] =	vst v63  }
0xc5: {  	_ =	swait.ge [sflag:s11], $0x2000  }
0xc6: {  	[sflag:s11] =	ssyncset.done $0x0  }
0xc7: {  	[sflag:s11] =	ssyncadd.s32 $0xFFFFE000  }
0xc8: {  	s22 =	sadd.s32 $0x1, s22  }
0xc9: {  	p0 =	sne.s32 s22, s10  }
.Ltmp3:
0xca: {  	_ = 	snop;
	(pc) =	sbr.rel @p0 .LBB2_1-.Ltmp3, $4  }
0xcb: {  	[hbm4b:s9+s2] =	stream.linear.scatter [tilespmem:s14], [sflag:$0x3], $0x1000, $0x38;
	[tilespmem:$0x56F0] =	vst v63  }
0xcc: {  	_ =	swait.ge [sflag:s11], $0x1000  }
0xcd: {  	[sflag:s11] =	ssyncset.done $0x0  }
0xce: {  	[sflag:s11] =	ssyncadd.s32 $0xFFFFF000  }
0xcf: {  	_ =	sfence.sel $0x180000  }
0xd0: {  	[bflag:$0x0] =	sbarrier.arrive $0xFFFF  }
0xd1: {  	_ =	strace $0x9000004D  }
0xd2: {  	s0 =	stileid.u32;
	[bflag:$0x2] =	sbarrier.arrive $0xFFFF  }
0xd3: {  	p0 =	sne.s32 s0, $0x0;
	s0 =	rddreg [dreg:$0x2]  }
0xd4: {  	s0 =	sadd.s32 @!p0 $0x100000, s0  }
0xd5: {  	[sflag:s0] =	ssyncadd.tile.s32 @!p0 $0x1;
	_ =	shalt  }
.Lfunc_end2:
_tile_overlayer_lowered:
.L_overlay_start_2:
0xd6: {  	(tag) =	ssettag $0x2  }
0xd7: {  	s0 =	rddreg [dreg:$0x0];
	s2 =	stileid.u32  }
0xd8: {  	s1 =	rddreg [dreg:$0x1];
	p0 =	sne.s32 s2, $0x0  }
0xd9: {  	s3 =	rddreg [dreg:$0x2];
	[bflag:$0x3] =	sbarrier.arrive $0xFFFF;
	s2 =	simm.s32 @!p0 $0x1C03  }
0xda: {  	[timem:s3], [sflag:s2] =	dma.local @!p0 [hbm:s0], s1  }
0xdb: {  	s0 =	simm.s32 @!p0 $0x3  }
0xdc: {  	_ =	swait.ge @!p0 [sflag:s0], s1  }
0xdd: {  	s1 =	ssub.s32 @!p0 $0x0, s1;
	[sflag:s0] =	ssyncset.done @!p0 $0x0  }
0xde: {  	[sflag:s0] =	ssyncadd.s32 @!p0 s1  }
0xdf: {  	[bflag:$0x3] =	sbarrier.arrive $0xFFFF  }
0xe0: {  	_ =	shalt  }

</sc_bundles>
